<compile_context>
chip_gen: v7x
topology: tpu7x:2x2x1
jax: 0.10.2.dev20260603
libtpu: 0.0.44.dev20260713+nightly
codegen_flags: <defaults>
</compile_context>

<pallas_src>
import functools

import jax
import jax.numpy as jnp
from jax import lax
from jax.experimental import pallas as pl
from jax.experimental.pallas import tpu as pltpu
from jax.experimental.pallas import tpu_sc as plsc

N = 10000
E = 320000
D = 128
ORDER = 3

NC = 2
NS = 16
F = D // NC
EPT = E // NS
CH = 125
NCHUNK = EPT // CH
NBUF = 5
RQ = 624
ZR = 104
LANES = 16


def _sc_agg_body(y_hbm, src_hbm, dst_hbm, out_hbm,
                 src_v, dst_v, rows, zbuf, acc_sh, sems, ssems, isems):
    c = lax.axis_index("c")
    s = lax.axis_index("s")
    base = pl.multiple_of(s * RQ, 8)

    pltpu.async_copy(src_hbm.at[c, s], src_v, isems.at[0])
    pltpu.async_copy(dst_hbm.at[s], dst_v, isems.at[1])

    def zrow(i, carry):
        for j in range(F // LANES):
            zbuf[i, pl.ds(j * LANES, LANES)] = jnp.zeros((LANES,), jnp.float32)
        return carry
    lax.fori_loop(0, ZR, zrow, 0)
    for r in range(RQ // ZR):
        pltpu.sync_copy(zbuf, acc_sh.at[pl.ds(base + r * ZR, ZR)])

    @pl.when(s == NS - 1)
    def _():
        pltpu.sync_copy(zbuf.at[pl.ds(0, N - NS * RQ)],
                        acc_sh.at[pl.ds(NS * RQ, N - NS * RQ)])

    pltpu.make_async_copy(src_hbm.at[c, s], src_v, isems.at[0]).wait()
    pltpu.make_async_copy(dst_hbm.at[s], dst_v, isems.at[1]).wait()

    plsc.subcore_barrier()

    for b in range(NBUF):
        pltpu.async_copy(y_hbm.at[src_v.at[b]], rows.at[b], sems.at[b])
    pltpu.make_async_copy(y_hbm.at[src_v.at[0]], rows.at[0],
                          sems.at[0]).wait()
    pltpu.async_copy(rows.at[0], acc_sh.at[dst_v.at[0]],
                     ssems.at[0], add=True)

    @pl.loop(1, NCHUNK - NBUF + 1, step=NBUF)
    def _(k0):
        for j in range(NBUF):
            k = k0 + j
            b = (1 + j) % NBUF
            rb = j % NBUF
            pltpu.make_async_copy(y_hbm.at[src_v.at[0]], rows.at[rb],
                                  ssems.at[rb]).wait()
            pltpu.async_copy(y_hbm.at[src_v.at[k + NBUF - 1]], rows.at[rb],
                             sems.at[rb])
            pltpu.make_async_copy(y_hbm.at[src_v.at[0]], rows.at[b],
                                  sems.at[b]).wait()
            pltpu.async_copy(rows.at[b], acc_sh.at[dst_v.at[k]],
                             ssems.at[b], add=True)

    for t in range(NBUF - 1):
        k = NCHUNK - NBUF + 1 + t
        b = (1 + t) % NBUF
        pltpu.make_async_copy(y_hbm.at[src_v.at[0]], rows.at[b],
                              sems.at[b]).wait()
        pltpu.async_copy(rows.at[b], acc_sh.at[dst_v.at[k]],
                         ssems.at[b], add=True)
    for b in range(NBUF):
        pltpu.make_async_copy(y_hbm.at[src_v.at[0]], rows.at[b],
                              ssems.at[b]).wait()

    plsc.subcore_barrier()

    pltpu.sync_copy(acc_sh.at[pl.ds(base, RQ)],
                    out_hbm.at[c, pl.ds(base, RQ)])

    @pl.when(s == NS - 1)
    def _():
        pltpu.sync_copy(acc_sh.at[pl.ds(NS * RQ, N - NS * RQ)],
                        out_hbm.at[c, pl.ds(NS * RQ, N - NS * RQ)])


def _sc_agg(y2, src2, dst):
    mesh = plsc.VectorSubcoreMesh(core_axis_name="c", subcore_axis_name="s",
                                  num_cores=NC, num_subcores=NS)
    f = pl.kernel(
        _sc_agg_body,
        out_type=jax.ShapeDtypeStruct((NC, N, F), jnp.float32),
        mesh=mesh,
        scratch_types=[
            pltpu.VMEM((NCHUNK, CH), jnp.int32),
            pltpu.VMEM((NCHUNK, CH), jnp.int32),
            pltpu.VMEM((NBUF, CH, F), jnp.float32),
            pltpu.VMEM((ZR, F), jnp.float32),
            pltpu.VMEM_SHARED((N, F), jnp.float32),
            pltpu.SemaphoreType.DMA((NBUF,)),
            pltpu.SemaphoreType.DMA((NBUF,)),
            pltpu.SemaphoreType.DMA((2,)),
        ],
        compiler_params=pltpu.CompilerParams(use_tc_tiling_on_sc=False),
    )
    return f(y2, src2, dst)


def _tc_layer_body(p_ref, w_ref, b_ref, c_ref, o_ref, *, poly):
    x = jnp.concatenate([p_ref[0], p_ref[1]], axis=-1)
    h = jnp.dot(x, w_ref[...], preferred_element_type=jnp.float32) + b_ref[...]
    if poly:
        c0 = c_ref[0:1, :]
        c1 = c_ref[1:2, :]
        c2 = c_ref[2:3, :]
        c3 = c_ref[3:4, :]
        h = c0 + h * (c1 + h * (c2 + h * c3))
    o_ref[...] = h


def _tc_layer(partials, W, b, crow, poly):
    BN = 1000
    return pl.pallas_call(
        functools.partial(_tc_layer_body, poly=poly),
        grid=(N // BN,),
        in_specs=[
            pl.BlockSpec((NC, BN, F), lambda i: (0, i, 0)),
            pl.BlockSpec((D, D), lambda i: (0, 0)),
            pl.BlockSpec((1, D), lambda i: (0, 0)),
            pl.BlockSpec((ORDER + 1, D), lambda i: (0, 0)),
        ],
        out_specs=pl.BlockSpec((BN, D), lambda i: (i, 0)),
        out_shape=jax.ShapeDtypeStruct((N, D), jnp.float32),
    )(partials, W, b.reshape(1, D), crow)


def kernel(nf_mat, conv_mat, W1, b1, W2, b2, W3, b3, coeffs):
    src = conv_mat[0].reshape(NS, NCHUNK, CH)
    dst = conv_mat[1].reshape(NS, NCHUNK, CH)
    src2 = jnp.stack([src * 2, src * 2 + 1])
    cb = jnp.broadcast_to(coeffs[:, :, None], (2, ORDER + 1, D))

    p = _sc_agg(nf_mat.reshape(NC * N, F), src2, dst)
    h = _tc_layer(p, W1, b1, cb[0], poly=True)
    p = _sc_agg(h.reshape(NC * N, F), src2, dst)
    h = _tc_layer(p, W2, b2, cb[1], poly=True)
    p = _sc_agg(h.reshape(NC * N, F), src2, dst)
    return _tc_layer(p, W3, b3, cb[0], poly=False)

# --- scband reference (transcript-rebuilt; emitter-appended) ---
"""Pipeline reference for scband-poly-act-gcn-26551487824428 (READ-ONLY COPY).

The authoritative reference and input builder live on the scoring server;
editing this copy changes nothing except your own understanding.
"""

import jax, jax.numpy as jnp
import numpy as np

N = 10000
E = 320000
D = 128
ORDER = 3


def setup_inputs(seed: int = 0) -> dict:
    key = jax.random.key(seed)
    ks = jax.random.split(key, 10)
    nf_mat = jax.random.normal(ks[0], (N, D), dtype=jnp.float32)
    conv_mat = jax.random.randint(ks[1], (2, E), 0, N, dtype=jnp.int32)
    W1 = jax.random.normal(ks[2], (D, D), dtype=jnp.float32) * (1.0 / np.sqrt(D))
    b1 = jnp.zeros((D,), dtype=jnp.float32)
    W2 = jax.random.normal(ks[3], (D, D), dtype=jnp.float32) * (1.0 / np.sqrt(D))
    b2 = jnp.zeros((D,), dtype=jnp.float32)
    W3 = jax.random.normal(ks[4], (D, D), dtype=jnp.float32) * (1.0 / np.sqrt(D))
    b3 = jnp.zeros((D,), dtype=jnp.float32)
    # coeffs as after reset_parameters: zeros with [:, 1] = 1.0, plus small noise
    coeffs = jnp.zeros((2, ORDER + 1), dtype=jnp.float32).at[:, 1].set(1.0)
    coeffs = coeffs + 0.01 * jax.random.normal(ks[5], (2, ORDER + 1), dtype=jnp.float32)
    return {"nf_mat": nf_mat, "conv_mat": conv_mat, "W1": W1, "b1": b1,
            "W2": W2, "b2": b2, "W3": W3, "b3": b3, "coeffs": coeffs}


def _gcn_conv(x, edge_index, W, b):
    # GCNConv(normalize=False): linear transform, sum-aggregate src->dst, add bias
    x = x @ W
    src = edge_index[0]
    dst = edge_index[1]
    agg = jnp.zeros_like(x).at[dst].add(x[src])
    return agg + b


def _poly_act(h, c):
    out = c[0]
    for k in range(ORDER):
        out = out + c[k + 1] * jnp.power(h, k + 1)
    return out


def reference(nf_mat, conv_mat, W1, b1, W2, b2, W3, b3, coeffs):
    h = _gcn_conv(nf_mat, conv_mat, W1, b1)
    h = _poly_act(h, coeffs[0])
    # dropout p=0.0 (eval) -> identity
    h = _gcn_conv(h, conv_mat, W2, b2)
    h = _poly_act(h, coeffs[1])
    out = _gcn_conv(h, conv_mat, W3, b3)
    return out

if __name__ == "__main__":
    import jax
    _d = setup_inputs()
    print(jax.jit(kernel)(*tuple(_d.values())))

</pallas_src>

<mosaic_0001>
#map = affine_map<(d0, d1) -> (0, 0)>
#map1 = affine_map<(d0, d1) -> (0, 0, 0, 0)>
#map2 = affine_map<(d0, d1) -> (0, 0, 0)>
module attributes {stable_mosaic.version = 14 : i64} {
  func.func @_sc_agg_body(%arg0: i32, %arg1: i32, %arg2: memref<20000x64xf32, #tpu.memory_space<hbm>>, %arg3: memref<2x16x160x125xi32, #tpu.memory_space<hbm>>, %arg4: memref<16x160x125xi32, #tpu.memory_space<hbm>>, %arg5: memref<2x10000x64xf32, #tpu.memory_space<hbm>>, %arg6: memref<160x125xi32, #tpu.memory_space<vmem>>, %arg7: memref<160x125xi32, #tpu.memory_space<vmem>>, %arg8: memref<5x125x64xf32, #tpu.memory_space<vmem>>, %arg9: memref<104x64xf32, #tpu.memory_space<vmem>>, %arg10: memref<10000x64xf32, #tpu.memory_space<vmem_shared>>, %arg11: memref<5x!tpu.dma_semaphore, #tpu.memory_space<semaphore_mem>>, %arg12: memref<5x!tpu.dma_semaphore, #tpu.memory_space<semaphore_mem>>, %arg13: memref<2x!tpu.dma_semaphore, #tpu.memory_space<semaphore_mem>>) attributes {dimension_semantics = [#tpu.dimension_semantics<core_parallel>, #tpu.dimension_semantics<subcore_parallel>], iteration_bounds = array<i64: 2, 16>, scalar_prefetch = 0 : i64, scratch_operands = 8 : i64, tpu.core_type = #tpu.core_type<sc_vector_subcore>, window_params = [{transform_indices = #map}, {transform_indices = #map1}, {transform_indices = #map2}, {transform_indices = #map2}]} {
    %mul3A = arith.constant 624 : i32
    %mul3A_0 = arith.muli %arg1, %mul3A : i32
    %multiple_of3A = tpu.assume_multiple %mul3A_0, 8 : i32
    %dma_start3A = arith.constant 0 : i32
    %dma_start3A_1 = arith.constant 0 : i32
    %dma_start3A_2 = arith.constant 0 : i32
    %dma_start3A_3 = tpu.memref_slice %arg3[%arg0, %arg1, %dma_start3A_1, %dma_start3A_2] : memref<2x16x160x125xi32, #tpu.memory_space<hbm>> -> memref<1x1x160x125xi32, #tpu.memory_space<hbm>>
    %dma_start3A_4 = tpu.memref_squeeze %dma_start3A_3 : memref<1x1x160x125xi32, #tpu.memory_space<hbm>> -> memref<160x125xi32, #tpu.memory_space<hbm>>
    %dma_start3A_5 = tpu.memref_slice %arg13[%dma_start3A] : memref<2x!tpu.dma_semaphore, #tpu.memory_space<semaphore_mem>> -> memref<1x!tpu.dma_semaphore, #tpu.memory_space<semaphore_mem>>
    %dma_start3A_6 = tpu.memref_squeeze %dma_start3A_5 : memref<1x!tpu.dma_semaphore, #tpu.memory_space<semaphore_mem>> -> memref<!tpu.dma_semaphore, #tpu.memory_space<semaphore_mem>>
    %dma_start3A_7 = arith.constant 0 : i32
    %dma_start3A_8 = arith.constant 0 : i32
    %dma_start3A_9 = tpu.memref_slice %arg3[%arg0, %arg1, %dma_start3A_7, %dma_start3A_8] : memref<2x16x160x125xi32, #tpu.memory_space<hbm>> -> memref<1x1x160x125xi32, #tpu.memory_space<hbm>>
    %dma_start3A_10 = tpu.memref_squeeze %dma_start3A_9 : memref<1x1x160x125xi32, #tpu.memory_space<hbm>> -> memref<160x125xi32, #tpu.memory_space<hbm>>
    tpu.enqueue_dma source(%dma_start3A_10 : memref<160x125xi32, #tpu.memory_space<hbm>>) target(%arg6 : memref<160x125xi32, #tpu.memory_space<vmem>>) target_semaphore(%dma_start3A_6 : memref<!tpu.dma_semaphore, #tpu.memory_space<semaphore_mem>>)
    %dma_start3A_11 = arith.constant 1 : i32
    %dma_start3A_12 = arith.constant 0 : i32
    %dma_start3A_13 = arith.constant 0 : i32
    %dma_start3A_14 = tpu.memref_slice %arg4[%arg1, %dma_start3A_12, %dma_start3A_13] : memref<16x160x125xi32, #tpu.memory_space<hbm>> -> memref<1x160x125xi32, #tpu.memory_space<hbm>>
    %dma_start3A_15 = tpu.memref_squeeze %dma_start3A_14 : memref<1x160x125xi32, #tpu.memory_space<hbm>> -> memref<160x125xi32, #tpu.memory_space<hbm>>
    %dma_start3A_16 = tpu.memref_slice %arg13[%dma_start3A_11] : memref<2x!tpu.dma_semaphore, #tpu.memory_space<semaphore_mem>> -> memref<1x!tpu.dma_semaphore, #tpu.memory_space<semaphore_mem>>
    %dma_start3A_17 = tpu.memref_squeeze %dma_start3A_16 : memref<1x!tpu.dma_semaphore, #tpu.memory_space<semaphore_mem>> -> memref<!tpu.dma_semaphore, #tpu.memory_space<semaphore_mem>>
    %dma_start3A_18 = arith.constant 0 : i32
    %dma_start3A_19 = arith.constant 0 : i32
    %dma_start3A_20 = tpu.memref_slice %arg4[%arg1, %dma_start3A_18, %dma_start3A_19] : memref<16x160x125xi32, #tpu.memory_space<hbm>> -> memref<1x160x125xi32, #tpu.memory_space<hbm>>
    %dma_start3A_21 = tpu.memref_squeeze %dma_start3A_20 : memref<1x160x125xi32, #tpu.memory_space<hbm>> -> memref<160x125xi32, #tpu.memory_space<hbm>>
    tpu.enqueue_dma source(%dma_start3A_21 : memref<160x125xi32, #tpu.memory_space<hbm>>) target(%arg7 : memref<160x125xi32, #tpu.memory_space<vmem>>) target_semaphore(%dma_start3A_17 : memref<!tpu.dma_semaphore, #tpu.memory_space<semaphore_mem>>)
    %scan3A = arith.constant 0 : i32
    %scan3A_22 = arith.constant 0 : i32
    %scan3A_23 = arith.constant 104 : i32
    %scan3A_24 = arith.addi %scan3A_22, %scan3A_23 : i32
    %scan3A_25 = arith.constant 1 : i32
    scf.for %scan3A_372 = %scan3A_22 to %scan3A_24 step %scan3A_25  : i32 {
      %broadcast_in_dim3A = arith.constant 0.000000e+00 : f32
      %broadcast_in_dim3A_373 = vector.broadcast %broadcast_in_dim3A : f32 to vector<16xf32>
      %swap3A = arith.index_cast %scan3A_372 : i32 to index
      %swap3A_374 = arith.constant 0 : index
      %swap3A_375 = tpu.vector_load %arg9[%swap3A, %swap3A_374] {strides = array<i32>} : memref<104x64xf32, #tpu.memory_space<vmem>>, vector<1x16xf32>,
      %swap3A_376 = vector.shape_cast %swap3A_375 : vector<1x16xf32> to vector<16xf32>
      %swap3A_377 = vector.shape_cast %broadcast_in_dim3A_373 : vector<16xf32> to vector<1x16xf32>
      tpu.vector_store %arg9[%swap3A, %swap3A_374], %swap3A_377 {strides = array<i32>} : memref<104x64xf32, #tpu.memory_space<vmem>>, vector<1x16xf32>,
      %broadcast_in_dim3A_378 = arith.constant 0.000000e+00 : f32
      %broadcast_in_dim3A_379 = vector.broadcast %broadcast_in_dim3A_378 : f32 to vector<16xf32>
      %swap3A_380 = arith.index_cast %scan3A_372 : i32 to index
      %swap3A_381 = arith.constant 16 : index
      %swap3A_382 = tpu.vector_load %arg9[%swap3A_380, %swap3A_381] {strides = array<i32>} : memref<104x64xf32, #tpu.memory_space<vmem>>, vector<1x16xf32>,
      %swap3A_383 = vector.shape_cast %swap3A_382 : vector<1x16xf32> to vector<16xf32>
      %swap3A_384 = vector.shape_cast %broadcast_in_dim3A_379 : vector<16xf32> to vector<1x16xf32>
      tpu.vector_store %arg9[%swap3A_380, %swap3A_381], %swap3A_384 {strides = array<i32>} : memref<104x64xf32, #tpu.memory_space<vmem>>, vector<1x16xf32>,
      %broadcast_in_dim3A_385 = arith.constant 0.000000e+00 : f32
      %broadcast_in_dim3A_386 = vector.broadcast %broadcast_in_dim3A_385 : f32 to vector<16xf32>
      %swap3A_387 = arith.index_cast %scan3A_372 : i32 to index
      %swap3A_388 = arith.constant 32 : index
      %swap3A_389 = tpu.vector_load %arg9[%swap3A_387, %swap3A_388] {strides = array<i32>} : memref<104x64xf32, #tpu.memory_space<vmem>>, vector<1x16xf32>,
      %swap3A_390 = vector.shape_cast %swap3A_389 : vector<1x16xf32> to vector<16xf32>
      %swap3A_391 = vector.shape_cast %broadcast_in_dim3A_386 : vector<16xf32> to vector<1x16xf32>
      tpu.vector_store %arg9[%swap3A_387, %swap3A_388], %swap3A_391 {strides = array<i32>} : memref<104x64xf32, #tpu.memory_space<vmem>>, vector<1x16xf32>,
      %broadcast_in_dim3A_392 = arith.constant 0.000000e+00 : f32
      %broadcast_in_dim3A_393 = vector.broadcast %broadcast_in_dim3A_392 : f32 to vector<16xf32>
      %swap3A_394 = arith.index_cast %scan3A_372 : i32 to index
      %swap3A_395 = arith.constant 48 : index
      %swap3A_396 = tpu.vector_load %arg9[%swap3A_394, %swap3A_395] {strides = array<i32>} : memref<104x64xf32, #tpu.memory_space<vmem>>, vector<1x16xf32>,
      %swap3A_397 = vector.shape_cast %swap3A_396 : vector<1x16xf32> to vector<16xf32>
      %swap3A_398 = vector.shape_cast %broadcast_in_dim3A_393 : vector<16xf32> to vector<1x16xf32>
      tpu.vector_store %arg9[%swap3A_394, %swap3A_395], %swap3A_398 {strides = array<i32>} : memref<104x64xf32, #tpu.memory_space<vmem>>, vector<1x16xf32>,
    }
    %scan3A_26 = arith.constant 104 : i32
    %add3A = arith.constant 0 : i32
    %add3A_27 = arith.addi %multiple_of3A, %add3A : i32
    "tpu.region"() ({
      %run_scoped3A = tpu.sem_alloc : memref<!tpu.dma_semaphore, #tpu.memory_space<semaphore_mem>>
      %dma_start3A_372 = arith.constant 0 : i32
      %dma_start3A_373 = tpu.memref_slice %arg10[%add3A_27, %dma_start3A_372] : memref<10000x64xf32, #tpu.memory_space<vmem_shared>> -> memref<104x64xf32, #tpu.memory_space<vmem_shared>>
      %dma_start3A_374 = arith.constant 0 : i32
      %dma_start3A_375 = tpu.memref_slice %arg10[%add3A_27, %dma_start3A_374] : memref<10000x64xf32, #tpu.memory_space<vmem_shared>> -> memref<104x64xf32, #tpu.memory_space<vmem_shared>>
      tpu.enqueue_dma source(%arg9 : memref<104x64xf32, #tpu.memory_space<vmem>>) target(%dma_start3A_375 : memref<104x64xf32, #tpu.memory_space<vmem_shared>>) target_semaphore(%run_scoped3A : memref<!tpu.dma_semaphore, #tpu.memory_space<semaphore_mem>>)
      %dma_wait3A_376 = arith.constant 0 : i32
      %dma_wait3A_377 = tpu.memref_slice %arg10[%add3A_27, %dma_wait3A_376] : memref<10000x64xf32, #tpu.memory_space<vmem_shared>> -> memref<104x64xf32, #tpu.memory_space<vmem_shared>>
      %dma_wait3A_378 = arith.constant 0 : i32
      %dma_wait3A_379 = tpu.memref_slice %arg10[%add3A_27, %dma_wait3A_378] : memref<10000x64xf32, #tpu.memory_space<vmem_shared>> -> memref<104x64xf32, #tpu.memory_space<vmem_shared>>
      tpu.wait_dma2 semaphore(%run_scoped3A : memref<!tpu.dma_semaphore, #tpu.memory_space<semaphore_mem>>) src(%arg9 : memref<104x64xf32, #tpu.memory_space<vmem>>) dst(%dma_wait3A_379 : memref<104x64xf32, #tpu.memory_space<vmem_shared>>)
      tpu.yield
    }) : () -> ()
    %add3A_28 = arith.constant 104 : i32
    %add3A_29 = arith.addi %multiple_of3A, %add3A_28 : i32
    "tpu.region"() ({
      %run_scoped3A = tpu.sem_alloc : memref<!tpu.dma_semaphore, #tpu.memory_space<semaphore_mem>>
      %dma_start3A_372 = arith.constant 0 : i32
      %dma_start3A_373 = tpu.memref_slice %arg10[%add3A_29, %dma_start3A_372] : memref<10000x64xf32, #tpu.memory_space<vmem_shared>> -> memref<104x64xf32, #tpu.memory_space<vmem_shared>>
      %dma_start3A_374 = arith.constant 0 : i32
      %dma_start3A_375 = tpu.memref_slice %arg10[%add3A_29, %dma_start3A_374] : memref<10000x64xf32, #tpu.memory_space<vmem_shared>> -> memref<104x64xf32, #tpu.memory_space<vmem_shared>>
      tpu.enqueue_dma source(%arg9 : memref<104x64xf32, #tpu.memory_space<vmem>>) target(%dma_start3A_375 : memref<104x64xf32, #tpu.memory_space<vmem_shared>>) target_semaphore(%run_scoped3A : memref<!tpu.dma_semaphore, #tpu.memory_space<semaphore_mem>>)
      %dma_wait3A_376 = arith.constant 0 : i32
      %dma_wait3A_377 = tpu.memref_slice %arg10[%add3A_29, %dma_wait3A_376] : memref<10000x64xf32, #tpu.memory_space<vmem_shared>> -> memref<104x64xf32, #tpu.memory_space<vmem_shared>>
      %dma_wait3A_378 = arith.constant 0 : i32
      %dma_wait3A_379 = tpu.memref_slice %arg10[%add3A_29, %dma_wait3A_378] : memref<10000x64xf32, #tpu.memory_space<vmem_shared>> -> memref<104x64xf32, #tpu.memory_space<vmem_shared>>
      tpu.wait_dma2 semaphore(%run_scoped3A : memref<!tpu.dma_semaphore, #tpu.memory_space<semaphore_mem>>) src(%arg9 : memref<104x64xf32, #tpu.memory_space<vmem>>) dst(%dma_wait3A_379 : memref<104x64xf32, #tpu.memory_space<vmem_shared>>)
      tpu.yield
    }) : () -> ()
    %add3A_30 = arith.constant 208 : i32
    %add3A_31 = arith.addi %multiple_of3A, %add3A_30 : i32
    "tpu.region"() ({
      %run_scoped3A = tpu.sem_alloc : memref<!tpu.dma_semaphore, #tpu.memory_space<semaphore_mem>>
      %dma_start3A_372 = arith.constant 0 : i32
      %dma_start3A_373 = tpu.memref_slice %arg10[%add3A_31, %dma_start3A_372] : memref<10000x64xf32, #tpu.memory_space<vmem_shared>> -> memref<104x64xf32, #tpu.memory_space<vmem_shared>>
      %dma_start3A_374 = arith.constant 0 : i32
      %dma_start3A_375 = tpu.memref_slice %arg10[%add3A_31, %dma_start3A_374] : memref<10000x64xf32, #tpu.memory_space<vmem_shared>> -> memref<104x64xf32, #tpu.memory_space<vmem_shared>>
      tpu.enqueue_dma source(%arg9 : memref<104x64xf32, #tpu.memory_space<vmem>>) target(%dma_start3A_375 : memref<104x64xf32, #tpu.memory_space<vmem_shared>>) target_semaphore(%run_scoped3A : memref<!tpu.dma_semaphore, #tpu.memory_space<semaphore_mem>>)
      %dma_wait3A_376 = arith.constant 0 : i32
      %dma_wait3A_377 = tpu.memref_slice %arg10[%add3A_31, %dma_wait3A_376] : memref<10000x64xf32, #tpu.memory_space<vmem_shared>> -> memref<104x64xf32, #tpu.memory_space<vmem_shared>>
      %dma_wait3A_378 = arith.constant 0 : i32
      %dma_wait3A_379 = tpu.memref_slice %arg10[%add3A_31, %dma_wait3A_378] : memref<10000x64xf32, #tpu.memory_space<vmem_shared>> -> memref<104x64xf32, #tpu.memory_space<vmem_shared>>
      tpu.wait_dma2 semaphore(%run_scoped3A : memref<!tpu.dma_semaphore, #tpu.memory_space<semaphore_mem>>) src(%arg9 : memref<104x64xf32, #tpu.memory_space<vmem>>) dst(%dma_wait3A_379 : memref<104x64xf32, #tpu.memory_space<vmem_shared>>)
      tpu.yield
    }) : () -> ()
    %add3A_32 = arith.constant 312 : i32
    %add3A_33 = arith.addi %multiple_of3A, %add3A_32 : i32
    "tpu.region"() ({
      %run_scoped3A = tpu.sem_alloc : memref<!tpu.dma_semaphore, #tpu.memory_space<semaphore_mem>>
      %dma_start3A_372 = arith.constant 0 : i32
      %dma_start3A_373 = tpu.memref_slice %arg10[%add3A_33, %dma_start3A_372] : memref<10000x64xf32, #tpu.memory_space<vmem_shared>> -> memref<104x64xf32, #tpu.memory_space<vmem_shared>>
      %dma_start3A_374 = arith.constant 0 : i32
      %dma_start3A_375 = tpu.memref_slice %arg10[%add3A_33, %dma_start3A_374] : memref<10000x64xf32, #tpu.memory_space<vmem_shared>> -> memref<104x64xf32, #tpu.memory_space<vmem_shared>>
      tpu.enqueue_dma source(%arg9 : memref<104x64xf32, #tpu.memory_space<vmem>>) target(%dma_start3A_375 : memref<104x64xf32, #tpu.memory_space<vmem_shared>>) target_semaphore(%run_scoped3A : memref<!tpu.dma_semaphore, #tpu.memory_space<semaphore_mem>>)
      %dma_wait3A_376 = arith.constant 0 : i32
      %dma_wait3A_377 = tpu.memref_slice %arg10[%add3A_33, %dma_wait3A_376] : memref<10000x64xf32, #tpu.memory_space<vmem_shared>> -> memref<104x64xf32, #tpu.memory_space<vmem_shared>>
      %dma_wait3A_378 = arith.constant 0 : i32
      %dma_wait3A_379 = tpu.memref_slice %arg10[%add3A_33, %dma_wait3A_378] : memref<10000x64xf32, #tpu.memory_space<vmem_shared>> -> memref<104x64xf32, #tpu.memory_space<vmem_shared>>
      tpu.wait_dma2 semaphore(%run_scoped3A : memref<!tpu.dma_semaphore, #tpu.memory_space<semaphore_mem>>) src(%arg9 : memref<104x64xf32, #tpu.memory_space<vmem>>) dst(%dma_wait3A_379 : memref<104x64xf32, #tpu.memory_space<vmem_shared>>)
      tpu.yield
    }) : () -> ()
    %add3A_34 = arith.constant 416 : i32
    %add3A_35 = arith.addi %multiple_of3A, %add3A_34 : i32
    "tpu.region"() ({
      %run_scoped3A = tpu.sem_alloc : memref<!tpu.dma_semaphore, #tpu.memory_space<semaphore_mem>>
      %dma_start3A_372 = arith.constant 0 : i32
      %dma_start3A_373 = tpu.memref_slice %arg10[%add3A_35, %dma_start3A_372] : memref<10000x64xf32, #tpu.memory_space<vmem_shared>> -> memref<104x64xf32, #tpu.memory_space<vmem_shared>>
      %dma_start3A_374 = arith.constant 0 : i32
      %dma_start3A_375 = tpu.memref_slice %arg10[%add3A_35, %dma_start3A_374] : memref<10000x64xf32, #tpu.memory_space<vmem_shared>> -> memref<104x64xf32, #tpu.memory_space<vmem_shared>>
      tpu.enqueue_dma source(%arg9 : memref<104x64xf32, #tpu.memory_space<vmem>>) target(%dma_start3A_375 : memref<104x64xf32, #tpu.memory_space<vmem_shared>>) target_semaphore(%run_scoped3A : memref<!tpu.dma_semaphore, #tpu.memory_space<semaphore_mem>>)
      %dma_wait3A_376 = arith.constant 0 : i32
      %dma_wait3A_377 = tpu.memref_slice %arg10[%add3A_35, %dma_wait3A_376] : memref<10000x64xf32, #tpu.memory_space<vmem_shared>> -> memref<104x64xf32, #tpu.memory_space<vmem_shared>>
      %dma_wait3A_378 = arith.constant 0 : i32
      %dma_wait3A_379 = tpu.memref_slice %arg10[%add3A_35, %dma_wait3A_378] : memref<10000x64xf32, #tpu.memory_space<vmem_shared>> -> memref<104x64xf32, #tpu.memory_space<vmem_shared>>
      tpu.wait_dma2 semaphore(%run_scoped3A : memref<!tpu.dma_semaphore, #tpu.memory_space<semaphore_mem>>) src(%arg9 : memref<104x64xf32, #tpu.memory_space<vmem>>) dst(%dma_wait3A_379 : memref<104x64xf32, #tpu.memory_space<vmem_shared>>)
      tpu.yield
    }) : () -> ()
    %add3A_36 = arith.constant 520 : i32
    %add3A_37 = arith.addi %multiple_of3A, %add3A_36 : i32
    "tpu.region"() ({
      %run_scoped3A = tpu.sem_alloc : memref<!tpu.dma_semaphore, #tpu.memory_space<semaphore_mem>>
      %dma_start3A_372 = arith.constant 0 : i32
      %dma_start3A_373 = tpu.memref_slice %arg10[%add3A_37, %dma_start3A_372] : memref<10000x64xf32, #tpu.memory_space<vmem_shared>> -> memref<104x64xf32, #tpu.memory_space<vmem_shared>>
      %dma_start3A_374 = arith.constant 0 : i32
      %dma_start3A_375 = tpu.memref_slice %arg10[%add3A_37, %dma_start3A_374] : memref<10000x64xf32, #tpu.memory_space<vmem_shared>> -> memref<104x64xf32, #tpu.memory_space<vmem_shared>>
      tpu.enqueue_dma source(%arg9 : memref<104x64xf32, #tpu.memory_space<vmem>>) target(%dma_start3A_375 : memref<104x64xf32, #tpu.memory_space<vmem_shared>>) target_semaphore(%run_scoped3A : memref<!tpu.dma_semaphore, #tpu.memory_space<semaphore_mem>>)
      %dma_wait3A_376 = arith.constant 0 : i32
      %dma_wait3A_377 = tpu.memref_slice %arg10[%add3A_37, %dma_wait3A_376] : memref<10000x64xf32, #tpu.memory_space<vmem_shared>> -> memref<104x64xf32, #tpu.memory_space<vmem_shared>>
      %dma_wait3A_378 = arith.constant 0 : i32
      %dma_wait3A_379 = tpu.memref_slice %arg10[%add3A_37, %dma_wait3A_378] : memref<10000x64xf32, #tpu.memory_space<vmem_shared>> -> memref<104x64xf32, #tpu.memory_space<vmem_shared>>
      tpu.wait_dma2 semaphore(%run_scoped3A : memref<!tpu.dma_semaphore, #tpu.memory_space<semaphore_mem>>) src(%arg9 : memref<104x64xf32, #tpu.memory_space<vmem>>) dst(%dma_wait3A_379 : memref<104x64xf32, #tpu.memory_space<vmem_shared>>)
      tpu.yield
    }) : () -> ()
    %eq3A = arith.constant 15 : i32
    %eq3A_38 = arith.cmpi eq, %arg1, %eq3A : i32
    %convert_element_type3A = arith.extui %eq3A_38 : i1 to i32
    %cond3A = arith.constant 0 : i32
    %cond3A_39 = arith.cmpi ne, %convert_element_type3A, %cond3A : i32
    scf.if %cond3A_39 {
      "tpu.region"() ({
        %run_scoped3A = tpu.sem_alloc : memref<!tpu.dma_semaphore, #tpu.memory_space<semaphore_mem>>
        %dma_start3A_372 = arith.constant 0 : i32
        %dma_start3A_373 = arith.constant 0 : i32
        %dma_start3A_374 = tpu.memref_slice %arg9[%dma_start3A_372, %dma_start3A_373] : memref<104x64xf32, #tpu.memory_space<vmem>> -> memref<16x64xf32, #tpu.memory_space<vmem>>
        %dma_start3A_375 = arith.constant 9984 : i32
        %dma_start3A_376 = arith.constant 0 : i32
        %dma_start3A_377 = tpu.memref_slice %arg10[%dma_start3A_375, %dma_start3A_376] : memref<10000x64xf32, #tpu.memory_space<vmem_shared>> -> memref<16x64xf32, #tpu.memory_space<vmem_shared>>
        %dma_start3A_378 = arith.constant 9984 : i32
        %dma_start3A_379 = arith.constant 0 : i32
        %dma_start3A_380 = tpu.memref_slice %arg10[%dma_start3A_378, %dma_start3A_379] : memref<10000x64xf32, #tpu.memory_space<vmem_shared>> -> memref<16x64xf32, #tpu.memory_space<vmem_shared>>
        %dma_start3A_381 = arith.constant 0 : i32
        %dma_start3A_382 = arith.constant 0 : i32
        %dma_start3A_383 = tpu.memref_slice %arg9[%dma_start3A_381, %dma_start3A_382] : memref<104x64xf32, #tpu.memory_space<vmem>> -> memref<16x64xf32, #tpu.memory_space<vmem>>
        tpu.enqueue_dma source(%dma_start3A_383 : memref<16x64xf32, #tpu.memory_space<vmem>>) target(%dma_start3A_380 : memref<16x64xf32, #tpu.memory_space<vmem_shared>>) target_semaphore(%run_scoped3A : memref<!tpu.dma_semaphore, #tpu.memory_space<semaphore_mem>>)
        %dma_wait3A_384 = arith.constant 0 : i32
        %dma_wait3A_385 = arith.constant 0 : i32
        %dma_wait3A_386 = tpu.memref_slice %arg9[%dma_wait3A_384, %dma_wait3A_385] : memref<104x64xf32, #tpu.memory_space<vmem>> -> memref<16x64xf32, #tpu.memory_space<vmem>>
        %dma_wait3A_387 = arith.constant 9984 : i32
        %dma_wait3A_388 = arith.constant 0 : i32
        %dma_wait3A_389 = tpu.memref_slice %arg10[%dma_wait3A_387, %dma_wait3A_388] : memref<10000x64xf32, #tpu.memory_space<vmem_shared>> -> memref<16x64xf32, #tpu.memory_space<vmem_shared>>
        %dma_wait3A_390 = arith.constant 9984 : i32
        %dma_wait3A_391 = arith.constant 0 : i32
        %dma_wait3A_392 = tpu.memref_slice %arg10[%dma_wait3A_390, %dma_wait3A_391] : memref<10000x64xf32, #tpu.memory_space<vmem_shared>> -> memref<16x64xf32, #tpu.memory_space<vmem_shared>>
        %dma_wait3A_393 = arith.constant 0 : i32
        %dma_wait3A_394 = arith.constant 0 : i32
        %dma_wait3A_395 = tpu.memref_slice %arg9[%dma_wait3A_393, %dma_wait3A_394] : memref<104x64xf32, #tpu.memory_space<vmem>> -> memref<16x64xf32, #tpu.memory_space<vmem>>
        tpu.wait_dma2 semaphore(%run_scoped3A : memref<!tpu.dma_semaphore, #tpu.memory_space<semaphore_mem>>) src(%dma_wait3A_395 : memref<16x64xf32, #tpu.memory_space<vmem>>) dst(%dma_wait3A_392 : memref<16x64xf32, #tpu.memory_space<vmem_shared>>)
        tpu.yield
      }) : () -> ()
    } else {
    }
    %dma_wait3A = arith.constant 0 : i32
    %dma_wait3A_40 = arith.constant 0 : i32
    %dma_wait3A_41 = arith.constant 0 : i32
    %dma_wait3A_42 = tpu.memref_slice %arg3[%arg0, %arg1, %dma_wait3A_40, %dma_wait3A_41] : memref<2x16x160x125xi32, #tpu.memory_space<hbm>> -> memref<1x1x160x125xi32, #tpu.memory_space<hbm>>
    %dma_wait3A_43 = tpu.memref_squeeze %dma_wait3A_42 : memref<1x1x160x125xi32, #tpu.memory_space<hbm>> -> memref<160x125xi32, #tpu.memory_space<hbm>>
    %dma_wait3A_44 = tpu.memref_slice %arg13[%dma_wait3A] : memref<2x!tpu.dma_semaphore, #tpu.memory_space<semaphore_mem>> -> memref<1x!tpu.dma_semaphore, #tpu.memory_space<semaphore_mem>>
    %dma_wait3A_45 = tpu.memref_squeeze %dma_wait3A_44 : memref<1x!tpu.dma_semaphore, #tpu.memory_space<semaphore_mem>> -> memref<!tpu.dma_semaphore, #tpu.memory_space<semaphore_mem>>
    %dma_wait3A_46 = arith.constant 0 : i32
    %dma_wait3A_47 = arith.constant 0 : i32
    %dma_wait3A_48 = tpu.memref_slice %arg3[%arg0, %arg1, %dma_wait3A_46, %dma_wait3A_47] : memref<2x16x160x125xi32, #tpu.memory_space<hbm>> -> memref<1x1x160x125xi32, #tpu.memory_space<hbm>>
    %dma_wait3A_49 = tpu.memref_squeeze %dma_wait3A_48 : memref<1x1x160x125xi32, #tpu.memory_space<hbm>> -> memref<160x125xi32, #tpu.memory_space<hbm>>
    tpu.wait_dma2 semaphore(%dma_wait3A_45 : memref<!tpu.dma_semaphore, #tpu.memory_space<semaphore_mem>>) src(%dma_wait3A_49 : memref<160x125xi32, #tpu.memory_space<hbm>>) dst(%arg6 : memref<160x125xi32, #tpu.memory_space<vmem>>)
    %dma_wait3A_50 = arith.constant 1 : i32
    %dma_wait3A_51 = arith.constant 0 : i32
    %dma_wait3A_52 = arith.constant 0 : i32
    %dma_wait3A_53 = tpu.memref_slice %arg4[%arg1, %dma_wait3A_51, %dma_wait3A_52] : memref<16x160x125xi32, #tpu.memory_space<hbm>> -> memref<1x160x125xi32, #tpu.memory_space<hbm>>
    %dma_wait3A_54 = tpu.memref_squeeze %dma_wait3A_53 : memref<1x160x125xi32, #tpu.memory_space<hbm>> -> memref<160x125xi32, #tpu.memory_space<hbm>>
    %dma_wait3A_55 = tpu.memref_slice %arg13[%dma_wait3A_50] : memref<2x!tpu.dma_semaphore, #tpu.memory_space<semaphore_mem>> -> memref<1x!tpu.dma_semaphore, #tpu.memory_space<semaphore_mem>>
    %dma_wait3A_56 = tpu.memref_squeeze %dma_wait3A_55 : memref<1x!tpu.dma_semaphore, #tpu.memory_space<semaphore_mem>> -> memref<!tpu.dma_semaphore, #tpu.memory_space<semaphore_mem>>
    %dma_wait3A_57 = arith.constant 0 : i32
    %dma_wait3A_58 = arith.constant 0 : i32
    %dma_wait3A_59 = tpu.memref_slice %arg4[%arg1, %dma_wait3A_57, %dma_wait3A_58] : memref<16x160x125xi32, #tpu.memory_space<hbm>> -> memref<1x160x125xi32, #tpu.memory_space<hbm>>
    %dma_wait3A_60 = tpu.memref_squeeze %dma_wait3A_59 : memref<1x160x125xi32, #tpu.memory_space<hbm>> -> memref<160x125xi32, #tpu.memory_space<hbm>>
    tpu.wait_dma2 semaphore(%dma_wait3A_56 : memref<!tpu.dma_semaphore, #tpu.memory_space<semaphore_mem>>) src(%dma_wait3A_60 : memref<160x125xi32, #tpu.memory_space<hbm>>) dst(%arg7 : memref<160x125xi32, #tpu.memory_space<vmem>>)
    %barrier3A = arith.constant 0 : index
    tpu.barrier barrier_id(%barrier3A)
    %dma_start3A_61 = arith.constant 0 : i32
    %dma_start3A_62 = arith.constant 0 : i32
    %dma_start3A_63 = arith.constant 0 : i32
    %dma_start3A_64 = arith.constant 0 : i32
    %dma_start3A_65 = arith.constant 0 : i32
    %dma_start3A_66 = tpu.memref_slice %arg8[%dma_start3A_62, %dma_start3A_64, %dma_start3A_65] : memref<5x125x64xf32, #tpu.memory_space<vmem>> -> memref<1x125x64xf32, #tpu.memory_space<vmem>>
    %dma_start3A_67 = tpu.memref_squeeze %dma_start3A_66 : memref<1x125x64xf32, #tpu.memory_space<vmem>> -> memref<125x64xf32, #tpu.memory_space<vmem>>
    %dma_start3A_68 = arith.constant 0 : i32
    %dma_start3A_69 = tpu.memref_slice %arg6[%dma_start3A_61, %dma_start3A_68] : memref<160x125xi32, #tpu.memory_space<vmem>> -> memref<1x125xi32, #tpu.memory_space<vmem>>
    %dma_start3A_70 = tpu.memref_squeeze %dma_start3A_69 : memref<1x125xi32, #tpu.memory_space<vmem>> -> memref<125xi32, #tpu.memory_space<vmem>>
    %dma_start3A_71 = arith.constant 0 : i32
    %dma_start3A_72 = arith.constant 0 : i32
    %dma_start3A_73 = tpu.memref_slice %arg2[%dma_start3A_71, %dma_start3A_72] : memref<20000x64xf32, #tpu.memory_space<hbm>> -> memref<20000x64xf32, #tpu.memory_space<hbm>>
    %dma_start3A_74 = tpu.memref_slice %arg11[%dma_start3A_63] : memref<5x!tpu.dma_semaphore, #tpu.memory_space<semaphore_mem>> -> memref<1x!tpu.dma_semaphore, #tpu.memory_space<semaphore_mem>>
    %dma_start3A_75 = tpu.memref_squeeze %dma_start3A_74 : memref<1x!tpu.dma_semaphore, #tpu.memory_space<semaphore_mem>> -> memref<!tpu.dma_semaphore, #tpu.memory_space<semaphore_mem>>
    tpu.enqueue_indirect_dma source(%dma_start3A_73 : memref<20000x64xf32, #tpu.memory_space<hbm>>) target(%dma_start3A_67 : memref<125x64xf32, #tpu.memory_space<vmem>>) offsets(%dma_start3A_70 : memref<125xi32, #tpu.memory_space<vmem>>) semaphore(%dma_start3A_75 : memref<!tpu.dma_semaphore, #tpu.memory_space<semaphore_mem>>)
    %dma_start3A_76 = arith.constant 1 : i32
    %dma_start3A_77 = arith.constant 1 : i32
    %dma_start3A_78 = arith.constant 1 : i32
    %dma_start3A_79 = arith.constant 0 : i32
    %dma_start3A_80 = arith.constant 0 : i32
    %dma_start3A_81 = tpu.memref_slice %arg8[%dma_start3A_77, %dma_start3A_79, %dma_start3A_80] : memref<5x125x64xf32, #tpu.memory_space<vmem>> -> memref<1x125x64xf32, #tpu.memory_space<vmem>>
    %dma_start3A_82 = tpu.memref_squeeze %dma_start3A_81 : memref<1x125x64xf32, #tpu.memory_space<vmem>> -> memref<125x64xf32, #tpu.memory_space<vmem>>
    %dma_start3A_83 = arith.constant 0 : i32
    %dma_start3A_84 = tpu.memref_slice %arg6[%dma_start3A_76, %dma_start3A_83] : memref<160x125xi32, #tpu.memory_space<vmem>> -> memref<1x125xi32, #tpu.memory_space<vmem>>
    %dma_start3A_85 = tpu.memref_squeeze %dma_start3A_84 : memref<1x125xi32, #tpu.memory_space<vmem>> -> memref<125xi32, #tpu.memory_space<vmem>>
    %dma_start3A_86 = arith.constant 0 : i32
    %dma_start3A_87 = arith.constant 0 : i32
    %dma_start3A_88 = tpu.memref_slice %arg2[%dma_start3A_86, %dma_start3A_87] : memref<20000x64xf32, #tpu.memory_space<hbm>> -> memref<20000x64xf32, #tpu.memory_space<hbm>>
    %dma_start3A_89 = tpu.memref_slice %arg11[%dma_start3A_78] : memref<5x!tpu.dma_semaphore, #tpu.memory_space<semaphore_mem>> -> memref<1x!tpu.dma_semaphore, #tpu.memory_space<semaphore_mem>>
    %dma_start3A_90 = tpu.memref_squeeze %dma_start3A_89 : memref<1x!tpu.dma_semaphore, #tpu.memory_space<semaphore_mem>> -> memref<!tpu.dma_semaphore, #tpu.memory_space<semaphore_mem>>
    tpu.enqueue_indirect_dma source(%dma_start3A_88 : memref<20000x64xf32, #tpu.memory_space<hbm>>) target(%dma_start3A_82 : memref<125x64xf32, #tpu.memory_space<vmem>>) offsets(%dma_start3A_85 : memref<125xi32, #tpu.memory_space<vmem>>) semaphore(%dma_start3A_90 : memref<!tpu.dma_semaphore, #tpu.memory_space<semaphore_mem>>)
    %dma_start3A_91 = arith.constant 2 : i32
    %dma_start3A_92 = arith.constant 2 : i32
    %dma_start3A_93 = arith.constant 2 : i32
    %dma_start3A_94 = arith.constant 0 : i32
    %dma_start3A_95 = arith.constant 0 : i32
    %dma_start3A_96 = tpu.memref_slice %arg8[%dma_start3A_92, %dma_start3A_94, %dma_start3A_95] : memref<5x125x64xf32, #tpu.memory_space<vmem>> -> memref<1x125x64xf32, #tpu.memory_space<vmem>>
    %dma_start3A_97 = tpu.memref_squeeze %dma_start3A_96 : memref<1x125x64xf32, #tpu.memory_space<vmem>> -> memref<125x64xf32, #tpu.memory_space<vmem>>
    %dma_start3A_98 = arith.constant 0 : i32
    %dma_start3A_99 = tpu.memref_slice %arg6[%dma_start3A_91, %dma_start3A_98] : memref<160x125xi32, #tpu.memory_space<vmem>> -> memref<1x125xi32, #tpu.memory_space<vmem>>
    %dma_start3A_100 = tpu.memref_squeeze %dma_start3A_99 : memref<1x125xi32, #tpu.memory_space<vmem>> -> memref<125xi32, #tpu.memory_space<vmem>>
    %dma_start3A_101 = arith.constant 0 : i32
    %dma_start3A_102 = arith.constant 0 : i32
    %dma_start3A_103 = tpu.memref_slice %arg2[%dma_start3A_101, %dma_start3A_102] : memref<20000x64xf32, #tpu.memory_space<hbm>> -> memref<20000x64xf32, #tpu.memory_space<hbm>>
    %dma_start3A_104 = tpu.memref_slice %arg11[%dma_start3A_93] : memref<5x!tpu.dma_semaphore, #tpu.memory_space<semaphore_mem>> -> memref<1x!tpu.dma_semaphore, #tpu.memory_space<semaphore_mem>>
    %dma_start3A_105 = tpu.memref_squeeze %dma_start3A_104 : memref<1x!tpu.dma_semaphore, #tpu.memory_space<semaphore_mem>> -> memref<!tpu.dma_semaphore, #tpu.memory_space<semaphore_mem>>
    tpu.enqueue_indirect_dma source(%dma_start3A_103 : memref<20000x64xf32, #tpu.memory_space<hbm>>) target(%dma_start3A_97 : memref<125x64xf32, #tpu.memory_space<vmem>>) offsets(%dma_start3A_100 : memref<125xi32, #tpu.memory_space<vmem>>) semaphore(%dma_start3A_105 : memref<!tpu.dma_semaphore, #tpu.memory_space<semaphore_mem>>)
    %dma_start3A_106 = arith.constant 3 : i32
    %dma_start3A_107 = arith.constant 3 : i32
    %dma_start3A_108 = arith.constant 3 : i32
    %dma_start3A_109 = arith.constant 0 : i32
    %dma_start3A_110 = arith.constant 0 : i32
    %dma_start3A_111 = tpu.memref_slice %arg8[%dma_start3A_107, %dma_start3A_109, %dma_start3A_110] : memref<5x125x64xf32, #tpu.memory_space<vmem>> -> memref<1x125x64xf32, #tpu.memory_space<vmem>>
    %dma_start3A_112 = tpu.memref_squeeze %dma_start3A_111 : memref<1x125x64xf32, #tpu.memory_space<vmem>> -> memref<125x64xf32, #tpu.memory_space<vmem>>
    %dma_start3A_113 = arith.constant 0 : i32
    %dma_start3A_114 = tpu.memref_slice %arg6[%dma_start3A_106, %dma_start3A_113] : memref<160x125xi32, #tpu.memory_space<vmem>> -> memref<1x125xi32, #tpu.memory_space<vmem>>
    %dma_start3A_115 = tpu.memref_squeeze %dma_start3A_114 : memref<1x125xi32, #tpu.memory_space<vmem>> -> memref<125xi32, #tpu.memory_space<vmem>>
    %dma_start3A_116 = arith.constant 0 : i32
    %dma_start3A_117 = arith.constant 0 : i32
    %dma_start3A_118 = tpu.memref_slice %arg2[%dma_start3A_116, %dma_start3A_117] : memref<20000x64xf32, #tpu.memory_space<hbm>> -> memref<20000x64xf32, #tpu.memory_space<hbm>>
    %dma_start3A_119 = tpu.memref_slice %arg11[%dma_start3A_108] : memref<5x!tpu.dma_semaphore, #tpu.memory_space<semaphore_mem>> -> memref<1x!tpu.dma_semaphore, #tpu.memory_space<semaphore_mem>>
    %dma_start3A_120 = tpu.memref_squeeze %dma_start3A_119 : memref<1x!tpu.dma_semaphore, #tpu.memory_space<semaphore_mem>> -> memref<!tpu.dma_semaphore, #tpu.memory_space<semaphore_mem>>
    tpu.enqueue_indirect_dma source(%dma_start3A_118 : memref<20000x64xf32, #tpu.memory_space<hbm>>) target(%dma_start3A_112 : memref<125x64xf32, #tpu.memory_space<vmem>>) offsets(%dma_start3A_115 : memref<125xi32, #tpu.memory_space<vmem>>) semaphore(%dma_start3A_120 : memref<!tpu.dma_semaphore, #tpu.memory_space<semaphore_mem>>)
    %dma_start3A_121 = arith.constant 4 : i32
    %dma_start3A_122 = arith.constant 4 : i32
    %dma_start3A_123 = arith.constant 4 : i32
    %dma_start3A_124 = arith.constant 0 : i32
    %dma_start3A_125 = arith.constant 0 : i32
    %dma_start3A_126 = tpu.memref_slice %arg8[%dma_start3A_122, %dma_start3A_124, %dma_start3A_125] : memref<5x125x64xf32, #tpu.memory_space<vmem>> -> memref<1x125x64xf32, #tpu.memory_space<vmem>>
    %dma_start3A_127 = tpu.memref_squeeze %dma_start3A_126 : memref<1x125x64xf32, #tpu.memory_space<vmem>> -> memref<125x64xf32, #tpu.memory_space<vmem>>
    %dma_start3A_128 = arith.constant 0 : i32
    %dma_start3A_129 = tpu.memref_slice %arg6[%dma_start3A_121, %dma_start3A_128] : memref<160x125xi32, #tpu.memory_space<vmem>> -> memref<1x125xi32, #tpu.memory_space<vmem>>
    %dma_start3A_130 = tpu.memref_squeeze %dma_start3A_129 : memref<1x125xi32, #tpu.memory_space<vmem>> -> memref<125xi32, #tpu.memory_space<vmem>>
    %dma_start3A_131 = arith.constant 0 : i32
    %dma_start3A_132 = arith.constant 0 : i32
    %dma_start3A_133 = tpu.memref_slice %arg2[%dma_start3A_131, %dma_start3A_132] : memref<20000x64xf32, #tpu.memory_space<hbm>> -> memref<20000x64xf32, #tpu.memory_space<hbm>>
    %dma_start3A_134 = tpu.memref_slice %arg11[%dma_start3A_123] : memref<5x!tpu.dma_semaphore, #tpu.memory_space<semaphore_mem>> -> memref<1x!tpu.dma_semaphore, #tpu.memory_space<semaphore_mem>>
    %dma_start3A_135 = tpu.memref_squeeze %dma_start3A_134 : memref<1x!tpu.dma_semaphore, #tpu.memory_space<semaphore_mem>> -> memref<!tpu.dma_semaphore, #tpu.memory_space<semaphore_mem>>
    tpu.enqueue_indirect_dma source(%dma_start3A_133 : memref<20000x64xf32, #tpu.memory_space<hbm>>) target(%dma_start3A_127 : memref<125x64xf32, #tpu.memory_space<vmem>>) offsets(%dma_start3A_130 : memref<125xi32, #tpu.memory_space<vmem>>) semaphore(%dma_start3A_135 : memref<!tpu.dma_semaphore, #tpu.memory_space<semaphore_mem>>)
    %dma_wait3A_136 = arith.constant 0 : i32
    %dma_wait3A_137 = arith.constant 0 : i32
    %dma_wait3A_138 = arith.constant 0 : i32
    %dma_wait3A_139 = arith.constant 0 : i32
    %dma_wait3A_140 = arith.constant 0 : i32
    %dma_wait3A_141 = tpu.memref_slice %arg8[%dma_wait3A_137, %dma_wait3A_139, %dma_wait3A_140] : memref<5x125x64xf32, #tpu.memory_space<vmem>> -> memref<1x125x64xf32, #tpu.memory_space<vmem>>
    %dma_wait3A_142 = tpu.memref_squeeze %dma_wait3A_141 : memref<1x125x64xf32, #tpu.memory_space<vmem>> -> memref<125x64xf32, #tpu.memory_space<vmem>>
    %dma_wait3A_143 = arith.constant 0 : i32
    %dma_wait3A_144 = tpu.memref_slice %arg6[%dma_wait3A_136, %dma_wait3A_143] : memref<160x125xi32, #tpu.memory_space<vmem>> -> memref<1x125xi32, #tpu.memory_space<vmem>>
    %dma_wait3A_145 = tpu.memref_squeeze %dma_wait3A_144 : memref<1x125xi32, #tpu.memory_space<vmem>> -> memref<125xi32, #tpu.memory_space<vmem>>
    %dma_wait3A_146 = arith.constant 0 : i32
    %dma_wait3A_147 = arith.constant 0 : i32
    %dma_wait3A_148 = tpu.memref_slice %arg2[%dma_wait3A_146, %dma_wait3A_147] : memref<20000x64xf32, #tpu.memory_space<hbm>> -> memref<20000x64xf32, #tpu.memory_space<hbm>>
    %dma_wait3A_149 = tpu.memref_slice %arg11[%dma_wait3A_138] : memref<5x!tpu.dma_semaphore, #tpu.memory_space<semaphore_mem>> -> memref<1x!tpu.dma_semaphore, #tpu.memory_space<semaphore_mem>>
    %dma_wait3A_150 = tpu.memref_squeeze %dma_wait3A_149 : memref<1x!tpu.dma_semaphore, #tpu.memory_space<semaphore_mem>> -> memref<!tpu.dma_semaphore, #tpu.memory_space<semaphore_mem>>
    tpu.wait_indirect_dma semaphore(%dma_wait3A_150 : memref<!tpu.dma_semaphore, #tpu.memory_space<semaphore_mem>>) src(%dma_wait3A_148 : memref<20000x64xf32, #tpu.memory_space<hbm>>) dst(%dma_wait3A_142 : memref<125x64xf32, #tpu.memory_space<vmem>>)
    %dma_start3A_151 = arith.constant 0 : i32
    %dma_start3A_152 = arith.constant 0 : i32
    %dma_start3A_153 = arith.constant 0 : i32
    %dma_start3A_154 = arith.constant 0 : i32
    %dma_start3A_155 = arith.constant 0 : i32
    %dma_start3A_156 = tpu.memref_slice %arg8[%dma_start3A_151, %dma_start3A_154, %dma_start3A_155] : memref<5x125x64xf32, #tpu.memory_space<vmem>> -> memref<1x125x64xf32, #tpu.memory_space<vmem>>
    %dma_start3A_157 = tpu.memref_squeeze %dma_start3A_156 : memref<1x125x64xf32, #tpu.memory_space<vmem>> -> memref<125x64xf32, #tpu.memory_space<vmem>>
    %dma_start3A_158 = arith.constant 0 : i32
    %dma_start3A_159 = tpu.memref_slice %arg7[%dma_start3A_152, %dma_start3A_158] : memref<160x125xi32, #tpu.memory_space<vmem>> -> memref<1x125xi32, #tpu.memory_space<vmem>>
    %dma_start3A_160 = tpu.memref_squeeze %dma_start3A_159 : memref<1x125xi32, #tpu.memory_space<vmem>> -> memref<125xi32, #tpu.memory_space<vmem>>
    %dma_start3A_161 = arith.constant 0 : i32
    %dma_start3A_162 = arith.constant 0 : i32
    %dma_start3A_163 = tpu.memref_slice %arg10[%dma_start3A_161, %dma_start3A_162] : memref<10000x64xf32, #tpu.memory_space<vmem_shared>> -> memref<10000x64xf32, #tpu.memory_space<vmem_shared>>
    %dma_start3A_164 = tpu.memref_slice %arg12[%dma_start3A_153] : memref<5x!tpu.dma_semaphore, #tpu.memory_space<semaphore_mem>> -> memref<1x!tpu.dma_semaphore, #tpu.memory_space<semaphore_mem>>
    %dma_start3A_165 = tpu.memref_squeeze %dma_start3A_164 : memref<1x!tpu.dma_semaphore, #tpu.memory_space<semaphore_mem>> -> memref<!tpu.dma_semaphore, #tpu.memory_space<semaphore_mem>>
    tpu.enqueue_indirect_dma source(%dma_start3A_157 : memref<125x64xf32, #tpu.memory_space<vmem>>) target(%dma_start3A_163 : memref<10000x64xf32, #tpu.memory_space<vmem_shared>>) offsets(%dma_start3A_160 : memref<125xi32, #tpu.memory_space<vmem>>) semaphore(%dma_start3A_165 : memref<!tpu.dma_semaphore, #tpu.memory_space<semaphore_mem>>) {add = true}
    %scan3A_166 = arith.constant 0 : i32
    %scan3A_167 = arith.constant 31 : i32
    %scan3A_168 = arith.addi %scan3A_166, %scan3A_167 : i32
    %scan3A_169 = arith.constant 1 : i32
    scf.for %scan3A_372 = %scan3A_166 to %scan3A_168 step %scan3A_169  : i32 {
      %mul3A_373 = arith.constant 5 : i32
      %mul3A_374 = arith.muli %scan3A_372, %mul3A_373 : i32
      %add3A_375 = arith.constant 1 : i32
      %add3A_376 = arith.addi %add3A_375, %mul3A_374 : i32
      %add3A_377 = arith.constant 0 : i32
      %add3A_378 = arith.addi %add3A_376, %add3A_377 : i32
      %dma_wait3A_379 = arith.constant 0 : i32
      %dma_wait3A_380 = arith.constant 0 : i32
      %dma_wait3A_381 = arith.constant 0 : i32
      %dma_wait3A_382 = arith.constant 0 : i32
      %dma_wait3A_383 = arith.constant 0 : i32
      %dma_wait3A_384 = tpu.memref_slice %arg8[%dma_wait3A_380, %dma_wait3A_382, %dma_wait3A_383] : memref<5x125x64xf32, #tpu.memory_space<vmem>> -> memref<1x125x64xf32, #tpu.memory_space<vmem>>
      %dma_wait3A_385 = tpu.memref_squeeze %dma_wait3A_384 : memref<1x125x64xf32, #tpu.memory_space<vmem>> -> memref<125x64xf32, #tpu.memory_space<vmem>>
      %dma_wait3A_386 = arith.constant 0 : i32
      %dma_wait3A_387 = tpu.memref_slice %arg6[%dma_wait3A_379, %dma_wait3A_386] : memref<160x125xi32, #tpu.memory_space<vmem>> -> memref<1x125xi32, #tpu.memory_space<vmem>>
      %dma_wait3A_388 = tpu.memref_squeeze %dma_wait3A_387 : memref<1x125xi32, #tpu.memory_space<vmem>> -> memref<125xi32, #tpu.memory_space<vmem>>
      %dma_wait3A_389 = arith.constant 0 : i32
      %dma_wait3A_390 = arith.constant 0 : i32
      %dma_wait3A_391 = tpu.memref_slice %arg2[%dma_wait3A_389, %dma_wait3A_390] : memref<20000x64xf32, #tpu.memory_space<hbm>> -> memref<20000x64xf32, #tpu.memory_space<hbm>>
      %dma_wait3A_392 = tpu.memref_slice %arg12[%dma_wait3A_381] : memref<5x!tpu.dma_semaphore, #tpu.memory_space<semaphore_mem>> -> memref<1x!tpu.dma_semaphore, #tpu.memory_space<semaphore_mem>>
      %dma_wait3A_393 = tpu.memref_squeeze %dma_wait3A_392 : memref<1x!tpu.dma_semaphore, #tpu.memory_space<semaphore_mem>> -> memref<!tpu.dma_semaphore, #tpu.memory_space<semaphore_mem>>
      tpu.wait_indirect_dma semaphore(%dma_wait3A_393 : memref<!tpu.dma_semaphore, #tpu.memory_space<semaphore_mem>>) src(%dma_wait3A_391 : memref<20000x64xf32, #tpu.memory_space<hbm>>) dst(%dma_wait3A_385 : memref<125x64xf32, #tpu.memory_space<vmem>>)
      %add3A_394 = arith.constant 5 : i32
      %add3A_395 = arith.addi %add3A_378, %add3A_394 : i32
      %sub3A = arith.constant 1 : i32
      %sub3A_396 = arith.subi %add3A_395, %sub3A : i32
      %dma_start3A_397 = arith.constant 0 : i32
      %dma_start3A_398 = arith.constant 0 : i32
      %dma_start3A_399 = arith.constant 0 : i32
      %dma_start3A_400 = arith.constant 0 : i32
      %dma_start3A_401 = tpu.memref_slice %arg8[%dma_start3A_397, %dma_start3A_399, %dma_start3A_400] : memref<5x125x64xf32, #tpu.memory_space<vmem>> -> memref<1x125x64xf32, #tpu.memory_space<vmem>>
      %dma_start3A_402 = tpu.memref_squeeze %dma_start3A_401 : memref<1x125x64xf32, #tpu.memory_space<vmem>> -> memref<125x64xf32, #tpu.memory_space<vmem>>
      %dma_start3A_403 = arith.constant 0 : i32
      %dma_start3A_404 = tpu.memref_slice %arg6[%sub3A_396, %dma_start3A_403] : memref<160x125xi32, #tpu.memory_space<vmem>> -> memref<1x125xi32, #tpu.memory_space<vmem>>
      %dma_start3A_405 = tpu.memref_squeeze %dma_start3A_404 : memref<1x125xi32, #tpu.memory_space<vmem>> -> memref<125xi32, #tpu.memory_space<vmem>>
      %dma_start3A_406 = arith.constant 0 : i32
      %dma_start3A_407 = arith.constant 0 : i32
      %dma_start3A_408 = tpu.memref_slice %arg2[%dma_start3A_406, %dma_start3A_407] : memref<20000x64xf32, #tpu.memory_space<hbm>> -> memref<20000x64xf32, #tpu.memory_space<hbm>>
      %dma_start3A_409 = tpu.memref_slice %arg11[%dma_start3A_398] : memref<5x!tpu.dma_semaphore, #tpu.memory_space<semaphore_mem>> -> memref<1x!tpu.dma_semaphore, #tpu.memory_space<semaphore_mem>>
      %dma_start3A_410 = tpu.memref_squeeze %dma_start3A_409 : memref<1x!tpu.dma_semaphore, #tpu.memory_space<semaphore_mem>> -> memref<!tpu.dma_semaphore, #tpu.memory_space<semaphore_mem>>
      tpu.enqueue_indirect_dma source(%dma_start3A_408 : memref<20000x64xf32, #tpu.memory_space<hbm>>) target(%dma_start3A_402 : memref<125x64xf32, #tpu.memory_space<vmem>>) offsets(%dma_start3A_405 : memref<125xi32, #tpu.memory_space<vmem>>) semaphore(%dma_start3A_410 : memref<!tpu.dma_semaphore, #tpu.memory_space<semaphore_mem>>)
      %dma_wait3A_411 = arith.constant 0 : i32
      %dma_wait3A_412 = arith.constant 1 : i32
      %dma_wait3A_413 = arith.constant 1 : i32
      %dma_wait3A_414 = arith.constant 0 : i32
      %dma_wait3A_415 = arith.constant 0 : i32
      %dma_wait3A_416 = tpu.memref_slice %arg8[%dma_wait3A_412, %dma_wait3A_414, %dma_wait3A_415] : memref<5x125x64xf32, #tpu.memory_space<vmem>> -> memref<1x125x64xf32, #tpu.memory_space<vmem>>
      %dma_wait3A_417 = tpu.memref_squeeze %dma_wait3A_416 : memref<1x125x64xf32, #tpu.memory_space<vmem>> -> memref<125x64xf32, #tpu.memory_space<vmem>>
      %dma_wait3A_418 = arith.constant 0 : i32
      %dma_wait3A_419 = tpu.memref_slice %arg6[%dma_wait3A_411, %dma_wait3A_418] : memref<160x125xi32, #tpu.memory_space<vmem>> -> memref<1x125xi32, #tpu.memory_space<vmem>>
      %dma_wait3A_420 = tpu.memref_squeeze %dma_wait3A_419 : memref<1x125xi32, #tpu.memory_space<vmem>> -> memref<125xi32, #tpu.memory_space<vmem>>
      %dma_wait3A_421 = arith.constant 0 : i32
      %dma_wait3A_422 = arith.constant 0 : i32
      %dma_wait3A_423 = tpu.memref_slice %arg2[%dma_wait3A_421, %dma_wait3A_422] : memref<20000x64xf32, #tpu.memory_space<hbm>> -> memref<20000x64xf32, #tpu.memory_space<hbm>>
      %dma_wait3A_424 = tpu.memref_slice %arg11[%dma_wait3A_413] : memref<5x!tpu.dma_semaphore, #tpu.memory_space<semaphore_mem>> -> memref<1x!tpu.dma_semaphore, #tpu.memory_space<semaphore_mem>>
      %dma_wait3A_425 = tpu.memref_squeeze %dma_wait3A_424 : memref<1x!tpu.dma_semaphore, #tpu.memory_space<semaphore_mem>> -> memref<!tpu.dma_semaphore, #tpu.memory_space<semaphore_mem>>
      tpu.wait_indirect_dma semaphore(%dma_wait3A_425 : memref<!tpu.dma_semaphore, #tpu.memory_space<semaphore_mem>>) src(%dma_wait3A_423 : memref<20000x64xf32, #tpu.memory_space<hbm>>) dst(%dma_wait3A_417 : memref<125x64xf32, #tpu.memory_space<vmem>>)
      %dma_start3A_426 = arith.constant 1 : i32
      %dma_start3A_427 = arith.constant 1 : i32
      %dma_start3A_428 = arith.constant 0 : i32
      %dma_start3A_429 = arith.constant 0 : i32
      %dma_start3A_430 = tpu.memref_slice %arg8[%dma_start3A_426, %dma_start3A_428, %dma_start3A_429] : memref<5x125x64xf32, #tpu.memory_space<vmem>> -> memref<1x125x64xf32, #tpu.memory_space<vmem>>
      %dma_start3A_431 = tpu.memref_squeeze %dma_start3A_430 : memref<1x125x64xf32, #tpu.memory_space<vmem>> -> memref<125x64xf32, #tpu.memory_space<vmem>>
      %dma_start3A_432 = arith.constant 0 : i32
      %dma_start3A_433 = tpu.memref_slice %arg7[%add3A_378, %dma_start3A_432] : memref<160x125xi32, #tpu.memory_space<vmem>> -> memref<1x125xi32, #tpu.memory_space<vmem>>
      %dma_start3A_434 = tpu.memref_squeeze %dma_start3A_433 : memref<1x125xi32, #tpu.memory_space<vmem>> -> memref<125xi32, #tpu.memory_space<vmem>>
      %dma_start3A_435 = arith.constant 0 : i32
      %dma_start3A_436 = arith.constant 0 : i32
      %dma_start3A_437 = tpu.memref_slice %arg10[%dma_start3A_435, %dma_start3A_436] : memref<10000x64xf32, #tpu.memory_space<vmem_shared>> -> memref<10000x64xf32, #tpu.memory_space<vmem_shared>>
      %dma_start3A_438 = tpu.memref_slice %arg12[%dma_start3A_427] : memref<5x!tpu.dma_semaphore, #tpu.memory_space<semaphore_mem>> -> memref<1x!tpu.dma_semaphore, #tpu.memory_space<semaphore_mem>>
      %dma_start3A_439 = tpu.memref_squeeze %dma_start3A_438 : memref<1x!tpu.dma_semaphore, #tpu.memory_space<semaphore_mem>> -> memref<!tpu.dma_semaphore, #tpu.memory_space<semaphore_mem>>
      tpu.enqueue_indirect_dma source(%dma_start3A_431 : memref<125x64xf32, #tpu.memory_space<vmem>>) target(%dma_start3A_437 : memref<10000x64xf32, #tpu.memory_space<vmem_shared>>) offsets(%dma_start3A_434 : memref<125xi32, #tpu.memory_space<vmem>>) semaphore(%dma_start3A_439 : memref<!tpu.dma_semaphore, #tpu.memory_space<semaphore_mem>>) {add = true}
      %add3A_440 = arith.constant 1 : i32
      %add3A_441 = arith.addi %add3A_376, %add3A_440 : i32
      %dma_wait3A_442 = arith.constant 0 : i32
      %dma_wait3A_443 = arith.constant 1 : i32
      %dma_wait3A_444 = arith.constant 1 : i32
      %dma_wait3A_445 = arith.constant 0 : i32
      %dma_wait3A_446 = arith.constant 0 : i32
      %dma_wait3A_447 = tpu.memref_slice %arg8[%dma_wait3A_443, %dma_wait3A_445, %dma_wait3A_446] : memref<5x125x64xf32, #tpu.memory_space<vmem>> -> memref<1x125x64xf32, #tpu.memory_space<vmem>>
      %dma_wait3A_448 = tpu.memref_squeeze %dma_wait3A_447 : memref<1x125x64xf32, #tpu.memory_space<vmem>> -> memref<125x64xf32, #tpu.memory_space<vmem>>
      %dma_wait3A_449 = arith.constant 0 : i32
      %dma_wait3A_450 = tpu.memref_slice %arg6[%dma_wait3A_442, %dma_wait3A_449] : memref<160x125xi32, #tpu.memory_space<vmem>> -> memref<1x125xi32, #tpu.memory_space<vmem>>
      %dma_wait3A_451 = tpu.memref_squeeze %dma_wait3A_450 : memref<1x125xi32, #tpu.memory_space<vmem>> -> memref<125xi32, #tpu.memory_space<vmem>>
      %dma_wait3A_452 = arith.constant 0 : i32
      %dma_wait3A_453 = arith.constant 0 : i32
      %dma_wait3A_454 = tpu.memref_slice %arg2[%dma_wait3A_452, %dma_wait3A_453] : memref<20000x64xf32, #tpu.memory_space<hbm>> -> memref<20000x64xf32, #tpu.memory_space<hbm>>
      %dma_wait3A_455 = tpu.memref_slice %arg12[%dma_wait3A_444] : memref<5x!tpu.dma_semaphore, #tpu.memory_space<semaphore_mem>> -> memref<1x!tpu.dma_semaphore, #tpu.memory_space<semaphore_mem>>
      %dma_wait3A_456 = tpu.memref_squeeze %dma_wait3A_455 : memref<1x!tpu.dma_semaphore, #tpu.memory_space<semaphore_mem>> -> memref<!tpu.dma_semaphore, #tpu.memory_space<semaphore_mem>>
      tpu.wait_indirect_dma semaphore(%dma_wait3A_456 : memref<!tpu.dma_semaphore, #tpu.memory_space<semaphore_mem>>) src(%dma_wait3A_454 : memref<20000x64xf32, #tpu.memory_space<hbm>>) dst(%dma_wait3A_448 : memref<125x64xf32, #tpu.memory_space<vmem>>)
      %add3A_457 = arith.constant 5 : i32
      %add3A_458 = arith.addi %add3A_441, %add3A_457 : i32
      %sub3A_459 = arith.constant 1 : i32
      %sub3A_460 = arith.subi %add3A_458, %sub3A_459 : i32
      %dma_start3A_461 = arith.constant 1 : i32
      %dma_start3A_462 = arith.constant 1 : i32
      %dma_start3A_463 = arith.constant 0 : i32
      %dma_start3A_464 = arith.constant 0 : i32
      %dma_start3A_465 = tpu.memref_slice %arg8[%dma_start3A_461, %dma_start3A_463, %dma_start3A_464] : memref<5x125x64xf32, #tpu.memory_space<vmem>> -> memref<1x125x64xf32, #tpu.memory_space<vmem>>
      %dma_start3A_466 = tpu.memref_squeeze %dma_start3A_465 : memref<1x125x64xf32, #tpu.memory_space<vmem>> -> memref<125x64xf32, #tpu.memory_space<vmem>>
      %dma_start3A_467 = arith.constant 0 : i32
      %dma_start3A_468 = tpu.memref_slice %arg6[%sub3A_460, %dma_start3A_467] : memref<160x125xi32, #tpu.memory_space<vmem>> -> memref<1x125xi32, #tpu.memory_space<vmem>>
      %dma_start3A_469 = tpu.memref_squeeze %dma_start3A_468 : memref<1x125xi32, #tpu.memory_space<vmem>> -> memref<125xi32, #tpu.memory_space<vmem>>
      %dma_start3A_470 = arith.constant 0 : i32
      %dma_start3A_471 = arith.constant 0 : i32
      %dma_start3A_472 = tpu.memref_slice %arg2[%dma_start3A_470, %dma_start3A_471] : memref<20000x64xf32, #tpu.memory_space<hbm>> -> memref<20000x64xf32, #tpu.memory_space<hbm>>
      %dma_start3A_473 = tpu.memref_slice %arg11[%dma_start3A_462] : memref<5x!tpu.dma_semaphore, #tpu.memory_space<semaphore_mem>> -> memref<1x!tpu.dma_semaphore, #tpu.memory_space<semaphore_mem>>
      %dma_start3A_474 = tpu.memref_squeeze %dma_start3A_473 : memref<1x!tpu.dma_semaphore, #tpu.memory_space<semaphore_mem>> -> memref<!tpu.dma_semaphore, #tpu.memory_space<semaphore_mem>>
      tpu.enqueue_indirect_dma source(%dma_start3A_472 : memref<20000x64xf32, #tpu.memory_space<hbm>>) target(%dma_start3A_466 : memref<125x64xf32, #tpu.memory_space<vmem>>) offsets(%dma_start3A_469 : memref<125xi32, #tpu.memory_space<vmem>>) semaphore(%dma_start3A_474 : memref<!tpu.dma_semaphore, #tpu.memory_space<semaphore_mem>>)
      %dma_wait3A_475 = arith.constant 0 : i32
      %dma_wait3A_476 = arith.constant 2 : i32
      %dma_wait3A_477 = arith.constant 2 : i32
      %dma_wait3A_478 = arith.constant 0 : i32
      %dma_wait3A_479 = arith.constant 0 : i32
      %dma_wait3A_480 = tpu.memref_slice %arg8[%dma_wait3A_476, %dma_wait3A_478, %dma_wait3A_479] : memref<5x125x64xf32, #tpu.memory_space<vmem>> -> memref<1x125x64xf32, #tpu.memory_space<vmem>>
      %dma_wait3A_481 = tpu.memref_squeeze %dma_wait3A_480 : memref<1x125x64xf32, #tpu.memory_space<vmem>> -> memref<125x64xf32, #tpu.memory_space<vmem>>
      %dma_wait3A_482 = arith.constant 0 : i32
      %dma_wait3A_483 = tpu.memref_slice %arg6[%dma_wait3A_475, %dma_wait3A_482] : memref<160x125xi32, #tpu.memory_space<vmem>> -> memref<1x125xi32, #tpu.memory_space<vmem>>
      %dma_wait3A_484 = tpu.memref_squeeze %dma_wait3A_483 : memref<1x125xi32, #tpu.memory_space<vmem>> -> memref<125xi32, #tpu.memory_space<vmem>>
      %dma_wait3A_485 = arith.constant 0 : i32
      %dma_wait3A_486 = arith.constant 0 : i32
      %dma_wait3A_487 = tpu.memref_slice %arg2[%dma_wait3A_485, %dma_wait3A_486] : memref<20000x64xf32, #tpu.memory_space<hbm>> -> memref<20000x64xf32, #tpu.memory_space<hbm>>
      %dma_wait3A_488 = tpu.memref_slice %arg11[%dma_wait3A_477] : memref<5x!tpu.dma_semaphore, #tpu.memory_space<semaphore_mem>> -> memref<1x!tpu.dma_semaphore, #tpu.memory_space<semaphore_mem>>
      %dma_wait3A_489 = tpu.memref_squeeze %dma_wait3A_488 : memref<1x!tpu.dma_semaphore, #tpu.memory_space<semaphore_mem>> -> memref<!tpu.dma_semaphore, #tpu.memory_space<semaphore_mem>>
      tpu.wait_indirect_dma semaphore(%dma_wait3A_489 : memref<!tpu.dma_semaphore, #tpu.memory_space<semaphore_mem>>) src(%dma_wait3A_487 : memref<20000x64xf32, #tpu.memory_space<hbm>>) dst(%dma_wait3A_481 : memref<125x64xf32, #tpu.memory_space<vmem>>)
      %dma_start3A_490 = arith.constant 2 : i32
      %dma_start3A_491 = arith.constant 2 : i32
      %dma_start3A_492 = arith.constant 0 : i32
      %dma_start3A_493 = arith.constant 0 : i32
      %dma_start3A_494 = tpu.memref_slice %arg8[%dma_start3A_490, %dma_start3A_492, %dma_start3A_493] : memref<5x125x64xf32, #tpu.memory_space<vmem>> -> memref<1x125x64xf32, #tpu.memory_space<vmem>>
      %dma_start3A_495 = tpu.memref_squeeze %dma_start3A_494 : memref<1x125x64xf32, #tpu.memory_space<vmem>> -> memref<125x64xf32, #tpu.memory_space<vmem>>
      %dma_start3A_496 = arith.constant 0 : i32
      %dma_start3A_497 = tpu.memref_slice %arg7[%add3A_441, %dma_start3A_496] : memref<160x125xi32, #tpu.memory_space<vmem>> -> memref<1x125xi32, #tpu.memory_space<vmem>>
      %dma_start3A_498 = tpu.memref_squeeze %dma_start3A_497 : memref<1x125xi32, #tpu.memory_space<vmem>> -> memref<125xi32, #tpu.memory_space<vmem>>
      %dma_start3A_499 = arith.constant 0 : i32
      %dma_start3A_500 = arith.constant 0 : i32
      %dma_start3A_501 = tpu.memref_slice %arg10[%dma_start3A_499, %dma_start3A_500] : memref<10000x64xf32, #tpu.memory_space<vmem_shared>> -> memref<10000x64xf32, #tpu.memory_space<vmem_shared>>
      %dma_start3A_502 = tpu.memref_slice %arg12[%dma_start3A_491] : memref<5x!tpu.dma_semaphore, #tpu.memory_space<semaphore_mem>> -> memref<1x!tpu.dma_semaphore, #tpu.memory_space<semaphore_mem>>
      %dma_start3A_503 = tpu.memref_squeeze %dma_start3A_502 : memref<1x!tpu.dma_semaphore, #tpu.memory_space<semaphore_mem>> -> memref<!tpu.dma_semaphore, #tpu.memory_space<semaphore_mem>>
      tpu.enqueue_indirect_dma source(%dma_start3A_495 : memref<125x64xf32, #tpu.memory_space<vmem>>) target(%dma_start3A_501 : memref<10000x64xf32, #tpu.memory_space<vmem_shared>>) offsets(%dma_start3A_498 : memref<125xi32, #tpu.memory_space<vmem>>) semaphore(%dma_start3A_503 : memref<!tpu.dma_semaphore, #tpu.memory_space<semaphore_mem>>) {add = true}
      %add3A_504 = arith.constant 2 : i32
      %add3A_505 = arith.addi %add3A_376, %add3A_504 : i32
      %dma_wait3A_506 = arith.constant 0 : i32
      %dma_wait3A_507 = arith.constant 2 : i32
      %dma_wait3A_508 = arith.constant 2 : i32
      %dma_wait3A_509 = arith.constant 0 : i32
      %dma_wait3A_510 = arith.constant 0 : i32
      %dma_wait3A_511 = tpu.memref_slice %arg8[%dma_wait3A_507, %dma_wait3A_509, %dma_wait3A_510] : memref<5x125x64xf32, #tpu.memory_space<vmem>> -> memref<1x125x64xf32, #tpu.memory_space<vmem>>
      %dma_wait3A_512 = tpu.memref_squeeze %dma_wait3A_511 : memref<1x125x64xf32, #tpu.memory_space<vmem>> -> memref<125x64xf32, #tpu.memory_space<vmem>>
      %dma_wait3A_513 = arith.constant 0 : i32
      %dma_wait3A_514 = tpu.memref_slice %arg6[%dma_wait3A_506, %dma_wait3A_513] : memref<160x125xi32, #tpu.memory_space<vmem>> -> memref<1x125xi32, #tpu.memory_space<vmem>>
      %dma_wait3A_515 = tpu.memref_squeeze %dma_wait3A_514 : memref<1x125xi32, #tpu.memory_space<vmem>> -> memref<125xi32, #tpu.memory_space<vmem>>
      %dma_wait3A_516 = arith.constant 0 : i32
      %dma_wait3A_517 = arith.constant 0 : i32
      %dma_wait3A_518 = tpu.memref_slice %arg2[%dma_wait3A_516, %dma_wait3A_517] : memref<20000x64xf32, #tpu.memory_space<hbm>> -> memref<20000x64xf32, #tpu.memory_space<hbm>>
      %dma_wait3A_519 = tpu.memref_slice %arg12[%dma_wait3A_508] : memref<5x!tpu.dma_semaphore, #tpu.memory_space<semaphore_mem>> -> memref<1x!tpu.dma_semaphore, #tpu.memory_space<semaphore_mem>>
      %dma_wait3A_520 = tpu.memref_squeeze %dma_wait3A_519 : memref<1x!tpu.dma_semaphore, #tpu.memory_space<semaphore_mem>> -> memref<!tpu.dma_semaphore, #tpu.memory_space<semaphore_mem>>
      tpu.wait_indirect_dma semaphore(%dma_wait3A_520 : memref<!tpu.dma_semaphore, #tpu.memory_space<semaphore_mem>>) src(%dma_wait3A_518 : memref<20000x64xf32, #tpu.memory_space<hbm>>) dst(%dma_wait3A_512 : memref<125x64xf32, #tpu.memory_space<vmem>>)
      %add3A_521 = arith.constant 5 : i32
      %add3A_522 = arith.addi %add3A_505, %add3A_521 : i32
      %sub3A_523 = arith.constant 1 : i32
      %sub3A_524 = arith.subi %add3A_522, %sub3A_523 : i32
      %dma_start3A_525 = arith.constant 2 : i32
      %dma_start3A_526 = arith.constant 2 : i32
      %dma_start3A_527 = arith.constant 0 : i32
      %dma_start3A_528 = arith.constant 0 : i32
      %dma_start3A_529 = tpu.memref_slice %arg8[%dma_start3A_525, %dma_start3A_527, %dma_start3A_528] : memref<5x125x64xf32, #tpu.memory_space<vmem>> -> memref<1x125x64xf32, #tpu.memory_space<vmem>>
      %dma_start3A_530 = tpu.memref_squeeze %dma_start3A_529 : memref<1x125x64xf32, #tpu.memory_space<vmem>> -> memref<125x64xf32, #tpu.memory_space<vmem>>
      %dma_start3A_531 = arith.constant 0 : i32
      %dma_start3A_532 = tpu.memref_slice %arg6[%sub3A_524, %dma_start3A_531] : memref<160x125xi32, #tpu.memory_space<vmem>> -> memref<1x125xi32, #tpu.memory_space<vmem>>
      %dma_start3A_533 = tpu.memref_squeeze %dma_start3A_532 : memref<1x125xi32, #tpu.memory_space<vmem>> -> memref<125xi32, #tpu.memory_space<vmem>>
      %dma_start3A_534 = arith.constant 0 : i32
      %dma_start3A_535 = arith.constant 0 : i32
      %dma_start3A_536 = tpu.memref_slice %arg2[%dma_start3A_534, %dma_start3A_535] : memref<20000x64xf32, #tpu.memory_space<hbm>> -> memref<20000x64xf32, #tpu.memory_space<hbm>>
      %dma_start3A_537 = tpu.memref_slice %arg11[%dma_start3A_526] : memref<5x!tpu.dma_semaphore, #tpu.memory_space<semaphore_mem>> -> memref<1x!tpu.dma_semaphore, #tpu.memory_space<semaphore_mem>>
      %dma_start3A_538 = tpu.memref_squeeze %dma_start3A_537 : memref<1x!tpu.dma_semaphore, #tpu.memory_space<semaphore_mem>> -> memref<!tpu.dma_semaphore, #tpu.memory_space<semaphore_mem>>
      tpu.enqueue_indirect_dma source(%dma_start3A_536 : memref<20000x64xf32, #tpu.memory_space<hbm>>) target(%dma_start3A_530 : memref<125x64xf32, #tpu.memory_space<vmem>>) offsets(%dma_start3A_533 : memref<125xi32, #tpu.memory_space<vmem>>) semaphore(%dma_start3A_538 : memref<!tpu.dma_semaphore, #tpu.memory_space<semaphore_mem>>)
      %dma_wait3A_539 = arith.constant 0 : i32
      %dma_wait3A_540 = arith.constant 3 : i32
      %dma_wait3A_541 = arith.constant 3 : i32
      %dma_wait3A_542 = arith.constant 0 : i32
      %dma_wait3A_543 = arith.constant 0 : i32
      %dma_wait3A_544 = tpu.memref_slice %arg8[%dma_wait3A_540, %dma_wait3A_542, %dma_wait3A_543] : memref<5x125x64xf32, #tpu.memory_space<vmem>> -> memref<1x125x64xf32, #tpu.memory_space<vmem>>
      %dma_wait3A_545 = tpu.memref_squeeze %dma_wait3A_544 : memref<1x125x64xf32, #tpu.memory_space<vmem>> -> memref<125x64xf32, #tpu.memory_space<vmem>>
      %dma_wait3A_546 = arith.constant 0 : i32
      %dma_wait3A_547 = tpu.memref_slice %arg6[%dma_wait3A_539, %dma_wait3A_546] : memref<160x125xi32, #tpu.memory_space<vmem>> -> memref<1x125xi32, #tpu.memory_space<vmem>>
      %dma_wait3A_548 = tpu.memref_squeeze %dma_wait3A_547 : memref<1x125xi32, #tpu.memory_space<vmem>> -> memref<125xi32, #tpu.memory_space<vmem>>
      %dma_wait3A_549 = arith.constant 0 : i32
      %dma_wait3A_550 = arith.constant 0 : i32
      %dma_wait3A_551 = tpu.memref_slice %arg2[%dma_wait3A_549, %dma_wait3A_550] : memref<20000x64xf32, #tpu.memory_space<hbm>> -> memref<20000x64xf32, #tpu.memory_space<hbm>>
      %dma_wait3A_552 = tpu.memref_slice %arg11[%dma_wait3A_541] : memref<5x!tpu.dma_semaphore, #tpu.memory_space<semaphore_mem>> -> memref<1x!tpu.dma_semaphore, #tpu.memory_space<semaphore_mem>>
      %dma_wait3A_553 = tpu.memref_squeeze %dma_wait3A_552 : memref<1x!tpu.dma_semaphore, #tpu.memory_space<semaphore_mem>> -> memref<!tpu.dma_semaphore, #tpu.memory_space<semaphore_mem>>
      tpu.wait_indirect_dma semaphore(%dma_wait3A_553 : memref<!tpu.dma_semaphore, #tpu.memory_space<semaphore_mem>>) src(%dma_wait3A_551 : memref<20000x64xf32, #tpu.memory_space<hbm>>) dst(%dma_wait3A_545 : memref<125x64xf32, #tpu.memory_space<vmem>>)
      %dma_start3A_554 = arith.constant 3 : i32
      %dma_start3A_555 = arith.constant 3 : i32
      %dma_start3A_556 = arith.constant 0 : i32
      %dma_start3A_557 = arith.constant 0 : i32
      %dma_start3A_558 = tpu.memref_slice %arg8[%dma_start3A_554, %dma_start3A_556, %dma_start3A_557] : memref<5x125x64xf32, #tpu.memory_space<vmem>> -> memref<1x125x64xf32, #tpu.memory_space<vmem>>
      %dma_start3A_559 = tpu.memref_squeeze %dma_start3A_558 : memref<1x125x64xf32, #tpu.memory_space<vmem>> -> memref<125x64xf32, #tpu.memory_space<vmem>>
      %dma_start3A_560 = arith.constant 0 : i32
      %dma_start3A_561 = tpu.memref_slice %arg7[%add3A_505, %dma_start3A_560] : memref<160x125xi32, #tpu.memory_space<vmem>> -> memref<1x125xi32, #tpu.memory_space<vmem>>
      %dma_start3A_562 = tpu.memref_squeeze %dma_start3A_561 : memref<1x125xi32, #tpu.memory_space<vmem>> -> memref<125xi32, #tpu.memory_space<vmem>>
      %dma_start3A_563 = arith.constant 0 : i32
      %dma_start3A_564 = arith.constant 0 : i32
      %dma_start3A_565 = tpu.memref_slice %arg10[%dma_start3A_563, %dma_start3A_564] : memref<10000x64xf32, #tpu.memory_space<vmem_shared>> -> memref<10000x64xf32, #tpu.memory_space<vmem_shared>>
      %dma_start3A_566 = tpu.memref_slice %arg12[%dma_start3A_555] : memref<5x!tpu.dma_semaphore, #tpu.memory_space<semaphore_mem>> -> memref<1x!tpu.dma_semaphore, #tpu.memory_space<semaphore_mem>>
      %dma_start3A_567 = tpu.memref_squeeze %dma_start3A_566 : memref<1x!tpu.dma_semaphore, #tpu.memory_space<semaphore_mem>> -> memref<!tpu.dma_semaphore, #tpu.memory_space<semaphore_mem>>
      tpu.enqueue_indirect_dma source(%dma_start3A_559 : memref<125x64xf32, #tpu.memory_space<vmem>>) target(%dma_start3A_565 : memref<10000x64xf32, #tpu.memory_space<vmem_shared>>) offsets(%dma_start3A_562 : memref<125xi32, #tpu.memory_space<vmem>>) semaphore(%dma_start3A_567 : memref<!tpu.dma_semaphore, #tpu.memory_space<semaphore_mem>>) {add = true}
      %add3A_568 = arith.constant 3 : i32
      %add3A_569 = arith.addi %add3A_376, %add3A_568 : i32
      %dma_wait3A_570 = arith.constant 0 : i32
      %dma_wait3A_571 = arith.constant 3 : i32
      %dma_wait3A_572 = arith.constant 3 : i32
      %dma_wait3A_573 = arith.constant 0 : i32
      %dma_wait3A_574 = arith.constant 0 : i32
      %dma_wait3A_575 = tpu.memref_slice %arg8[%dma_wait3A_571, %dma_wait3A_573, %dma_wait3A_574] : memref<5x125x64xf32, #tpu.memory_space<vmem>> -> memref<1x125x64xf32, #tpu.memory_space<vmem>>
      %dma_wait3A_576 = tpu.memref_squeeze %dma_wait3A_575 : memref<1x125x64xf32, #tpu.memory_space<vmem>> -> memref<125x64xf32, #tpu.memory_space<vmem>>
      %dma_wait3A_577 = arith.constant 0 : i32
      %dma_wait3A_578 = tpu.memref_slice %arg6[%dma_wait3A_570, %dma_wait3A_577] : memref<160x125xi32, #tpu.memory_space<vmem>> -> memref<1x125xi32, #tpu.memory_space<vmem>>
      %dma_wait3A_579 = tpu.memref_squeeze %dma_wait3A_578 : memref<1x125xi32, #tpu.memory_space<vmem>> -> memref<125xi32, #tpu.memory_space<vmem>>
      %dma_wait3A_580 = arith.constant 0 : i32
      %dma_wait3A_581 = arith.constant 0 : i32
      %dma_wait3A_582 = tpu.memref_slice %arg2[%dma_wait3A_580, %dma_wait3A_581] : memref<20000x64xf32, #tpu.memory_space<hbm>> -> memref<20000x64xf32, #tpu.memory_space<hbm>>
      %dma_wait3A_583 = tpu.memref_slice %arg12[%dma_wait3A_572] : memref<5x!tpu.dma_semaphore, #tpu.memory_space<semaphore_mem>> -> memref<1x!tpu.dma_semaphore, #tpu.memory_space<semaphore_mem>>
      %dma_wait3A_584 = tpu.memref_squeeze %dma_wait3A_583 : memref<1x!tpu.dma_semaphore, #tpu.memory_space<semaphore_mem>> -> memref<!tpu.dma_semaphore, #tpu.memory_space<semaphore_mem>>
      tpu.wait_indirect_dma semaphore(%dma_wait3A_584 : memref<!tpu.dma_semaphore, #tpu.memory_space<semaphore_mem>>) src(%dma_wait3A_582 : memref<20000x64xf32, #tpu.memory_space<hbm>>) dst(%dma_wait3A_576 : memref<125x64xf32, #tpu.memory_space<vmem>>)
      %add3A_585 = arith.constant 5 : i32
      %add3A_586 = arith.addi %add3A_569, %add3A_585 : i32
      %sub3A_587 = arith.constant 1 : i32
      %sub3A_588 = arith.subi %add3A_586, %sub3A_587 : i32
      %dma_start3A_589 = arith.constant 3 : i32
      %dma_start3A_590 = arith.constant 3 : i32
      %dma_start3A_591 = arith.constant 0 : i32
      %dma_start3A_592 = arith.constant 0 : i32
      %dma_start3A_593 = tpu.memref_slice %arg8[%dma_start3A_589, %dma_start3A_591, %dma_start3A_592] : memref<5x125x64xf32, #tpu.memory_space<vmem>> -> memref<1x125x64xf32, #tpu.memory_space<vmem>>
      %dma_start3A_594 = tpu.memref_squeeze %dma_start3A_593 : memref<1x125x64xf32, #tpu.memory_space<vmem>> -> memref<125x64xf32, #tpu.memory_space<vmem>>
      %dma_start3A_595 = arith.constant 0 : i32
      %dma_start3A_596 = tpu.memref_slice %arg6[%sub3A_588, %dma_start3A_595] : memref<160x125xi32, #tpu.memory_space<vmem>> -> memref<1x125xi32, #tpu.memory_space<vmem>>
      %dma_start3A_597 = tpu.memref_squeeze %dma_start3A_596 : memref<1x125xi32, #tpu.memory_space<vmem>> -> memref<125xi32, #tpu.memory_space<vmem>>
      %dma_start3A_598 = arith.constant 0 : i32
      %dma_start3A_599 = arith.constant 0 : i32
      %dma_start3A_600 = tpu.memref_slice %arg2[%dma_start3A_598, %dma_start3A_599] : memref<20000x64xf32, #tpu.memory_space<hbm>> -> memref<20000x64xf32, #tpu.memory_space<hbm>>
      %dma_start3A_601 = tpu.memref_slice %arg11[%dma_start3A_590] : memref<5x!tpu.dma_semaphore, #tpu.memory_space<semaphore_mem>> -> memref<1x!tpu.dma_semaphore, #tpu.memory_space<semaphore_mem>>
      %dma_start3A_602 = tpu.memref_squeeze %dma_start3A_601 : memref<1x!tpu.dma_semaphore, #tpu.memory_space<semaphore_mem>> -> memref<!tpu.dma_semaphore, #tpu.memory_space<semaphore_mem>>
      tpu.enqueue_indirect_dma source(%dma_start3A_600 : memref<20000x64xf32, #tpu.memory_space<hbm>>) target(%dma_start3A_594 : memref<125x64xf32, #tpu.memory_space<vmem>>) offsets(%dma_start3A_597 : memref<125xi32, #tpu.memory_space<vmem>>) semaphore(%dma_start3A_602 : memref<!tpu.dma_semaphore, #tpu.memory_space<semaphore_mem>>)
      %dma_wait3A_603 = arith.constant 0 : i32
      %dma_wait3A_604 = arith.constant 4 : i32
      %dma_wait3A_605 = arith.constant 4 : i32
      %dma_wait3A_606 = arith.constant 0 : i32
      %dma_wait3A_607 = arith.constant 0 : i32
      %dma_wait3A_608 = tpu.memref_slice %arg8[%dma_wait3A_604, %dma_wait3A_606, %dma_wait3A_607] : memref<5x125x64xf32, #tpu.memory_space<vmem>> -> memref<1x125x64xf32, #tpu.memory_space<vmem>>
      %dma_wait3A_609 = tpu.memref_squeeze %dma_wait3A_608 : memref<1x125x64xf32, #tpu.memory_space<vmem>> -> memref<125x64xf32, #tpu.memory_space<vmem>>
      %dma_wait3A_610 = arith.constant 0 : i32
      %dma_wait3A_611 = tpu.memref_slice %arg6[%dma_wait3A_603, %dma_wait3A_610] : memref<160x125xi32, #tpu.memory_space<vmem>> -> memref<1x125xi32, #tpu.memory_space<vmem>>
      %dma_wait3A_612 = tpu.memref_squeeze %dma_wait3A_611 : memref<1x125xi32, #tpu.memory_space<vmem>> -> memref<125xi32, #tpu.memory_space<vmem>>
      %dma_wait3A_613 = arith.constant 0 : i32
      %dma_wait3A_614 = arith.constant 0 : i32
      %dma_wait3A_615 = tpu.memref_slice %arg2[%dma_wait3A_613, %dma_wait3A_614] : memref<20000x64xf32, #tpu.memory_space<hbm>> -> memref<20000x64xf32, #tpu.memory_space<hbm>>
      %dma_wait3A_616 = tpu.memref_slice %arg11[%dma_wait3A_605] : memref<5x!tpu.dma_semaphore, #tpu.memory_space<semaphore_mem>> -> memref<1x!tpu.dma_semaphore, #tpu.memory_space<semaphore_mem>>
      %dma_wait3A_617 = tpu.memref_squeeze %dma_wait3A_616 : memref<1x!tpu.dma_semaphore, #tpu.memory_space<semaphore_mem>> -> memref<!tpu.dma_semaphore, #tpu.memory_space<semaphore_mem>>
      tpu.wait_indirect_dma semaphore(%dma_wait3A_617 : memref<!tpu.dma_semaphore, #tpu.memory_space<semaphore_mem>>) src(%dma_wait3A_615 : memref<20000x64xf32, #tpu.memory_space<hbm>>) dst(%dma_wait3A_609 : memref<125x64xf32, #tpu.memory_space<vmem>>)
      %dma_start3A_618 = arith.constant 4 : i32
      %dma_start3A_619 = arith.constant 4 : i32
      %dma_start3A_620 = arith.constant 0 : i32
      %dma_start3A_621 = arith.constant 0 : i32
      %dma_start3A_622 = tpu.memref_slice %arg8[%dma_start3A_618, %dma_start3A_620, %dma_start3A_621] : memref<5x125x64xf32, #tpu.memory_space<vmem>> -> memref<1x125x64xf32, #tpu.memory_space<vmem>>
      %dma_start3A_623 = tpu.memref_squeeze %dma_start3A_622 : memref<1x125x64xf32, #tpu.memory_space<vmem>> -> memref<125x64xf32, #tpu.memory_space<vmem>>
      %dma_start3A_624 = arith.constant 0 : i32
      %dma_start3A_625 = tpu.memref_slice %arg7[%add3A_569, %dma_start3A_624] : memref<160x125xi32, #tpu.memory_space<vmem>> -> memref<1x125xi32, #tpu.memory_space<vmem>>
      %dma_start3A_626 = tpu.memref_squeeze %dma_start3A_625 : memref<1x125xi32, #tpu.memory_space<vmem>> -> memref<125xi32, #tpu.memory_space<vmem>>
      %dma_start3A_627 = arith.constant 0 : i32
      %dma_start3A_628 = arith.constant 0 : i32
      %dma_start3A_629 = tpu.memref_slice %arg10[%dma_start3A_627, %dma_start3A_628] : memref<10000x64xf32, #tpu.memory_space<vmem_shared>> -> memref<10000x64xf32, #tpu.memory_space<vmem_shared>>
      %dma_start3A_630 = tpu.memref_slice %arg12[%dma_start3A_619] : memref<5x!tpu.dma_semaphore, #tpu.memory_space<semaphore_mem>> -> memref<1x!tpu.dma_semaphore, #tpu.memory_space<semaphore_mem>>
      %dma_start3A_631 = tpu.memref_squeeze %dma_start3A_630 : memref<1x!tpu.dma_semaphore, #tpu.memory_space<semaphore_mem>> -> memref<!tpu.dma_semaphore, #tpu.memory_space<semaphore_mem>>
      tpu.enqueue_indirect_dma source(%dma_start3A_623 : memref<125x64xf32, #tpu.memory_space<vmem>>) target(%dma_start3A_629 : memref<10000x64xf32, #tpu.memory_space<vmem_shared>>) offsets(%dma_start3A_626 : memref<125xi32, #tpu.memory_space<vmem>>) semaphore(%dma_start3A_631 : memref<!tpu.dma_semaphore, #tpu.memory_space<semaphore_mem>>) {add = true}
      %add3A_632 = arith.constant 4 : i32
      %add3A_633 = arith.addi %add3A_376, %add3A_632 : i32
      %dma_wait3A_634 = arith.constant 0 : i32
      %dma_wait3A_635 = arith.constant 4 : i32
      %dma_wait3A_636 = arith.constant 4 : i32
      %dma_wait3A_637 = arith.constant 0 : i32
      %dma_wait3A_638 = arith.constant 0 : i32
      %dma_wait3A_639 = tpu.memref_slice %arg8[%dma_wait3A_635, %dma_wait3A_637, %dma_wait3A_638] : memref<5x125x64xf32, #tpu.memory_space<vmem>> -> memref<1x125x64xf32, #tpu.memory_space<vmem>>
      %dma_wait3A_640 = tpu.memref_squeeze %dma_wait3A_639 : memref<1x125x64xf32, #tpu.memory_space<vmem>> -> memref<125x64xf32, #tpu.memory_space<vmem>>
      %dma_wait3A_641 = arith.constant 0 : i32
      %dma_wait3A_642 = tpu.memref_slice %arg6[%dma_wait3A_634, %dma_wait3A_641] : memref<160x125xi32, #tpu.memory_space<vmem>> -> memref<1x125xi32, #tpu.memory_space<vmem>>
      %dma_wait3A_643 = tpu.memref_squeeze %dma_wait3A_642 : memref<1x125xi32, #tpu.memory_space<vmem>> -> memref<125xi32, #tpu.memory_space<vmem>>
      %dma_wait3A_644 = arith.constant 0 : i32
      %dma_wait3A_645 = arith.constant 0 : i32
      %dma_wait3A_646 = tpu.memref_slice %arg2[%dma_wait3A_644, %dma_wait3A_645] : memref<20000x64xf32, #tpu.memory_space<hbm>> -> memref<20000x64xf32, #tpu.memory_space<hbm>>
      %dma_wait3A_647 = tpu.memref_slice %arg12[%dma_wait3A_636] : memref<5x!tpu.dma_semaphore, #tpu.memory_space<semaphore_mem>> -> memref<1x!tpu.dma_semaphore, #tpu.memory_space<semaphore_mem>>
      %dma_wait3A_648 = tpu.memref_squeeze %dma_wait3A_647 : memref<1x!tpu.dma_semaphore, #tpu.memory_space<semaphore_mem>> -> memref<!tpu.dma_semaphore, #tpu.memory_space<semaphore_mem>>
      tpu.wait_indirect_dma semaphore(%dma_wait3A_648 : memref<!tpu.dma_semaphore, #tpu.memory_space<semaphore_mem>>) src(%dma_wait3A_646 : memref<20000x64xf32, #tpu.memory_space<hbm>>) dst(%dma_wait3A_640 : memref<125x64xf32, #tpu.memory_space<vmem>>)
      %add3A_649 = arith.constant 5 : i32
      %add3A_650 = arith.addi %add3A_633, %add3A_649 : i32
      %sub3A_651 = arith.constant 1 : i32
      %sub3A_652 = arith.subi %add3A_650, %sub3A_651 : i32
      %dma_start3A_653 = arith.constant 4 : i32
      %dma_start3A_654 = arith.constant 4 : i32
      %dma_start3A_655 = arith.constant 0 : i32
      %dma_start3A_656 = arith.constant 0 : i32
      %dma_start3A_657 = tpu.memref_slice %arg8[%dma_start3A_653, %dma_start3A_655, %dma_start3A_656] : memref<5x125x64xf32, #tpu.memory_space<vmem>> -> memref<1x125x64xf32, #tpu.memory_space<vmem>>
      %dma_start3A_658 = tpu.memref_squeeze %dma_start3A_657 : memref<1x125x64xf32, #tpu.memory_space<vmem>> -> memref<125x64xf32, #tpu.memory_space<vmem>>
      %dma_start3A_659 = arith.constant 0 : i32
      %dma_start3A_660 = tpu.memref_slice %arg6[%sub3A_652, %dma_start3A_659] : memref<160x125xi32, #tpu.memory_space<vmem>> -> memref<1x125xi32, #tpu.memory_space<vmem>>
      %dma_start3A_661 = tpu.memref_squeeze %dma_start3A_660 : memref<1x125xi32, #tpu.memory_space<vmem>> -> memref<125xi32, #tpu.memory_space<vmem>>
      %dma_start3A_662 = arith.constant 0 : i32
      %dma_start3A_663 = arith.constant 0 : i32
      %dma_start3A_664 = tpu.memref_slice %arg2[%dma_start3A_662, %dma_start3A_663] : memref<20000x64xf32, #tpu.memory_space<hbm>> -> memref<20000x64xf32, #tpu.memory_space<hbm>>
      %dma_start3A_665 = tpu.memref_slice %arg11[%dma_start3A_654] : memref<5x!tpu.dma_semaphore, #tpu.memory_space<semaphore_mem>> -> memref<1x!tpu.dma_semaphore, #tpu.memory_space<semaphore_mem>>
      %dma_start3A_666 = tpu.memref_squeeze %dma_start3A_665 : memref<1x!tpu.dma_semaphore, #tpu.memory_space<semaphore_mem>> -> memref<!tpu.dma_semaphore, #tpu.memory_space<semaphore_mem>>
      tpu.enqueue_indirect_dma source(%dma_start3A_664 : memref<20000x64xf32, #tpu.memory_space<hbm>>) target(%dma_start3A_658 : memref<125x64xf32, #tpu.memory_space<vmem>>) offsets(%dma_start3A_661 : memref<125xi32, #tpu.memory_space<vmem>>) semaphore(%dma_start3A_666 : memref<!tpu.dma_semaphore, #tpu.memory_space<semaphore_mem>>)
      %dma_wait3A_667 = arith.constant 0 : i32
      %dma_wait3A_668 = arith.constant 0 : i32
      %dma_wait3A_669 = arith.constant 0 : i32
      %dma_wait3A_670 = arith.constant 0 : i32
      %dma_wait3A_671 = arith.constant 0 : i32
      %dma_wait3A_672 = tpu.memref_slice %arg8[%dma_wait3A_668, %dma_wait3A_670, %dma_wait3A_671] : memref<5x125x64xf32, #tpu.memory_space<vmem>> -> memref<1x125x64xf32, #tpu.memory_space<vmem>>
      %dma_wait3A_673 = tpu.memref_squeeze %dma_wait3A_672 : memref<1x125x64xf32, #tpu.memory_space<vmem>> -> memref<125x64xf32, #tpu.memory_space<vmem>>
      %dma_wait3A_674 = arith.constant 0 : i32
      %dma_wait3A_675 = tpu.memref_slice %arg6[%dma_wait3A_667, %dma_wait3A_674] : memref<160x125xi32, #tpu.memory_space<vmem>> -> memref<1x125xi32, #tpu.memory_space<vmem>>
      %dma_wait3A_676 = tpu.memref_squeeze %dma_wait3A_675 : memref<1x125xi32, #tpu.memory_space<vmem>> -> memref<125xi32, #tpu.memory_space<vmem>>
      %dma_wait3A_677 = arith.constant 0 : i32
      %dma_wait3A_678 = arith.constant 0 : i32
      %dma_wait3A_679 = tpu.memref_slice %arg2[%dma_wait3A_677, %dma_wait3A_678] : memref<20000x64xf32, #tpu.memory_space<hbm>> -> memref<20000x64xf32, #tpu.memory_space<hbm>>
      %dma_wait3A_680 = tpu.memref_slice %arg11[%dma_wait3A_669] : memref<5x!tpu.dma_semaphore, #tpu.memory_space<semaphore_mem>> -> memref<1x!tpu.dma_semaphore, #tpu.memory_space<semaphore_mem>>
      %dma_wait3A_681 = tpu.memref_squeeze %dma_wait3A_680 : memref<1x!tpu.dma_semaphore, #tpu.memory_space<semaphore_mem>> -> memref<!tpu.dma_semaphore, #tpu.memory_space<semaphore_mem>>
      tpu.wait_indirect_dma semaphore(%dma_wait3A_681 : memref<!tpu.dma_semaphore, #tpu.memory_space<semaphore_mem>>) src(%dma_wait3A_679 : memref<20000x64xf32, #tpu.memory_space<hbm>>) dst(%dma_wait3A_673 : memref<125x64xf32, #tpu.memory_space<vmem>>)
      %dma_start3A_682 = arith.constant 0 : i32
      %dma_start3A_683 = arith.constant 0 : i32
      %dma_start3A_684 = arith.constant 0 : i32
      %dma_start3A_685 = arith.constant 0 : i32
      %dma_start3A_686 = tpu.memref_slice %arg8[%dma_start3A_682, %dma_start3A_684, %dma_start3A_685] : memref<5x125x64xf32, #tpu.memory_space<vmem>> -> memref<1x125x64xf32, #tpu.memory_space<vmem>>
      %dma_start3A_687 = tpu.memref_squeeze %dma_start3A_686 : memref<1x125x64xf32, #tpu.memory_space<vmem>> -> memref<125x64xf32, #tpu.memory_space<vmem>>
      %dma_start3A_688 = arith.constant 0 : i32
      %dma_start3A_689 = tpu.memref_slice %arg7[%add3A_633, %dma_start3A_688] : memref<160x125xi32, #tpu.memory_space<vmem>> -> memref<1x125xi32, #tpu.memory_space<vmem>>
      %dma_start3A_690 = tpu.memref_squeeze %dma_start3A_689 : memref<1x125xi32, #tpu.memory_space<vmem>> -> memref<125xi32, #tpu.memory_space<vmem>>
      %dma_start3A_691 = arith.constant 0 : i32
      %dma_start3A_692 = arith.constant 0 : i32
      %dma_start3A_693 = tpu.memref_slice %arg10[%dma_start3A_691, %dma_start3A_692] : memref<10000x64xf32, #tpu.memory_space<vmem_shared>> -> memref<10000x64xf32, #tpu.memory_space<vmem_shared>>
      %dma_start3A_694 = tpu.memref_slice %arg12[%dma_start3A_683] : memref<5x!tpu.dma_semaphore, #tpu.memory_space<semaphore_mem>> -> memref<1x!tpu.dma_semaphore, #tpu.memory_space<semaphore_mem>>
      %dma_start3A_695 = tpu.memref_squeeze %dma_start3A_694 : memref<1x!tpu.dma_semaphore, #tpu.memory_space<semaphore_mem>> -> memref<!tpu.dma_semaphore, #tpu.memory_space<semaphore_mem>>
      tpu.enqueue_indirect_dma source(%dma_start3A_687 : memref<125x64xf32, #tpu.memory_space<vmem>>) target(%dma_start3A_693 : memref<10000x64xf32, #tpu.memory_space<vmem_shared>>) offsets(%dma_start3A_690 : memref<125xi32, #tpu.memory_space<vmem>>) semaphore(%dma_start3A_695 : memref<!tpu.dma_semaphore, #tpu.memory_space<semaphore_mem>>) {add = true}
    }
    %scan3A_170 = arith.constant 31 : i32
    %dma_wait3A_171 = arith.constant 0 : i32
    %dma_wait3A_172 = arith.constant 1 : i32
    %dma_wait3A_173 = arith.constant 1 : i32
    %dma_wait3A_174 = arith.constant 0 : i32
    %dma_wait3A_175 = arith.constant 0 : i32
    %dma_wait3A_176 = tpu.memref_slice %arg8[%dma_wait3A_172, %dma_wait3A_174, %dma_wait3A_175] : memref<5x125x64xf32, #tpu.memory_space<vmem>> -> memref<1x125x64xf32, #tpu.memory_space<vmem>>
    %dma_wait3A_177 = tpu.memref_squeeze %dma_wait3A_176 : memref<1x125x64xf32, #tpu.memory_space<vmem>> -> memref<125x64xf32, #tpu.memory_space<vmem>>
    %dma_wait3A_178 = arith.constant 0 : i32
    %dma_wait3A_179 = tpu.memref_slice %arg6[%dma_wait3A_171, %dma_wait3A_178] : memref<160x125xi32, #tpu.memory_space<vmem>> -> memref<1x125xi32, #tpu.memory_space<vmem>>
    %dma_wait3A_180 = tpu.memref_squeeze %dma_wait3A_179 : memref<1x125xi32, #tpu.memory_space<vmem>> -> memref<125xi32, #tpu.memory_space<vmem>>
    %dma_wait3A_181 = arith.constant 0 : i32
    %dma_wait3A_182 = arith.constant 0 : i32
    %dma_wait3A_183 = tpu.memref_slice %arg2[%dma_wait3A_181, %dma_wait3A_182] : memref<20000x64xf32, #tpu.memory_space<hbm>> -> memref<20000x64xf32, #tpu.memory_space<hbm>>
    %dma_wait3A_184 = tpu.memref_slice %arg11[%dma_wait3A_173] : memref<5x!tpu.dma_semaphore, #tpu.memory_space<semaphore_mem>> -> memref<1x!tpu.dma_semaphore, #tpu.memory_space<semaphore_mem>>
    %dma_wait3A_185 = tpu.memref_squeeze %dma_wait3A_184 : memref<1x!tpu.dma_semaphore, #tpu.memory_space<semaphore_mem>> -> memref<!tpu.dma_semaphore, #tpu.memory_space<semaphore_mem>>
    tpu.wait_indirect_dma semaphore(%dma_wait3A_185 : memref<!tpu.dma_semaphore, #tpu.memory_space<semaphore_mem>>) src(%dma_wait3A_183 : memref<20000x64xf32, #tpu.memory_space<hbm>>) dst(%dma_wait3A_177 : memref<125x64xf32, #tpu.memory_space<vmem>>)
    %dma_start3A_186 = arith.constant 1 : i32
    %dma_start3A_187 = arith.constant 156 : i32
    %dma_start3A_188 = arith.constant 1 : i32
    %dma_start3A_189 = arith.constant 0 : i32
    %dma_start3A_190 = arith.constant 0 : i32
    %dma_start3A_191 = tpu.memref_slice %arg8[%dma_start3A_186, %dma_start3A_189, %dma_start3A_190] : memref<5x125x64xf32, #tpu.memory_space<vmem>> -> memref<1x125x64xf32, #tpu.memory_space<vmem>>
    %dma_start3A_192 = tpu.memref_squeeze %dma_start3A_191 : memref<1x125x64xf32, #tpu.memory_space<vmem>> -> memref<125x64xf32, #tpu.memory_space<vmem>>
    %dma_start3A_193 = arith.constant 0 : i32
    %dma_start3A_194 = tpu.memref_slice %arg7[%dma_start3A_187, %dma_start3A_193] : memref<160x125xi32, #tpu.memory_space<vmem>> -> memref<1x125xi32, #tpu.memory_space<vmem>>
    %dma_start3A_195 = tpu.memref_squeeze %dma_start3A_194 : memref<1x125xi32, #tpu.memory_space<vmem>> -> memref<125xi32, #tpu.memory_space<vmem>>
    %dma_start3A_196 = arith.constant 0 : i32
    %dma_start3A_197 = arith.constant 0 : i32
    %dma_start3A_198 = tpu.memref_slice %arg10[%dma_start3A_196, %dma_start3A_197] : memref<10000x64xf32, #tpu.memory_space<vmem_shared>> -> memref<10000x64xf32, #tpu.memory_space<vmem_shared>>
    %dma_start3A_199 = tpu.memref_slice %arg12[%dma_start3A_188] : memref<5x!tpu.dma_semaphore, #tpu.memory_space<semaphore_mem>> -> memref<1x!tpu.dma_semaphore, #tpu.memory_space<semaphore_mem>>
    %dma_start3A_200 = tpu.memref_squeeze %dma_start3A_199 : memref<1x!tpu.dma_semaphore, #tpu.memory_space<semaphore_mem>> -> memref<!tpu.dma_semaphore, #tpu.memory_space<semaphore_mem>>
    tpu.enqueue_indirect_dma source(%dma_start3A_192 : memref<125x64xf32, #tpu.memory_space<vmem>>) target(%dma_start3A_198 : memref<10000x64xf32, #tpu.memory_space<vmem_shared>>) offsets(%dma_start3A_195 : memref<125xi32, #tpu.memory_space<vmem>>) semaphore(%dma_start3A_200 : memref<!tpu.dma_semaphore, #tpu.memory_space<semaphore_mem>>) {add = true}
    %dma_wait3A_201 = arith.constant 0 : i32
    %dma_wait3A_202 = arith.constant 2 : i32
    %dma_wait3A_203 = arith.constant 2 : i32
    %dma_wait3A_204 = arith.constant 0 : i32
    %dma_wait3A_205 = arith.constant 0 : i32
    %dma_wait3A_206 = tpu.memref_slice %arg8[%dma_wait3A_202, %dma_wait3A_204, %dma_wait3A_205] : memref<5x125x64xf32, #tpu.memory_space<vmem>> -> memref<1x125x64xf32, #tpu.memory_space<vmem>>
    %dma_wait3A_207 = tpu.memref_squeeze %dma_wait3A_206 : memref<1x125x64xf32, #tpu.memory_space<vmem>> -> memref<125x64xf32, #tpu.memory_space<vmem>>
    %dma_wait3A_208 = arith.constant 0 : i32
    %dma_wait3A_209 = tpu.memref_slice %arg6[%dma_wait3A_201, %dma_wait3A_208] : memref<160x125xi32, #tpu.memory_space<vmem>> -> memref<1x125xi32, #tpu.memory_space<vmem>>
    %dma_wait3A_210 = tpu.memref_squeeze %dma_wait3A_209 : memref<1x125xi32, #tpu.memory_space<vmem>> -> memref<125xi32, #tpu.memory_space<vmem>>
    %dma_wait3A_211 = arith.constant 0 : i32
    %dma_wait3A_212 = arith.constant 0 : i32
    %dma_wait3A_213 = tpu.memref_slice %arg2[%dma_wait3A_211, %dma_wait3A_212] : memref<20000x64xf32, #tpu.memory_space<hbm>> -> memref<20000x64xf32, #tpu.memory_space<hbm>>
    %dma_wait3A_214 = tpu.memref_slice %arg11[%dma_wait3A_203] : memref<5x!tpu.dma_semaphore, #tpu.memory_space<semaphore_mem>> -> memref<1x!tpu.dma_semaphore, #tpu.memory_space<semaphore_mem>>
    %dma_wait3A_215 = tpu.memref_squeeze %dma_wait3A_214 : memref<1x!tpu.dma_semaphore, #tpu.memory_space<semaphore_mem>> -> memref<!tpu.dma_semaphore, #tpu.memory_space<semaphore_mem>>
    tpu.wait_indirect_dma semaphore(%dma_wait3A_215 : memref<!tpu.dma_semaphore, #tpu.memory_space<semaphore_mem>>) src(%dma_wait3A_213 : memref<20000x64xf32, #tpu.memory_space<hbm>>) dst(%dma_wait3A_207 : memref<125x64xf32, #tpu.memory_space<vmem>>)
    %dma_start3A_216 = arith.constant 2 : i32
    %dma_start3A_217 = arith.constant 157 : i32
    %dma_start3A_218 = arith.constant 2 : i32
    %dma_start3A_219 = arith.constant 0 : i32
    %dma_start3A_220 = arith.constant 0 : i32
    %dma_start3A_221 = tpu.memref_slice %arg8[%dma_start3A_216, %dma_start3A_219, %dma_start3A_220] : memref<5x125x64xf32, #tpu.memory_space<vmem>> -> memref<1x125x64xf32, #tpu.memory_space<vmem>>
    %dma_start3A_222 = tpu.memref_squeeze %dma_start3A_221 : memref<1x125x64xf32, #tpu.memory_space<vmem>> -> memref<125x64xf32, #tpu.memory_space<vmem>>
    %dma_start3A_223 = arith.constant 0 : i32
    %dma_start3A_224 = tpu.memref_slice %arg7[%dma_start3A_217, %dma_start3A_223] : memref<160x125xi32, #tpu.memory_space<vmem>> -> memref<1x125xi32, #tpu.memory_space<vmem>>
    %dma_start3A_225 = tpu.memref_squeeze %dma_start3A_224 : memref<1x125xi32, #tpu.memory_space<vmem>> -> memref<125xi32, #tpu.memory_space<vmem>>
    %dma_start3A_226 = arith.constant 0 : i32
    %dma_start3A_227 = arith.constant 0 : i32
    %dma_start3A_228 = tpu.memref_slice %arg10[%dma_start3A_226, %dma_start3A_227] : memref<10000x64xf32, #tpu.memory_space<vmem_shared>> -> memref<10000x64xf32, #tpu.memory_space<vmem_shared>>
    %dma_start3A_229 = tpu.memref_slice %arg12[%dma_start3A_218] : memref<5x!tpu.dma_semaphore, #tpu.memory_space<semaphore_mem>> -> memref<1x!tpu.dma_semaphore, #tpu.memory_space<semaphore_mem>>
    %dma_start3A_230 = tpu.memref_squeeze %dma_start3A_229 : memref<1x!tpu.dma_semaphore, #tpu.memory_space<semaphore_mem>> -> memref<!tpu.dma_semaphore, #tpu.memory_space<semaphore_mem>>
    tpu.enqueue_indirect_dma source(%dma_start3A_222 : memref<125x64xf32, #tpu.memory_space<vmem>>) target(%dma_start3A_228 : memref<10000x64xf32, #tpu.memory_space<vmem_shared>>) offsets(%dma_start3A_225 : memref<125xi32, #tpu.memory_space<vmem>>) semaphore(%dma_start3A_230 : memref<!tpu.dma_semaphore, #tpu.memory_space<semaphore_mem>>) {add = true}
    %dma_wait3A_231 = arith.constant 0 : i32
    %dma_wait3A_232 = arith.constant 3 : i32
    %dma_wait3A_233 = arith.constant 3 : i32
    %dma_wait3A_234 = arith.constant 0 : i32
    %dma_wait3A_235 = arith.constant 0 : i32
    %dma_wait3A_236 = tpu.memref_slice %arg8[%dma_wait3A_232, %dma_wait3A_234, %dma_wait3A_235] : memref<5x125x64xf32, #tpu.memory_space<vmem>> -> memref<1x125x64xf32, #tpu.memory_space<vmem>>
    %dma_wait3A_237 = tpu.memref_squeeze %dma_wait3A_236 : memref<1x125x64xf32, #tpu.memory_space<vmem>> -> memref<125x64xf32, #tpu.memory_space<vmem>>
    %dma_wait3A_238 = arith.constant 0 : i32
    %dma_wait3A_239 = tpu.memref_slice %arg6[%dma_wait3A_231, %dma_wait3A_238] : memref<160x125xi32, #tpu.memory_space<vmem>> -> memref<1x125xi32, #tpu.memory_space<vmem>>
    %dma_wait3A_240 = tpu.memref_squeeze %dma_wait3A_239 : memref<1x125xi32, #tpu.memory_space<vmem>> -> memref<125xi32, #tpu.memory_space<vmem>>
    %dma_wait3A_241 = arith.constant 0 : i32
    %dma_wait3A_242 = arith.constant 0 : i32
    %dma_wait3A_243 = tpu.memref_slice %arg2[%dma_wait3A_241, %dma_wait3A_242] : memref<20000x64xf32, #tpu.memory_space<hbm>> -> memref<20000x64xf32, #tpu.memory_space<hbm>>
    %dma_wait3A_244 = tpu.memref_slice %arg11[%dma_wait3A_233] : memref<5x!tpu.dma_semaphore, #tpu.memory_space<semaphore_mem>> -> memref<1x!tpu.dma_semaphore, #tpu.memory_space<semaphore_mem>>
    %dma_wait3A_245 = tpu.memref_squeeze %dma_wait3A_244 : memref<1x!tpu.dma_semaphore, #tpu.memory_space<semaphore_mem>> -> memref<!tpu.dma_semaphore, #tpu.memory_space<semaphore_mem>>
    tpu.wait_indirect_dma semaphore(%dma_wait3A_245 : memref<!tpu.dma_semaphore, #tpu.memory_space<semaphore_mem>>) src(%dma_wait3A_243 : memref<20000x64xf32, #tpu.memory_space<hbm>>) dst(%dma_wait3A_237 : memref<125x64xf32, #tpu.memory_space<vmem>>)
    %dma_start3A_246 = arith.constant 3 : i32
    %dma_start3A_247 = arith.constant 158 : i32
    %dma_start3A_248 = arith.constant 3 : i32
    %dma_start3A_249 = arith.constant 0 : i32
    %dma_start3A_250 = arith.constant 0 : i32
    %dma_start3A_251 = tpu.memref_slice %arg8[%dma_start3A_246, %dma_start3A_249, %dma_start3A_250] : memref<5x125x64xf32, #tpu.memory_space<vmem>> -> memref<1x125x64xf32, #tpu.memory_space<vmem>>
    %dma_start3A_252 = tpu.memref_squeeze %dma_start3A_251 : memref<1x125x64xf32, #tpu.memory_space<vmem>> -> memref<125x64xf32, #tpu.memory_space<vmem>>
    %dma_start3A_253 = arith.constant 0 : i32
    %dma_start3A_254 = tpu.memref_slice %arg7[%dma_start3A_247, %dma_start3A_253] : memref<160x125xi32, #tpu.memory_space<vmem>> -> memref<1x125xi32, #tpu.memory_space<vmem>>
    %dma_start3A_255 = tpu.memref_squeeze %dma_start3A_254 : memref<1x125xi32, #tpu.memory_space<vmem>> -> memref<125xi32, #tpu.memory_space<vmem>>
    %dma_start3A_256 = arith.constant 0 : i32
    %dma_start3A_257 = arith.constant 0 : i32
    %dma_start3A_258 = tpu.memref_slice %arg10[%dma_start3A_256, %dma_start3A_257] : memref<10000x64xf32, #tpu.memory_space<vmem_shared>> -> memref<10000x64xf32, #tpu.memory_space<vmem_shared>>
    %dma_start3A_259 = tpu.memref_slice %arg12[%dma_start3A_248] : memref<5x!tpu.dma_semaphore, #tpu.memory_space<semaphore_mem>> -> memref<1x!tpu.dma_semaphore, #tpu.memory_space<semaphore_mem>>
    %dma_start3A_260 = tpu.memref_squeeze %dma_start3A_259 : memref<1x!tpu.dma_semaphore, #tpu.memory_space<semaphore_mem>> -> memref<!tpu.dma_semaphore, #tpu.memory_space<semaphore_mem>>
    tpu.enqueue_indirect_dma source(%dma_start3A_252 : memref<125x64xf32, #tpu.memory_space<vmem>>) target(%dma_start3A_258 : memref<10000x64xf32, #tpu.memory_space<vmem_shared>>) offsets(%dma_start3A_255 : memref<125xi32, #tpu.memory_space<vmem>>) semaphore(%dma_start3A_260 : memref<!tpu.dma_semaphore, #tpu.memory_space<semaphore_mem>>) {add = true}
    %dma_wait3A_261 = arith.constant 0 : i32
    %dma_wait3A_262 = arith.constant 4 : i32
    %dma_wait3A_263 = arith.constant 4 : i32
    %dma_wait3A_264 = arith.constant 0 : i32
    %dma_wait3A_265 = arith.constant 0 : i32
    %dma_wait3A_266 = tpu.memref_slice %arg8[%dma_wait3A_262, %dma_wait3A_264, %dma_wait3A_265] : memref<5x125x64xf32, #tpu.memory_space<vmem>> -> memref<1x125x64xf32, #tpu.memory_space<vmem>>
    %dma_wait3A_267 = tpu.memref_squeeze %dma_wait3A_266 : memref<1x125x64xf32, #tpu.memory_space<vmem>> -> memref<125x64xf32, #tpu.memory_space<vmem>>
    %dma_wait3A_268 = arith.constant 0 : i32
    %dma_wait3A_269 = tpu.memref_slice %arg6[%dma_wait3A_261, %dma_wait3A_268] : memref<160x125xi32, #tpu.memory_space<vmem>> -> memref<1x125xi32, #tpu.memory_space<vmem>>
    %dma_wait3A_270 = tpu.memref_squeeze %dma_wait3A_269 : memref<1x125xi32, #tpu.memory_space<vmem>> -> memref<125xi32, #tpu.memory_space<vmem>>
    %dma_wait3A_271 = arith.constant 0 : i32
    %dma_wait3A_272 = arith.constant 0 : i32
    %dma_wait3A_273 = tpu.memref_slice %arg2[%dma_wait3A_271, %dma_wait3A_272] : memref<20000x64xf32, #tpu.memory_space<hbm>> -> memref<20000x64xf32, #tpu.memory_space<hbm>>
    %dma_wait3A_274 = tpu.memref_slice %arg11[%dma_wait3A_263] : memref<5x!tpu.dma_semaphore, #tpu.memory_space<semaphore_mem>> -> memref<1x!tpu.dma_semaphore, #tpu.memory_space<semaphore_mem>>
    %dma_wait3A_275 = tpu.memref_squeeze %dma_wait3A_274 : memref<1x!tpu.dma_semaphore, #tpu.memory_space<semaphore_mem>> -> memref<!tpu.dma_semaphore, #tpu.memory_space<semaphore_mem>>
    tpu.wait_indirect_dma semaphore(%dma_wait3A_275 : memref<!tpu.dma_semaphore, #tpu.memory_space<semaphore_mem>>) src(%dma_wait3A_273 : memref<20000x64xf32, #tpu.memory_space<hbm>>) dst(%dma_wait3A_267 : memref<125x64xf32, #tpu.memory_space<vmem>>)
    %dma_start3A_276 = arith.constant 4 : i32
    %dma_start3A_277 = arith.constant 159 : i32
    %dma_start3A_278 = arith.constant 4 : i32
    %dma_start3A_279 = arith.constant 0 : i32
    %dma_start3A_280 = arith.constant 0 : i32
    %dma_start3A_281 = tpu.memref_slice %arg8[%dma_start3A_276, %dma_start3A_279, %dma_start3A_280] : memref<5x125x64xf32, #tpu.memory_space<vmem>> -> memref<1x125x64xf32, #tpu.memory_space<vmem>>
    %dma_start3A_282 = tpu.memref_squeeze %dma_start3A_281 : memref<1x125x64xf32, #tpu.memory_space<vmem>> -> memref<125x64xf32, #tpu.memory_space<vmem>>
    %dma_start3A_283 = arith.constant 0 : i32
    %dma_start3A_284 = tpu.memref_slice %arg7[%dma_start3A_277, %dma_start3A_283] : memref<160x125xi32, #tpu.memory_space<vmem>> -> memref<1x125xi32, #tpu.memory_space<vmem>>
    %dma_start3A_285 = tpu.memref_squeeze %dma_start3A_284 : memref<1x125xi32, #tpu.memory_space<vmem>> -> memref<125xi32, #tpu.memory_space<vmem>>
    %dma_start3A_286 = arith.constant 0 : i32
    %dma_start3A_287 = arith.constant 0 : i32
    %dma_start3A_288 = tpu.memref_slice %arg10[%dma_start3A_286, %dma_start3A_287] : memref<10000x64xf32, #tpu.memory_space<vmem_shared>> -> memref<10000x64xf32, #tpu.memory_space<vmem_shared>>
    %dma_start3A_289 = tpu.memref_slice %arg12[%dma_start3A_278] : memref<5x!tpu.dma_semaphore, #tpu.memory_space<semaphore_mem>> -> memref<1x!tpu.dma_semaphore, #tpu.memory_space<semaphore_mem>>
    %dma_start3A_290 = tpu.memref_squeeze %dma_start3A_289 : memref<1x!tpu.dma_semaphore, #tpu.memory_space<semaphore_mem>> -> memref<!tpu.dma_semaphore, #tpu.memory_space<semaphore_mem>>
    tpu.enqueue_indirect_dma source(%dma_start3A_282 : memref<125x64xf32, #tpu.memory_space<vmem>>) target(%dma_start3A_288 : memref<10000x64xf32, #tpu.memory_space<vmem_shared>>) offsets(%dma_start3A_285 : memref<125xi32, #tpu.memory_space<vmem>>) semaphore(%dma_start3A_290 : memref<!tpu.dma_semaphore, #tpu.memory_space<semaphore_mem>>) {add = true}
    %dma_wait3A_291 = arith.constant 0 : i32
    %dma_wait3A_292 = arith.constant 0 : i32
    %dma_wait3A_293 = arith.constant 0 : i32
    %dma_wait3A_294 = arith.constant 0 : i32
    %dma_wait3A_295 = arith.constant 0 : i32
    %dma_wait3A_296 = tpu.memref_slice %arg8[%dma_wait3A_292, %dma_wait3A_294, %dma_wait3A_295] : memref<5x125x64xf32, #tpu.memory_space<vmem>> -> memref<1x125x64xf32, #tpu.memory_space<vmem>>
    %dma_wait3A_297 = tpu.memref_squeeze %dma_wait3A_296 : memref<1x125x64xf32, #tpu.memory_space<vmem>> -> memref<125x64xf32, #tpu.memory_space<vmem>>
    %dma_wait3A_298 = arith.constant 0 : i32
    %dma_wait3A_299 = tpu.memref_slice %arg6[%dma_wait3A_291, %dma_wait3A_298] : memref<160x125xi32, #tpu.memory_space<vmem>> -> memref<1x125xi32, #tpu.memory_space<vmem>>
    %dma_wait3A_300 = tpu.memref_squeeze %dma_wait3A_299 : memref<1x125xi32, #tpu.memory_space<vmem>> -> memref<125xi32, #tpu.memory_space<vmem>>
    %dma_wait3A_301 = arith.constant 0 : i32
    %dma_wait3A_302 = arith.constant 0 : i32
    %dma_wait3A_303 = tpu.memref_slice %arg2[%dma_wait3A_301, %dma_wait3A_302] : memref<20000x64xf32, #tpu.memory_space<hbm>> -> memref<20000x64xf32, #tpu.memory_space<hbm>>
    %dma_wait3A_304 = tpu.memref_slice %arg12[%dma_wait3A_293] : memref<5x!tpu.dma_semaphore, #tpu.memory_space<semaphore_mem>> -> memref<1x!tpu.dma_semaphore, #tpu.memory_space<semaphore_mem>>
    %dma_wait3A_305 = tpu.memref_squeeze %dma_wait3A_304 : memref<1x!tpu.dma_semaphore, #tpu.memory_space<semaphore_mem>> -> memref<!tpu.dma_semaphore, #tpu.memory_space<semaphore_mem>>
    tpu.wait_indirect_dma semaphore(%dma_wait3A_305 : memref<!tpu.dma_semaphore, #tpu.memory_space<semaphore_mem>>) src(%dma_wait3A_303 : memref<20000x64xf32, #tpu.memory_space<hbm>>) dst(%dma_wait3A_297 : memref<125x64xf32, #tpu.memory_space<vmem>>)
    %dma_wait3A_306 = arith.constant 0 : i32
    %dma_wait3A_307 = arith.constant 1 : i32
    %dma_wait3A_308 = arith.constant 1 : i32
    %dma_wait3A_309 = arith.constant 0 : i32
    %dma_wait3A_310 = arith.constant 0 : i32
    %dma_wait3A_311 = tpu.memref_slice %arg8[%dma_wait3A_307, %dma_wait3A_309, %dma_wait3A_310] : memref<5x125x64xf32, #tpu.memory_space<vmem>> -> memref<1x125x64xf32, #tpu.memory_space<vmem>>
    %dma_wait3A_312 = tpu.memref_squeeze %dma_wait3A_311 : memref<1x125x64xf32, #tpu.memory_space<vmem>> -> memref<125x64xf32, #tpu.memory_space<vmem>>
    %dma_wait3A_313 = arith.constant 0 : i32
    %dma_wait3A_314 = tpu.memref_slice %arg6[%dma_wait3A_306, %dma_wait3A_313] : memref<160x125xi32, #tpu.memory_space<vmem>> -> memref<1x125xi32, #tpu.memory_space<vmem>>
    %dma_wait3A_315 = tpu.memref_squeeze %dma_wait3A_314 : memref<1x125xi32, #tpu.memory_space<vmem>> -> memref<125xi32, #tpu.memory_space<vmem>>
    %dma_wait3A_316 = arith.constant 0 : i32
    %dma_wait3A_317 = arith.constant 0 : i32
    %dma_wait3A_318 = tpu.memref_slice %arg2[%dma_wait3A_316, %dma_wait3A_317] : memref<20000x64xf32, #tpu.memory_space<hbm>> -> memref<20000x64xf32, #tpu.memory_space<hbm>>
    %dma_wait3A_319 = tpu.memref_slice %arg12[%dma_wait3A_308] : memref<5x!tpu.dma_semaphore, #tpu.memory_space<semaphore_mem>> -> memref<1x!tpu.dma_semaphore, #tpu.memory_space<semaphore_mem>>
    %dma_wait3A_320 = tpu.memref_squeeze %dma_wait3A_319 : memref<1x!tpu.dma_semaphore, #tpu.memory_space<semaphore_mem>> -> memref<!tpu.dma_semaphore, #tpu.memory_space<semaphore_mem>>
    tpu.wait_indirect_dma semaphore(%dma_wait3A_320 : memref<!tpu.dma_semaphore, #tpu.memory_space<semaphore_mem>>) src(%dma_wait3A_318 : memref<20000x64xf32, #tpu.memory_space<hbm>>) dst(%dma_wait3A_312 : memref<125x64xf32, #tpu.memory_space<vmem>>)
    %dma_wait3A_321 = arith.constant 0 : i32
    %dma_wait3A_322 = arith.constant 2 : i32
    %dma_wait3A_323 = arith.constant 2 : i32
    %dma_wait3A_324 = arith.constant 0 : i32
    %dma_wait3A_325 = arith.constant 0 : i32
    %dma_wait3A_326 = tpu.memref_slice %arg8[%dma_wait3A_322, %dma_wait3A_324, %dma_wait3A_325] : memref<5x125x64xf32, #tpu.memory_space<vmem>> -> memref<1x125x64xf32, #tpu.memory_space<vmem>>
    %dma_wait3A_327 = tpu.memref_squeeze %dma_wait3A_326 : memref<1x125x64xf32, #tpu.memory_space<vmem>> -> memref<125x64xf32, #tpu.memory_space<vmem>>
    %dma_wait3A_328 = arith.constant 0 : i32
    %dma_wait3A_329 = tpu.memref_slice %arg6[%dma_wait3A_321, %dma_wait3A_328] : memref<160x125xi32, #tpu.memory_space<vmem>> -> memref<1x125xi32, #tpu.memory_space<vmem>>
    %dma_wait3A_330 = tpu.memref_squeeze %dma_wait3A_329 : memref<1x125xi32, #tpu.memory_space<vmem>> -> memref<125xi32, #tpu.memory_space<vmem>>
    %dma_wait3A_331 = arith.constant 0 : i32
    %dma_wait3A_332 = arith.constant 0 : i32
    %dma_wait3A_333 = tpu.memref_slice %arg2[%dma_wait3A_331, %dma_wait3A_332] : memref<20000x64xf32, #tpu.memory_space<hbm>> -> memref<20000x64xf32, #tpu.memory_space<hbm>>
    %dma_wait3A_334 = tpu.memref_slice %arg12[%dma_wait3A_323] : memref<5x!tpu.dma_semaphore, #tpu.memory_space<semaphore_mem>> -> memref<1x!tpu.dma_semaphore, #tpu.memory_space<semaphore_mem>>
    %dma_wait3A_335 = tpu.memref_squeeze %dma_wait3A_334 : memref<1x!tpu.dma_semaphore, #tpu.memory_space<semaphore_mem>> -> memref<!tpu.dma_semaphore, #tpu.memory_space<semaphore_mem>>
    tpu.wait_indirect_dma semaphore(%dma_wait3A_335 : memref<!tpu.dma_semaphore, #tpu.memory_space<semaphore_mem>>) src(%dma_wait3A_333 : memref<20000x64xf32, #tpu.memory_space<hbm>>) dst(%dma_wait3A_327 : memref<125x64xf32, #tpu.memory_space<vmem>>)
    %dma_wait3A_336 = arith.constant 0 : i32
    %dma_wait3A_337 = arith.constant 3 : i32
    %dma_wait3A_338 = arith.constant 3 : i32
    %dma_wait3A_339 = arith.constant 0 : i32
    %dma_wait3A_340 = arith.constant 0 : i32
    %dma_wait3A_341 = tpu.memref_slice %arg8[%dma_wait3A_337, %dma_wait3A_339, %dma_wait3A_340] : memref<5x125x64xf32, #tpu.memory_space<vmem>> -> memref<1x125x64xf32, #tpu.memory_space<vmem>>
    %dma_wait3A_342 = tpu.memref_squeeze %dma_wait3A_341 : memref<1x125x64xf32, #tpu.memory_space<vmem>> -> memref<125x64xf32, #tpu.memory_space<vmem>>
    %dma_wait3A_343 = arith.constant 0 : i32
    %dma_wait3A_344 = tpu.memref_slice %arg6[%dma_wait3A_336, %dma_wait3A_343] : memref<160x125xi32, #tpu.memory_space<vmem>> -> memref<1x125xi32, #tpu.memory_space<vmem>>
    %dma_wait3A_345 = tpu.memref_squeeze %dma_wait3A_344 : memref<1x125xi32, #tpu.memory_space<vmem>> -> memref<125xi32, #tpu.memory_space<vmem>>
    %dma_wait3A_346 = arith.constant 0 : i32
    %dma_wait3A_347 = arith.constant 0 : i32
    %dma_wait3A_348 = tpu.memref_slice %arg2[%dma_wait3A_346, %dma_wait3A_347] : memref<20000x64xf32, #tpu.memory_space<hbm>> -> memref<20000x64xf32, #tpu.memory_space<hbm>>
    %dma_wait3A_349 = tpu.memref_slice %arg12[%dma_wait3A_338] : memref<5x!tpu.dma_semaphore, #tpu.memory_space<semaphore_mem>> -> memref<1x!tpu.dma_semaphore, #tpu.memory_space<semaphore_mem>>
    %dma_wait3A_350 = tpu.memref_squeeze %dma_wait3A_349 : memref<1x!tpu.dma_semaphore, #tpu.memory_space<semaphore_mem>> -> memref<!tpu.dma_semaphore, #tpu.memory_space<semaphore_mem>>
    tpu.wait_indirect_dma semaphore(%dma_wait3A_350 : memref<!tpu.dma_semaphore, #tpu.memory_space<semaphore_mem>>) src(%dma_wait3A_348 : memref<20000x64xf32, #tpu.memory_space<hbm>>) dst(%dma_wait3A_342 : memref<125x64xf32, #tpu.memory_space<vmem>>)
    %dma_wait3A_351 = arith.constant 0 : i32
    %dma_wait3A_352 = arith.constant 4 : i32
    %dma_wait3A_353 = arith.constant 4 : i32
    %dma_wait3A_354 = arith.constant 0 : i32
    %dma_wait3A_355 = arith.constant 0 : i32
    %dma_wait3A_356 = tpu.memref_slice %arg8[%dma_wait3A_352, %dma_wait3A_354, %dma_wait3A_355] : memref<5x125x64xf32, #tpu.memory_space<vmem>> -> memref<1x125x64xf32, #tpu.memory_space<vmem>>
    %dma_wait3A_357 = tpu.memref_squeeze %dma_wait3A_356 : memref<1x125x64xf32, #tpu.memory_space<vmem>> -> memref<125x64xf32, #tpu.memory_space<vmem>>
    %dma_wait3A_358 = arith.constant 0 : i32
    %dma_wait3A_359 = tpu.memref_slice %arg6[%dma_wait3A_351, %dma_wait3A_358] : memref<160x125xi32, #tpu.memory_space<vmem>> -> memref<1x125xi32, #tpu.memory_space<vmem>>
    %dma_wait3A_360 = tpu.memref_squeeze %dma_wait3A_359 : memref<1x125xi32, #tpu.memory_space<vmem>> -> memref<125xi32, #tpu.memory_space<vmem>>
    %dma_wait3A_361 = arith.constant 0 : i32
    %dma_wait3A_362 = arith.constant 0 : i32
    %dma_wait3A_363 = tpu.memref_slice %arg2[%dma_wait3A_361, %dma_wait3A_362] : memref<20000x64xf32, #tpu.memory_space<hbm>> -> memref<20000x64xf32, #tpu.memory_space<hbm>>
    %dma_wait3A_364 = tpu.memref_slice %arg12[%dma_wait3A_353] : memref<5x!tpu.dma_semaphore, #tpu.memory_space<semaphore_mem>> -> memref<1x!tpu.dma_semaphore, #tpu.memory_space<semaphore_mem>>
    %dma_wait3A_365 = tpu.memref_squeeze %dma_wait3A_364 : memref<1x!tpu.dma_semaphore, #tpu.memory_space<semaphore_mem>> -> memref<!tpu.dma_semaphore, #tpu.memory_space<semaphore_mem>>
    tpu.wait_indirect_dma semaphore(%dma_wait3A_365 : memref<!tpu.dma_semaphore, #tpu.memory_space<semaphore_mem>>) src(%dma_wait3A_363 : memref<20000x64xf32, #tpu.memory_space<hbm>>) dst(%dma_wait3A_357 : memref<125x64xf32, #tpu.memory_space<vmem>>)
    %barrier3A_366 = arith.constant 0 : index
    tpu.barrier barrier_id(%barrier3A_366)
    "tpu.region"() ({
      %run_scoped3A = tpu.sem_alloc : memref<!tpu.dma_semaphore, #tpu.memory_space<semaphore_mem>>
      %dma_start3A_372 = arith.constant 0 : i32
      %dma_start3A_373 = tpu.memref_slice %arg5[%arg0, %multiple_of3A, %dma_start3A_372] : memref<2x10000x64xf32, #tpu.memory_space<hbm>> -> memref<1x624x64xf32, #tpu.memory_space<hbm>>
      %dma_start3A_374 = tpu.memref_squeeze %dma_start3A_373 : memref<1x624x64xf32, #tpu.memory_space<hbm>> -> memref<624x64xf32, #tpu.memory_space<hbm>>
      %dma_start3A_375 = arith.constant 0 : i32
      %dma_start3A_376 = tpu.memref_slice %arg10[%multiple_of3A, %dma_start3A_375] : memref<10000x64xf32, #tpu.memory_space<vmem_shared>> -> memref<624x64xf32, #tpu.memory_space<vmem_shared>>
      tpu.enqueue_dma source(%dma_start3A_376 : memref<624x64xf32, #tpu.memory_space<vmem_shared>>) target(%dma_start3A_374 : memref<624x64xf32, #tpu.memory_space<hbm>>) target_semaphore(%run_scoped3A : memref<!tpu.dma_semaphore, #tpu.memory_space<semaphore_mem>>)
      %dma_wait3A_377 = arith.constant 0 : i32
      %dma_wait3A_378 = tpu.memref_slice %arg5[%arg0, %multiple_of3A, %dma_wait3A_377] : memref<2x10000x64xf32, #tpu.memory_space<hbm>> -> memref<1x624x64xf32, #tpu.memory_space<hbm>>
      %dma_wait3A_379 = tpu.memref_squeeze %dma_wait3A_378 : memref<1x624x64xf32, #tpu.memory_space<hbm>> -> memref<624x64xf32, #tpu.memory_space<hbm>>
      %dma_wait3A_380 = arith.constant 0 : i32
      %dma_wait3A_381 = tpu.memref_slice %arg10[%multiple_of3A, %dma_wait3A_380] : memref<10000x64xf32, #tpu.memory_space<vmem_shared>> -> memref<624x64xf32, #tpu.memory_space<vmem_shared>>
      tpu.wait_dma2 semaphore(%run_scoped3A : memref<!tpu.dma_semaphore, #tpu.memory_space<semaphore_mem>>) src(%dma_wait3A_381 : memref<624x64xf32, #tpu.memory_space<vmem_shared>>) dst(%dma_wait3A_379 : memref<624x64xf32, #tpu.memory_space<hbm>>)
      tpu.yield
    }) : () -> ()
    %eq3A_367 = arith.constant 15 : i32
    %eq3A_368 = arith.cmpi eq, %arg1, %eq3A_367 : i32
    %convert_element_type3A_369 = arith.extui %eq3A_368 : i1 to i32
    %cond3A_370 = arith.constant 0 : i32
    %cond3A_371 = arith.cmpi ne, %convert_element_type3A_369, %cond3A_370 : i32
    scf.if %cond3A_371 {
      "tpu.region"() ({
        %run_scoped3A = tpu.sem_alloc : memref<!tpu.dma_semaphore, #tpu.memory_space<semaphore_mem>>
        %dma_start3A_372 = arith.constant 9984 : i32
        %dma_start3A_373 = arith.constant 0 : i32
        %dma_start3A_374 = tpu.memref_slice %arg5[%arg0, %dma_start3A_372, %dma_start3A_373] : memref<2x10000x64xf32, #tpu.memory_space<hbm>> -> memref<1x16x64xf32, #tpu.memory_space<hbm>>
        %dma_start3A_375 = tpu.memref_squeeze %dma_start3A_374 : memref<1x16x64xf32, #tpu.memory_space<hbm>> -> memref<16x64xf32, #tpu.memory_space<hbm>>
        %dma_start3A_376 = arith.constant 9984 : i32
        %dma_start3A_377 = arith.constant 0 : i32
        %dma_start3A_378 = tpu.memref_slice %arg10[%dma_start3A_376, %dma_start3A_377] : memref<10000x64xf32, #tpu.memory_space<vmem_shared>> -> memref<16x64xf32, #tpu.memory_space<vmem_shared>>
        tpu.enqueue_dma source(%dma_start3A_378 : memref<16x64xf32, #tpu.memory_space<vmem_shared>>) target(%dma_start3A_375 : memref<16x64xf32, #tpu.memory_space<hbm>>) target_semaphore(%run_scoped3A : memref<!tpu.dma_semaphore, #tpu.memory_space<semaphore_mem>>)
        %dma_wait3A_379 = arith.constant 9984 : i32
        %dma_wait3A_380 = arith.constant 0 : i32
        %dma_wait3A_381 = tpu.memref_slice %arg5[%arg0, %dma_wait3A_379, %dma_wait3A_380] : memref<2x10000x64xf32, #tpu.memory_space<hbm>> -> memref<1x16x64xf32, #tpu.memory_space<hbm>>
        %dma_wait3A_382 = tpu.memref_squeeze %dma_wait3A_381 : memref<1x16x64xf32, #tpu.memory_space<hbm>> -> memref<16x64xf32, #tpu.memory_space<hbm>>
        %dma_wait3A_383 = arith.constant 9984 : i32
        %dma_wait3A_384 = arith.constant 0 : i32
        %dma_wait3A_385 = tpu.memref_slice %arg10[%dma_wait3A_383, %dma_wait3A_384] : memref<10000x64xf32, #tpu.memory_space<vmem_shared>> -> memref<16x64xf32, #tpu.memory_space<vmem_shared>>
        tpu.wait_dma2 semaphore(%run_scoped3A : memref<!tpu.dma_semaphore, #tpu.memory_space<semaphore_mem>>) src(%dma_wait3A_385 : memref<16x64xf32, #tpu.memory_space<vmem_shared>>) dst(%dma_wait3A_382 : memref<16x64xf32, #tpu.memory_space<hbm>>)
        tpu.yield
      }) : () -> ()
    } else {
    }
    return
  }
}

#map = affine_map<(d0, d1) -> (0, 0)>
#map1 = affine_map<(d0, d1) -> (0, 0, 0, 0)>
#map2 = affine_map<(d0, d1) -> (0, 0, 0)>
module attributes {stable_mosaic.version = 14 : i64} {
  func.func @_sc_agg_body(%arg0: i32, %arg1: i32, %arg2: memref<20000x64xf32, #tpu.memory_space<hbm>>, %arg3: memref<2x16x160x125xi32, #tpu.memory_space<hbm>>, %arg4: memref<16x160x125xi32, #tpu.memory_space<hbm>>, %arg5: memref<2x10000x64xf32, #tpu.memory_space<hbm>>, %arg6: memref<160x125xi32, #tpu.memory_space<vmem>>, %arg7: memref<160x125xi32, #tpu.memory_space<vmem>>, %arg8: memref<5x125x64xf32, #tpu.memory_space<vmem>>, %arg9: memref<104x64xf32, #tpu.memory_space<vmem>>, %arg10: memref<10000x64xf32, #tpu.memory_space<vmem_shared>>, %arg11: memref<5x!tpu.dma_semaphore, #tpu.memory_space<semaphore_mem>>, %arg12: memref<5x!tpu.dma_semaphore, #tpu.memory_space<semaphore_mem>>, %arg13: memref<2x!tpu.dma_semaphore, #tpu.memory_space<semaphore_mem>>) attributes {dimension_semantics = [#tpu.dimension_semantics<core_parallel>, #tpu.dimension_semantics<subcore_parallel>], iteration_bounds = array<i64: 2, 16>, scalar_prefetch = 0 : i64, scratch_operands = 8 : i64, tpu.core_type = #tpu.core_type<sc_vector_subcore>, window_params = [{transform_indices = #map}, {transform_indices = #map1}, {transform_indices = #map2}, {transform_indices = #map2}]} {
    %mul3A = arith.constant 624 : i32
    %mul3A_0 = arith.muli %arg1, %mul3A : i32
    %multiple_of3A = tpu.assume_multiple %mul3A_0, 8 : i32
    %dma_start3A = arith.constant 0 : i32
    %dma_start3A_1 = arith.constant 0 : i32
    %dma_start3A_2 = arith.constant 0 : i32
    %dma_start3A_3 = tpu.memref_slice %arg3[%arg0, %arg1, %dma_start3A_1, %dma_start3A_2] : memref<2x16x160x125xi32, #tpu.memory_space<hbm>> -> memref<1x1x160x125xi32, #tpu.memory_space<hbm>>
    %dma_start3A_4 = tpu.memref_squeeze %dma_start3A_3 : memref<1x1x160x125xi32, #tpu.memory_space<hbm>> -> memref<160x125xi32, #tpu.memory_space<hbm>>
    %dma_start3A_5 = tpu.memref_slice %arg13[%dma_start3A] : memref<2x!tpu.dma_semaphore, #tpu.memory_space<semaphore_mem>> -> memref<1x!tpu.dma_semaphore, #tpu.memory_space<semaphore_mem>>
    %dma_start3A_6 = tpu.memref_squeeze %dma_start3A_5 : memref<1x!tpu.dma_semaphore, #tpu.memory_space<semaphore_mem>> -> memref<!tpu.dma_semaphore, #tpu.memory_space<semaphore_mem>>
    %dma_start3A_7 = arith.constant 0 : i32
    %dma_start3A_8 = arith.constant 0 : i32
    %dma_start3A_9 = tpu.memref_slice %arg3[%arg0, %arg1, %dma_start3A_7, %dma_start3A_8] : memref<2x16x160x125xi32, #tpu.memory_space<hbm>> -> memref<1x1x160x125xi32, #tpu.memory_space<hbm>>
    %dma_start3A_10 = tpu.memref_squeeze %dma_start3A_9 : memref<1x1x160x125xi32, #tpu.memory_space<hbm>> -> memref<160x125xi32, #tpu.memory_space<hbm>>
    tpu.enqueue_dma source(%dma_start3A_10 : memref<160x125xi32, #tpu.memory_space<hbm>>) target(%arg6 : memref<160x125xi32, #tpu.memory_space<vmem>>) target_semaphore(%dma_start3A_6 : memref<!tpu.dma_semaphore, #tpu.memory_space<semaphore_mem>>)
    %dma_start3A_11 = arith.constant 1 : i32
    %dma_start3A_12 = arith.constant 0 : i32
    %dma_start3A_13 = arith.constant 0 : i32
    %dma_start3A_14 = tpu.memref_slice %arg4[%arg1, %dma_start3A_12, %dma_start3A_13] : memref<16x160x125xi32, #tpu.memory_space<hbm>> -> memref<1x160x125xi32, #tpu.memory_space<hbm>>
    %dma_start3A_15 = tpu.memref_squeeze %dma_start3A_14 : memref<1x160x125xi32, #tpu.memory_space<hbm>> -> memref<160x125xi32, #tpu.memory_space<hbm>>
    %dma_start3A_16 = tpu.memref_slice %arg13[%dma_start3A_11] : memref<2x!tpu.dma_semaphore, #tpu.memory_space<semaphore_mem>> -> memref<1x!tpu.dma_semaphore, #tpu.memory_space<semaphore_mem>>
    %dma_start3A_17 = tpu.memref_squeeze %dma_start3A_16 : memref<1x!tpu.dma_semaphore, #tpu.memory_space<semaphore_mem>> -> memref<!tpu.dma_semaphore, #tpu.memory_space<semaphore_mem>>
    %dma_start3A_18 = arith.constant 0 : i32
    %dma_start3A_19 = arith.constant 0 : i32
    %dma_start3A_20 = tpu.memref_slice %arg4[%arg1, %dma_start3A_18, %dma_start3A_19] : memref<16x160x125xi32, #tpu.memory_space<hbm>> -> memref<1x160x125xi32, #tpu.memory_space<hbm>>
    %dma_start3A_21 = tpu.memref_squeeze %dma_start3A_20 : memref<1x160x125xi32, #tpu.memory_space<hbm>> -> memref<160x125xi32, #tpu.memory_space<hbm>>
    tpu.enqueue_dma source(%dma_start3A_21 : memref<160x125xi32, #tpu.memory_space<hbm>>) target(%arg7 : memref<160x125xi32, #tpu.memory_space<vmem>>) target_semaphore(%dma_start3A_17 : memref<!tpu.dma_semaphore, #tpu.memory_space<semaphore_mem>>)
    %scan3A = arith.constant 0 : i32
    %scan3A_22 = arith.constant 0 : i32
    %scan3A_23 = arith.constant 104 : i32
    %scan3A_24 = arith.addi %scan3A_22, %scan3A_23 : i32
    %scan3A_25 = arith.constant 1 : i32
    scf.for %scan3A_372 = %scan3A_22 to %scan3A_24 step %scan3A_25  : i32 {
      %broadcast_in_dim3A = arith.constant 0.000000e+00 : f32
      %broadcast_in_dim3A_373 = vector.broadcast %broadcast_in_dim3A : f32 to vector<16xf32>
      %swap3A = arith.index_cast %scan3A_372 : i32 to index
      %swap3A_374 = arith.constant 0 : index
      %swap3A_375 = tpu.vector_load %arg9[%swap3A, %swap3A_374] {strides = array<i32>} : memref<104x64xf32, #tpu.memory_space<vmem>>, vector<1x16xf32>,
      %swap3A_376 = vector.shape_cast %swap3A_375 : vector<1x16xf32> to vector<16xf32>
      %swap3A_377 = vector.shape_cast %broadcast_in_dim3A_373 : vector<16xf32> to vector<1x16xf32>
      tpu.vector_store %arg9[%swap3A, %swap3A_374], %swap3A_377 {strides = array<i32>} : memref<104x64xf32, #tpu.memory_space<vmem>>, vector<1x16xf32>,
      %broadcast_in_dim3A_378 = arith.constant 0.000000e+00 : f32
      %broadcast_in_dim3A_379 = vector.broadcast %broadcast_in_dim3A_378 : f32 to vector<16xf32>
      %swap3A_380 = arith.index_cast %scan3A_372 : i32 to index
      %swap3A_381 = arith.constant 16 : index
      %swap3A_382 = tpu.vector_load %arg9[%swap3A_380, %swap3A_381] {strides = array<i32>} : memref<104x64xf32, #tpu.memory_space<vmem>>, vector<1x16xf32>,
      %swap3A_383 = vector.shape_cast %swap3A_382 : vector<1x16xf32> to vector<16xf32>
      %swap3A_384 = vector.shape_cast %broadcast_in_dim3A_379 : vector<16xf32> to vector<1x16xf32>
      tpu.vector_store %arg9[%swap3A_380, %swap3A_381], %swap3A_384 {strides = array<i32>} : memref<104x64xf32, #tpu.memory_space<vmem>>, vector<1x16xf32>,
      %broadcast_in_dim3A_385 = arith.constant 0.000000e+00 : f32
      %broadcast_in_dim3A_386 = vector.broadcast %broadcast_in_dim3A_385 : f32 to vector<16xf32>
      %swap3A_387 = arith.index_cast %scan3A_372 : i32 to index
      %swap3A_388 = arith.constant 32 : index
      %swap3A_389 = tpu.vector_load %arg9[%swap3A_387, %swap3A_388] {strides = array<i32>} : memref<104x64xf32, #tpu.memory_space<vmem>>, vector<1x16xf32>,
      %swap3A_390 = vector.shape_cast %swap3A_389 : vector<1x16xf32> to vector<16xf32>
      %swap3A_391 = vector.shape_cast %broadcast_in_dim3A_386 : vector<16xf32> to vector<1x16xf32>
      tpu.vector_store %arg9[%swap3A_387, %swap3A_388], %swap3A_391 {strides = array<i32>} : memref<104x64xf32, #tpu.memory_space<vmem>>, vector<1x16xf32>,
      %broadcast_in_dim3A_392 = arith.constant 0.000000e+00 : f32
      %broadcast_in_dim3A_393 = vector.broadcast %broadcast_in_dim3A_392 : f32 to vector<16xf32>
      %swap3A_394 = arith.index_cast %scan3A_372 : i32 to index
      %swap3A_395 = arith.constant 48 : index
      %swap3A_396 = tpu.vector_load %arg9[%swap3A_394, %swap3A_395] {strides = array<i32>} : memref<104x64xf32, #tpu.memory_space<vmem>>, vector<1x16xf32>,
      %swap3A_397 = vector.shape_cast %swap3A_396 : vector<1x16xf32> to vector<16xf32>
      %swap3A_398 = vector.shape_cast %broadcast_in_dim3A_393 : vector<16xf32> to vector<1x16xf32>
      tpu.vector_store %arg9[%swap3A_394, %swap3A_395], %swap3A_398 {strides = array<i32>} : memref<104x64xf32, #tpu.memory_space<vmem>>, vector<1x16xf32>,
    }
    %scan3A_26 = arith.constant 104 : i32
    %add3A = arith.constant 0 : i32
    %add3A_27 = arith.addi %multiple_of3A, %add3A : i32
    "tpu.region"() ({
      %run_scoped3A = tpu.sem_alloc : memref<!tpu.dma_semaphore, #tpu.memory_space<semaphore_mem>>
      %dma_start3A_372 = arith.constant 0 : i32
      %dma_start3A_373 = tpu.memref_slice %arg10[%add3A_27, %dma_start3A_372] : memref<10000x64xf32, #tpu.memory_space<vmem_shared>> -> memref<104x64xf32, #tpu.memory_space<vmem_shared>>
      %dma_start3A_374 = arith.constant 0 : i32
      %dma_start3A_375 = tpu.memref_slice %arg10[%add3A_27, %dma_start3A_374] : memref<10000x64xf32, #tpu.memory_space<vmem_shared>> -> memref<104x64xf32, #tpu.memory_space<vmem_shared>>
      tpu.enqueue_dma source(%arg9 : memref<104x64xf32, #tpu.memory_space<vmem>>) target(%dma_start3A_375 : memref<104x64xf32, #tpu.memory_space<vmem_shared>>) target_semaphore(%run_scoped3A : memref<!tpu.dma_semaphore, #tpu.memory_space<semaphore_mem>>)
      %dma_wait3A_376 = arith.constant 0 : i32
      %dma_wait3A_377 = tpu.memref_slice %arg10[%add3A_27, %dma_wait3A_376] : memref<10000x64xf32, #tpu.memory_space<vmem_shared>> -> memref<104x64xf32, #tpu.memory_space<vmem_shared>>
      %dma_wait3A_378 = arith.constant 0 : i32
      %dma_wait3A_379 = tpu.memref_slice %arg10[%add3A_27, %dma_wait3A_378] : memref<10000x64xf32, #tpu.memory_space<vmem_shared>> -> memref<104x64xf32, #tpu.memory_space<vmem_shared>>
      tpu.wait_dma2 semaphore(%run_scoped3A : memref<!tpu.dma_semaphore, #tpu.memory_space<semaphore_mem>>) src(%arg9 : memref<104x64xf32, #tpu.memory_space<vmem>>) dst(%dma_wait3A_379 : memref<104x64xf32, #tpu.memory_space<vmem_shared>>)
      tpu.yield
    }) : () -> ()
    %add3A_28 = arith.constant 104 : i32
    %add3A_29 = arith.addi %multiple_of3A, %add3A_28 : i32
    "tpu.region"() ({
      %run_scoped3A = tpu.sem_alloc : memref<!tpu.dma_semaphore, #tpu.memory_space<semaphore_mem>>
      %dma_start3A_372 = arith.constant 0 : i32
      %dma_start3A_373 = tpu.memref_slice %arg10[%add3A_29, %dma_start3A_372] : memref<10000x64xf32, #tpu.memory_space<vmem_shared>> -> memref<104x64xf32, #tpu.memory_space<vmem_shared>>
      %dma_start3A_374 = arith.constant 0 : i32
      %dma_start3A_375 = tpu.memref_slice %arg10[%add3A_29, %dma_start3A_374] : memref<10000x64xf32, #tpu.memory_space<vmem_shared>> -> memref<104x64xf32, #tpu.memory_space<vmem_shared>>
      tpu.enqueue_dma source(%arg9 : memref<104x64xf32, #tpu.memory_space<vmem>>) target(%dma_start3A_375 : memref<104x64xf32, #tpu.memory_space<vmem_shared>>) target_semaphore(%run_scoped3A : memref<!tpu.dma_semaphore, #tpu.memory_space<semaphore_mem>>)
      %dma_wait3A_376 = arith.constant 0 : i32
      %dma_wait3A_377 = tpu.memref_slice %arg10[%add3A_29, %dma_wait3A_376] : memref<10000x64xf32, #tpu.memory_space<vmem_shared>> -> memref<104x64xf32, #tpu.memory_space<vmem_shared>>
      %dma_wait3A_378 = arith.constant 0 : i32
      %dma_wait3A_379 = tpu.memref_slice %arg10[%add3A_29, %dma_wait3A_378] : memref<10000x64xf32, #tpu.memory_space<vmem_shared>> -> memref<104x64xf32, #tpu.memory_space<vmem_shared>>
      tpu.wait_dma2 semaphore(%run_scoped3A : memref<!tpu.dma_semaphore, #tpu.memory_space<semaphore_mem>>) src(%arg9 : memref<104x64xf32, #tpu.memory_space<vmem>>) dst(%dma_wait3A_379 : memref<104x64xf32, #tpu.memory_space<vmem_shared>>)
      tpu.yield
    }) : () -> ()
    %add3A_30 = arith.constant 208 : i32
    %add3A_31 = arith.addi %multiple_of3A, %add3A_30 : i32
    "tpu.region"() ({
      %run_scoped3A = tpu.sem_alloc : memref<!tpu.dma_semaphore, #tpu.memory_space<semaphore_mem>>
      %dma_start3A_372 = arith.constant 0 : i32
      %dma_start3A_373 = tpu.memref_slice %arg10[%add3A_31, %dma_start3A_372] : memref<10000x64xf32, #tpu.memory_space<vmem_shared>> -> memref<104x64xf32, #tpu.memory_space<vmem_shared>>
      %dma_start3A_374 = arith.constant 0 : i32
      %dma_start3A_375 = tpu.memref_slice %arg10[%add3A_31, %dma_start3A_374] : memref<10000x64xf32, #tpu.memory_space<vmem_shared>> -> memref<104x64xf32, #tpu.memory_space<vmem_shared>>
      tpu.enqueue_dma source(%arg9 : memref<104x64xf32, #tpu.memory_space<vmem>>) target(%dma_start3A_375 : memref<104x64xf32, #tpu.memory_space<vmem_shared>>) target_semaphore(%run_scoped3A : memref<!tpu.dma_semaphore, #tpu.memory_space<semaphore_mem>>)
      %dma_wait3A_376 = arith.constant 0 : i32
      %dma_wait3A_377 = tpu.memref_slice %arg10[%add3A_31, %dma_wait3A_376] : memref<10000x64xf32, #tpu.memory_space<vmem_shared>> -> memref<104x64xf32, #tpu.memory_space<vmem_shared>>
      %dma_wait3A_378 = arith.constant 0 : i32
      %dma_wait3A_379 = tpu.memref_slice %arg10[%add3A_31, %dma_wait3A_378] : memref<10000x64xf32, #tpu.memory_space<vmem_shared>> -> memref<104x64xf32, #tpu.memory_space<vmem_shared>>
      tpu.wait_dma2 semaphore(%run_scoped3A : memref<!tpu.dma_semaphore, #tpu.memory_space<semaphore_mem>>) src(%arg9 : memref<104x64xf32, #tpu.memory_space<vmem>>) dst(%dma_wait3A_379 : memref<104x64xf32, #tpu.memory_space<vmem_shared>>)
      tpu.yield
    }) : () -> ()
    %add3A_32 = arith.constant 312 : i32
    %add3A_33 = arith.addi %multiple_of3A, %add3A_32 : i32
    "tpu.region"() ({
      %run_scoped3A = tpu.sem_alloc : memref<!tpu.dma_semaphore, #tpu.memory_space<semaphore_mem>>
      %dma_start3A_372 = arith.constant 0 : i32
      %dma_start3A_373 = tpu.memref_slice %arg10[%add3A_33, %dma_start3A_372] : memref<10000x64xf32, #tpu.memory_space<vmem_shared>> -> memref<104x64xf32, #tpu.memory_space<vmem_shared>>
      %dma_start3A_374 = arith.constant 0 : i32
      %dma_start3A_375 = tpu.memref_slice %arg10[%add3A_33, %dma_start3A_374] : memref<10000x64xf32, #tpu.memory_space<vmem_shared>> -> memref<104x64xf32, #tpu.memory_space<vmem_shared>>
      tpu.enqueue_dma source(%arg9 : memref<104x64xf32, #tpu.memory_space<vmem>>) target(%dma_start3A_375 : memref<104x64xf32, #tpu.memory_space<vmem_shared>>) target_semaphore(%run_scoped3A : memref<!tpu.dma_semaphore, #tpu.memory_space<semaphore_mem>>)
      %dma_wait3A_376 = arith.constant 0 : i32
      %dma_wait3A_377 = tpu.memref_slice %arg10[%add3A_33, %dma_wait3A_376] : memref<10000x64xf32, #tpu.memory_space<vmem_shared>> -> memref<104x64xf32, #tpu.memory_space<vmem_shared>>
      %dma_wait3A_378 = arith.constant 0 : i32
      %dma_wait3A_379 = tpu.memref_slice %arg10[%add3A_33, %dma_wait3A_378] : memref<10000x64xf32, #tpu.memory_space<vmem_shared>> -> memref<104x64xf32, #tpu.memory_space<vmem_shared>>
      tpu.wait_dma2 semaphore(%run_scoped3A : memref<!tpu.dma_semaphore, #tpu.memory_space<semaphore_mem>>) src(%arg9 : memref<104x64xf32, #tpu.memory_space<vmem>>) dst(%dma_wait3A_379 : memref<104x64xf32, #tpu.memory_space<vmem_shared>>)
      tpu.yield
    }) : () -> ()
    %add3A_34 = arith.constant 416 : i32
    %add3A_35 = arith.addi %multiple_of3A, %add3A_34 : i32
    "tpu.region"() ({
      %run_scoped3A = tpu.sem_alloc : memref<!tpu.dma_semaphore, #tpu.memory_space<semaphore_mem>>
      %dma_start3A_372 = arith.constant 0 : i32
      %dma_start3A_373 = tpu.memref_slice %arg10[%add3A_35, %dma_start3A_372] : memref<10000x64xf32, #tpu.memory_space<vmem_shared>> -> memref<104x64xf32, #tpu.memory_space<vmem_shared>>
      %dma_start3A_374 = arith.constant 0 : i32
      %dma_start3A_375 = tpu.memref_slice %arg10[%add3A_35, %dma_start3A_374] : memref<10000x64xf32, #tpu.memory_space<vmem_shared>> -> memref<104x64xf32, #tpu.memory_space<vmem_shared>>
      tpu.enqueue_dma source(%arg9 : memref<104x64xf32, #tpu.memory_space<vmem>>) target(%dma_start3A_375 : memref<104x64xf32, #tpu.memory_space<vmem_shared>>) target_semaphore(%run_scoped3A : memref<!tpu.dma_semaphore, #tpu.memory_space<semaphore_mem>>)
      %dma_wait3A_376 = arith.constant 0 : i32
      %dma_wait3A_377 = tpu.memref_slice %arg10[%add3A_35, %dma_wait3A_376] : memref<10000x64xf32, #tpu.memory_space<vmem_shared>> -> memref<104x64xf32, #tpu.memory_space<vmem_shared>>
      %dma_wait3A_378 = arith.constant 0 : i32
      %dma_wait3A_379 = tpu.memref_slice %arg10[%add3A_35, %dma_wait3A_378] : memref<10000x64xf32, #tpu.memory_space<vmem_shared>> -> memref<104x64xf32, #tpu.memory_space<vmem_shared>>
      tpu.wait_dma2 semaphore(%run_scoped3A : memref<!tpu.dma_semaphore, #tpu.memory_space<semaphore_mem>>) src(%arg9 : memref<104x64xf32, #tpu.memory_space<vmem>>) dst(%dma_wait3A_379 : memref<104x64xf32, #tpu.memory_space<vmem_shared>>)
      tpu.yield
    }) : () -> ()
    %add3A_36 = arith.constant 520 : i32
    %add3A_37 = arith.addi %multiple_of3A, %add3A_36 : i32
    "tpu.region"() ({
      %run_scoped3A = tpu.sem_alloc : memref<!tpu.dma_semaphore, #tpu.memory_space<semaphore_mem>>
      %dma_start3A_372 = arith.constant 0 : i32
      %dma_start3A_373 = tpu.memref_slice %arg10[%add3A_37, %dma_start3A_372] : memref<10000x64xf32, #tpu.memory_space<vmem_shared>> -> memref<104x64xf32, #tpu.memory_space<vmem_shared>>
      %dma_start3A_374 = arith.constant 0 : i32
      %dma_start3A_375 = tpu.memref_slice %arg10[%add3A_37, %dma_start3A_374] : memref<10000x64xf32, #tpu.memory_space<vmem_shared>> -> memref<104x64xf32, #tpu.memory_space<vmem_shared>>
      tpu.enqueue_dma source(%arg9 : memref<104x64xf32, #tpu.memory_space<vmem>>) target(%dma_start3A_375 : memref<104x64xf32, #tpu.memory_space<vmem_shared>>) target_semaphore(%run_scoped3A : memref<!tpu.dma_semaphore, #tpu.memory_space<semaphore_mem>>)
      %dma_wait3A_376 = arith.constant 0 : i32
      %dma_wait3A_377 = tpu.memref_slice %arg10[%add3A_37, %dma_wait3A_376] : memref<10000x64xf32, #tpu.memory_space<vmem_shared>> -> memref<104x64xf32, #tpu.memory_space<vmem_shared>>
      %dma_wait3A_378 = arith.constant 0 : i32
      %dma_wait3A_379 = tpu.memref_slice %arg10[%add3A_37, %dma_wait3A_378] : memref<10000x64xf32, #tpu.memory_space<vmem_shared>> -> memref<104x64xf32, #tpu.memory_space<vmem_shared>>
      tpu.wait_dma2 semaphore(%run_scoped3A : memref<!tpu.dma_semaphore, #tpu.memory_space<semaphore_mem>>) src(%arg9 : memref<104x64xf32, #tpu.memory_space<vmem>>) dst(%dma_wait3A_379 : memref<104x64xf32, #tpu.memory_space<vmem_shared>>)
      tpu.yield
    }) : () -> ()
    %eq3A = arith.constant 15 : i32
    %eq3A_38 = arith.cmpi eq, %arg1, %eq3A : i32
    %convert_element_type3A = arith.extui %eq3A_38 : i1 to i32
    %cond3A = arith.constant 0 : i32
    %cond3A_39 = arith.cmpi ne, %convert_element_type3A, %cond3A : i32
    scf.if %cond3A_39 {
      "tpu.region"() ({
        %run_scoped3A = tpu.sem_alloc : memref<!tpu.dma_semaphore, #tpu.memory_space<semaphore_mem>>
        %dma_start3A_372 = arith.constant 0 : i32
        %dma_start3A_373 = arith.constant 0 : i32
        %dma_start3A_374 = tpu.memref_slice %arg9[%dma_start3A_372, %dma_start3A_373] : memref<104x64xf32, #tpu.memory_space<vmem>> -> memref<16x64xf32, #tpu.memory_space<vmem>>
        %dma_start3A_375 = arith.constant 9984 : i32
        %dma_start3A_376 = arith.constant 0 : i32
        %dma_start3A_377 = tpu.memref_slice %arg10[%dma_start3A_375, %dma_start3A_376] : memref<10000x64xf32, #tpu.memory_space<vmem_shared>> -> memref<16x64xf32, #tpu.memory_space<vmem_shared>>
        %dma_start3A_378 = arith.constant 9984 : i32
        %dma_start3A_379 = arith.constant 0 : i32
        %dma_start3A_380 = tpu.memref_slice %arg10[%dma_start3A_378, %dma_start3A_379] : memref<10000x64xf32, #tpu.memory_space<vmem_shared>> -> memref<16x64xf32, #tpu.memory_space<vmem_shared>>
        %dma_start3A_381 = arith.constant 0 : i32
        %dma_start3A_382 = arith.constant 0 : i32
        %dma_start3A_383 = tpu.memref_slice %arg9[%dma_start3A_381, %dma_start3A_382] : memref<104x64xf32, #tpu.memory_space<vmem>> -> memref<16x64xf32, #tpu.memory_space<vmem>>
        tpu.enqueue_dma source(%dma_start3A_383 : memref<16x64xf32, #tpu.memory_space<vmem>>) target(%dma_start3A_380 : memref<16x64xf32, #tpu.memory_space<vmem_shared>>) target_semaphore(%run_scoped3A : memref<!tpu.dma_semaphore, #tpu.memory_space<semaphore_mem>>)
        %dma_wait3A_384 = arith.constant 0 : i32
        %dma_wait3A_385 = arith.constant 0 : i32
        %dma_wait3A_386 = tpu.memref_slice %arg9[%dma_wait3A_384, %dma_wait3A_385] : memref<104x64xf32, #tpu.memory_space<vmem>> -> memref<16x64xf32, #tpu.memory_space<vmem>>
        %dma_wait3A_387 = arith.constant 9984 : i32
        %dma_wait3A_388 = arith.constant 0 : i32
        %dma_wait3A_389 = tpu.memref_slice %arg10[%dma_wait3A_387, %dma_wait3A_388] : memref<10000x64xf32, #tpu.memory_space<vmem_shared>> -> memref<16x64xf32, #tpu.memory_space<vmem_shared>>
        %dma_wait3A_390 = arith.constant 9984 : i32
        %dma_wait3A_391 = arith.constant 0 : i32
        %dma_wait3A_392 = tpu.memref_slice %arg10[%dma_wait3A_390, %dma_wait3A_391] : memref<10000x64xf32, #tpu.memory_space<vmem_shared>> -> memref<16x64xf32, #tpu.memory_space<vmem_shared>>
        %dma_wait3A_393 = arith.constant 0 : i32
        %dma_wait3A_394 = arith.constant 0 : i32
        %dma_wait3A_395 = tpu.memref_slice %arg9[%dma_wait3A_393, %dma_wait3A_394] : memref<104x64xf32, #tpu.memory_space<vmem>> -> memref<16x64xf32, #tpu.memory_space<vmem>>
        tpu.wait_dma2 semaphore(%run_scoped3A : memref<!tpu.dma_semaphore, #tpu.memory_space<semaphore_mem>>) src(%dma_wait3A_395 : memref<16x64xf32, #tpu.memory_space<vmem>>) dst(%dma_wait3A_392 : memref<16x64xf32, #tpu.memory_space<vmem_shared>>)
        tpu.yield
      }) : () -> ()
    } else {
    }
    %dma_wait3A = arith.constant 0 : i32
    %dma_wait3A_40 = arith.constant 0 : i32
    %dma_wait3A_41 = arith.constant 0 : i32
    %dma_wait3A_42 = tpu.memref_slice %arg3[%arg0, %arg1, %dma_wait3A_40, %dma_wait3A_41] : memref<2x16x160x125xi32, #tpu.memory_space<hbm>> -> memref<1x1x160x125xi32, #tpu.memory_space<hbm>>
    %dma_wait3A_43 = tpu.memref_squeeze %dma_wait3A_42 : memref<1x1x160x125xi32, #tpu.memory_space<hbm>> -> memref<160x125xi32, #tpu.memory_space<hbm>>
    %dma_wait3A_44 = tpu.memref_slice %arg13[%dma_wait3A] : memref<2x!tpu.dma_semaphore, #tpu.memory_space<semaphore_mem>> -> memref<1x!tpu.dma_semaphore, #tpu.memory_space<semaphore_mem>>
    %dma_wait3A_45 = tpu.memref_squeeze %dma_wait3A_44 : memref<1x!tpu.dma_semaphore, #tpu.memory_space<semaphore_mem>> -> memref<!tpu.dma_semaphore, #tpu.memory_space<semaphore_mem>>
    %dma_wait3A_46 = arith.constant 0 : i32
    %dma_wait3A_47 = arith.constant 0 : i32
    %dma_wait3A_48 = tpu.memref_slice %arg3[%arg0, %arg1, %dma_wait3A_46, %dma_wait3A_47] : memref<2x16x160x125xi32, #tpu.memory_space<hbm>> -> memref<1x1x160x125xi32, #tpu.memory_space<hbm>>
    %dma_wait3A_49 = tpu.memref_squeeze %dma_wait3A_48 : memref<1x1x160x125xi32, #tpu.memory_space<hbm>> -> memref<160x125xi32, #tpu.memory_space<hbm>>
    tpu.wait_dma2 semaphore(%dma_wait3A_45 : memref<!tpu.dma_semaphore, #tpu.memory_space<semaphore_mem>>) src(%dma_wait3A_49 : memref<160x125xi32, #tpu.memory_space<hbm>>) dst(%arg6 : memref<160x125xi32, #tpu.memory_space<vmem>>)
    %dma_wait3A_50 = arith.constant 1 : i32
    %dma_wait3A_51 = arith.constant 0 : i32
    %dma_wait3A_52 = arith.constant 0 : i32
    %dma_wait3A_53 = tpu.memref_slice %arg4[%arg1, %dma_wait3A_51, %dma_wait3A_52] : memref<16x160x125xi32, #tpu.memory_space<hbm>> -> memref<1x160x125xi32, #tpu.memory_space<hbm>>
    %dma_wait3A_54 = tpu.memref_squeeze %dma_wait3A_53 : memref<1x160x125xi32, #tpu.memory_space<hbm>> -> memref<160x125xi32, #tpu.memory_space<hbm>>
    %dma_wait3A_55 = tpu.memref_slice %arg13[%dma_wait3A_50] : memref<2x!tpu.dma_semaphore, #tpu.memory_space<semaphore_mem>> -> memref<1x!tpu.dma_semaphore, #tpu.memory_space<semaphore_mem>>
    %dma_wait3A_56 = tpu.memref_squeeze %dma_wait3A_55 : memref<1x!tpu.dma_semaphore, #tpu.memory_space<semaphore_mem>> -> memref<!tpu.dma_semaphore, #tpu.memory_space<semaphore_mem>>
    %dma_wait3A_57 = arith.constant 0 : i32
    %dma_wait3A_58 = arith.constant 0 : i32
    %dma_wait3A_59 = tpu.memref_slice %arg4[%arg1, %dma_wait3A_57, %dma_wait3A_58] : memref<16x160x125xi32, #tpu.memory_space<hbm>> -> memref<1x160x125xi32, #tpu.memory_space<hbm>>
    %dma_wait3A_60 = tpu.memref_squeeze %dma_wait3A_59 : memref<1x160x125xi32, #tpu.memory_space<hbm>> -> memref<160x125xi32, #tpu.memory_space<hbm>>
    tpu.wait_dma2 semaphore(%dma_wait3A_56 : memref<!tpu.dma_semaphore, #tpu.memory_space<semaphore_mem>>) src(%dma_wait3A_60 : memref<160x125xi32, #tpu.memory_space<hbm>>) dst(%arg7 : memref<160x125xi32, #tpu.memory_space<vmem>>)
    %barrier3A = arith.constant 0 : index
    tpu.barrier barrier_id(%barrier3A)
    %dma_start3A_61 = arith.constant 0 : i32
    %dma_start3A_62 = arith.constant 0 : i32
    %dma_start3A_63 = arith.constant 0 : i32
    %dma_start3A_64 = arith.constant 0 : i32
    %dma_start3A_65 = arith.constant 0 : i32
    %dma_start3A_66 = tpu.memref_slice %arg8[%dma_start3A_62, %dma_start3A_64, %dma_start3A_65] : memref<5x125x64xf32, #tpu.memory_space<vmem>> -> memref<1x125x64xf32, #tpu.memory_space<vmem>>
    %dma_start3A_67 = tpu.memref_squeeze %dma_start3A_66 : memref<1x125x64xf32, #tpu.memory_space<vmem>> -> memref<125x64xf32, #tpu.memory_space<vmem>>
    %dma_start3A_68 = arith.constant 0 : i32
    %dma_start3A_69 = tpu.memref_slice %arg6[%dma_start3A_61, %dma_start3A_68] : memref<160x125xi32, #tpu.memory_space<vmem>> -> memref<1x125xi32, #tpu.memory_space<vmem>>
    %dma_start3A_70 = tpu.memref_squeeze %dma_start3A_69 : memref<1x125xi32, #tpu.memory_space<vmem>> -> memref<125xi32, #tpu.memory_space<vmem>>
    %dma_start3A_71 = arith.constant 0 : i32
    %dma_start3A_72 = arith.constant 0 : i32
    %dma_start3A_73 = tpu.memref_slice %arg2[%dma_start3A_71, %dma_start3A_72] : memref<20000x64xf32, #tpu.memory_space<hbm>> -> memref<20000x64xf32, #tpu.memory_space<hbm>>
    %dma_start3A_74 = tpu.memref_slice %arg11[%dma_start3A_63] : memref<5x!tpu.dma_semaphore, #tpu.memory_space<semaphore_mem>> -> memref<1x!tpu.dma_semaphore, #tpu.memory_space<semaphore_mem>>
    %dma_start3A_75 = tpu.memref_squeeze %dma_start3A_74 : memref<1x!tpu.dma_semaphore, #tpu.memory_space<semaphore_mem>> -> memref<!tpu.dma_semaphore, #tpu.memory_space<semaphore_mem>>
    tpu.enqueue_indirect_dma source(%dma_start3A_73 : memref<20000x64xf32, #tpu.memory_space<hbm>>) target(%dma_start3A_67 : memref<125x64xf32, #tpu.memory_space<vmem>>) offsets(%dma_start3A_70 : memref<125xi32, #tpu.memory_space<vmem>>) semaphore(%dma_start3A_75 : memref<!tpu.dma_semaphore, #tpu.memory_space<semaphore_mem>>)
    %dma_start3A_76 = arith.constant 1 : i32
    %dma_start3A_77 = arith.constant 1 : i32
    %dma_start3A_78 = arith.constant 1 : i32
    %dma_start3A_79 = arith.constant 0 : i32
    %dma_start3A_80 = arith.constant 0 : i32
    %dma_start3A_81 = tpu.memref_slice %arg8[%dma_start3A_77, %dma_start3A_79, %dma_start3A_80] : memref<5x125x64xf32, #tpu.memory_space<vmem>> -> memref<1x125x64xf32, #tpu.memory_space<vmem>>
    %dma_start3A_82 = tpu.memref_squeeze %dma_start3A_81 : memref<1x125x64xf32, #tpu.memory_space<vmem>> -> memref<125x64xf32, #tpu.memory_space<vmem>>
    %dma_start3A_83 = arith.constant 0 : i32
    %dma_start3A_84 = tpu.memref_slice %arg6[%dma_start3A_76, %dma_start3A_83] : memref<160x125xi32, #tpu.memory_space<vmem>> -> memref<1x125xi32, #tpu.memory_space<vmem>>
    %dma_start3A_85 = tpu.memref_squeeze %dma_start3A_84 : memref<1x125xi32, #tpu.memory_space<vmem>> -> memref<125xi32, #tpu.memory_space<vmem>>
    %dma_start3A_86 = arith.constant 0 : i32
    %dma_start3A_87 = arith.constant 0 : i32
    %dma_start3A_88 = tpu.memref_slice %arg2[%dma_start3A_86, %dma_start3A_87] : memref<20000x64xf32, #tpu.memory_space<hbm>> -> memref<20000x64xf32, #tpu.memory_space<hbm>>
    %dma_start3A_89 = tpu.memref_slice %arg11[%dma_start3A_78] : memref<5x!tpu.dma_semaphore, #tpu.memory_space<semaphore_mem>> -> memref<1x!tpu.dma_semaphore, #tpu.memory_space<semaphore_mem>>
    %dma_start3A_90 = tpu.memref_squeeze %dma_start3A_89 : memref<1x!tpu.dma_semaphore, #tpu.memory_space<semaphore_mem>> -> memref<!tpu.dma_semaphore, #tpu.memory_space<semaphore_mem>>
    tpu.enqueue_indirect_dma source(%dma_start3A_88 : memref<20000x64xf32, #tpu.memory_space<hbm>>) target(%dma_start3A_82 : memref<125x64xf32, #tpu.memory_space<vmem>>) offsets(%dma_start3A_85 : memref<125xi32, #tpu.memory_space<vmem>>) semaphore(%dma_start3A_90 : memref<!tpu.dma_semaphore, #tpu.memory_space<semaphore_mem>>)
    %dma_start3A_91 = arith.constant 2 : i32
    %dma_start3A_92 = arith.constant 2 : i32
    %dma_start3A_93 = arith.constant 2 : i32
    %dma_start3A_94 = arith.constant 0 : i32
    %dma_start3A_95 = arith.constant 0 : i32
    %dma_start3A_96 = tpu.memref_slice %arg8[%dma_start3A_92, %dma_start3A_94, %dma_start3A_95] : memref<5x125x64xf32, #tpu.memory_space<vmem>> -> memref<1x125x64xf32, #tpu.memory_space<vmem>>
    %dma_start3A_97 = tpu.memref_squeeze %dma_start3A_96 : memref<1x125x64xf32, #tpu.memory_space<vmem>> -> memref<125x64xf32, #tpu.memory_space<vmem>>
    %dma_start3A_98 = arith.constant 0 : i32
    %dma_start3A_99 = tpu.memref_slice %arg6[%dma_start3A_91, %dma_start3A_98] : memref<160x125xi32, #tpu.memory_space<vmem>> -> memref<1x125xi32, #tpu.memory_space<vmem>>
    %dma_start3A_100 = tpu.memref_squeeze %dma_start3A_99 : memref<1x125xi32, #tpu.memory_space<vmem>> -> memref<125xi32, #tpu.memory_space<vmem>>
    %dma_start3A_101 = arith.constant 0 : i32
    %dma_start3A_102 = arith.constant 0 : i32
    %dma_start3A_103 = tpu.memref_slice %arg2[%dma_start3A_101, %dma_start3A_102] : memref<20000x64xf32, #tpu.memory_space<hbm>> -> memref<20000x64xf32, #tpu.memory_space<hbm>>
    %dma_start3A_104 = tpu.memref_slice %arg11[%dma_start3A_93] : memref<5x!tpu.dma_semaphore, #tpu.memory_space<semaphore_mem>> -> memref<1x!tpu.dma_semaphore, #tpu.memory_space<semaphore_mem>>
    %dma_start3A_105 = tpu.memref_squeeze %dma_start3A_104 : memref<1x!tpu.dma_semaphore, #tpu.memory_space<semaphore_mem>> -> memref<!tpu.dma_semaphore, #tpu.memory_space<semaphore_mem>>
    tpu.enqueue_indirect_dma source(%dma_start3A_103 : memref<20000x64xf32, #tpu.memory_space<hbm>>) target(%dma_start3A_97 : memref<125x64xf32, #tpu.memory_space<vmem>>) offsets(%dma_start3A_100 : memref<125xi32, #tpu.memory_space<vmem>>) semaphore(%dma_start3A_105 : memref<!tpu.dma_semaphore, #tpu.memory_space<semaphore_mem>>)
    %dma_start3A_106 = arith.constant 3 : i32
    %dma_start3A_107 = arith.constant 3 : i32
    %dma_start3A_108 = arith.constant 3 : i32
    %dma_start3A_109 = arith.constant 0 : i32
    %dma_start3A_110 = arith.constant 0 : i32
    %dma_start3A_111 = tpu.memref_slice %arg8[%dma_start3A_107, %dma_start3A_109, %dma_start3A_110] : memref<5x125x64xf32, #tpu.memory_space<vmem>> -> memref<1x125x64xf32, #tpu.memory_space<vmem>>
    %dma_start3A_112 = tpu.memref_squeeze %dma_start3A_111 : memref<1x125x64xf32, #tpu.memory_space<vmem>> -> memref<125x64xf32, #tpu.memory_space<vmem>>
    %dma_start3A_113 = arith.constant 0 : i32
    %dma_start3A_114 = tpu.memref_slice %arg6[%dma_start3A_106, %dma_start3A_113] : memref<160x125xi32, #tpu.memory_space<vmem>> -> memref<1x125xi32, #tpu.memory_space<vmem>>
    %dma_start3A_115 = tpu.memref_squeeze %dma_start3A_114 : memref<1x125xi32, #tpu.memory_space<vmem>> -> memref<125xi32, #tpu.memory_space<vmem>>
    %dma_start3A_116 = arith.constant 0 : i32
    %dma_start3A_117 = arith.constant 0 : i32
    %dma_start3A_118 = tpu.memref_slice %arg2[%dma_start3A_116, %dma_start3A_117] : memref<20000x64xf32, #tpu.memory_space<hbm>> -> memref<20000x64xf32, #tpu.memory_space<hbm>>
    %dma_start3A_119 = tpu.memref_slice %arg11[%dma_start3A_108] : memref<5x!tpu.dma_semaphore, #tpu.memory_space<semaphore_mem>> -> memref<1x!tpu.dma_semaphore, #tpu.memory_space<semaphore_mem>>
    %dma_start3A_120 = tpu.memref_squeeze %dma_start3A_119 : memref<1x!tpu.dma_semaphore, #tpu.memory_space<semaphore_mem>> -> memref<!tpu.dma_semaphore, #tpu.memory_space<semaphore_mem>>
    tpu.enqueue_indirect_dma source(%dma_start3A_118 : memref<20000x64xf32, #tpu.memory_space<hbm>>) target(%dma_start3A_112 : memref<125x64xf32, #tpu.memory_space<vmem>>) offsets(%dma_start3A_115 : memref<125xi32, #tpu.memory_space<vmem>>) semaphore(%dma_start3A_120 : memref<!tpu.dma_semaphore, #tpu.memory_space<semaphore_mem>>)
    %dma_start3A_121 = arith.constant 4 : i32
    %dma_start3A_122 = arith.constant 4 : i32
    %dma_start3A_123 = arith.constant 4 : i32
    %dma_start3A_124 = arith.constant 0 : i32
    %dma_start3A_125 = arith.constant 0 : i32
    %dma_start3A_126 = tpu.memref_slice %arg8[%dma_start3A_122, %dma_start3A_124, %dma_start3A_125] : memref<5x125x64xf32, #tpu.memory_space<vmem>> -> memref<1x125x64xf32, #tpu.memory_space<vmem>>
    %dma_start3A_127 = tpu.memref_squeeze %dma_start3A_126 : memref<1x125x64xf32, #tpu.memory_space<vmem>> -> memref<125x64xf32, #tpu.memory_space<vmem>>
    %dma_start3A_128 = arith.constant 0 : i32
    %dma_start3A_129 = tpu.memref_slice %arg6[%dma_start3A_121, %dma_start3A_128] : memref<160x125xi32, #tpu.memory_space<vmem>> -> memref<1x125xi32, #tpu.memory_space<vmem>>
    %dma_start3A_130 = tpu.memref_squeeze %dma_start3A_129 : memref<1x125xi32, #tpu.memory_space<vmem>> -> memref<125xi32, #tpu.memory_space<vmem>>
    %dma_start3A_131 = arith.constant 0 : i32
    %dma_start3A_132 = arith.constant 0 : i32
    %dma_start3A_133 = tpu.memref_slice %arg2[%dma_start3A_131, %dma_start3A_132] : memref<20000x64xf32, #tpu.memory_space<hbm>> -> memref<20000x64xf32, #tpu.memory_space<hbm>>
    %dma_start3A_134 = tpu.memref_slice %arg11[%dma_start3A_123] : memref<5x!tpu.dma_semaphore, #tpu.memory_space<semaphore_mem>> -> memref<1x!tpu.dma_semaphore, #tpu.memory_space<semaphore_mem>>
    %dma_start3A_135 = tpu.memref_squeeze %dma_start3A_134 : memref<1x!tpu.dma_semaphore, #tpu.memory_space<semaphore_mem>> -> memref<!tpu.dma_semaphore, #tpu.memory_space<semaphore_mem>>
    tpu.enqueue_indirect_dma source(%dma_start3A_133 : memref<20000x64xf32, #tpu.memory_space<hbm>>) target(%dma_start3A_127 : memref<125x64xf32, #tpu.memory_space<vmem>>) offsets(%dma_start3A_130 : memref<125xi32, #tpu.memory_space<vmem>>) semaphore(%dma_start3A_135 : memref<!tpu.dma_semaphore, #tpu.memory_space<semaphore_mem>>)
    %dma_wait3A_136 = arith.constant 0 : i32
    %dma_wait3A_137 = arith.constant 0 : i32
    %dma_wait3A_138 = arith.constant 0 : i32
    %dma_wait3A_139 = arith.constant 0 : i32
    %dma_wait3A_140 = arith.constant 0 : i32
    %dma_wait3A_141 = tpu.memref_slice %arg8[%dma_wait3A_137, %dma_wait3A_139, %dma_wait3A_140] : memref<5x125x64xf32, #tpu.memory_space<vmem>> -> memref<1x125x64xf32, #tpu.memory_space<vmem>>
    %dma_wait3A_142 = tpu.memref_squeeze %dma_wait3A_141 : memref<1x125x64xf32, #tpu.memory_space<vmem>> -> memref<125x64xf32, #tpu.memory_space<vmem>>
    %dma_wait3A_143 = arith.constant 0 : i32
    %dma_wait3A_144 = tpu.memref_slice %arg6[%dma_wait3A_136, %dma_wait3A_143] : memref<160x125xi32, #tpu.memory_space<vmem>> -> memref<1x125xi32, #tpu.memory_space<vmem>>
    %dma_wait3A_145 = tpu.memref_squeeze %dma_wait3A_144 : memref<1x125xi32, #tpu.memory_space<vmem>> -> memref<125xi32, #tpu.memory_space<vmem>>
    %dma_wait3A_146 = arith.constant 0 : i32
    %dma_wait3A_147 = arith.constant 0 : i32
    %dma_wait3A_148 = tpu.memref_slice %arg2[%dma_wait3A_146, %dma_wait3A_147] : memref<20000x64xf32, #tpu.memory_space<hbm>> -> memref<20000x64xf32, #tpu.memory_space<hbm>>
    %dma_wait3A_149 = tpu.memref_slice %arg11[%dma_wait3A_138] : memref<5x!tpu.dma_semaphore, #tpu.memory_space<semaphore_mem>> -> memref<1x!tpu.dma_semaphore, #tpu.memory_space<semaphore_mem>>
    %dma_wait3A_150 = tpu.memref_squeeze %dma_wait3A_149 : memref<1x!tpu.dma_semaphore, #tpu.memory_space<semaphore_mem>> -> memref<!tpu.dma_semaphore, #tpu.memory_space<semaphore_mem>>
    tpu.wait_indirect_dma semaphore(%dma_wait3A_150 : memref<!tpu.dma_semaphore, #tpu.memory_space<semaphore_mem>>) src(%dma_wait3A_148 : memref<20000x64xf32, #tpu.memory_space<hbm>>) dst(%dma_wait3A_142 : memref<125x64xf32, #tpu.memory_space<vmem>>)
    %dma_start3A_151 = arith.constant 0 : i32
    %dma_start3A_152 = arith.constant 0 : i32
    %dma_start3A_153 = arith.constant 0 : i32
    %dma_start3A_154 = arith.constant 0 : i32
    %dma_start3A_155 = arith.constant 0 : i32
    %dma_start3A_156 = tpu.memref_slice %arg8[%dma_start3A_151, %dma_start3A_154, %dma_start3A_155] : memref<5x125x64xf32, #tpu.memory_space<vmem>> -> memref<1x125x64xf32, #tpu.memory_space<vmem>>
    %dma_start3A_157 = tpu.memref_squeeze %dma_start3A_156 : memref<1x125x64xf32, #tpu.memory_space<vmem>> -> memref<125x64xf32, #tpu.memory_space<vmem>>
    %dma_start3A_158 = arith.constant 0 : i32
    %dma_start3A_159 = tpu.memref_slice %arg7[%dma_start3A_152, %dma_start3A_158] : memref<160x125xi32, #tpu.memory_space<vmem>> -> memref<1x125xi32, #tpu.memory_space<vmem>>
    %dma_start3A_160 = tpu.memref_squeeze %dma_start3A_159 : memref<1x125xi32, #tpu.memory_space<vmem>> -> memref<125xi32, #tpu.memory_space<vmem>>
    %dma_start3A_161 = arith.constant 0 : i32
    %dma_start3A_162 = arith.constant 0 : i32
    %dma_start3A_163 = tpu.memref_slice %arg10[%dma_start3A_161, %dma_start3A_162] : memref<10000x64xf32, #tpu.memory_space<vmem_shared>> -> memref<10000x64xf32, #tpu.memory_space<vmem_shared>>
    %dma_start3A_164 = tpu.memref_slice %arg12[%dma_start3A_153] : memref<5x!tpu.dma_semaphore, #tpu.memory_space<semaphore_mem>> -> memref<1x!tpu.dma_semaphore, #tpu.memory_space<semaphore_mem>>
    %dma_start3A_165 = tpu.memref_squeeze %dma_start3A_164 : memref<1x!tpu.dma_semaphore, #tpu.memory_space<semaphore_mem>> -> memref<!tpu.dma_semaphore, #tpu.memory_space<semaphore_mem>>
    tpu.enqueue_indirect_dma source(%dma_start3A_157 : memref<125x64xf32, #tpu.memory_space<vmem>>) target(%dma_start3A_163 : memref<10000x64xf32, #tpu.memory_space<vmem_shared>>) offsets(%dma_start3A_160 : memref<125xi32, #tpu.memory_space<vmem>>) semaphore(%dma_start3A_165 : memref<!tpu.dma_semaphore, #tpu.memory_space<semaphore_mem>>) {add = true}
    %scan3A_166 = arith.constant 0 : i32
    %scan3A_167 = arith.constant 31 : i32
    %scan3A_168 = arith.addi %scan3A_166, %scan3A_167 : i32
    %scan3A_169 = arith.constant 1 : i32
    scf.for %scan3A_372 = %scan3A_166 to %scan3A_168 step %scan3A_169  : i32 {
      %mul3A_373 = arith.constant 5 : i32
      %mul3A_374 = arith.muli %scan3A_372, %mul3A_373 : i32
      %add3A_375 = arith.constant 1 : i32
      %add3A_376 = arith.addi %add3A_375, %mul3A_374 : i32
      %add3A_377 = arith.constant 0 : i32
      %add3A_378 = arith.addi %add3A_376, %add3A_377 : i32
      %dma_wait3A_379 = arith.constant 0 : i32
      %dma_wait3A_380 = arith.constant 0 : i32
      %dma_wait3A_381 = arith.constant 0 : i32
      %dma_wait3A_382 = arith.constant 0 : i32
      %dma_wait3A_383 = arith.constant 0 : i32
      %dma_wait3A_384 = tpu.memref_slice %arg8[%dma_wait3A_380, %dma_wait3A_382, %dma_wait3A_383] : memref<5x125x64xf32, #tpu.memory_space<vmem>> -> memref<1x125x64xf32, #tpu.memory_space<vmem>>
      %dma_wait3A_385 = tpu.memref_squeeze %dma_wait3A_384 : memref<1x125x64xf32, #tpu.memory_space<vmem>> -> memref<125x64xf32, #tpu.memory_space<vmem>>
      %dma_wait3A_386 = arith.constant 0 : i32
      %dma_wait3A_387 = tpu.memref_slice %arg6[%dma_wait3A_379, %dma_wait3A_386] : memref<160x125xi32, #tpu.memory_space<vmem>> -> memref<1x125xi32, #tpu.memory_space<vmem>>
      %dma_wait3A_388 = tpu.memref_squeeze %dma_wait3A_387 : memref<1x125xi32, #tpu.memory_space<vmem>> -> memref<125xi32, #tpu.memory_space<vmem>>
      %dma_wait3A_389 = arith.constant 0 : i32
      %dma_wait3A_390 = arith.constant 0 : i32
      %dma_wait3A_391 = tpu.memref_slice %arg2[%dma_wait3A_389, %dma_wait3A_390] : memref<20000x64xf32, #tpu.memory_space<hbm>> -> memref<20000x64xf32, #tpu.memory_space<hbm>>
      %dma_wait3A_392 = tpu.memref_slice %arg12[%dma_wait3A_381] : memref<5x!tpu.dma_semaphore, #tpu.memory_space<semaphore_mem>> -> memref<1x!tpu.dma_semaphore, #tpu.memory_space<semaphore_mem>>
      %dma_wait3A_393 = tpu.memref_squeeze %dma_wait3A_392 : memref<1x!tpu.dma_semaphore, #tpu.memory_space<semaphore_mem>> -> memref<!tpu.dma_semaphore, #tpu.memory_space<semaphore_mem>>
      tpu.wait_indirect_dma semaphore(%dma_wait3A_393 : memref<!tpu.dma_semaphore, #tpu.memory_space<semaphore_mem>>) src(%dma_wait3A_391 : memref<20000x64xf32, #tpu.memory_space<hbm>>) dst(%dma_wait3A_385 : memref<125x64xf32, #tpu.memory_space<vmem>>)
      %add3A_394 = arith.constant 5 : i32
      %add3A_395 = arith.addi %add3A_378, %add3A_394 : i32
      %sub3A = arith.constant 1 : i32
      %sub3A_396 = arith.subi %add3A_395, %sub3A : i32
      %dma_start3A_397 = arith.constant 0 : i32
      %dma_start3A_398 = arith.constant 0 : i32
      %dma_start3A_399 = arith.constant 0 : i32
      %dma_start3A_400 = arith.constant 0 : i32
      %dma_start3A_401 = tpu.memref_slice %arg8[%dma_start3A_397, %dma_start3A_399, %dma_start3A_400] : memref<5x125x64xf32, #tpu.memory_space<vmem>> -> memref<1x125x64xf32, #tpu.memory_space<vmem>>
      %dma_start3A_402 = tpu.memref_squeeze %dma_start3A_401 : memref<1x125x64xf32, #tpu.memory_space<vmem>> -> memref<125x64xf32, #tpu.memory_space<vmem>>
      %dma_start3A_403 = arith.constant 0 : i32
      %dma_start3A_404 = tpu.memref_slice %arg6[%sub3A_396, %dma_start3A_403] : memref<160x125xi32, #tpu.memory_space<vmem>> -> memref<1x125xi32, #tpu.memory_space<vmem>>
      %dma_start3A_405 = tpu.memref_squeeze %dma_start3A_404 : memref<1x125xi32, #tpu.memory_space<vmem>> -> memref<125xi32, #tpu.memory_space<vmem>>
      %dma_start3A_406 = arith.constant 0 : i32
      %dma_start3A_407 = arith.constant 0 : i32
      %dma_start3A_408 = tpu.memref_slice %arg2[%dma_start3A_406, %dma_start3A_407] : memref<20000x64xf32, #tpu.memory_space<hbm>> -> memref<20000x64xf32, #tpu.memory_space<hbm>>
      %dma_start3A_409 = tpu.memref_slice %arg11[%dma_start3A_398] : memref<5x!tpu.dma_semaphore, #tpu.memory_space<semaphore_mem>> -> memref<1x!tpu.dma_semaphore, #tpu.memory_space<semaphore_mem>>
      %dma_start3A_410 = tpu.memref_squeeze %dma_start3A_409 : memref<1x!tpu.dma_semaphore, #tpu.memory_space<semaphore_mem>> -> memref<!tpu.dma_semaphore, #tpu.memory_space<semaphore_mem>>
      tpu.enqueue_indirect_dma source(%dma_start3A_408 : memref<20000x64xf32, #tpu.memory_space<hbm>>) target(%dma_start3A_402 : memref<125x64xf32, #tpu.memory_space<vmem>>) offsets(%dma_start3A_405 : memref<125xi32, #tpu.memory_space<vmem>>) semaphore(%dma_start3A_410 : memref<!tpu.dma_semaphore, #tpu.memory_space<semaphore_mem>>)
      %dma_wait3A_411 = arith.constant 0 : i32
      %dma_wait3A_412 = arith.constant 1 : i32
      %dma_wait3A_413 = arith.constant 1 : i32
      %dma_wait3A_414 = arith.constant 0 : i32
      %dma_wait3A_415 = arith.constant 0 : i32
      %dma_wait3A_416 = tpu.memref_slice %arg8[%dma_wait3A_412, %dma_wait3A_414, %dma_wait3A_415] : memref<5x125x64xf32, #tpu.memory_space<vmem>> -> memref<1x125x64xf32, #tpu.memory_space<vmem>>
      %dma_wait3A_417 = tpu.memref_squeeze %dma_wait3A_416 : memref<1x125x64xf32, #tpu.memory_space<vmem>> -> memref<125x64xf32, #tpu.memory_space<vmem>>
      %dma_wait3A_418 = arith.constant 0 : i32
      %dma_wait3A_419 = tpu.memref_slice %arg6[%dma_wait3A_411, %dma_wait3A_418] : memref<160x125xi32, #tpu.memory_space<vmem>> -> memref<1x125xi32, #tpu.memory_space<vmem>>
      %dma_wait3A_420 = tpu.memref_squeeze %dma_wait3A_419 : memref<1x125xi32, #tpu.memory_space<vmem>> -> memref<125xi32, #tpu.memory_space<vmem>>
      %dma_wait3A_421 = arith.constant 0 : i32
      %dma_wait3A_422 = arith.constant 0 : i32
      %dma_wait3A_423 = tpu.memref_slice %arg2[%dma_wait3A_421, %dma_wait3A_422] : memref<20000x64xf32, #tpu.memory_space<hbm>> -> memref<20000x64xf32, #tpu.memory_space<hbm>>
      %dma_wait3A_424 = tpu.memref_slice %arg11[%dma_wait3A_413] : memref<5x!tpu.dma_semaphore, #tpu.memory_space<semaphore_mem>> -> memref<1x!tpu.dma_semaphore, #tpu.memory_space<semaphore_mem>>
      %dma_wait3A_425 = tpu.memref_squeeze %dma_wait3A_424 : memref<1x!tpu.dma_semaphore, #tpu.memory_space<semaphore_mem>> -> memref<!tpu.dma_semaphore, #tpu.memory_space<semaphore_mem>>
      tpu.wait_indirect_dma semaphore(%dma_wait3A_425 : memref<!tpu.dma_semaphore, #tpu.memory_space<semaphore_mem>>) src(%dma_wait3A_423 : memref<20000x64xf32, #tpu.memory_space<hbm>>) dst(%dma_wait3A_417 : memref<125x64xf32, #tpu.memory_space<vmem>>)
      %dma_start3A_426 = arith.constant 1 : i32
      %dma_start3A_427 = arith.constant 1 : i32
      %dma_start3A_428 = arith.constant 0 : i32
      %dma_start3A_429 = arith.constant 0 : i32
      %dma_start3A_430 = tpu.memref_slice %arg8[%dma_start3A_426, %dma_start3A_428, %dma_start3A_429] : memref<5x125x64xf32, #tpu.memory_space<vmem>> -> memref<1x125x64xf32, #tpu.memory_space<vmem>>
      %dma_start3A_431 = tpu.memref_squeeze %dma_start3A_430 : memref<1x125x64xf32, #tpu.memory_space<vmem>> -> memref<125x64xf32, #tpu.memory_space<vmem>>
      %dma_start3A_432 = arith.constant 0 : i32
      %dma_start3A_433 = tpu.memref_slice %arg7[%add3A_378, %dma_start3A_432] : memref<160x125xi32, #tpu.memory_space<vmem>> -> memref<1x125xi32, #tpu.memory_space<vmem>>
      %dma_start3A_434 = tpu.memref_squeeze %dma_start3A_433 : memref<1x125xi32, #tpu.memory_space<vmem>> -> memref<125xi32, #tpu.memory_space<vmem>>
      %dma_start3A_435 = arith.constant 0 : i32
      %dma_start3A_436 = arith.constant 0 : i32
      %dma_start3A_437 = tpu.memref_slice %arg10[%dma_start3A_435, %dma_start3A_436] : memref<10000x64xf32, #tpu.memory_space<vmem_shared>> -> memref<10000x64xf32, #tpu.memory_space<vmem_shared>>
      %dma_start3A_438 = tpu.memref_slice %arg12[%dma_start3A_427] : memref<5x!tpu.dma_semaphore, #tpu.memory_space<semaphore_mem>> -> memref<1x!tpu.dma_semaphore, #tpu.memory_space<semaphore_mem>>
      %dma_start3A_439 = tpu.memref_squeeze %dma_start3A_438 : memref<1x!tpu.dma_semaphore, #tpu.memory_space<semaphore_mem>> -> memref<!tpu.dma_semaphore, #tpu.memory_space<semaphore_mem>>
      tpu.enqueue_indirect_dma source(%dma_start3A_431 : memref<125x64xf32, #tpu.memory_space<vmem>>) target(%dma_start3A_437 : memref<10000x64xf32, #tpu.memory_space<vmem_shared>>) offsets(%dma_start3A_434 : memref<125xi32, #tpu.memory_space<vmem>>) semaphore(%dma_start3A_439 : memref<!tpu.dma_semaphore, #tpu.memory_space<semaphore_mem>>) {add = true}
      %add3A_440 = arith.constant 1 : i32
      %add3A_441 = arith.addi %add3A_376, %add3A_440 : i32
      %dma_wait3A_442 = arith.constant 0 : i32
      %dma_wait3A_443 = arith.constant 1 : i32
      %dma_wait3A_444 = arith.constant 1 : i32
      %dma_wait3A_445 = arith.constant 0 : i32
      %dma_wait3A_446 = arith.constant 0 : i32
      %dma_wait3A_447 = tpu.memref_slice %arg8[%dma_wait3A_443, %dma_wait3A_445, %dma_wait3A_446] : memref<5x125x64xf32, #tpu.memory_space<vmem>> -> memref<1x125x64xf32, #tpu.memory_space<vmem>>
      %dma_wait3A_448 = tpu.memref_squeeze %dma_wait3A_447 : memref<1x125x64xf32, #tpu.memory_space<vmem>> -> memref<125x64xf32, #tpu.memory_space<vmem>>
      %dma_wait3A_449 = arith.constant 0 : i32
      %dma_wait3A_450 = tpu.memref_slice %arg6[%dma_wait3A_442, %dma_wait3A_449] : memref<160x125xi32, #tpu.memory_space<vmem>> -> memref<1x125xi32, #tpu.memory_space<vmem>>
      %dma_wait3A_451 = tpu.memref_squeeze %dma_wait3A_450 : memref<1x125xi32, #tpu.memory_space<vmem>> -> memref<125xi32, #tpu.memory_space<vmem>>
      %dma_wait3A_452 = arith.constant 0 : i32
      %dma_wait3A_453 = arith.constant 0 : i32
      %dma_wait3A_454 = tpu.memref_slice %arg2[%dma_wait3A_452, %dma_wait3A_453] : memref<20000x64xf32, #tpu.memory_space<hbm>> -> memref<20000x64xf32, #tpu.memory_space<hbm>>
      %dma_wait3A_455 = tpu.memref_slice %arg12[%dma_wait3A_444] : memref<5x!tpu.dma_semaphore, #tpu.memory_space<semaphore_mem>> -> memref<1x!tpu.dma_semaphore, #tpu.memory_space<semaphore_mem>>
      %dma_wait3A_456 = tpu.memref_squeeze %dma_wait3A_455 : memref<1x!tpu.dma_semaphore, #tpu.memory_space<semaphore_mem>> -> memref<!tpu.dma_semaphore, #tpu.memory_space<semaphore_mem>>
      tpu.wait_indirect_dma semaphore(%dma_wait3A_456 : memref<!tpu.dma_semaphore, #tpu.memory_space<semaphore_mem>>) src(%dma_wait3A_454 : memref<20000x64xf32, #tpu.memory_space<hbm>>) dst(%dma_wait3A_448 : memref<125x64xf32, #tpu.memory_space<vmem>>)
      %add3A_457 = arith.constant 5 : i32
      %add3A_458 = arith.addi %add3A_441, %add3A_457 : i32
      %sub3A_459 = arith.constant 1 : i32
      %sub3A_460 = arith.subi %add3A_458, %sub3A_459 : i32
      %dma_start3A_461 = arith.constant 1 : i32
      %dma_start3A_462 = arith.constant 1 : i32
      %dma_start3A_463 = arith.constant 0 : i32
      %dma_start3A_464 = arith.constant 0 : i32
      %dma_start3A_465 = tpu.memref_slice %arg8[%dma_start3A_461, %dma_start3A_463, %dma_start3A_464] : memref<5x125x64xf32, #tpu.memory_space<vmem>> -> memref<1x125x64xf32, #tpu.memory_space<vmem>>
      %dma_start3A_466 = tpu.memref_squeeze %dma_start3A_465 : memref<1x125x64xf32, #tpu.memory_space<vmem>> -> memref<125x64xf32, #tpu.memory_space<vmem>>
      %dma_start3A_467 = arith.constant 0 : i32
      %dma_start3A_468 = tpu.memref_slice %arg6[%sub3A_460, %dma_start3A_467] : memref<160x125xi32, #tpu.memory_space<vmem>> -> memref<1x125xi32, #tpu.memory_space<vmem>>
      %dma_start3A_469 = tpu.memref_squeeze %dma_start3A_468 : memref<1x125xi32, #tpu.memory_space<vmem>> -> memref<125xi32, #tpu.memory_space<vmem>>
      %dma_start3A_470 = arith.constant 0 : i32
      %dma_start3A_471 = arith.constant 0 : i32
      %dma_start3A_472 = tpu.memref_slice %arg2[%dma_start3A_470, %dma_start3A_471] : memref<20000x64xf32, #tpu.memory_space<hbm>> -> memref<20000x64xf32, #tpu.memory_space<hbm>>
      %dma_start3A_473 = tpu.memref_slice %arg11[%dma_start3A_462] : memref<5x!tpu.dma_semaphore, #tpu.memory_space<semaphore_mem>> -> memref<1x!tpu.dma_semaphore, #tpu.memory_space<semaphore_mem>>
      %dma_start3A_474 = tpu.memref_squeeze %dma_start3A_473 : memref<1x!tpu.dma_semaphore, #tpu.memory_space<semaphore_mem>> -> memref<!tpu.dma_semaphore, #tpu.memory_space<semaphore_mem>>
      tpu.enqueue_indirect_dma source(%dma_start3A_472 : memref<20000x64xf32, #tpu.memory_space<hbm>>) target(%dma_start3A_466 : memref<125x64xf32, #tpu.memory_space<vmem>>) offsets(%dma_start3A_469 : memref<125xi32, #tpu.memory_space<vmem>>) semaphore(%dma_start3A_474 : memref<!tpu.dma_semaphore, #tpu.memory_space<semaphore_mem>>)
      %dma_wait3A_475 = arith.constant 0 : i32
      %dma_wait3A_476 = arith.constant 2 : i32
      %dma_wait3A_477 = arith.constant 2 : i32
      %dma_wait3A_478 = arith.constant 0 : i32
      %dma_wait3A_479 = arith.constant 0 : i32
      %dma_wait3A_480 = tpu.memref_slice %arg8[%dma_wait3A_476, %dma_wait3A_478, %dma_wait3A_479] : memref<5x125x64xf32, #tpu.memory_space<vmem>> -> memref<1x125x64xf32, #tpu.memory_space<vmem>>
      %dma_wait3A_481 = tpu.memref_squeeze %dma_wait3A_480 : memref<1x125x64xf32, #tpu.memory_space<vmem>> -> memref<125x64xf32, #tpu.memory_space<vmem>>
      %dma_wait3A_482 = arith.constant 0 : i32
      %dma_wait3A_483 = tpu.memref_slice %arg6[%dma_wait3A_475, %dma_wait3A_482] : memref<160x125xi32, #tpu.memory_space<vmem>> -> memref<1x125xi32, #tpu.memory_space<vmem>>
      %dma_wait3A_484 = tpu.memref_squeeze %dma_wait3A_483 : memref<1x125xi32, #tpu.memory_space<vmem>> -> memref<125xi32, #tpu.memory_space<vmem>>
      %dma_wait3A_485 = arith.constant 0 : i32
      %dma_wait3A_486 = arith.constant 0 : i32
      %dma_wait3A_487 = tpu.memref_slice %arg2[%dma_wait3A_485, %dma_wait3A_486] : memref<20000x64xf32, #tpu.memory_space<hbm>> -> memref<20000x64xf32, #tpu.memory_space<hbm>>
      %dma_wait3A_488 = tpu.memref_slice %arg11[%dma_wait3A_477] : memref<5x!tpu.dma_semaphore, #tpu.memory_space<semaphore_mem>> -> memref<1x!tpu.dma_semaphore, #tpu.memory_space<semaphore_mem>>
      %dma_wait3A_489 = tpu.memref_squeeze %dma_wait3A_488 : memref<1x!tpu.dma_semaphore, #tpu.memory_space<semaphore_mem>> -> memref<!tpu.dma_semaphore, #tpu.memory_space<semaphore_mem>>
      tpu.wait_indirect_dma semaphore(%dma_wait3A_489 : memref<!tpu.dma_semaphore, #tpu.memory_space<semaphore_mem>>) src(%dma_wait3A_487 : memref<20000x64xf32, #tpu.memory_space<hbm>>) dst(%dma_wait3A_481 : memref<125x64xf32, #tpu.memory_space<vmem>>)
      %dma_start3A_490 = arith.constant 2 : i32
      %dma_start3A_491 = arith.constant 2 : i32
      %dma_start3A_492 = arith.constant 0 : i32
      %dma_start3A_493 = arith.constant 0 : i32
      %dma_start3A_494 = tpu.memref_slice %arg8[%dma_start3A_490, %dma_start3A_492, %dma_start3A_493] : memref<5x125x64xf32, #tpu.memory_space<vmem>> -> memref<1x125x64xf32, #tpu.memory_space<vmem>>
      %dma_start3A_495 = tpu.memref_squeeze %dma_start3A_494 : memref<1x125x64xf32, #tpu.memory_space<vmem>> -> memref<125x64xf32, #tpu.memory_space<vmem>>
      %dma_start3A_496 = arith.constant 0 : i32
      %dma_start3A_497 = tpu.memref_slice %arg7[%add3A_441, %dma_start3A_496] : memref<160x125xi32, #tpu.memory_space<vmem>> -> memref<1x125xi32, #tpu.memory_space<vmem>>
      %dma_start3A_498 = tpu.memref_squeeze %dma_start3A_497 : memref<1x125xi32, #tpu.memory_space<vmem>> -> memref<125xi32, #tpu.memory_space<vmem>>
      %dma_start3A_499 = arith.constant 0 : i32
      %dma_start3A_500 = arith.constant 0 : i32
      %dma_start3A_501 = tpu.memref_slice %arg10[%dma_start3A_499, %dma_start3A_500] : memref<10000x64xf32, #tpu.memory_space<vmem_shared>> -> memref<10000x64xf32, #tpu.memory_space<vmem_shared>>
      %dma_start3A_502 = tpu.memref_slice %arg12[%dma_start3A_491] : memref<5x!tpu.dma_semaphore, #tpu.memory_space<semaphore_mem>> -> memref<1x!tpu.dma_semaphore, #tpu.memory_space<semaphore_mem>>
      %dma_start3A_503 = tpu.memref_squeeze %dma_start3A_502 : memref<1x!tpu.dma_semaphore, #tpu.memory_space<semaphore_mem>> -> memref<!tpu.dma_semaphore, #tpu.memory_space<semaphore_mem>>
      tpu.enqueue_indirect_dma source(%dma_start3A_495 : memref<125x64xf32, #tpu.memory_space<vmem>>) target(%dma_start3A_501 : memref<10000x64xf32, #tpu.memory_space<vmem_shared>>) offsets(%dma_start3A_498 : memref<125xi32, #tpu.memory_space<vmem>>) semaphore(%dma_start3A_503 : memref<!tpu.dma_semaphore, #tpu.memory_space<semaphore_mem>>) {add = true}
      %add3A_504 = arith.constant 2 : i32
      %add3A_505 = arith.addi %add3A_376, %add3A_504 : i32
      %dma_wait3A_506 = arith.constant 0 : i32
      %dma_wait3A_507 = arith.constant 2 : i32
      %dma_wait3A_508 = arith.constant 2 : i32
      %dma_wait3A_509 = arith.constant 0 : i32
      %dma_wait3A_510 = arith.constant 0 : i32
      %dma_wait3A_511 = tpu.memref_slice %arg8[%dma_wait3A_507, %dma_wait3A_509, %dma_wait3A_510] : memref<5x125x64xf32, #tpu.memory_space<vmem>> -> memref<1x125x64xf32, #tpu.memory_space<vmem>>
      %dma_wait3A_512 = tpu.memref_squeeze %dma_wait3A_511 : memref<1x125x64xf32, #tpu.memory_space<vmem>> -> memref<125x64xf32, #tpu.memory_space<vmem>>
      %dma_wait3A_513 = arith.constant 0 : i32
      %dma_wait3A_514 = tpu.memref_slice %arg6[%dma_wait3A_506, %dma_wait3A_513] : memref<160x125xi32, #tpu.memory_space<vmem>> -> memref<1x125xi32, #tpu.memory_space<vmem>>
      %dma_wait3A_515 = tpu.memref_squeeze %dma_wait3A_514 : memref<1x125xi32, #tpu.memory_space<vmem>> -> memref<125xi32, #tpu.memory_space<vmem>>
      %dma_wait3A_516 = arith.constant 0 : i32
      %dma_wait3A_517 = arith.constant 0 : i32
      %dma_wait3A_518 = tpu.memref_slice %arg2[%dma_wait3A_516, %dma_wait3A_517] : memref<20000x64xf32, #tpu.memory_space<hbm>> -> memref<20000x64xf32, #tpu.memory_space<hbm>>
      %dma_wait3A_519 = tpu.memref_slice %arg12[%dma_wait3A_508] : memref<5x!tpu.dma_semaphore, #tpu.memory_space<semaphore_mem>> -> memref<1x!tpu.dma_semaphore, #tpu.memory_space<semaphore_mem>>
      %dma_wait3A_520 = tpu.memref_squeeze %dma_wait3A_519 : memref<1x!tpu.dma_semaphore, #tpu.memory_space<semaphore_mem>> -> memref<!tpu.dma_semaphore, #tpu.memory_space<semaphore_mem>>
      tpu.wait_indirect_dma semaphore(%dma_wait3A_520 : memref<!tpu.dma_semaphore, #tpu.memory_space<semaphore_mem>>) src(%dma_wait3A_518 : memref<20000x64xf32, #tpu.memory_space<hbm>>) dst(%dma_wait3A_512 : memref<125x64xf32, #tpu.memory_space<vmem>>)
      %add3A_521 = arith.constant 5 : i32
      %add3A_522 = arith.addi %add3A_505, %add3A_521 : i32
      %sub3A_523 = arith.constant 1 : i32
      %sub3A_524 = arith.subi %add3A_522, %sub3A_523 : i32
      %dma_start3A_525 = arith.constant 2 : i32
      %dma_start3A_526 = arith.constant 2 : i32
      %dma_start3A_527 = arith.constant 0 : i32
      %dma_start3A_528 = arith.constant 0 : i32
      %dma_start3A_529 = tpu.memref_slice %arg8[%dma_start3A_525, %dma_start3A_527, %dma_start3A_528] : memref<5x125x64xf32, #tpu.memory_space<vmem>> -> memref<1x125x64xf32, #tpu.memory_space<vmem>>
      %dma_start3A_530 = tpu.memref_squeeze %dma_start3A_529 : memref<1x125x64xf32, #tpu.memory_space<vmem>> -> memref<125x64xf32, #tpu.memory_space<vmem>>
      %dma_start3A_531 = arith.constant 0 : i32
      %dma_start3A_532 = tpu.memref_slice %arg6[%sub3A_524, %dma_start3A_531] : memref<160x125xi32, #tpu.memory_space<vmem>> -> memref<1x125xi32, #tpu.memory_space<vmem>>
      %dma_start3A_533 = tpu.memref_squeeze %dma_start3A_532 : memref<1x125xi32, #tpu.memory_space<vmem>> -> memref<125xi32, #tpu.memory_space<vmem>>
      %dma_start3A_534 = arith.constant 0 : i32
      %dma_start3A_535 = arith.constant 0 : i32
      %dma_start3A_536 = tpu.memref_slice %arg2[%dma_start3A_534, %dma_start3A_535] : memref<20000x64xf32, #tpu.memory_space<hbm>> -> memref<20000x64xf32, #tpu.memory_space<hbm>>
      %dma_start3A_537 = tpu.memref_slice %arg11[%dma_start3A_526] : memref<5x!tpu.dma_semaphore, #tpu.memory_space<semaphore_mem>> -> memref<1x!tpu.dma_semaphore, #tpu.memory_space<semaphore_mem>>
      %dma_start3A_538 = tpu.memref_squeeze %dma_start3A_537 : memref<1x!tpu.dma_semaphore, #tpu.memory_space<semaphore_mem>> -> memref<!tpu.dma_semaphore, #tpu.memory_space<semaphore_mem>>
      tpu.enqueue_indirect_dma source(%dma_start3A_536 : memref<20000x64xf32, #tpu.memory_space<hbm>>) target(%dma_start3A_530 : memref<125x64xf32, #tpu.memory_space<vmem>>) offsets(%dma_start3A_533 : memref<125xi32, #tpu.memory_space<vmem>>) semaphore(%dma_start3A_538 : memref<!tpu.dma_semaphore, #tpu.memory_space<semaphore_mem>>)
      %dma_wait3A_539 = arith.constant 0 : i32
      %dma_wait3A_540 = arith.constant 3 : i32
      %dma_wait3A_541 = arith.constant 3 : i32
      %dma_wait3A_542 = arith.constant 0 : i32
      %dma_wait3A_543 = arith.constant 0 : i32
      %dma_wait3A_544 = tpu.memref_slice %arg8[%dma_wait3A_540, %dma_wait3A_542, %dma_wait3A_543] : memref<5x125x64xf32, #tpu.memory_space<vmem>> -> memref<1x125x64xf32, #tpu.memory_space<vmem>>
      %dma_wait3A_545 = tpu.memref_squeeze %dma_wait3A_544 : memref<1x125x64xf32, #tpu.memory_space<vmem>> -> memref<125x64xf32, #tpu.memory_space<vmem>>
      %dma_wait3A_546 = arith.constant 0 : i32
      %dma_wait3A_547 = tpu.memref_slice %arg6[%dma_wait3A_539, %dma_wait3A_546] : memref<160x125xi32, #tpu.memory_space<vmem>> -> memref<1x125xi32, #tpu.memory_space<vmem>>
      %dma_wait3A_548 = tpu.memref_squeeze %dma_wait3A_547 : memref<1x125xi32, #tpu.memory_space<vmem>> -> memref<125xi32, #tpu.memory_space<vmem>>
      %dma_wait3A_549 = arith.constant 0 : i32
      %dma_wait3A_550 = arith.constant 0 : i32
      %dma_wait3A_551 = tpu.memref_slice %arg2[%dma_wait3A_549, %dma_wait3A_550] : memref<20000x64xf32, #tpu.memory_space<hbm>> -> memref<20000x64xf32, #tpu.memory_space<hbm>>
      %dma_wait3A_552 = tpu.memref_slice %arg11[%dma_wait3A_541] : memref<5x!tpu.dma_semaphore, #tpu.memory_space<semaphore_mem>> -> memref<1x!tpu.dma_semaphore, #tpu.memory_space<semaphore_mem>>
      %dma_wait3A_553 = tpu.memref_squeeze %dma_wait3A_552 : memref<1x!tpu.dma_semaphore, #tpu.memory_space<semaphore_mem>> -> memref<!tpu.dma_semaphore, #tpu.memory_space<semaphore_mem>>
      tpu.wait_indirect_dma semaphore(%dma_wait3A_553 : memref<!tpu.dma_semaphore, #tpu.memory_space<semaphore_mem>>) src(%dma_wait3A_551 : memref<20000x64xf32, #tpu.memory_space<hbm>>) dst(%dma_wait3A_545 : memref<125x64xf32, #tpu.memory_space<vmem>>)
      %dma_start3A_554 = arith.constant 3 : i32
      %dma_start3A_555 = arith.constant 3 : i32
      %dma_start3A_556 = arith.constant 0 : i32
      %dma_start3A_557 = arith.constant 0 : i32
      %dma_start3A_558 = tpu.memref_slice %arg8[%dma_start3A_554, %dma_start3A_556, %dma_start3A_557] : memref<5x125x64xf32, #tpu.memory_space<vmem>> -> memref<1x125x64xf32, #tpu.memory_space<vmem>>
      %dma_start3A_559 = tpu.memref_squeeze %dma_start3A_558 : memref<1x125x64xf32, #tpu.memory_space<vmem>> -> memref<125x64xf32, #tpu.memory_space<vmem>>
      %dma_start3A_560 = arith.constant 0 : i32
      %dma_start3A_561 = tpu.memref_slice %arg7[%add3A_505, %dma_start3A_560] : memref<160x125xi32, #tpu.memory_space<vmem>> -> memref<1x125xi32, #tpu.memory_space<vmem>>
      %dma_start3A_562 = tpu.memref_squeeze %dma_start3A_561 : memref<1x125xi32, #tpu.memory_space<vmem>> -> memref<125xi32, #tpu.memory_space<vmem>>
      %dma_start3A_563 = arith.constant 0 : i32
      %dma_start3A_564 = arith.constant 0 : i32
      %dma_start3A_565 = tpu.memref_slice %arg10[%dma_start3A_563, %dma_start3A_564] : memref<10000x64xf32, #tpu.memory_space<vmem_shared>> -> memref<10000x64xf32, #tpu.memory_space<vmem_shared>>
      %dma_start3A_566 = tpu.memref_slice %arg12[%dma_start3A_555] : memref<5x!tpu.dma_semaphore, #tpu.memory_space<semaphore_mem>> -> memref<1x!tpu.dma_semaphore, #tpu.memory_space<semaphore_mem>>
      %dma_start3A_567 = tpu.memref_squeeze %dma_start3A_566 : memref<1x!tpu.dma_semaphore, #tpu.memory_space<semaphore_mem>> -> memref<!tpu.dma_semaphore, #tpu.memory_space<semaphore_mem>>
      tpu.enqueue_indirect_dma source(%dma_start3A_559 : memref<125x64xf32, #tpu.memory_space<vmem>>) target(%dma_start3A_565 : memref<10000x64xf32, #tpu.memory_space<vmem_shared>>) offsets(%dma_start3A_562 : memref<125xi32, #tpu.memory_space<vmem>>) semaphore(%dma_start3A_567 : memref<!tpu.dma_semaphore, #tpu.memory_space<semaphore_mem>>) {add = true}
      %add3A_568 = arith.constant 3 : i32
      %add3A_569 = arith.addi %add3A_376, %add3A_568 : i32
      %dma_wait3A_570 = arith.constant 0 : i32
      %dma_wait3A_571 = arith.constant 3 : i32
      %dma_wait3A_572 = arith.constant 3 : i32
      %dma_wait3A_573 = arith.constant 0 : i32
      %dma_wait3A_574 = arith.constant 0 : i32
      %dma_wait3A_575 = tpu.memref_slice %arg8[%dma_wait3A_571, %dma_wait3A_573, %dma_wait3A_574] : memref<5x125x64xf32, #tpu.memory_space<vmem>> -> memref<1x125x64xf32, #tpu.memory_space<vmem>>
      %dma_wait3A_576 = tpu.memref_squeeze %dma_wait3A_575 : memref<1x125x64xf32, #tpu.memory_space<vmem>> -> memref<125x64xf32, #tpu.memory_space<vmem>>
      %dma_wait3A_577 = arith.constant 0 : i32
      %dma_wait3A_578 = tpu.memref_slice %arg6[%dma_wait3A_570, %dma_wait3A_577] : memref<160x125xi32, #tpu.memory_space<vmem>> -> memref<1x125xi32, #tpu.memory_space<vmem>>
      %dma_wait3A_579 = tpu.memref_squeeze %dma_wait3A_578 : memref<1x125xi32, #tpu.memory_space<vmem>> -> memref<125xi32, #tpu.memory_space<vmem>>
      %dma_wait3A_580 = arith.constant 0 : i32
      %dma_wait3A_581 = arith.constant 0 : i32
      %dma_wait3A_582 = tpu.memref_slice %arg2[%dma_wait3A_580, %dma_wait3A_581] : memref<20000x64xf32, #tpu.memory_space<hbm>> -> memref<20000x64xf32, #tpu.memory_space<hbm>>
      %dma_wait3A_583 = tpu.memref_slice %arg12[%dma_wait3A_572] : memref<5x!tpu.dma_semaphore, #tpu.memory_space<semaphore_mem>> -> memref<1x!tpu.dma_semaphore, #tpu.memory_space<semaphore_mem>>
      %dma_wait3A_584 = tpu.memref_squeeze %dma_wait3A_583 : memref<1x!tpu.dma_semaphore, #tpu.memory_space<semaphore_mem>> -> memref<!tpu.dma_semaphore, #tpu.memory_space<semaphore_mem>>
      tpu.wait_indirect_dma semaphore(%dma_wait3A_584 : memref<!tpu.dma_semaphore, #tpu.memory_space<semaphore_mem>>) src(%dma_wait3A_582 : memref<20000x64xf32, #tpu.memory_space<hbm>>) dst(%dma_wait3A_576 : memref<125x64xf32, #tpu.memory_space<vmem>>)
      %add3A_585 = arith.constant 5 : i32
      %add3A_586 = arith.addi %add3A_569, %add3A_585 : i32
      %sub3A_587 = arith.constant 1 : i32
      %sub3A_588 = arith.subi %add3A_586, %sub3A_587 : i32
      %dma_start3A_589 = arith.constant 3 : i32
      %dma_start3A_590 = arith.constant 3 : i32
      %dma_start3A_591 = arith.constant 0 : i32
      %dma_start3A_592 = arith.constant 0 : i32
      %dma_start3A_593 = tpu.memref_slice %arg8[%dma_start3A_589, %dma_start3A_591, %dma_start3A_592] : memref<5x125x64xf32, #tpu.memory_space<vmem>> -> memref<1x125x64xf32, #tpu.memory_space<vmem>>
      %dma_start3A_594 = tpu.memref_squeeze %dma_start3A_593 : memref<1x125x64xf32, #tpu.memory_space<vmem>> -> memref<125x64xf32, #tpu.memory_space<vmem>>
      %dma_start3A_595 = arith.constant 0 : i32
      %dma_start3A_596 = tpu.memref_slice %arg6[%sub3A_588, %dma_start3A_595] : memref<160x125xi32, #tpu.memory_space<vmem>> -> memref<1x125xi32, #tpu.memory_space<vmem>>
      %dma_start3A_597 = tpu.memref_squeeze %dma_start3A_596 : memref<1x125xi32, #tpu.memory_space<vmem>> -> memref<125xi32, #tpu.memory_space<vmem>>
      %dma_start3A_598 = arith.constant 0 : i32
      %dma_start3A_599 = arith.constant 0 : i32
      %dma_start3A_600 = tpu.memref_slice %arg2[%dma_start3A_598, %dma_start3A_599] : memref<20000x64xf32, #tpu.memory_space<hbm>> -> memref<20000x64xf32, #tpu.memory_space<hbm>>
      %dma_start3A_601 = tpu.memref_slice %arg11[%dma_start3A_590] : memref<5x!tpu.dma_semaphore, #tpu.memory_space<semaphore_mem>> -> memref<1x!tpu.dma_semaphore, #tpu.memory_space<semaphore_mem>>
      %dma_start3A_602 = tpu.memref_squeeze %dma_start3A_601 : memref<1x!tpu.dma_semaphore, #tpu.memory_space<semaphore_mem>> -> memref<!tpu.dma_semaphore, #tpu.memory_space<semaphore_mem>>
      tpu.enqueue_indirect_dma source(%dma_start3A_600 : memref<20000x64xf32, #tpu.memory_space<hbm>>) target(%dma_start3A_594 : memref<125x64xf32, #tpu.memory_space<vmem>>) offsets(%dma_start3A_597 : memref<125xi32, #tpu.memory_space<vmem>>) semaphore(%dma_start3A_602 : memref<!tpu.dma_semaphore, #tpu.memory_space<semaphore_mem>>)
      %dma_wait3A_603 = arith.constant 0 : i32
      %dma_wait3A_604 = arith.constant 4 : i32
      %dma_wait3A_605 = arith.constant 4 : i32
      %dma_wait3A_606 = arith.constant 0 : i32
      %dma_wait3A_607 = arith.constant 0 : i32
      %dma_wait3A_608 = tpu.memref_slice %arg8[%dma_wait3A_604, %dma_wait3A_606, %dma_wait3A_607] : memref<5x125x64xf32, #tpu.memory_space<vmem>> -> memref<1x125x64xf32, #tpu.memory_space<vmem>>
      %dma_wait3A_609 = tpu.memref_squeeze %dma_wait3A_608 : memref<1x125x64xf32, #tpu.memory_space<vmem>> -> memref<125x64xf32, #tpu.memory_space<vmem>>
      %dma_wait3A_610 = arith.constant 0 : i32
      %dma_wait3A_611 = tpu.memref_slice %arg6[%dma_wait3A_603, %dma_wait3A_610] : memref<160x125xi32, #tpu.memory_space<vmem>> -> memref<1x125xi32, #tpu.memory_space<vmem>>
      %dma_wait3A_612 = tpu.memref_squeeze %dma_wait3A_611 : memref<1x125xi32, #tpu.memory_space<vmem>> -> memref<125xi32, #tpu.memory_space<vmem>>
      %dma_wait3A_613 = arith.constant 0 : i32
      %dma_wait3A_614 = arith.constant 0 : i32
      %dma_wait3A_615 = tpu.memref_slice %arg2[%dma_wait3A_613, %dma_wait3A_614] : memref<20000x64xf32, #tpu.memory_space<hbm>> -> memref<20000x64xf32, #tpu.memory_space<hbm>>
      %dma_wait3A_616 = tpu.memref_slice %arg11[%dma_wait3A_605] : memref<5x!tpu.dma_semaphore, #tpu.memory_space<semaphore_mem>> -> memref<1x!tpu.dma_semaphore, #tpu.memory_space<semaphore_mem>>
      %dma_wait3A_617 = tpu.memref_squeeze %dma_wait3A_616 : memref<1x!tpu.dma_semaphore, #tpu.memory_space<semaphore_mem>> -> memref<!tpu.dma_semaphore, #tpu.memory_space<semaphore_mem>>
      tpu.wait_indirect_dma semaphore(%dma_wait3A_617 : memref<!tpu.dma_semaphore, #tpu.memory_space<semaphore_mem>>) src(%dma_wait3A_615 : memref<20000x64xf32, #tpu.memory_space<hbm>>) dst(%dma_wait3A_609 : memref<125x64xf32, #tpu.memory_space<vmem>>)
      %dma_start3A_618 = arith.constant 4 : i32
      %dma_start3A_619 = arith.constant 4 : i32
      %dma_start3A_620 = arith.constant 0 : i32
      %dma_start3A_621 = arith.constant 0 : i32
      %dma_start3A_622 = tpu.memref_slice %arg8[%dma_start3A_618, %dma_start3A_620, %dma_start3A_621] : memref<5x125x64xf32, #tpu.memory_space<vmem>> -> memref<1x125x64xf32, #tpu.memory_space<vmem>>
      %dma_start3A_623 = tpu.memref_squeeze %dma_start3A_622 : memref<1x125x64xf32, #tpu.memory_space<vmem>> -> memref<125x64xf32, #tpu.memory_space<vmem>>
      %dma_start3A_624 = arith.constant 0 : i32
      %dma_start3A_625 = tpu.memref_slice %arg7[%add3A_569, %dma_start3A_624] : memref<160x125xi32, #tpu.memory_space<vmem>> -> memref<1x125xi32, #tpu.memory_space<vmem>>
      %dma_start3A_626 = tpu.memref_squeeze %dma_start3A_625 : memref<1x125xi32, #tpu.memory_space<vmem>> -> memref<125xi32, #tpu.memory_space<vmem>>
      %dma_start3A_627 = arith.constant 0 : i32
      %dma_start3A_628 = arith.constant 0 : i32
      %dma_start3A_629 = tpu.memref_slice %arg10[%dma_start3A_627, %dma_start3A_628] : memref<10000x64xf32, #tpu.memory_space<vmem_shared>> -> memref<10000x64xf32, #tpu.memory_space<vmem_shared>>
      %dma_start3A_630 = tpu.memref_slice %arg12[%dma_start3A_619] : memref<5x!tpu.dma_semaphore, #tpu.memory_space<semaphore_mem>> -> memref<1x!tpu.dma_semaphore, #tpu.memory_space<semaphore_mem>>
      %dma_start3A_631 = tpu.memref_squeeze %dma_start3A_630 : memref<1x!tpu.dma_semaphore, #tpu.memory_space<semaphore_mem>> -> memref<!tpu.dma_semaphore, #tpu.memory_space<semaphore_mem>>
      tpu.enqueue_indirect_dma source(%dma_start3A_623 : memref<125x64xf32, #tpu.memory_space<vmem>>) target(%dma_start3A_629 : memref<10000x64xf32, #tpu.memory_space<vmem_shared>>) offsets(%dma_start3A_626 : memref<125xi32, #tpu.memory_space<vmem>>) semaphore(%dma_start3A_631 : memref<!tpu.dma_semaphore, #tpu.memory_space<semaphore_mem>>) {add = true}
      %add3A_632 = arith.constant 4 : i32
      %add3A_633 = arith.addi %add3A_376, %add3A_632 : i32
      %dma_wait3A_634 = arith.constant 0 : i32
      %dma_wait3A_635 = arith.constant 4 : i32
      %dma_wait3A_636 = arith.constant 4 : i32
      %dma_wait3A_637 = arith.constant 0 : i32
      %dma_wait3A_638 = arith.constant 0 : i32
      %dma_wait3A_639 = tpu.memref_slice %arg8[%dma_wait3A_635, %dma_wait3A_637, %dma_wait3A_638] : memref<5x125x64xf32, #tpu.memory_space<vmem>> -> memref<1x125x64xf32, #tpu.memory_space<vmem>>
      %dma_wait3A_640 = tpu.memref_squeeze %dma_wait3A_639 : memref<1x125x64xf32, #tpu.memory_space<vmem>> -> memref<125x64xf32, #tpu.memory_space<vmem>>
      %dma_wait3A_641 = arith.constant 0 : i32
      %dma_wait3A_642 = tpu.memref_slice %arg6[%dma_wait3A_634, %dma_wait3A_641] : memref<160x125xi32, #tpu.memory_space<vmem>> -> memref<1x125xi32, #tpu.memory_space<vmem>>
      %dma_wait3A_643 = tpu.memref_squeeze %dma_wait3A_642 : memref<1x125xi32, #tpu.memory_space<vmem>> -> memref<125xi32, #tpu.memory_space<vmem>>
      %dma_wait3A_644 = arith.constant 0 : i32
      %dma_wait3A_645 = arith.constant 0 : i32
      %dma_wait3A_646 = tpu.memref_slice %arg2[%dma_wait3A_644, %dma_wait3A_645] : memref<20000x64xf32, #tpu.memory_space<hbm>> -> memref<20000x64xf32, #tpu.memory_space<hbm>>
      %dma_wait3A_647 = tpu.memref_slice %arg12[%dma_wait3A_636] : memref<5x!tpu.dma_semaphore, #tpu.memory_space<semaphore_mem>> -> memref<1x!tpu.dma_semaphore, #tpu.memory_space<semaphore_mem>>
      %dma_wait3A_648 = tpu.memref_squeeze %dma_wait3A_647 : memref<1x!tpu.dma_semaphore, #tpu.memory_space<semaphore_mem>> -> memref<!tpu.dma_semaphore, #tpu.memory_space<semaphore_mem>>
      tpu.wait_indirect_dma semaphore(%dma_wait3A_648 : memref<!tpu.dma_semaphore, #tpu.memory_space<semaphore_mem>>) src(%dma_wait3A_646 : memref<20000x64xf32, #tpu.memory_space<hbm>>) dst(%dma_wait3A_640 : memref<125x64xf32, #tpu.memory_space<vmem>>)
      %add3A_649 = arith.constant 5 : i32
      %add3A_650 = arith.addi %add3A_633, %add3A_649 : i32
      %sub3A_651 = arith.constant 1 : i32
      %sub3A_652 = arith.subi %add3A_650, %sub3A_651 : i32
      %dma_start3A_653 = arith.constant 4 : i32
      %dma_start3A_654 = arith.constant 4 : i32
      %dma_start3A_655 = arith.constant 0 : i32
      %dma_start3A_656 = arith.constant 0 : i32
      %dma_start3A_657 = tpu.memref_slice %arg8[%dma_start3A_653, %dma_start3A_655, %dma_start3A_656] : memref<5x125x64xf32, #tpu.memory_space<vmem>> -> memref<1x125x64xf32, #tpu.memory_space<vmem>>
      %dma_start3A_658 = tpu.memref_squeeze %dma_start3A_657 : memref<1x125x64xf32, #tpu.memory_space<vmem>> -> memref<125x64xf32, #tpu.memory_space<vmem>>
      %dma_start3A_659 = arith.constant 0 : i32
      %dma_start3A_660 = tpu.memref_slice %arg6[%sub3A_652, %dma_start3A_659] : memref<160x125xi32, #tpu.memory_space<vmem>> -> memref<1x125xi32, #tpu.memory_space<vmem>>
      %dma_start3A_661 = tpu.memref_squeeze %dma_start3A_660 : memref<1x125xi32, #tpu.memory_space<vmem>> -> memref<125xi32, #tpu.memory_space<vmem>>
      %dma_start3A_662 = arith.constant 0 : i32
      %dma_start3A_663 = arith.constant 0 : i32
      %dma_start3A_664 = tpu.memref_slice %arg2[%dma_start3A_662, %dma_start3A_663] : memref<20000x64xf32, #tpu.memory_space<hbm>> -> memref<20000x64xf32, #tpu.memory_space<hbm>>
      %dma_start3A_665 = tpu.memref_slice %arg11[%dma_start3A_654] : memref<5x!tpu.dma_semaphore, #tpu.memory_space<semaphore_mem>> -> memref<1x!tpu.dma_semaphore, #tpu.memory_space<semaphore_mem>>
      %dma_start3A_666 = tpu.memref_squeeze %dma_start3A_665 : memref<1x!tpu.dma_semaphore, #tpu.memory_space<semaphore_mem>> -> memref<!tpu.dma_semaphore, #tpu.memory_space<semaphore_mem>>
      tpu.enqueue_indirect_dma source(%dma_start3A_664 : memref<20000x64xf32, #tpu.memory_space<hbm>>) target(%dma_start3A_658 : memref<125x64xf32, #tpu.memory_space<vmem>>) offsets(%dma_start3A_661 : memref<125xi32, #tpu.memory_space<vmem>>) semaphore(%dma_start3A_666 : memref<!tpu.dma_semaphore, #tpu.memory_space<semaphore_mem>>)
      %dma_wait3A_667 = arith.constant 0 : i32
      %dma_wait3A_668 = arith.constant 0 : i32
      %dma_wait3A_669 = arith.constant 0 : i32
      %dma_wait3A_670 = arith.constant 0 : i32
      %dma_wait3A_671 = arith.constant 0 : i32
      %dma_wait3A_672 = tpu.memref_slice %arg8[%dma_wait3A_668, %dma_wait3A_670, %dma_wait3A_671] : memref<5x125x64xf32, #tpu.memory_space<vmem>> -> memref<1x125x64xf32, #tpu.memory_space<vmem>>
      %dma_wait3A_673 = tpu.memref_squeeze %dma_wait3A_672 : memref<1x125x64xf32, #tpu.memory_space<vmem>> -> memref<125x64xf32, #tpu.memory_space<vmem>>
      %dma_wait3A_674 = arith.constant 0 : i32
      %dma_wait3A_675 = tpu.memref_slice %arg6[%dma_wait3A_667, %dma_wait3A_674] : memref<160x125xi32, #tpu.memory_space<vmem>> -> memref<1x125xi32, #tpu.memory_space<vmem>>
      %dma_wait3A_676 = tpu.memref_squeeze %dma_wait3A_675 : memref<1x125xi32, #tpu.memory_space<vmem>> -> memref<125xi32, #tpu.memory_space<vmem>>
      %dma_wait3A_677 = arith.constant 0 : i32
      %dma_wait3A_678 = arith.constant 0 : i32
      %dma_wait3A_679 = tpu.memref_slice %arg2[%dma_wait3A_677, %dma_wait3A_678] : memref<20000x64xf32, #tpu.memory_space<hbm>> -> memref<20000x64xf32, #tpu.memory_space<hbm>>
      %dma_wait3A_680 = tpu.memref_slice %arg11[%dma_wait3A_669] : memref<5x!tpu.dma_semaphore, #tpu.memory_space<semaphore_mem>> -> memref<1x!tpu.dma_semaphore, #tpu.memory_space<semaphore_mem>>
      %dma_wait3A_681 = tpu.memref_squeeze %dma_wait3A_680 : memref<1x!tpu.dma_semaphore, #tpu.memory_space<semaphore_mem>> -> memref<!tpu.dma_semaphore, #tpu.memory_space<semaphore_mem>>
      tpu.wait_indirect_dma semaphore(%dma_wait3A_681 : memref<!tpu.dma_semaphore, #tpu.memory_space<semaphore_mem>>) src(%dma_wait3A_679 : memref<20000x64xf32, #tpu.memory_space<hbm>>) dst(%dma_wait3A_673 : memref<125x64xf32, #tpu.memory_space<vmem>>)
      %dma_start3A_682 = arith.constant 0 : i32
      %dma_start3A_683 = arith.constant 0 : i32
      %dma_start3A_684 = arith.constant 0 : i32
      %dma_start3A_685 = arith.constant 0 : i32
      %dma_start3A_686 = tpu.memref_slice %arg8[%dma_start3A_682, %dma_start3A_684, %dma_start3A_685] : memref<5x125x64xf32, #tpu.memory_space<vmem>> -> memref<1x125x64xf32, #tpu.memory_space<vmem>>
      %dma_start3A_687 = tpu.memref_squeeze %dma_start3A_686 : memref<1x125x64xf32, #tpu.memory_space<vmem>> -> memref<125x64xf32, #tpu.memory_space<vmem>>
      %dma_start3A_688 = arith.constant 0 : i32
      %dma_start3A_689 = tpu.memref_slice %arg7[%add3A_633, %dma_start3A_688] : memref<160x125xi32, #tpu.memory_space<vmem>> -> memref<1x125xi32, #tpu.memory_space<vmem>>
      %dma_start3A_690 = tpu.memref_squeeze %dma_start3A_689 : memref<1x125xi32, #tpu.memory_space<vmem>> -> memref<125xi32, #tpu.memory_space<vmem>>
      %dma_start3A_691 = arith.constant 0 : i32
      %dma_start3A_692 = arith.constant 0 : i32
      %dma_start3A_693 = tpu.memref_slice %arg10[%dma_start3A_691, %dma_start3A_692] : memref<10000x64xf32, #tpu.memory_space<vmem_shared>> -> memref<10000x64xf32, #tpu.memory_space<vmem_shared>>
      %dma_start3A_694 = tpu.memref_slice %arg12[%dma_start3A_683] : memref<5x!tpu.dma_semaphore, #tpu.memory_space<semaphore_mem>> -> memref<1x!tpu.dma_semaphore, #tpu.memory_space<semaphore_mem>>
      %dma_start3A_695 = tpu.memref_squeeze %dma_start3A_694 : memref<1x!tpu.dma_semaphore, #tpu.memory_space<semaphore_mem>> -> memref<!tpu.dma_semaphore, #tpu.memory_space<semaphore_mem>>
      tpu.enqueue_indirect_dma source(%dma_start3A_687 : memref<125x64xf32, #tpu.memory_space<vmem>>) target(%dma_start3A_693 : memref<10000x64xf32, #tpu.memory_space<vmem_shared>>) offsets(%dma_start3A_690 : memref<125xi32, #tpu.memory_space<vmem>>) semaphore(%dma_start3A_695 : memref<!tpu.dma_semaphore, #tpu.memory_space<semaphore_mem>>) {add = true}
    }
    %scan3A_170 = arith.constant 31 : i32
    %dma_wait3A_171 = arith.constant 0 : i32
    %dma_wait3A_172 = arith.constant 1 : i32
    %dma_wait3A_173 = arith.constant 1 : i32
    %dma_wait3A_174 = arith.constant 0 : i32
    %dma_wait3A_175 = arith.constant 0 : i32
    %dma_wait3A_176 = tpu.memref_slice %arg8[%dma_wait3A_172, %dma_wait3A_174, %dma_wait3A_175] : memref<5x125x64xf32, #tpu.memory_space<vmem>> -> memref<1x125x64xf32, #tpu.memory_space<vmem>>
    %dma_wait3A_177 = tpu.memref_squeeze %dma_wait3A_176 : memref<1x125x64xf32, #tpu.memory_space<vmem>> -> memref<125x64xf32, #tpu.memory_space<vmem>>
    %dma_wait3A_178 = arith.constant 0 : i32
    %dma_wait3A_179 = tpu.memref_slice %arg6[%dma_wait3A_171, %dma_wait3A_178] : memref<160x125xi32, #tpu.memory_space<vmem>> -> memref<1x125xi32, #tpu.memory_space<vmem>>
    %dma_wait3A_180 = tpu.memref_squeeze %dma_wait3A_179 : memref<1x125xi32, #tpu.memory_space<vmem>> -> memref<125xi32, #tpu.memory_space<vmem>>
    %dma_wait3A_181 = arith.constant 0 : i32
    %dma_wait3A_182 = arith.constant 0 : i32
    %dma_wait3A_183 = tpu.memref_slice %arg2[%dma_wait3A_181, %dma_wait3A_182] : memref<20000x64xf32, #tpu.memory_space<hbm>> -> memref<20000x64xf32, #tpu.memory_space<hbm>>
    %dma_wait3A_184 = tpu.memref_slice %arg11[%dma_wait3A_173] : memref<5x!tpu.dma_semaphore, #tpu.memory_space<semaphore_mem>> -> memref<1x!tpu.dma_semaphore, #tpu.memory_space<semaphore_mem>>
    %dma_wait3A_185 = tpu.memref_squeeze %dma_wait3A_184 : memref<1x!tpu.dma_semaphore, #tpu.memory_space<semaphore_mem>> -> memref<!tpu.dma_semaphore, #tpu.memory_space<semaphore_mem>>
    tpu.wait_indirect_dma semaphore(%dma_wait3A_185 : memref<!tpu.dma_semaphore, #tpu.memory_space<semaphore_mem>>) src(%dma_wait3A_183 : memref<20000x64xf32, #tpu.memory_space<hbm>>) dst(%dma_wait3A_177 : memref<125x64xf32, #tpu.memory_space<vmem>>)
    %dma_start3A_186 = arith.constant 1 : i32
    %dma_start3A_187 = arith.constant 156 : i32
    %dma_start3A_188 = arith.constant 1 : i32
    %dma_start3A_189 = arith.constant 0 : i32
    %dma_start3A_190 = arith.constant 0 : i32
    %dma_start3A_191 = tpu.memref_slice %arg8[%dma_start3A_186, %dma_start3A_189, %dma_start3A_190] : memref<5x125x64xf32, #tpu.memory_space<vmem>> -> memref<1x125x64xf32, #tpu.memory_space<vmem>>
    %dma_start3A_192 = tpu.memref_squeeze %dma_start3A_191 : memref<1x125x64xf32, #tpu.memory_space<vmem>> -> memref<125x64xf32, #tpu.memory_space<vmem>>
    %dma_start3A_193 = arith.constant 0 : i32
    %dma_start3A_194 = tpu.memref_slice %arg7[%dma_start3A_187, %dma_start3A_193] : memref<160x125xi32, #tpu.memory_space<vmem>> -> memref<1x125xi32, #tpu.memory_space<vmem>>
    %dma_start3A_195 = tpu.memref_squeeze %dma_start3A_194 : memref<1x125xi32, #tpu.memory_space<vmem>> -> memref<125xi32, #tpu.memory_space<vmem>>
    %dma_start3A_196 = arith.constant 0 : i32
    %dma_start3A_197 = arith.constant 0 : i32
    %dma_start3A_198 = tpu.memref_slice %arg10[%dma_start3A_196, %dma_start3A_197] : memref<10000x64xf32, #tpu.memory_space<vmem_shared>> -> memref<10000x64xf32, #tpu.memory_space<vmem_shared>>
    %dma_start3A_199 = tpu.memref_slice %arg12[%dma_start3A_188] : memref<5x!tpu.dma_semaphore, #tpu.memory_space<semaphore_mem>> -> memref<1x!tpu.dma_semaphore, #tpu.memory_space<semaphore_mem>>
    %dma_start3A_200 = tpu.memref_squeeze %dma_start3A_199 : memref<1x!tpu.dma_semaphore, #tpu.memory_space<semaphore_mem>> -> memref<!tpu.dma_semaphore, #tpu.memory_space<semaphore_mem>>
    tpu.enqueue_indirect_dma source(%dma_start3A_192 : memref<125x64xf32, #tpu.memory_space<vmem>>) target(%dma_start3A_198 : memref<10000x64xf32, #tpu.memory_space<vmem_shared>>) offsets(%dma_start3A_195 : memref<125xi32, #tpu.memory_space<vmem>>) semaphore(%dma_start3A_200 : memref<!tpu.dma_semaphore, #tpu.memory_space<semaphore_mem>>) {add = true}
    %dma_wait3A_201 = arith.constant 0 : i32
    %dma_wait3A_202 = arith.constant 2 : i32
    %dma_wait3A_203 = arith.constant 2 : i32
    %dma_wait3A_204 = arith.constant 0 : i32
    %dma_wait3A_205 = arith.constant 0 : i32
    %dma_wait3A_206 = tpu.memref_slice %arg8[%dma_wait3A_202, %dma_wait3A_204, %dma_wait3A_205] : memref<5x125x64xf32, #tpu.memory_space<vmem>> -> memref<1x125x64xf32, #tpu.memory_space<vmem>>
    %dma_wait3A_207 = tpu.memref_squeeze %dma_wait3A_206 : memref<1x125x64xf32, #tpu.memory_space<vmem>> -> memref<125x64xf32, #tpu.memory_space<vmem>>
    %dma_wait3A_208 = arith.constant 0 : i32
    %dma_wait3A_209 = tpu.memref_slice %arg6[%dma_wait3A_201, %dma_wait3A_208] : memref<160x125xi32, #tpu.memory_space<vmem>> -> memref<1x125xi32, #tpu.memory_space<vmem>>
    %dma_wait3A_210 = tpu.memref_squeeze %dma_wait3A_209 : memref<1x125xi32, #tpu.memory_space<vmem>> -> memref<125xi32, #tpu.memory_space<vmem>>
    %dma_wait3A_211 = arith.constant 0 : i32
    %dma_wait3A_212 = arith.constant 0 : i32
    %dma_wait3A_213 = tpu.memref_slice %arg2[%dma_wait3A_211, %dma_wait3A_212] : memref<20000x64xf32, #tpu.memory_space<hbm>> -> memref<20000x64xf32, #tpu.memory_space<hbm>>
    %dma_wait3A_214 = tpu.memref_slice %arg11[%dma_wait3A_203] : memref<5x!tpu.dma_semaphore, #tpu.memory_space<semaphore_mem>> -> memref<1x!tpu.dma_semaphore, #tpu.memory_space<semaphore_mem>>
    %dma_wait3A_215 = tpu.memref_squeeze %dma_wait3A_214 : memref<1x!tpu.dma_semaphore, #tpu.memory_space<semaphore_mem>> -> memref<!tpu.dma_semaphore, #tpu.memory_space<semaphore_mem>>
    tpu.wait_indirect_dma semaphore(%dma_wait3A_215 : memref<!tpu.dma_semaphore, #tpu.memory_space<semaphore_mem>>) src(%dma_wait3A_213 : memref<20000x64xf32, #tpu.memory_space<hbm>>) dst(%dma_wait3A_207 : memref<125x64xf32, #tpu.memory_space<vmem>>)
    %dma_start3A_216 = arith.constant 2 : i32
    %dma_start3A_217 = arith.constant 157 : i32
    %dma_start3A_218 = arith.constant 2 : i32
    %dma_start3A_219 = arith.constant 0 : i32
    %dma_start3A_220 = arith.constant 0 : i32
    %dma_start3A_221 = tpu.memref_slice %arg8[%dma_start3A_216, %dma_start3A_219, %dma_start3A_220] : memref<5x125x64xf32, #tpu.memory_space<vmem>> -> memref<1x125x64xf32, #tpu.memory_space<vmem>>
    %dma_start3A_222 = tpu.memref_squeeze %dma_start3A_221 : memref<1x125x64xf32, #tpu.memory_space<vmem>> -> memref<125x64xf32, #tpu.memory_space<vmem>>
    %dma_start3A_223 = arith.constant 0 : i32
    %dma_start3A_224 = tpu.memref_slice %arg7[%dma_start3A_217, %dma_start3A_223] : memref<160x125xi32, #tpu.memory_space<vmem>> -> memref<1x125xi32, #tpu.memory_space<vmem>>
    %dma_start3A_225 = tpu.memref_squeeze %dma_start3A_224 : memref<1x125xi32, #tpu.memory_space<vmem>> -> memref<125xi32, #tpu.memory_space<vmem>>
    %dma_start3A_226 = arith.constant 0 : i32
    %dma_start3A_227 = arith.constant 0 : i32
    %dma_start3A_228 = tpu.memref_slice %arg10[%dma_start3A_226, %dma_start3A_227] : memref<10000x64xf32, #tpu.memory_space<vmem_shared>> -> memref<10000x64xf32, #tpu.memory_space<vmem_shared>>
    %dma_start3A_229 = tpu.memref_slice %arg12[%dma_start3A_218] : memref<5x!tpu.dma_semaphore, #tpu.memory_space<semaphore_mem>> -> memref<1x!tpu.dma_semaphore, #tpu.memory_space<semaphore_mem>>
    %dma_start3A_230 = tpu.memref_squeeze %dma_start3A_229 : memref<1x!tpu.dma_semaphore, #tpu.memory_space<semaphore_mem>> -> memref<!tpu.dma_semaphore, #tpu.memory_space<semaphore_mem>>
    tpu.enqueue_indirect_dma source(%dma_start3A_222 : memref<125x64xf32, #tpu.memory_space<vmem>>) target(%dma_start3A_228 : memref<10000x64xf32, #tpu.memory_space<vmem_shared>>) offsets(%dma_start3A_225 : memref<125xi32, #tpu.memory_space<vmem>>) semaphore(%dma_start3A_230 : memref<!tpu.dma_semaphore, #tpu.memory_space<semaphore_mem>>) {add = true}
    %dma_wait3A_231 = arith.constant 0 : i32
    %dma_wait3A_232 = arith.constant 3 : i32
    %dma_wait3A_233 = arith.constant 3 : i32
    %dma_wait3A_234 = arith.constant 0 : i32
    %dma_wait3A_235 = arith.constant 0 : i32
    %dma_wait3A_236 = tpu.memref_slice %arg8[%dma_wait3A_232, %dma_wait3A_234, %dma_wait3A_235] : memref<5x125x64xf32, #tpu.memory_space<vmem>> -> memref<1x125x64xf32, #tpu.memory_space<vmem>>
    %dma_wait3A_237 = tpu.memref_squeeze %dma_wait3A_236 : memref<1x125x64xf32, #tpu.memory_space<vmem>> -> memref<125x64xf32, #tpu.memory_space<vmem>>
    %dma_wait3A_238 = arith.constant 0 : i32
    %dma_wait3A_239 = tpu.memref_slice %arg6[%dma_wait3A_231, %dma_wait3A_238] : memref<160x125xi32, #tpu.memory_space<vmem>> -> memref<1x125xi32, #tpu.memory_space<vmem>>
    %dma_wait3A_240 = tpu.memref_squeeze %dma_wait3A_239 : memref<1x125xi32, #tpu.memory_space<vmem>> -> memref<125xi32, #tpu.memory_space<vmem>>
    %dma_wait3A_241 = arith.constant 0 : i32
    %dma_wait3A_242 = arith.constant 0 : i32
    %dma_wait3A_243 = tpu.memref_slice %arg2[%dma_wait3A_241, %dma_wait3A_242] : memref<20000x64xf32, #tpu.memory_space<hbm>> -> memref<20000x64xf32, #tpu.memory_space<hbm>>
    %dma_wait3A_244 = tpu.memref_slice %arg11[%dma_wait3A_233] : memref<5x!tpu.dma_semaphore, #tpu.memory_space<semaphore_mem>> -> memref<1x!tpu.dma_semaphore, #tpu.memory_space<semaphore_mem>>
    %dma_wait3A_245 = tpu.memref_squeeze %dma_wait3A_244 : memref<1x!tpu.dma_semaphore, #tpu.memory_space<semaphore_mem>> -> memref<!tpu.dma_semaphore, #tpu.memory_space<semaphore_mem>>
    tpu.wait_indirect_dma semaphore(%dma_wait3A_245 : memref<!tpu.dma_semaphore, #tpu.memory_space<semaphore_mem>>) src(%dma_wait3A_243 : memref<20000x64xf32, #tpu.memory_space<hbm>>) dst(%dma_wait3A_237 : memref<125x64xf32, #tpu.memory_space<vmem>>)
    %dma_start3A_246 = arith.constant 3 : i32
    %dma_start3A_247 = arith.constant 158 : i32
    %dma_start3A_248 = arith.constant 3 : i32
    %dma_start3A_249 = arith.constant 0 : i32
    %dma_start3A_250 = arith.constant 0 : i32
    %dma_start3A_251 = tpu.memref_slice %arg8[%dma_start3A_246, %dma_start3A_249, %dma_start3A_250] : memref<5x125x64xf32, #tpu.memory_space<vmem>> -> memref<1x125x64xf32, #tpu.memory_space<vmem>>
    %dma_start3A_252 = tpu.memref_squeeze %dma_start3A_251 : memref<1x125x64xf32, #tpu.memory_space<vmem>> -> memref<125x64xf32, #tpu.memory_space<vmem>>
    %dma_start3A_253 = arith.constant 0 : i32
    %dma_start3A_254 = tpu.memref_slice %arg7[%dma_start3A_247, %dma_start3A_253] : memref<160x125xi32, #tpu.memory_space<vmem>> -> memref<1x125xi32, #tpu.memory_space<vmem>>
    %dma_start3A_255 = tpu.memref_squeeze %dma_start3A_254 : memref<1x125xi32, #tpu.memory_space<vmem>> -> memref<125xi32, #tpu.memory_space<vmem>>
    %dma_start3A_256 = arith.constant 0 : i32
    %dma_start3A_257 = arith.constant 0 : i32
    %dma_start3A_258 = tpu.memref_slice %arg10[%dma_start3A_256, %dma_start3A_257] : memref<10000x64xf32, #tpu.memory_space<vmem_shared>> -> memref<10000x64xf32, #tpu.memory_space<vmem_shared>>
    %dma_start3A_259 = tpu.memref_slice %arg12[%dma_start3A_248] : memref<5x!tpu.dma_semaphore, #tpu.memory_space<semaphore_mem>> -> memref<1x!tpu.dma_semaphore, #tpu.memory_space<semaphore_mem>>
    %dma_start3A_260 = tpu.memref_squeeze %dma_start3A_259 : memref<1x!tpu.dma_semaphore, #tpu.memory_space<semaphore_mem>> -> memref<!tpu.dma_semaphore, #tpu.memory_space<semaphore_mem>>
    tpu.enqueue_indirect_dma source(%dma_start3A_252 : memref<125x64xf32, #tpu.memory_space<vmem>>) target(%dma_start3A_258 : memref<10000x64xf32, #tpu.memory_space<vmem_shared>>) offsets(%dma_start3A_255 : memref<125xi32, #tpu.memory_space<vmem>>) semaphore(%dma_start3A_260 : memref<!tpu.dma_semaphore, #tpu.memory_space<semaphore_mem>>) {add = true}
    %dma_wait3A_261 = arith.constant 0 : i32
    %dma_wait3A_262 = arith.constant 4 : i32
    %dma_wait3A_263 = arith.constant 4 : i32
    %dma_wait3A_264 = arith.constant 0 : i32
    %dma_wait3A_265 = arith.constant 0 : i32
    %dma_wait3A_266 = tpu.memref_slice %arg8[%dma_wait3A_262, %dma_wait3A_264, %dma_wait3A_265] : memref<5x125x64xf32, #tpu.memory_space<vmem>> -> memref<1x125x64xf32, #tpu.memory_space<vmem>>
    %dma_wait3A_267 = tpu.memref_squeeze %dma_wait3A_266 : memref<1x125x64xf32, #tpu.memory_space<vmem>> -> memref<125x64xf32, #tpu.memory_space<vmem>>
    %dma_wait3A_268 = arith.constant 0 : i32
    %dma_wait3A_269 = tpu.memref_slice %arg6[%dma_wait3A_261, %dma_wait3A_268] : memref<160x125xi32, #tpu.memory_space<vmem>> -> memref<1x125xi32, #tpu.memory_space<vmem>>
    %dma_wait3A_270 = tpu.memref_squeeze %dma_wait3A_269 : memref<1x125xi32, #tpu.memory_space<vmem>> -> memref<125xi32, #tpu.memory_space<vmem>>
    %dma_wait3A_271 = arith.constant 0 : i32
    %dma_wait3A_272 = arith.constant 0 : i32
    %dma_wait3A_273 = tpu.memref_slice %arg2[%dma_wait3A_271, %dma_wait3A_272] : memref<20000x64xf32, #tpu.memory_space<hbm>> -> memref<20000x64xf32, #tpu.memory_space<hbm>>
    %dma_wait3A_274 = tpu.memref_slice %arg11[%dma_wait3A_263] : memref<5x!tpu.dma_semaphore, #tpu.memory_space<semaphore_mem>> -> memref<1x!tpu.dma_semaphore, #tpu.memory_space<semaphore_mem>>
    %dma_wait3A_275 = tpu.memref_squeeze %dma_wait3A_274 : memref<1x!tpu.dma_semaphore, #tpu.memory_space<semaphore_mem>> -> memref<!tpu.dma_semaphore, #tpu.memory_space<semaphore_mem>>
    tpu.wait_indirect_dma semaphore(%dma_wait3A_275 : memref<!tpu.dma_semaphore, #tpu.memory_space<semaphore_mem>>) src(%dma_wait3A_273 : memref<20000x64xf32, #tpu.memory_space<hbm>>) dst(%dma_wait3A_267 : memref<125x64xf32, #tpu.memory_space<vmem>>)
    %dma_start3A_276 = arith.constant 4 : i32
    %dma_start3A_277 = arith.constant 159 : i32
    %dma_start3A_278 = arith.constant 4 : i32
    %dma_start3A_279 = arith.constant 0 : i32
    %dma_start3A_280 = arith.constant 0 : i32
    %dma_start3A_281 = tpu.memref_slice %arg8[%dma_start3A_276, %dma_start3A_279, %dma_start3A_280] : memref<5x125x64xf32, #tpu.memory_space<vmem>> -> memref<1x125x64xf32, #tpu.memory_space<vmem>>
    %dma_start3A_282 = tpu.memref_squeeze %dma_start3A_281 : memref<1x125x64xf32, #tpu.memory_space<vmem>> -> memref<125x64xf32, #tpu.memory_space<vmem>>
    %dma_start3A_283 = arith.constant 0 : i32
    %dma_start3A_284 = tpu.memref_slice %arg7[%dma_start3A_277, %dma_start3A_283] : memref<160x125xi32, #tpu.memory_space<vmem>> -> memref<1x125xi32, #tpu.memory_space<vmem>>
    %dma_start3A_285 = tpu.memref_squeeze %dma_start3A_284 : memref<1x125xi32, #tpu.memory_space<vmem>> -> memref<125xi32, #tpu.memory_space<vmem>>
    %dma_start3A_286 = arith.constant 0 : i32
    %dma_start3A_287 = arith.constant 0 : i32
    %dma_start3A_288 = tpu.memref_slice %arg10[%dma_start3A_286, %dma_start3A_287] : memref<10000x64xf32, #tpu.memory_space<vmem_shared>> -> memref<10000x64xf32, #tpu.memory_space<vmem_shared>>
    %dma_start3A_289 = tpu.memref_slice %arg12[%dma_start3A_278] : memref<5x!tpu.dma_semaphore, #tpu.memory_space<semaphore_mem>> -> memref<1x!tpu.dma_semaphore, #tpu.memory_space<semaphore_mem>>
    %dma_start3A_290 = tpu.memref_squeeze %dma_start3A_289 : memref<1x!tpu.dma_semaphore, #tpu.memory_space<semaphore_mem>> -> memref<!tpu.dma_semaphore, #tpu.memory_space<semaphore_mem>>
    tpu.enqueue_indirect_dma source(%dma_start3A_282 : memref<125x64xf32, #tpu.memory_space<vmem>>) target(%dma_start3A_288 : memref<10000x64xf32, #tpu.memory_space<vmem_shared>>) offsets(%dma_start3A_285 : memref<125xi32, #tpu.memory_space<vmem>>) semaphore(%dma_start3A_290 : memref<!tpu.dma_semaphore, #tpu.memory_space<semaphore_mem>>) {add = true}
    %dma_wait3A_291 = arith.constant 0 : i32
    %dma_wait3A_292 = arith.constant 0 : i32
    %dma_wait3A_293 = arith.constant 0 : i32
    %dma_wait3A_294 = arith.constant 0 : i32
    %dma_wait3A_295 = arith.constant 0 : i32
    %dma_wait3A_296 = tpu.memref_slice %arg8[%dma_wait3A_292, %dma_wait3A_294, %dma_wait3A_295] : memref<5x125x64xf32, #tpu.memory_space<vmem>> -> memref<1x125x64xf32, #tpu.memory_space<vmem>>
    %dma_wait3A_297 = tpu.memref_squeeze %dma_wait3A_296 : memref<1x125x64xf32, #tpu.memory_space<vmem>> -> memref<125x64xf32, #tpu.memory_space<vmem>>
    %dma_wait3A_298 = arith.constant 0 : i32
    %dma_wait3A_299 = tpu.memref_slice %arg6[%dma_wait3A_291, %dma_wait3A_298] : memref<160x125xi32, #tpu.memory_space<vmem>> -> memref<1x125xi32, #tpu.memory_space<vmem>>
    %dma_wait3A_300 = tpu.memref_squeeze %dma_wait3A_299 : memref<1x125xi32, #tpu.memory_space<vmem>> -> memref<125xi32, #tpu.memory_space<vmem>>
    %dma_wait3A_301 = arith.constant 0 : i32
    %dma_wait3A_302 = arith.constant 0 : i32
    %dma_wait3A_303 = tpu.memref_slice %arg2[%dma_wait3A_301, %dma_wait3A_302] : memref<20000x64xf32, #tpu.memory_space<hbm>> -> memref<20000x64xf32, #tpu.memory_space<hbm>>
    %dma_wait3A_304 = tpu.memref_slice %arg12[%dma_wait3A_293] : memref<5x!tpu.dma_semaphore, #tpu.memory_space<semaphore_mem>> -> memref<1x!tpu.dma_semaphore, #tpu.memory_space<semaphore_mem>>
    %dma_wait3A_305 = tpu.memref_squeeze %dma_wait3A_304 : memref<1x!tpu.dma_semaphore, #tpu.memory_space<semaphore_mem>> -> memref<!tpu.dma_semaphore, #tpu.memory_space<semaphore_mem>>
    tpu.wait_indirect_dma semaphore(%dma_wait3A_305 : memref<!tpu.dma_semaphore, #tpu.memory_space<semaphore_mem>>) src(%dma_wait3A_303 : memref<20000x64xf32, #tpu.memory_space<hbm>>) dst(%dma_wait3A_297 : memref<125x64xf32, #tpu.memory_space<vmem>>)
    %dma_wait3A_306 = arith.constant 0 : i32
    %dma_wait3A_307 = arith.constant 1 : i32
    %dma_wait3A_308 = arith.constant 1 : i32
    %dma_wait3A_309 = arith.constant 0 : i32
    %dma_wait3A_310 = arith.constant 0 : i32
    %dma_wait3A_311 = tpu.memref_slice %arg8[%dma_wait3A_307, %dma_wait3A_309, %dma_wait3A_310] : memref<5x125x64xf32, #tpu.memory_space<vmem>> -> memref<1x125x64xf32, #tpu.memory_space<vmem>>
    %dma_wait3A_312 = tpu.memref_squeeze %dma_wait3A_311 : memref<1x125x64xf32, #tpu.memory_space<vmem>> -> memref<125x64xf32, #tpu.memory_space<vmem>>
    %dma_wait3A_313 = arith.constant 0 : i32
    %dma_wait3A_314 = tpu.memref_slice %arg6[%dma_wait3A_306, %dma_wait3A_313] : memref<160x125xi32, #tpu.memory_space<vmem>> -> memref<1x125xi32, #tpu.memory_space<vmem>>
    %dma_wait3A_315 = tpu.memref_squeeze %dma_wait3A_314 : memref<1x125xi32, #tpu.memory_space<vmem>> -> memref<125xi32, #tpu.memory_space<vmem>>
    %dma_wait3A_316 = arith.constant 0 : i32
    %dma_wait3A_317 = arith.constant 0 : i32
    %dma_wait3A_318 = tpu.memref_slice %arg2[%dma_wait3A_316, %dma_wait3A_317] : memref<20000x64xf32, #tpu.memory_space<hbm>> -> memref<20000x64xf32, #tpu.memory_space<hbm>>
    %dma_wait3A_319 = tpu.memref_slice %arg12[%dma_wait3A_308] : memref<5x!tpu.dma_semaphore, #tpu.memory_space<semaphore_mem>> -> memref<1x!tpu.dma_semaphore, #tpu.memory_space<semaphore_mem>>
    %dma_wait3A_320 = tpu.memref_squeeze %dma_wait3A_319 : memref<1x!tpu.dma_semaphore, #tpu.memory_space<semaphore_mem>> -> memref<!tpu.dma_semaphore, #tpu.memory_space<semaphore_mem>>
    tpu.wait_indirect_dma semaphore(%dma_wait3A_320 : memref<!tpu.dma_semaphore, #tpu.memory_space<semaphore_mem>>) src(%dma_wait3A_318 : memref<20000x64xf32, #tpu.memory_space<hbm>>) dst(%dma_wait3A_312 : memref<125x64xf32, #tpu.memory_space<vmem>>)
    %dma_wait3A_321 = arith.constant 0 : i32
    %dma_wait3A_322 = arith.constant 2 : i32
    %dma_wait3A_323 = arith.constant 2 : i32
    %dma_wait3A_324 = arith.constant 0 : i32
    %dma_wait3A_325 = arith.constant 0 : i32
    %dma_wait3A_326 = tpu.memref_slice %arg8[%dma_wait3A_322, %dma_wait3A_324, %dma_wait3A_325] : memref<5x125x64xf32, #tpu.memory_space<vmem>> -> memref<1x125x64xf32, #tpu.memory_space<vmem>>
    %dma_wait3A_327 = tpu.memref_squeeze %dma_wait3A_326 : memref<1x125x64xf32, #tpu.memory_space<vmem>> -> memref<125x64xf32, #tpu.memory_space<vmem>>
    %dma_wait3A_328 = arith.constant 0 : i32
    %dma_wait3A_329 = tpu.memref_slice %arg6[%dma_wait3A_321, %dma_wait3A_328] : memref<160x125xi32, #tpu.memory_space<vmem>> -> memref<1x125xi32, #tpu.memory_space<vmem>>
    %dma_wait3A_330 = tpu.memref_squeeze %dma_wait3A_329 : memref<1x125xi32, #tpu.memory_space<vmem>> -> memref<125xi32, #tpu.memory_space<vmem>>
    %dma_wait3A_331 = arith.constant 0 : i32
    %dma_wait3A_332 = arith.constant 0 : i32
    %dma_wait3A_333 = tpu.memref_slice %arg2[%dma_wait3A_331, %dma_wait3A_332] : memref<20000x64xf32, #tpu.memory_space<hbm>> -> memref<20000x64xf32, #tpu.memory_space<hbm>>
    %dma_wait3A_334 = tpu.memref_slice %arg12[%dma_wait3A_323] : memref<5x!tpu.dma_semaphore, #tpu.memory_space<semaphore_mem>> -> memref<1x!tpu.dma_semaphore, #tpu.memory_space<semaphore_mem>>
    %dma_wait3A_335 = tpu.memref_squeeze %dma_wait3A_334 : memref<1x!tpu.dma_semaphore, #tpu.memory_space<semaphore_mem>> -> memref<!tpu.dma_semaphore, #tpu.memory_space<semaphore_mem>>
    tpu.wait_indirect_dma semaphore(%dma_wait3A_335 : memref<!tpu.dma_semaphore, #tpu.memory_space<semaphore_mem>>) src(%dma_wait3A_333 : memref<20000x64xf32, #tpu.memory_space<hbm>>) dst(%dma_wait3A_327 : memref<125x64xf32, #tpu.memory_space<vmem>>)
    %dma_wait3A_336 = arith.constant 0 : i32
    %dma_wait3A_337 = arith.constant 3 : i32
    %dma_wait3A_338 = arith.constant 3 : i32
    %dma_wait3A_339 = arith.constant 0 : i32
    %dma_wait3A_340 = arith.constant 0 : i32
    %dma_wait3A_341 = tpu.memref_slice %arg8[%dma_wait3A_337, %dma_wait3A_339, %dma_wait3A_340] : memref<5x125x64xf32, #tpu.memory_space<vmem>> -> memref<1x125x64xf32, #tpu.memory_space<vmem>>
    %dma_wait3A_342 = tpu.memref_squeeze %dma_wait3A_341 : memref<1x125x64xf32, #tpu.memory_space<vmem>> -> memref<125x64xf32, #tpu.memory_space<vmem>>
    %dma_wait3A_343 = arith.constant 0 : i32
    %dma_wait3A_344 = tpu.memref_slice %arg6[%dma_wait3A_336, %dma_wait3A_343] : memref<160x125xi32, #tpu.memory_space<vmem>> -> memref<1x125xi32, #tpu.memory_space<vmem>>
    %dma_wait3A_345 = tpu.memref_squeeze %dma_wait3A_344 : memref<1x125xi32, #tpu.memory_space<vmem>> -> memref<125xi32, #tpu.memory_space<vmem>>
    %dma_wait3A_346 = arith.constant 0 : i32
    %dma_wait3A_347 = arith.constant 0 : i32
    %dma_wait3A_348 = tpu.memref_slice %arg2[%dma_wait3A_346, %dma_wait3A_347] : memref<20000x64xf32, #tpu.memory_space<hbm>> -> memref<20000x64xf32, #tpu.memory_space<hbm>>
    %dma_wait3A_349 = tpu.memref_slice %arg12[%dma_wait3A_338] : memref<5x!tpu.dma_semaphore, #tpu.memory_space<semaphore_mem>> -> memref<1x!tpu.dma_semaphore, #tpu.memory_space<semaphore_mem>>
    %dma_wait3A_350 = tpu.memref_squeeze %dma_wait3A_349 : memref<1x!tpu.dma_semaphore, #tpu.memory_space<semaphore_mem>> -> memref<!tpu.dma_semaphore, #tpu.memory_space<semaphore_mem>>
    tpu.wait_indirect_dma semaphore(%dma_wait3A_350 : memref<!tpu.dma_semaphore, #tpu.memory_space<semaphore_mem>>) src(%dma_wait3A_348 : memref<20000x64xf32, #tpu.memory_space<hbm>>) dst(%dma_wait3A_342 : memref<125x64xf32, #tpu.memory_space<vmem>>)
    %dma_wait3A_351 = arith.constant 0 : i32
    %dma_wait3A_352 = arith.constant 4 : i32
    %dma_wait3A_353 = arith.constant 4 : i32
    %dma_wait3A_354 = arith.constant 0 : i32
    %dma_wait3A_355 = arith.constant 0 : i32
    %dma_wait3A_356 = tpu.memref_slice %arg8[%dma_wait3A_352, %dma_wait3A_354, %dma_wait3A_355] : memref<5x125x64xf32, #tpu.memory_space<vmem>> -> memref<1x125x64xf32, #tpu.memory_space<vmem>>
    %dma_wait3A_357 = tpu.memref_squeeze %dma_wait3A_356 : memref<1x125x64xf32, #tpu.memory_space<vmem>> -> memref<125x64xf32, #tpu.memory_space<vmem>>
    %dma_wait3A_358 = arith.constant 0 : i32
    %dma_wait3A_359 = tpu.memref_slice %arg6[%dma_wait3A_351, %dma_wait3A_358] : memref<160x125xi32, #tpu.memory_space<vmem>> -> memref<1x125xi32, #tpu.memory_space<vmem>>
    %dma_wait3A_360 = tpu.memref_squeeze %dma_wait3A_359 : memref<1x125xi32, #tpu.memory_space<vmem>> -> memref<125xi32, #tpu.memory_space<vmem>>
    %dma_wait3A_361 = arith.constant 0 : i32
    %dma_wait3A_362 = arith.constant 0 : i32
    %dma_wait3A_363 = tpu.memref_slice %arg2[%dma_wait3A_361, %dma_wait3A_362] : memref<20000x64xf32, #tpu.memory_space<hbm>> -> memref<20000x64xf32, #tpu.memory_space<hbm>>
    %dma_wait3A_364 = tpu.memref_slice %arg12[%dma_wait3A_353] : memref<5x!tpu.dma_semaphore, #tpu.memory_space<semaphore_mem>> -> memref<1x!tpu.dma_semaphore, #tpu.memory_space<semaphore_mem>>
    %dma_wait3A_365 = tpu.memref_squeeze %dma_wait3A_364 : memref<1x!tpu.dma_semaphore, #tpu.memory_space<semaphore_mem>> -> memref<!tpu.dma_semaphore, #tpu.memory_space<semaphore_mem>>
    tpu.wait_indirect_dma semaphore(%dma_wait3A_365 : memref<!tpu.dma_semaphore, #tpu.memory_space<semaphore_mem>>) src(%dma_wait3A_363 : memref<20000x64xf32, #tpu.memory_space<hbm>>) dst(%dma_wait3A_357 : memref<125x64xf32, #tpu.memory_space<vmem>>)
    %barrier3A_366 = arith.constant 0 : index
    tpu.barrier barrier_id(%barrier3A_366)
    "tpu.region"() ({
      %run_scoped3A = tpu.sem_alloc : memref<!tpu.dma_semaphore, #tpu.memory_space<semaphore_mem>>
      %dma_start3A_372 = arith.constant 0 : i32
      %dma_start3A_373 = tpu.memref_slice %arg5[%arg0, %multiple_of3A, %dma_start3A_372] : memref<2x10000x64xf32, #tpu.memory_space<hbm>> -> memref<1x624x64xf32, #tpu.memory_space<hbm>>
      %dma_start3A_374 = tpu.memref_squeeze %dma_start3A_373 : memref<1x624x64xf32, #tpu.memory_space<hbm>> -> memref<624x64xf32, #tpu.memory_space<hbm>>
      %dma_start3A_375 = arith.constant 0 : i32
      %dma_start3A_376 = tpu.memref_slice %arg10[%multiple_of3A, %dma_start3A_375] : memref<10000x64xf32, #tpu.memory_space<vmem_shared>> -> memref<624x64xf32, #tpu.memory_space<vmem_shared>>
      tpu.enqueue_dma source(%dma_start3A_376 : memref<624x64xf32, #tpu.memory_space<vmem_shared>>) target(%dma_start3A_374 : memref<624x64xf32, #tpu.memory_space<hbm>>) target_semaphore(%run_scoped3A : memref<!tpu.dma_semaphore, #tpu.memory_space<semaphore_mem>>)
      %dma_wait3A_377 = arith.constant 0 : i32
      %dma_wait3A_378 = tpu.memref_slice %arg5[%arg0, %multiple_of3A, %dma_wait3A_377] : memref<2x10000x64xf32, #tpu.memory_space<hbm>> -> memref<1x624x64xf32, #tpu.memory_space<hbm>>
      %dma_wait3A_379 = tpu.memref_squeeze %dma_wait3A_378 : memref<1x624x64xf32, #tpu.memory_space<hbm>> -> memref<624x64xf32, #tpu.memory_space<hbm>>
      %dma_wait3A_380 = arith.constant 0 : i32
      %dma_wait3A_381 = tpu.memref_slice %arg10[%multiple_of3A, %dma_wait3A_380] : memref<10000x64xf32, #tpu.memory_space<vmem_shared>> -> memref<624x64xf32, #tpu.memory_space<vmem_shared>>
      tpu.wait_dma2 semaphore(%run_scoped3A : memref<!tpu.dma_semaphore, #tpu.memory_space<semaphore_mem>>) src(%dma_wait3A_381 : memref<624x64xf32, #tpu.memory_space<vmem_shared>>) dst(%dma_wait3A_379 : memref<624x64xf32, #tpu.memory_space<hbm>>)
      tpu.yield
    }) : () -> ()
    %eq3A_367 = arith.constant 15 : i32
    %eq3A_368 = arith.cmpi eq, %arg1, %eq3A_367 : i32
    %convert_element_type3A_369 = arith.extui %eq3A_368 : i1 to i32
    %cond3A_370 = arith.constant 0 : i32
    %cond3A_371 = arith.cmpi ne, %convert_element_type3A_369, %cond3A_370 : i32
    scf.if %cond3A_371 {
      "tpu.region"() ({
        %run_scoped3A = tpu.sem_alloc : memref<!tpu.dma_semaphore, #tpu.memory_space<semaphore_mem>>
        %dma_start3A_372 = arith.constant 9984 : i32
        %dma_start3A_373 = arith.constant 0 : i32
        %dma_start3A_374 = tpu.memref_slice %arg5[%arg0, %dma_start3A_372, %dma_start3A_373] : memref<2x10000x64xf32, #tpu.memory_space<hbm>> -> memref<1x16x64xf32, #tpu.memory_space<hbm>>
        %dma_start3A_375 = tpu.memref_squeeze %dma_start3A_374 : memref<1x16x64xf32, #tpu.memory_space<hbm>> -> memref<16x64xf32, #tpu.memory_space<hbm>>
        %dma_start3A_376 = arith.constant 9984 : i32
        %dma_start3A_377 = arith.constant 0 : i32
        %dma_start3A_378 = tpu.memref_slice %arg10[%dma_start3A_376, %dma_start3A_377] : memref<10000x64xf32, #tpu.memory_space<vmem_shared>> -> memref<16x64xf32, #tpu.memory_space<vmem_shared>>
        tpu.enqueue_dma source(%dma_start3A_378 : memref<16x64xf32, #tpu.memory_space<vmem_shared>>) target(%dma_start3A_375 : memref<16x64xf32, #tpu.memory_space<hbm>>) target_semaphore(%run_scoped3A : memref<!tpu.dma_semaphore, #tpu.memory_space<semaphore_mem>>)
        %dma_wait3A_379 = arith.constant 9984 : i32
        %dma_wait3A_380 = arith.constant 0 : i32
        %dma_wait3A_381 = tpu.memref_slice %arg5[%arg0, %dma_wait3A_379, %dma_wait3A_380] : memref<2x10000x64xf32, #tpu.memory_space<hbm>> -> memref<1x16x64xf32, #tpu.memory_space<hbm>>
        %dma_wait3A_382 = tpu.memref_squeeze %dma_wait3A_381 : memref<1x16x64xf32, #tpu.memory_space<hbm>> -> memref<16x64xf32, #tpu.memory_space<hbm>>
        %dma_wait3A_383 = arith.constant 9984 : i32
        %dma_wait3A_384 = arith.constant 0 : i32
        %dma_wait3A_385 = tpu.memref_slice %arg10[%dma_wait3A_383, %dma_wait3A_384] : memref<10000x64xf32, #tpu.memory_space<vmem_shared>> -> memref<16x64xf32, #tpu.memory_space<vmem_shared>>
        tpu.wait_dma2 semaphore(%run_scoped3A : memref<!tpu.dma_semaphore, #tpu.memory_space<semaphore_mem>>) src(%dma_wait3A_385 : memref<16x64xf32, #tpu.memory_space<vmem_shared>>) dst(%dma_wait3A_382 : memref<16x64xf32, #tpu.memory_space<hbm>>)
        tpu.yield
      }) : () -> ()
    } else {
    }
    return
  }
}

#map = affine_map<(d0, d1) -> (0, 0)>
#map1 = affine_map<(d0, d1) -> (0, 0, 0, 0)>
#map2 = affine_map<(d0, d1) -> (0, 0, 0)>
module attributes {stable_mosaic.version = 14 : i64} {
  func.func @_sc_agg_body(%arg0: i32, %arg1: i32, %arg2: memref<20000x64xf32, #tpu.memory_space<hbm>>, %arg3: memref<2x16x160x125xi32, #tpu.memory_space<hbm>>, %arg4: memref<16x160x125xi32, #tpu.memory_space<hbm>>, %arg5: memref<2x10000x64xf32, #tpu.memory_space<hbm>>, %arg6: memref<160x125xi32, #tpu.memory_space<vmem>>, %arg7: memref<160x125xi32, #tpu.memory_space<vmem>>, %arg8: memref<5x125x64xf32, #tpu.memory_space<vmem>>, %arg9: memref<104x64xf32, #tpu.memory_space<vmem>>, %arg10: memref<10000x64xf32, #tpu.memory_space<vmem_shared>>, %arg11: memref<5x!tpu.dma_semaphore, #tpu.memory_space<semaphore_mem>>, %arg12: memref<5x!tpu.dma_semaphore, #tpu.memory_space<semaphore_mem>>, %arg13: memref<2x!tpu.dma_semaphore, #tpu.memory_space<semaphore_mem>>) attributes {dimension_semantics = [#tpu.dimension_semantics<core_parallel>, #tpu.dimension_semantics<subcore_parallel>], iteration_bounds = array<i64: 2, 16>, scalar_prefetch = 0 : i64, scratch_operands = 8 : i64, tpu.core_type = #tpu.core_type<sc_vector_subcore>, window_params = [{transform_indices = #map}, {transform_indices = #map1}, {transform_indices = #map2}, {transform_indices = #map2}]} {
    %mul3A = arith.constant 624 : i32
    %mul3A_0 = arith.muli %arg1, %mul3A : i32
    %multiple_of3A = tpu.assume_multiple %mul3A_0, 8 : i32
    %dma_start3A = arith.constant 0 : i32
    %dma_start3A_1 = arith.constant 0 : i32
    %dma_start3A_2 = arith.constant 0 : i32
    %dma_start3A_3 = tpu.memref_slice %arg3[%arg0, %arg1, %dma_start3A_1, %dma_start3A_2] : memref<2x16x160x125xi32, #tpu.memory_space<hbm>> -> memref<1x1x160x125xi32, #tpu.memory_space<hbm>>
    %dma_start3A_4 = tpu.memref_squeeze %dma_start3A_3 : memref<1x1x160x125xi32, #tpu.memory_space<hbm>> -> memref<160x125xi32, #tpu.memory_space<hbm>>
    %dma_start3A_5 = tpu.memref_slice %arg13[%dma_start3A] : memref<2x!tpu.dma_semaphore, #tpu.memory_space<semaphore_mem>> -> memref<1x!tpu.dma_semaphore, #tpu.memory_space<semaphore_mem>>
    %dma_start3A_6 = tpu.memref_squeeze %dma_start3A_5 : memref<1x!tpu.dma_semaphore, #tpu.memory_space<semaphore_mem>> -> memref<!tpu.dma_semaphore, #tpu.memory_space<semaphore_mem>>
    %dma_start3A_7 = arith.constant 0 : i32
    %dma_start3A_8 = arith.constant 0 : i32
    %dma_start3A_9 = tpu.memref_slice %arg3[%arg0, %arg1, %dma_start3A_7, %dma_start3A_8] : memref<2x16x160x125xi32, #tpu.memory_space<hbm>> -> memref<1x1x160x125xi32, #tpu.memory_space<hbm>>
    %dma_start3A_10 = tpu.memref_squeeze %dma_start3A_9 : memref<1x1x160x125xi32, #tpu.memory_space<hbm>> -> memref<160x125xi32, #tpu.memory_space<hbm>>
    tpu.enqueue_dma source(%dma_start3A_10 : memref<160x125xi32, #tpu.memory_space<hbm>>) target(%arg6 : memref<160x125xi32, #tpu.memory_space<vmem>>) target_semaphore(%dma_start3A_6 : memref<!tpu.dma_semaphore, #tpu.memory_space<semaphore_mem>>)
    %dma_start3A_11 = arith.constant 1 : i32
    %dma_start3A_12 = arith.constant 0 : i32
    %dma_start3A_13 = arith.constant 0 : i32
    %dma_start3A_14 = tpu.memref_slice %arg4[%arg1, %dma_start3A_12, %dma_start3A_13] : memref<16x160x125xi32, #tpu.memory_space<hbm>> -> memref<1x160x125xi32, #tpu.memory_space<hbm>>
    %dma_start3A_15 = tpu.memref_squeeze %dma_start3A_14 : memref<1x160x125xi32, #tpu.memory_space<hbm>> -> memref<160x125xi32, #tpu.memory_space<hbm>>
    %dma_start3A_16 = tpu.memref_slice %arg13[%dma_start3A_11] : memref<2x!tpu.dma_semaphore, #tpu.memory_space<semaphore_mem>> -> memref<1x!tpu.dma_semaphore, #tpu.memory_space<semaphore_mem>>
    %dma_start3A_17 = tpu.memref_squeeze %dma_start3A_16 : memref<1x!tpu.dma_semaphore, #tpu.memory_space<semaphore_mem>> -> memref<!tpu.dma_semaphore, #tpu.memory_space<semaphore_mem>>
    %dma_start3A_18 = arith.constant 0 : i32
    %dma_start3A_19 = arith.constant 0 : i32
    %dma_start3A_20 = tpu.memref_slice %arg4[%arg1, %dma_start3A_18, %dma_start3A_19] : memref<16x160x125xi32, #tpu.memory_space<hbm>> -> memref<1x160x125xi32, #tpu.memory_space<hbm>>
    %dma_start3A_21 = tpu.memref_squeeze %dma_start3A_20 : memref<1x160x125xi32, #tpu.memory_space<hbm>> -> memref<160x125xi32, #tpu.memory_space<hbm>>
    tpu.enqueue_dma source(%dma_start3A_21 : memref<160x125xi32, #tpu.memory_space<hbm>>) target(%arg7 : memref<160x125xi32, #tpu.memory_space<vmem>>) target_semaphore(%dma_start3A_17 : memref<!tpu.dma_semaphore, #tpu.memory_space<semaphore_mem>>)
    %scan3A = arith.constant 0 : i32
    %scan3A_22 = arith.constant 0 : i32
    %scan3A_23 = arith.constant 104 : i32
    %scan3A_24 = arith.addi %scan3A_22, %scan3A_23 : i32
    %scan3A_25 = arith.constant 1 : i32
    scf.for %scan3A_372 = %scan3A_22 to %scan3A_24 step %scan3A_25  : i32 {
      %broadcast_in_dim3A = arith.constant 0.000000e+00 : f32
      %broadcast_in_dim3A_373 = vector.broadcast %broadcast_in_dim3A : f32 to vector<16xf32>
      %swap3A = arith.index_cast %scan3A_372 : i32 to index
      %swap3A_374 = arith.constant 0 : index
      %swap3A_375 = tpu.vector_load %arg9[%swap3A, %swap3A_374] {strides = array<i32>} : memref<104x64xf32, #tpu.memory_space<vmem>>, vector<1x16xf32>,
      %swap3A_376 = vector.shape_cast %swap3A_375 : vector<1x16xf32> to vector<16xf32>
      %swap3A_377 = vector.shape_cast %broadcast_in_dim3A_373 : vector<16xf32> to vector<1x16xf32>
      tpu.vector_store %arg9[%swap3A, %swap3A_374], %swap3A_377 {strides = array<i32>} : memref<104x64xf32, #tpu.memory_space<vmem>>, vector<1x16xf32>,
      %broadcast_in_dim3A_378 = arith.constant 0.000000e+00 : f32
      %broadcast_in_dim3A_379 = vector.broadcast %broadcast_in_dim3A_378 : f32 to vector<16xf32>
      %swap3A_380 = arith.index_cast %scan3A_372 : i32 to index
      %swap3A_381 = arith.constant 16 : index
      %swap3A_382 = tpu.vector_load %arg9[%swap3A_380, %swap3A_381] {strides = array<i32>} : memref<104x64xf32, #tpu.memory_space<vmem>>, vector<1x16xf32>,
      %swap3A_383 = vector.shape_cast %swap3A_382 : vector<1x16xf32> to vector<16xf32>
      %swap3A_384 = vector.shape_cast %broadcast_in_dim3A_379 : vector<16xf32> to vector<1x16xf32>
      tpu.vector_store %arg9[%swap3A_380, %swap3A_381], %swap3A_384 {strides = array<i32>} : memref<104x64xf32, #tpu.memory_space<vmem>>, vector<1x16xf32>,
      %broadcast_in_dim3A_385 = arith.constant 0.000000e+00 : f32
      %broadcast_in_dim3A_386 = vector.broadcast %broadcast_in_dim3A_385 : f32 to vector<16xf32>
      %swap3A_387 = arith.index_cast %scan3A_372 : i32 to index
      %swap3A_388 = arith.constant 32 : index
      %swap3A_389 = tpu.vector_load %arg9[%swap3A_387, %swap3A_388] {strides = array<i32>} : memref<104x64xf32, #tpu.memory_space<vmem>>, vector<1x16xf32>,
      %swap3A_390 = vector.shape_cast %swap3A_389 : vector<1x16xf32> to vector<16xf32>
      %swap3A_391 = vector.shape_cast %broadcast_in_dim3A_386 : vector<16xf32> to vector<1x16xf32>
      tpu.vector_store %arg9[%swap3A_387, %swap3A_388], %swap3A_391 {strides = array<i32>} : memref<104x64xf32, #tpu.memory_space<vmem>>, vector<1x16xf32>,
      %broadcast_in_dim3A_392 = arith.constant 0.000000e+00 : f32
      %broadcast_in_dim3A_393 = vector.broadcast %broadcast_in_dim3A_392 : f32 to vector<16xf32>
      %swap3A_394 = arith.index_cast %scan3A_372 : i32 to index
      %swap3A_395 = arith.constant 48 : index
      %swap3A_396 = tpu.vector_load %arg9[%swap3A_394, %swap3A_395] {strides = array<i32>} : memref<104x64xf32, #tpu.memory_space<vmem>>, vector<1x16xf32>,
      %swap3A_397 = vector.shape_cast %swap3A_396 : vector<1x16xf32> to vector<16xf32>
      %swap3A_398 = vector.shape_cast %broadcast_in_dim3A_393 : vector<16xf32> to vector<1x16xf32>
      tpu.vector_store %arg9[%swap3A_394, %swap3A_395], %swap3A_398 {strides = array<i32>} : memref<104x64xf32, #tpu.memory_space<vmem>>, vector<1x16xf32>,
    }
    %scan3A_26 = arith.constant 104 : i32
    %add3A = arith.constant 0 : i32
    %add3A_27 = arith.addi %multiple_of3A, %add3A : i32
    "tpu.region"() ({
      %run_scoped3A = tpu.sem_alloc : memref<!tpu.dma_semaphore, #tpu.memory_space<semaphore_mem>>
      %dma_start3A_372 = arith.constant 0 : i32
      %dma_start3A_373 = tpu.memref_slice %arg10[%add3A_27, %dma_start3A_372] : memref<10000x64xf32, #tpu.memory_space<vmem_shared>> -> memref<104x64xf32, #tpu.memory_space<vmem_shared>>
      %dma_start3A_374 = arith.constant 0 : i32
      %dma_start3A_375 = tpu.memref_slice %arg10[%add3A_27, %dma_start3A_374] : memref<10000x64xf32, #tpu.memory_space<vmem_shared>> -> memref<104x64xf32, #tpu.memory_space<vmem_shared>>
      tpu.enqueue_dma source(%arg9 : memref<104x64xf32, #tpu.memory_space<vmem>>) target(%dma_start3A_375 : memref<104x64xf32, #tpu.memory_space<vmem_shared>>) target_semaphore(%run_scoped3A : memref<!tpu.dma_semaphore, #tpu.memory_space<semaphore_mem>>)
      %dma_wait3A_376 = arith.constant 0 : i32
      %dma_wait3A_377 = tpu.memref_slice %arg10[%add3A_27, %dma_wait3A_376] : memref<10000x64xf32, #tpu.memory_space<vmem_shared>> -> memref<104x64xf32, #tpu.memory_space<vmem_shared>>
      %dma_wait3A_378 = arith.constant 0 : i32
      %dma_wait3A_379 = tpu.memref_slice %arg10[%add3A_27, %dma_wait3A_378] : memref<10000x64xf32, #tpu.memory_space<vmem_shared>> -> memref<104x64xf32, #tpu.memory_space<vmem_shared>>
      tpu.wait_dma2 semaphore(%run_scoped3A : memref<!tpu.dma_semaphore, #tpu.memory_space<semaphore_mem>>) src(%arg9 : memref<104x64xf32, #tpu.memory_space<vmem>>) dst(%dma_wait3A_379 : memref<104x64xf32, #tpu.memory_space<vmem_shared>>)
      tpu.yield
    }) : () -> ()
    %add3A_28 = arith.constant 104 : i32
    %add3A_29 = arith.addi %multiple_of3A, %add3A_28 : i32
    "tpu.region"() ({
      %run_scoped3A = tpu.sem_alloc : memref<!tpu.dma_semaphore, #tpu.memory_space<semaphore_mem>>
      %dma_start3A_372 = arith.constant 0 : i32
      %dma_start3A_373 = tpu.memref_slice %arg10[%add3A_29, %dma_start3A_372] : memref<10000x64xf32, #tpu.memory_space<vmem_shared>> -> memref<104x64xf32, #tpu.memory_space<vmem_shared>>
      %dma_start3A_374 = arith.constant 0 : i32
      %dma_start3A_375 = tpu.memref_slice %arg10[%add3A_29, %dma_start3A_374] : memref<10000x64xf32, #tpu.memory_space<vmem_shared>> -> memref<104x64xf32, #tpu.memory_space<vmem_shared>>
      tpu.enqueue_dma source(%arg9 : memref<104x64xf32, #tpu.memory_space<vmem>>) target(%dma_start3A_375 : memref<104x64xf32, #tpu.memory_space<vmem_shared>>) target_semaphore(%run_scoped3A : memref<!tpu.dma_semaphore, #tpu.memory_space<semaphore_mem>>)
      %dma_wait3A_376 = arith.constant 0 : i32
      %dma_wait3A_377 = tpu.memref_slice %arg10[%add3A_29, %dma_wait3A_376] : memref<10000x64xf32, #tpu.memory_space<vmem_shared>> -> memref<104x64xf32, #tpu.memory_space<vmem_shared>>
      %dma_wait3A_378 = arith.constant 0 : i32
      %dma_wait3A_379 = tpu.memref_slice %arg10[%add3A_29, %dma_wait3A_378] : memref<10000x64xf32, #tpu.memory_space<vmem_shared>> -> memref<104x64xf32, #tpu.memory_space<vmem_shared>>
      tpu.wait_dma2 semaphore(%run_scoped3A : memref<!tpu.dma_semaphore, #tpu.memory_space<semaphore_mem>>) src(%arg9 : memref<104x64xf32, #tpu.memory_space<vmem>>) dst(%dma_wait3A_379 : memref<104x64xf32, #tpu.memory_space<vmem_shared>>)
      tpu.yield
    }) : () -> ()
    %add3A_30 = arith.constant 208 : i32
    %add3A_31 = arith.addi %multiple_of3A, %add3A_30 : i32
    "tpu.region"() ({
      %run_scoped3A = tpu.sem_alloc : memref<!tpu.dma_semaphore, #tpu.memory_space<semaphore_mem>>
      %dma_start3A_372 = arith.constant 0 : i32
      %dma_start3A_373 = tpu.memref_slice %arg10[%add3A_31, %dma_start3A_372] : memref<10000x64xf32, #tpu.memory_space<vmem_shared>> -> memref<104x64xf32, #tpu.memory_space<vmem_shared>>
      %dma_start3A_374 = arith.constant 0 : i32
      %dma_start3A_375 = tpu.memref_slice %arg10[%add3A_31, %dma_start3A_374] : memref<10000x64xf32, #tpu.memory_space<vmem_shared>> -> memref<104x64xf32, #tpu.memory_space<vmem_shared>>
      tpu.enqueue_dma source(%arg9 : memref<104x64xf32, #tpu.memory_space<vmem>>) target(%dma_start3A_375 : memref<104x64xf32, #tpu.memory_space<vmem_shared>>) target_semaphore(%run_scoped3A : memref<!tpu.dma_semaphore, #tpu.memory_space<semaphore_mem>>)
      %dma_wait3A_376 = arith.constant 0 : i32
      %dma_wait3A_377 = tpu.memref_slice %arg10[%add3A_31, %dma_wait3A_376] : memref<10000x64xf32, #tpu.memory_space<vmem_shared>> -> memref<104x64xf32, #tpu.memory_space<vmem_shared>>
      %dma_wait3A_378 = arith.constant 0 : i32
      %dma_wait3A_379 = tpu.memref_slice %arg10[%add3A_31, %dma_wait3A_378] : memref<10000x64xf32, #tpu.memory_space<vmem_shared>> -> memref<104x64xf32, #tpu.memory_space<vmem_shared>>
      tpu.wait_dma2 semaphore(%run_scoped3A : memref<!tpu.dma_semaphore, #tpu.memory_space<semaphore_mem>>) src(%arg9 : memref<104x64xf32, #tpu.memory_space<vmem>>) dst(%dma_wait3A_379 : memref<104x64xf32, #tpu.memory_space<vmem_shared>>)
      tpu.yield
    }) : () -> ()
    %add3A_32 = arith.constant 312 : i32
    %add3A_33 = arith.addi %multiple_of3A, %add3A_32 : i32
    "tpu.region"() ({
      %run_scoped3A = tpu.sem_alloc : memref<!tpu.dma_semaphore, #tpu.memory_space<semaphore_mem>>
      %dma_start3A_372 = arith.constant 0 : i32
      %dma_start3A_373 = tpu.memref_slice %arg10[%add3A_33, %dma_start3A_372] : memref<10000x64xf32, #tpu.memory_space<vmem_shared>> -> memref<104x64xf32, #tpu.memory_space<vmem_shared>>
      %dma_start3A_374 = arith.constant 0 : i32
      %dma_start3A_375 = tpu.memref_slice %arg10[%add3A_33, %dma_start3A_374] : memref<10000x64xf32, #tpu.memory_space<vmem_shared>> -> memref<104x64xf32, #tpu.memory_space<vmem_shared>>
      tpu.enqueue_dma source(%arg9 : memref<104x64xf32, #tpu.memory_space<vmem>>) target(%dma_start3A_375 : memref<104x64xf32, #tpu.memory_space<vmem_shared>>) target_semaphore(%run_scoped3A : memref<!tpu.dma_semaphore, #tpu.memory_space<semaphore_mem>>)
      %dma_wait3A_376 = arith.constant 0 : i32
      %dma_wait3A_377 = tpu.memref_slice %arg10[%add3A_33, %dma_wait3A_376] : memref<10000x64xf32, #tpu.memory_space<vmem_shared>> -> memref<104x64xf32, #tpu.memory_space<vmem_shared>>
      %dma_wait3A_378 = arith.constant 0 : i32
      %dma_wait3A_379 = tpu.memref_slice %arg10[%add3A_33, %dma_wait3A_378] : memref<10000x64xf32, #tpu.memory_space<vmem_shared>> -> memref<104x64xf32, #tpu.memory_space<vmem_shared>>
      tpu.wait_dma2 semaphore(%run_scoped3A : memref<!tpu.dma_semaphore, #tpu.memory_space<semaphore_mem>>) src(%arg9 : memref<104x64xf32, #tpu.memory_space<vmem>>) dst(%dma_wait3A_379 : memref<104x64xf32, #tpu.memory_space<vmem_shared>>)
      tpu.yield
    }) : () -> ()
    %add3A_34 = arith.constant 416 : i32
    %add3A_35 = arith.addi %multiple_of3A, %add3A_34 : i32
    "tpu.region"() ({
      %run_scoped3A = tpu.sem_alloc : memref<!tpu.dma_semaphore, #tpu.memory_space<semaphore_mem>>
      %dma_start3A_372 = arith.constant 0 : i32
      %dma_start3A_373 = tpu.memref_slice %arg10[%add3A_35, %dma_start3A_372] : memref<10000x64xf32, #tpu.memory_space<vmem_shared>> -> memref<104x64xf32, #tpu.memory_space<vmem_shared>>
      %dma_start3A_374 = arith.constant 0 : i32
      %dma_start3A_375 = tpu.memref_slice %arg10[%add3A_35, %dma_start3A_374] : memref<10000x64xf32, #tpu.memory_space<vmem_shared>> -> memref<104x64xf32, #tpu.memory_space<vmem_shared>>
      tpu.enqueue_dma source(%arg9 : memref<104x64xf32, #tpu.memory_space<vmem>>) target(%dma_start3A_375 : memref<104x64xf32, #tpu.memory_space<vmem_shared>>) target_semaphore(%run_scoped3A : memref<!tpu.dma_semaphore, #tpu.memory_space<semaphore_mem>>)
      %dma_wait3A_376 = arith.constant 0 : i32
      %dma_wait3A_377 = tpu.memref_slice %arg10[%add3A_35, %dma_wait3A_376] : memref<10000x64xf32, #tpu.memory_space<vmem_shared>> -> memref<104x64xf32, #tpu.memory_space<vmem_shared>>
      %dma_wait3A_378 = arith.constant 0 : i32
      %dma_wait3A_379 = tpu.memref_slice %arg10[%add3A_35, %dma_wait3A_378] : memref<10000x64xf32, #tpu.memory_space<vmem_shared>> -> memref<104x64xf32, #tpu.memory_space<vmem_shared>>
      tpu.wait_dma2 semaphore(%run_scoped3A : memref<!tpu.dma_semaphore, #tpu.memory_space<semaphore_mem>>) src(%arg9 : memref<104x64xf32, #tpu.memory_space<vmem>>) dst(%dma_wait3A_379 : memref<104x64xf32, #tpu.memory_space<vmem_shared>>)
      tpu.yield
    }) : () -> ()
    %add3A_36 = arith.constant 520 : i32
    %add3A_37 = arith.addi %multiple_of3A, %add3A_36 : i32
    "tpu.region"() ({
      %run_scoped3A = tpu.sem_alloc : memref<!tpu.dma_semaphore, #tpu.memory_space<semaphore_mem>>
      %dma_start3A_372 = arith.constant 0 : i32
      %dma_start3A_373 = tpu.memref_slice %arg10[%add3A_37, %dma_start3A_372] : memref<10000x64xf32, #tpu.memory_space<vmem_shared>> -> memref<104x64xf32, #tpu.memory_space<vmem_shared>>
      %dma_start3A_374 = arith.constant 0 : i32
      %dma_start3A_375 = tpu.memref_slice %arg10[%add3A_37, %dma_start3A_374] : memref<10000x64xf32, #tpu.memory_space<vmem_shared>> -> memref<104x64xf32, #tpu.memory_space<vmem_shared>>
      tpu.enqueue_dma source(%arg9 : memref<104x64xf32, #tpu.memory_space<vmem>>) target(%dma_start3A_375 : memref<104x64xf32, #tpu.memory_space<vmem_shared>>) target_semaphore(%run_scoped3A : memref<!tpu.dma_semaphore, #tpu.memory_space<semaphore_mem>>)
      %dma_wait3A_376 = arith.constant 0 : i32
      %dma_wait3A_377 = tpu.memref_slice %arg10[%add3A_37, %dma_wait3A_376] : memref<10000x64xf32, #tpu.memory_space<vmem_shared>> -> memref<104x64xf32, #tpu.memory_space<vmem_shared>>
      %dma_wait3A_378 = arith.constant 0 : i32
      %dma_wait3A_379 = tpu.memref_slice %arg10[%add3A_37, %dma_wait3A_378] : memref<10000x64xf32, #tpu.memory_space<vmem_shared>> -> memref<104x64xf32, #tpu.memory_space<vmem_shared>>
      tpu.wait_dma2 semaphore(%run_scoped3A : memref<!tpu.dma_semaphore, #tpu.memory_space<semaphore_mem>>) src(%arg9 : memref<104x64xf32, #tpu.memory_space<vmem>>) dst(%dma_wait3A_379 : memref<104x64xf32, #tpu.memory_space<vmem_shared>>)
      tpu.yield
    }) : () -> ()
    %eq3A = arith.constant 15 : i32
    %eq3A_38 = arith.cmpi eq, %arg1, %eq3A : i32
    %convert_element_type3A = arith.extui %eq3A_38 : i1 to i32
    %cond3A = arith.constant 0 : i32
    %cond3A_39 = arith.cmpi ne, %convert_element_type3A, %cond3A : i32
    scf.if %cond3A_39 {
      "tpu.region"() ({
        %run_scoped3A = tpu.sem_alloc : memref<!tpu.dma_semaphore, #tpu.memory_space<semaphore_mem>>
        %dma_start3A_372 = arith.constant 0 : i32
        %dma_start3A_373 = arith.constant 0 : i32
        %dma_start3A_374 = tpu.memref_slice %arg9[%dma_start3A_372, %dma_start3A_373] : memref<104x64xf32, #tpu.memory_space<vmem>> -> memref<16x64xf32, #tpu.memory_space<vmem>>
        %dma_start3A_375 = arith.constant 9984 : i32
        %dma_start3A_376 = arith.constant 0 : i32
        %dma_start3A_377 = tpu.memref_slice %arg10[%dma_start3A_375, %dma_start3A_376] : memref<10000x64xf32, #tpu.memory_space<vmem_shared>> -> memref<16x64xf32, #tpu.memory_space<vmem_shared>>
        %dma_start3A_378 = arith.constant 9984 : i32
        %dma_start3A_379 = arith.constant 0 : i32
        %dma_start3A_380 = tpu.memref_slice %arg10[%dma_start3A_378, %dma_start3A_379] : memref<10000x64xf32, #tpu.memory_space<vmem_shared>> -> memref<16x64xf32, #tpu.memory_space<vmem_shared>>
        %dma_start3A_381 = arith.constant 0 : i32
        %dma_start3A_382 = arith.constant 0 : i32
        %dma_start3A_383 = tpu.memref_slice %arg9[%dma_start3A_381, %dma_start3A_382] : memref<104x64xf32, #tpu.memory_space<vmem>> -> memref<16x64xf32, #tpu.memory_space<vmem>>
        tpu.enqueue_dma source(%dma_start3A_383 : memref<16x64xf32, #tpu.memory_space<vmem>>) target(%dma_start3A_380 : memref<16x64xf32, #tpu.memory_space<vmem_shared>>) target_semaphore(%run_scoped3A : memref<!tpu.dma_semaphore, #tpu.memory_space<semaphore_mem>>)
        %dma_wait3A_384 = arith.constant 0 : i32
        %dma_wait3A_385 = arith.constant 0 : i32
        %dma_wait3A_386 = tpu.memref_slice %arg9[%dma_wait3A_384, %dma_wait3A_385] : memref<104x64xf32, #tpu.memory_space<vmem>> -> memref<16x64xf32, #tpu.memory_space<vmem>>
        %dma_wait3A_387 = arith.constant 9984 : i32
        %dma_wait3A_388 = arith.constant 0 : i32
        %dma_wait3A_389 = tpu.memref_slice %arg10[%dma_wait3A_387, %dma_wait3A_388] : memref<10000x64xf32, #tpu.memory_space<vmem_shared>> -> memref<16x64xf32, #tpu.memory_space<vmem_shared>>
        %dma_wait3A_390 = arith.constant 9984 : i32
        %dma_wait3A_391 = arith.constant 0 : i32
        %dma_wait3A_392 = tpu.memref_slice %arg10[%dma_wait3A_390, %dma_wait3A_391] : memref<10000x64xf32, #tpu.memory_space<vmem_shared>> -> memref<16x64xf32, #tpu.memory_space<vmem_shared>>
        %dma_wait3A_393 = arith.constant 0 : i32
        %dma_wait3A_394 = arith.constant 0 : i32
        %dma_wait3A_395 = tpu.memref_slice %arg9[%dma_wait3A_393, %dma_wait3A_394] : memref<104x64xf32, #tpu.memory_space<vmem>> -> memref<16x64xf32, #tpu.memory_space<vmem>>
        tpu.wait_dma2 semaphore(%run_scoped3A : memref<!tpu.dma_semaphore, #tpu.memory_space<semaphore_mem>>) src(%dma_wait3A_395 : memref<16x64xf32, #tpu.memory_space<vmem>>) dst(%dma_wait3A_392 : memref<16x64xf32, #tpu.memory_space<vmem_shared>>)
        tpu.yield
      }) : () -> ()
    } else {
    }
    %dma_wait3A = arith.constant 0 : i32
    %dma_wait3A_40 = arith.constant 0 : i32
    %dma_wait3A_41 = arith.constant 0 : i32
    %dma_wait3A_42 = tpu.memref_slice %arg3[%arg0, %arg1, %dma_wait3A_40, %dma_wait3A_41] : memref<2x16x160x125xi32, #tpu.memory_space<hbm>> -> memref<1x1x160x125xi32, #tpu.memory_space<hbm>>
    %dma_wait3A_43 = tpu.memref_squeeze %dma_wait3A_42 : memref<1x1x160x125xi32, #tpu.memory_space<hbm>> -> memref<160x125xi32, #tpu.memory_space<hbm>>
    %dma_wait3A_44 = tpu.memref_slice %arg13[%dma_wait3A] : memref<2x!tpu.dma_semaphore, #tpu.memory_space<semaphore_mem>> -> memref<1x!tpu.dma_semaphore, #tpu.memory_space<semaphore_mem>>
    %dma_wait3A_45 = tpu.memref_squeeze %dma_wait3A_44 : memref<1x!tpu.dma_semaphore, #tpu.memory_space<semaphore_mem>> -> memref<!tpu.dma_semaphore, #tpu.memory_space<semaphore_mem>>
    %dma_wait3A_46 = arith.constant 0 : i32
    %dma_wait3A_47 = arith.constant 0 : i32
    %dma_wait3A_48 = tpu.memref_slice %arg3[%arg0, %arg1, %dma_wait3A_46, %dma_wait3A_47] : memref<2x16x160x125xi32, #tpu.memory_space<hbm>> -> memref<1x1x160x125xi32, #tpu.memory_space<hbm>>
    %dma_wait3A_49 = tpu.memref_squeeze %dma_wait3A_48 : memref<1x1x160x125xi32, #tpu.memory_space<hbm>> -> memref<160x125xi32, #tpu.memory_space<hbm>>
    tpu.wait_dma2 semaphore(%dma_wait3A_45 : memref<!tpu.dma_semaphore, #tpu.memory_space<semaphore_mem>>) src(%dma_wait3A_49 : memref<160x125xi32, #tpu.memory_space<hbm>>) dst(%arg6 : memref<160x125xi32, #tpu.memory_space<vmem>>)
    %dma_wait3A_50 = arith.constant 1 : i32
    %dma_wait3A_51 = arith.constant 0 : i32
    %dma_wait3A_52 = arith.constant 0 : i32
    %dma_wait3A_53 = tpu.memref_slice %arg4[%arg1, %dma_wait3A_51, %dma_wait3A_52] : memref<16x160x125xi32, #tpu.memory_space<hbm>> -> memref<1x160x125xi32, #tpu.memory_space<hbm>>
    %dma_wait3A_54 = tpu.memref_squeeze %dma_wait3A_53 : memref<1x160x125xi32, #tpu.memory_space<hbm>> -> memref<160x125xi32, #tpu.memory_space<hbm>>
    %dma_wait3A_55 = tpu.memref_slice %arg13[%dma_wait3A_50] : memref<2x!tpu.dma_semaphore, #tpu.memory_space<semaphore_mem>> -> memref<1x!tpu.dma_semaphore, #tpu.memory_space<semaphore_mem>>
    %dma_wait3A_56 = tpu.memref_squeeze %dma_wait3A_55 : memref<1x!tpu.dma_semaphore, #tpu.memory_space<semaphore_mem>> -> memref<!tpu.dma_semaphore, #tpu.memory_space<semaphore_mem>>
    %dma_wait3A_57 = arith.constant 0 : i32
    %dma_wait3A_58 = arith.constant 0 : i32
    %dma_wait3A_59 = tpu.memref_slice %arg4[%arg1, %dma_wait3A_57, %dma_wait3A_58] : memref<16x160x125xi32, #tpu.memory_space<hbm>> -> memref<1x160x125xi32, #tpu.memory_space<hbm>>
    %dma_wait3A_60 = tpu.memref_squeeze %dma_wait3A_59 : memref<1x160x125xi32, #tpu.memory_space<hbm>> -> memref<160x125xi32, #tpu.memory_space<hbm>>
    tpu.wait_dma2 semaphore(%dma_wait3A_56 : memref<!tpu.dma_semaphore, #tpu.memory_space<semaphore_mem>>) src(%dma_wait3A_60 : memref<160x125xi32, #tpu.memory_space<hbm>>) dst(%arg7 : memref<160x125xi32, #tpu.memory_space<vmem>>)
    %barrier3A = arith.constant 0 : index
    tpu.barrier barrier_id(%barrier3A)
    %dma_start3A_61 = arith.constant 0 : i32
    %dma_start3A_62 = arith.constant 0 : i32
    %dma_start3A_63 = arith.constant 0 : i32
    %dma_start3A_64 = arith.constant 0 : i32
    %dma_start3A_65 = arith.constant 0 : i32
    %dma_start3A_66 = tpu.memref_slice %arg8[%dma_start3A_62, %dma_start3A_64, %dma_start3A_65] : memref<5x125x64xf32, #tpu.memory_space<vmem>> -> memref<1x125x64xf32, #tpu.memory_space<vmem>>
    %dma_start3A_67 = tpu.memref_squeeze %dma_start3A_66 : memref<1x125x64xf32, #tpu.memory_space<vmem>> -> memref<125x64xf32, #tpu.memory_space<vmem>>
    %dma_start3A_68 = arith.constant 0 : i32
    %dma_start3A_69 = tpu.memref_slice %arg6[%dma_start3A_61, %dma_start3A_68] : memref<160x125xi32, #tpu.memory_space<vmem>> -> memref<1x125xi32, #tpu.memory_space<vmem>>
    %dma_start3A_70 = tpu.memref_squeeze %dma_start3A_69 : memref<1x125xi32, #tpu.memory_space<vmem>> -> memref<125xi32, #tpu.memory_space<vmem>>
    %dma_start3A_71 = arith.constant 0 : i32
    %dma_start3A_72 = arith.constant 0 : i32
    %dma_start3A_73 = tpu.memref_slice %arg2[%dma_start3A_71, %dma_start3A_72] : memref<20000x64xf32, #tpu.memory_space<hbm>> -> memref<20000x64xf32, #tpu.memory_space<hbm>>
    %dma_start3A_74 = tpu.memref_slice %arg11[%dma_start3A_63] : memref<5x!tpu.dma_semaphore, #tpu.memory_space<semaphore_mem>> -> memref<1x!tpu.dma_semaphore, #tpu.memory_space<semaphore_mem>>
    %dma_start3A_75 = tpu.memref_squeeze %dma_start3A_74 : memref<1x!tpu.dma_semaphore, #tpu.memory_space<semaphore_mem>> -> memref<!tpu.dma_semaphore, #tpu.memory_space<semaphore_mem>>
    tpu.enqueue_indirect_dma source(%dma_start3A_73 : memref<20000x64xf32, #tpu.memory_space<hbm>>) target(%dma_start3A_67 : memref<125x64xf32, #tpu.memory_space<vmem>>) offsets(%dma_start3A_70 : memref<125xi32, #tpu.memory_space<vmem>>) semaphore(%dma_start3A_75 : memref<!tpu.dma_semaphore, #tpu.memory_space<semaphore_mem>>)
    %dma_start3A_76 = arith.constant 1 : i32
    %dma_start3A_77 = arith.constant 1 : i32
    %dma_start3A_78 = arith.constant 1 : i32
    %dma_start3A_79 = arith.constant 0 : i32
    %dma_start3A_80 = arith.constant 0 : i32
    %dma_start3A_81 = tpu.memref_slice %arg8[%dma_start3A_77, %dma_start3A_79, %dma_start3A_80] : memref<5x125x64xf32, #tpu.memory_space<vmem>> -> memref<1x125x64xf32, #tpu.memory_space<vmem>>
    %dma_start3A_82 = tpu.memref_squeeze %dma_start3A_81 : memref<1x125x64xf32, #tpu.memory_space<vmem>> -> memref<125x64xf32, #tpu.memory_space<vmem>>
    %dma_start3A_83 = arith.constant 0 : i32
    %dma_start3A_84 = tpu.memref_slice %arg6[%dma_start3A_76, %dma_start3A_83] : memref<160x125xi32, #tpu.memory_space<vmem>> -> memref<1x125xi32, #tpu.memory_space<vmem>>
    %dma_start3A_85 = tpu.memref_squeeze %dma_start3A_84 : memref<1x125xi32, #tpu.memory_space<vmem>> -> memref<125xi32, #tpu.memory_space<vmem>>
    %dma_start3A_86 = arith.constant 0 : i32
    %dma_start3A_87 = arith.constant 0 : i32
    %dma_start3A_88 = tpu.memref_slice %arg2[%dma_start3A_86, %dma_start3A_87] : memref<20000x64xf32, #tpu.memory_space<hbm>> -> memref<20000x64xf32, #tpu.memory_space<hbm>>
    %dma_start3A_89 = tpu.memref_slice %arg11[%dma_start3A_78] : memref<5x!tpu.dma_semaphore, #tpu.memory_space<semaphore_mem>> -> memref<1x!tpu.dma_semaphore, #tpu.memory_space<semaphore_mem>>
    %dma_start3A_90 = tpu.memref_squeeze %dma_start3A_89 : memref<1x!tpu.dma_semaphore, #tpu.memory_space<semaphore_mem>> -> memref<!tpu.dma_semaphore, #tpu.memory_space<semaphore_mem>>
    tpu.enqueue_indirect_dma source(%dma_start3A_88 : memref<20000x64xf32, #tpu.memory_space<hbm>>) target(%dma_start3A_82 : memref<125x64xf32, #tpu.memory_space<vmem>>) offsets(%dma_start3A_85 : memref<125xi32, #tpu.memory_space<vmem>>) semaphore(%dma_start3A_90 : memref<!tpu.dma_semaphore, #tpu.memory_space<semaphore_mem>>)
    %dma_start3A_91 = arith.constant 2 : i32
    %dma_start3A_92 = arith.constant 2 : i32
    %dma_start3A_93 = arith.constant 2 : i32
    %dma_start3A_94 = arith.constant 0 : i32
    %dma_start3A_95 = arith.constant 0 : i32
    %dma_start3A_96 = tpu.memref_slice %arg8[%dma_start3A_92, %dma_start3A_94, %dma_start3A_95] : memref<5x125x64xf32, #tpu.memory_space<vmem>> -> memref<1x125x64xf32, #tpu.memory_space<vmem>>
    %dma_start3A_97 = tpu.memref_squeeze %dma_start3A_96 : memref<1x125x64xf32, #tpu.memory_space<vmem>> -> memref<125x64xf32, #tpu.memory_space<vmem>>
    %dma_start3A_98 = arith.constant 0 : i32
    %dma_start3A_99 = tpu.memref_slice %arg6[%dma_start3A_91, %dma_start3A_98] : memref<160x125xi32, #tpu.memory_space<vmem>> -> memref<1x125xi32, #tpu.memory_space<vmem>>
    %dma_start3A_100 = tpu.memref_squeeze %dma_start3A_99 : memref<1x125xi32, #tpu.memory_space<vmem>> -> memref<125xi32, #tpu.memory_space<vmem>>
    %dma_start3A_101 = arith.constant 0 : i32
    %dma_start3A_102 = arith.constant 0 : i32
    %dma_start3A_103 = tpu.memref_slice %arg2[%dma_start3A_101, %dma_start3A_102] : memref<20000x64xf32, #tpu.memory_space<hbm>> -> memref<20000x64xf32, #tpu.memory_space<hbm>>
    %dma_start3A_104 = tpu.memref_slice %arg11[%dma_start3A_93] : memref<5x!tpu.dma_semaphore, #tpu.memory_space<semaphore_mem>> -> memref<1x!tpu.dma_semaphore, #tpu.memory_space<semaphore_mem>>
    %dma_start3A_105 = tpu.memref_squeeze %dma_start3A_104 : memref<1x!tpu.dma_semaphore, #tpu.memory_space<semaphore_mem>> -> memref<!tpu.dma_semaphore, #tpu.memory_space<semaphore_mem>>
    tpu.enqueue_indirect_dma source(%dma_start3A_103 : memref<20000x64xf32, #tpu.memory_space<hbm>>) target(%dma_start3A_97 : memref<125x64xf32, #tpu.memory_space<vmem>>) offsets(%dma_start3A_100 : memref<125xi32, #tpu.memory_space<vmem>>) semaphore(%dma_start3A_105 : memref<!tpu.dma_semaphore, #tpu.memory_space<semaphore_mem>>)
    %dma_start3A_106 = arith.constant 3 : i32
    %dma_start3A_107 = arith.constant 3 : i32
    %dma_start3A_108 = arith.constant 3 : i32
    %dma_start3A_109 = arith.constant 0 : i32
    %dma_start3A_110 = arith.constant 0 : i32
    %dma_start3A_111 = tpu.memref_slice %arg8[%dma_start3A_107, %dma_start3A_109, %dma_start3A_110] : memref<5x125x64xf32, #tpu.memory_space<vmem>> -> memref<1x125x64xf32, #tpu.memory_space<vmem>>
    %dma_start3A_112 = tpu.memref_squeeze %dma_start3A_111 : memref<1x125x64xf32, #tpu.memory_space<vmem>> -> memref<125x64xf32, #tpu.memory_space<vmem>>
    %dma_start3A_113 = arith.constant 0 : i32
    %dma_start3A_114 = tpu.memref_slice %arg6[%dma_start3A_106, %dma_start3A_113] : memref<160x125xi32, #tpu.memory_space<vmem>> -> memref<1x125xi32, #tpu.memory_space<vmem>>
    %dma_start3A_115 = tpu.memref_squeeze %dma_start3A_114 : memref<1x125xi32, #tpu.memory_space<vmem>> -> memref<125xi32, #tpu.memory_space<vmem>>
    %dma_start3A_116 = arith.constant 0 : i32
    %dma_start3A_117 = arith.constant 0 : i32
    %dma_start3A_118 = tpu.memref_slice %arg2[%dma_start3A_116, %dma_start3A_117] : memref<20000x64xf32, #tpu.memory_space<hbm>> -> memref<20000x64xf32, #tpu.memory_space<hbm>>
    %dma_start3A_119 = tpu.memref_slice %arg11[%dma_start3A_108] : memref<5x!tpu.dma_semaphore, #tpu.memory_space<semaphore_mem>> -> memref<1x!tpu.dma_semaphore, #tpu.memory_space<semaphore_mem>>
    %dma_start3A_120 = tpu.memref_squeeze %dma_start3A_119 : memref<1x!tpu.dma_semaphore, #tpu.memory_space<semaphore_mem>> -> memref<!tpu.dma_semaphore, #tpu.memory_space<semaphore_mem>>
    tpu.enqueue_indirect_dma source(%dma_start3A_118 : memref<20000x64xf32, #tpu.memory_space<hbm>>) target(%dma_start3A_112 : memref<125x64xf32, #tpu.memory_space<vmem>>) offsets(%dma_start3A_115 : memref<125xi32, #tpu.memory_space<vmem>>) semaphore(%dma_start3A_120 : memref<!tpu.dma_semaphore, #tpu.memory_space<semaphore_mem>>)
    %dma_start3A_121 = arith.constant 4 : i32
    %dma_start3A_122 = arith.constant 4 : i32
    %dma_start3A_123 = arith.constant 4 : i32
    %dma_start3A_124 = arith.constant 0 : i32
    %dma_start3A_125 = arith.constant 0 : i32
    %dma_start3A_126 = tpu.memref_slice %arg8[%dma_start3A_122, %dma_start3A_124, %dma_start3A_125] : memref<5x125x64xf32, #tpu.memory_space<vmem>> -> memref<1x125x64xf32, #tpu.memory_space<vmem>>
    %dma_start3A_127 = tpu.memref_squeeze %dma_start3A_126 : memref<1x125x64xf32, #tpu.memory_space<vmem>> -> memref<125x64xf32, #tpu.memory_space<vmem>>
    %dma_start3A_128 = arith.constant 0 : i32
    %dma_start3A_129 = tpu.memref_slice %arg6[%dma_start3A_121, %dma_start3A_128] : memref<160x125xi32, #tpu.memory_space<vmem>> -> memref<1x125xi32, #tpu.memory_space<vmem>>
    %dma_start3A_130 = tpu.memref_squeeze %dma_start3A_129 : memref<1x125xi32, #tpu.memory_space<vmem>> -> memref<125xi32, #tpu.memory_space<vmem>>
    %dma_start3A_131 = arith.constant 0 : i32
    %dma_start3A_132 = arith.constant 0 : i32
    %dma_start3A_133 = tpu.memref_slice %arg2[%dma_start3A_131, %dma_start3A_132] : memref<20000x64xf32, #tpu.memory_space<hbm>> -> memref<20000x64xf32, #tpu.memory_space<hbm>>
    %dma_start3A_134 = tpu.memref_slice %arg11[%dma_start3A_123] : memref<5x!tpu.dma_semaphore, #tpu.memory_space<semaphore_mem>> -> memref<1x!tpu.dma_semaphore, #tpu.memory_space<semaphore_mem>>
    %dma_start3A_135 = tpu.memref_squeeze %dma_start3A_134 : memref<1x!tpu.dma_semaphore, #tpu.memory_space<semaphore_mem>> -> memref<!tpu.dma_semaphore, #tpu.memory_space<semaphore_mem>>
    tpu.enqueue_indirect_dma source(%dma_start3A_133 : memref<20000x64xf32, #tpu.memory_space<hbm>>) target(%dma_start3A_127 : memref<125x64xf32, #tpu.memory_space<vmem>>) offsets(%dma_start3A_130 : memref<125xi32, #tpu.memory_space<vmem>>) semaphore(%dma_start3A_135 : memref<!tpu.dma_semaphore, #tpu.memory_space<semaphore_mem>>)
    %dma_wait3A_136 = arith.constant 0 : i32
    %dma_wait3A_137 = arith.constant 0 : i32
    %dma_wait3A_138 = arith.constant 0 : i32
    %dma_wait3A_139 = arith.constant 0 : i32
    %dma_wait3A_140 = arith.constant 0 : i32
    %dma_wait3A_141 = tpu.memref_slice %arg8[%dma_wait3A_137, %dma_wait3A_139, %dma_wait3A_140] : memref<5x125x64xf32, #tpu.memory_space<vmem>> -> memref<1x125x64xf32, #tpu.memory_space<vmem>>
    %dma_wait3A_142 = tpu.memref_squeeze %dma_wait3A_141 : memref<1x125x64xf32, #tpu.memory_space<vmem>> -> memref<125x64xf32, #tpu.memory_space<vmem>>
    %dma_wait3A_143 = arith.constant 0 : i32
    %dma_wait3A_144 = tpu.memref_slice %arg6[%dma_wait3A_136, %dma_wait3A_143] : memref<160x125xi32, #tpu.memory_space<vmem>> -> memref<1x125xi32, #tpu.memory_space<vmem>>
    %dma_wait3A_145 = tpu.memref_squeeze %dma_wait3A_144 : memref<1x125xi32, #tpu.memory_space<vmem>> -> memref<125xi32, #tpu.memory_space<vmem>>
    %dma_wait3A_146 = arith.constant 0 : i32
    %dma_wait3A_147 = arith.constant 0 : i32
    %dma_wait3A_148 = tpu.memref_slice %arg2[%dma_wait3A_146, %dma_wait3A_147] : memref<20000x64xf32, #tpu.memory_space<hbm>> -> memref<20000x64xf32, #tpu.memory_space<hbm>>
    %dma_wait3A_149 = tpu.memref_slice %arg11[%dma_wait3A_138] : memref<5x!tpu.dma_semaphore, #tpu.memory_space<semaphore_mem>> -> memref<1x!tpu.dma_semaphore, #tpu.memory_space<semaphore_mem>>
    %dma_wait3A_150 = tpu.memref_squeeze %dma_wait3A_149 : memref<1x!tpu.dma_semaphore, #tpu.memory_space<semaphore_mem>> -> memref<!tpu.dma_semaphore, #tpu.memory_space<semaphore_mem>>
    tpu.wait_indirect_dma semaphore(%dma_wait3A_150 : memref<!tpu.dma_semaphore, #tpu.memory_space<semaphore_mem>>) src(%dma_wait3A_148 : memref<20000x64xf32, #tpu.memory_space<hbm>>) dst(%dma_wait3A_142 : memref<125x64xf32, #tpu.memory_space<vmem>>)
    %dma_start3A_151 = arith.constant 0 : i32
    %dma_start3A_152 = arith.constant 0 : i32
    %dma_start3A_153 = arith.constant 0 : i32
    %dma_start3A_154 = arith.constant 0 : i32
    %dma_start3A_155 = arith.constant 0 : i32
    %dma_start3A_156 = tpu.memref_slice %arg8[%dma_start3A_151, %dma_start3A_154, %dma_start3A_155] : memref<5x125x64xf32, #tpu.memory_space<vmem>> -> memref<1x125x64xf32, #tpu.memory_space<vmem>>
    %dma_start3A_157 = tpu.memref_squeeze %dma_start3A_156 : memref<1x125x64xf32, #tpu.memory_space<vmem>> -> memref<125x64xf32, #tpu.memory_space<vmem>>
    %dma_start3A_158 = arith.constant 0 : i32
    %dma_start3A_159 = tpu.memref_slice %arg7[%dma_start3A_152, %dma_start3A_158] : memref<160x125xi32, #tpu.memory_space<vmem>> -> memref<1x125xi32, #tpu.memory_space<vmem>>
    %dma_start3A_160 = tpu.memref_squeeze %dma_start3A_159 : memref<1x125xi32, #tpu.memory_space<vmem>> -> memref<125xi32, #tpu.memory_space<vmem>>
    %dma_start3A_161 = arith.constant 0 : i32
    %dma_start3A_162 = arith.constant 0 : i32
    %dma_start3A_163 = tpu.memref_slice %arg10[%dma_start3A_161, %dma_start3A_162] : memref<10000x64xf32, #tpu.memory_space<vmem_shared>> -> memref<10000x64xf32, #tpu.memory_space<vmem_shared>>
    %dma_start3A_164 = tpu.memref_slice %arg12[%dma_start3A_153] : memref<5x!tpu.dma_semaphore, #tpu.memory_space<semaphore_mem>> -> memref<1x!tpu.dma_semaphore, #tpu.memory_space<semaphore_mem>>
    %dma_start3A_165 = tpu.memref_squeeze %dma_start3A_164 : memref<1x!tpu.dma_semaphore, #tpu.memory_space<semaphore_mem>> -> memref<!tpu.dma_semaphore, #tpu.memory_space<semaphore_mem>>
    tpu.enqueue_indirect_dma source(%dma_start3A_157 : memref<125x64xf32, #tpu.memory_space<vmem>>) target(%dma_start3A_163 : memref<10000x64xf32, #tpu.memory_space<vmem_shared>>) offsets(%dma_start3A_160 : memref<125xi32, #tpu.memory_space<vmem>>) semaphore(%dma_start3A_165 : memref<!tpu.dma_semaphore, #tpu.memory_space<semaphore_mem>>) {add = true}
    %scan3A_166 = arith.constant 0 : i32
    %scan3A_167 = arith.constant 31 : i32
    %scan3A_168 = arith.addi %scan3A_166, %scan3A_167 : i32
    %scan3A_169 = arith.constant 1 : i32
    scf.for %scan3A_372 = %scan3A_166 to %scan3A_168 step %scan3A_169  : i32 {
      %mul3A_373 = arith.constant 5 : i32
      %mul3A_374 = arith.muli %scan3A_372, %mul3A_373 : i32
      %add3A_375 = arith.constant 1 : i32
      %add3A_376 = arith.addi %add3A_375, %mul3A_374 : i32
      %add3A_377 = arith.constant 0 : i32
      %add3A_378 = arith.addi %add3A_376, %add3A_377 : i32
      %dma_wait3A_379 = arith.constant 0 : i32
      %dma_wait3A_380 = arith.constant 0 : i32
      %dma_wait3A_381 = arith.constant 0 : i32
      %dma_wait3A_382 = arith.constant 0 : i32
      %dma_wait3A_383 = arith.constant 0 : i32
      %dma_wait3A_384 = tpu.memref_slice %arg8[%dma_wait3A_380, %dma_wait3A_382, %dma_wait3A_383] : memref<5x125x64xf32, #tpu.memory_space<vmem>> -> memref<1x125x64xf32, #tpu.memory_space<vmem>>
      %dma_wait3A_385 = tpu.memref_squeeze %dma_wait3A_384 : memref<1x125x64xf32, #tpu.memory_space<vmem>> -> memref<125x64xf32, #tpu.memory_space<vmem>>
      %dma_wait3A_386 = arith.constant 0 : i32
      %dma_wait3A_387 = tpu.memref_slice %arg6[%dma_wait3A_379, %dma_wait3A_386] : memref<160x125xi32, #tpu.memory_space<vmem>> -> memref<1x125xi32, #tpu.memory_space<vmem>>
      %dma_wait3A_388 = tpu.memref_squeeze %dma_wait3A_387 : memref<1x125xi32, #tpu.memory_space<vmem>> -> memref<125xi32, #tpu.memory_space<vmem>>
      %dma_wait3A_389 = arith.constant 0 : i32
      %dma_wait3A_390 = arith.constant 0 : i32
      %dma_wait3A_391 = tpu.memref_slice %arg2[%dma_wait3A_389, %dma_wait3A_390] : memref<20000x64xf32, #tpu.memory_space<hbm>> -> memref<20000x64xf32, #tpu.memory_space<hbm>>
      %dma_wait3A_392 = tpu.memref_slice %arg12[%dma_wait3A_381] : memref<5x!tpu.dma_semaphore, #tpu.memory_space<semaphore_mem>> -> memref<1x!tpu.dma_semaphore, #tpu.memory_space<semaphore_mem>>
      %dma_wait3A_393 = tpu.memref_squeeze %dma_wait3A_392 : memref<1x!tpu.dma_semaphore, #tpu.memory_space<semaphore_mem>> -> memref<!tpu.dma_semaphore, #tpu.memory_space<semaphore_mem>>
      tpu.wait_indirect_dma semaphore(%dma_wait3A_393 : memref<!tpu.dma_semaphore, #tpu.memory_space<semaphore_mem>>) src(%dma_wait3A_391 : memref<20000x64xf32, #tpu.memory_space<hbm>>) dst(%dma_wait3A_385 : memref<125x64xf32, #tpu.memory_space<vmem>>)
      %add3A_394 = arith.constant 5 : i32
      %add3A_395 = arith.addi %add3A_378, %add3A_394 : i32
      %sub3A = arith.constant 1 : i32
      %sub3A_396 = arith.subi %add3A_395, %sub3A : i32
      %dma_start3A_397 = arith.constant 0 : i32
      %dma_start3A_398 = arith.constant 0 : i32
      %dma_start3A_399 = arith.constant 0 : i32
      %dma_start3A_400 = arith.constant 0 : i32
      %dma_start3A_401 = tpu.memref_slice %arg8[%dma_start3A_397, %dma_start3A_399, %dma_start3A_400] : memref<5x125x64xf32, #tpu.memory_space<vmem>> -> memref<1x125x64xf32, #tpu.memory_space<vmem>>
      %dma_start3A_402 = tpu.memref_squeeze %dma_start3A_401 : memref<1x125x64xf32, #tpu.memory_space<vmem>> -> memref<125x64xf32, #tpu.memory_space<vmem>>
      %dma_start3A_403 = arith.constant 0 : i32
      %dma_start3A_404 = tpu.memref_slice %arg6[%sub3A_396, %dma_start3A_403] : memref<160x125xi32, #tpu.memory_space<vmem>> -> memref<1x125xi32, #tpu.memory_space<vmem>>
      %dma_start3A_405 = tpu.memref_squeeze %dma_start3A_404 : memref<1x125xi32, #tpu.memory_space<vmem>> -> memref<125xi32, #tpu.memory_space<vmem>>
      %dma_start3A_406 = arith.constant 0 : i32
      %dma_start3A_407 = arith.constant 0 : i32
      %dma_start3A_408 = tpu.memref_slice %arg2[%dma_start3A_406, %dma_start3A_407] : memref<20000x64xf32, #tpu.memory_space<hbm>> -> memref<20000x64xf32, #tpu.memory_space<hbm>>
      %dma_start3A_409 = tpu.memref_slice %arg11[%dma_start3A_398] : memref<5x!tpu.dma_semaphore, #tpu.memory_space<semaphore_mem>> -> memref<1x!tpu.dma_semaphore, #tpu.memory_space<semaphore_mem>>
      %dma_start3A_410 = tpu.memref_squeeze %dma_start3A_409 : memref<1x!tpu.dma_semaphore, #tpu.memory_space<semaphore_mem>> -> memref<!tpu.dma_semaphore, #tpu.memory_space<semaphore_mem>>
      tpu.enqueue_indirect_dma source(%dma_start3A_408 : memref<20000x64xf32, #tpu.memory_space<hbm>>) target(%dma_start3A_402 : memref<125x64xf32, #tpu.memory_space<vmem>>) offsets(%dma_start3A_405 : memref<125xi32, #tpu.memory_space<vmem>>) semaphore(%dma_start3A_410 : memref<!tpu.dma_semaphore, #tpu.memory_space<semaphore_mem>>)
      %dma_wait3A_411 = arith.constant 0 : i32
      %dma_wait3A_412 = arith.constant 1 : i32
      %dma_wait3A_413 = arith.constant 1 : i32
      %dma_wait3A_414 = arith.constant 0 : i32
      %dma_wait3A_415 = arith.constant 0 : i32
      %dma_wait3A_416 = tpu.memref_slice %arg8[%dma_wait3A_412, %dma_wait3A_414, %dma_wait3A_415] : memref<5x125x64xf32, #tpu.memory_space<vmem>> -> memref<1x125x64xf32, #tpu.memory_space<vmem>>
      %dma_wait3A_417 = tpu.memref_squeeze %dma_wait3A_416 : memref<1x125x64xf32, #tpu.memory_space<vmem>> -> memref<125x64xf32, #tpu.memory_space<vmem>>
      %dma_wait3A_418 = arith.constant 0 : i32
      %dma_wait3A_419 = tpu.memref_slice %arg6[%dma_wait3A_411, %dma_wait3A_418] : memref<160x125xi32, #tpu.memory_space<vmem>> -> memref<1x125xi32, #tpu.memory_space<vmem>>
      %dma_wait3A_420 = tpu.memref_squeeze %dma_wait3A_419 : memref<1x125xi32, #tpu.memory_space<vmem>> -> memref<125xi32, #tpu.memory_space<vmem>>
      %dma_wait3A_421 = arith.constant 0 : i32
      %dma_wait3A_422 = arith.constant 0 : i32
      %dma_wait3A_423 = tpu.memref_slice %arg2[%dma_wait3A_421, %dma_wait3A_422] : memref<20000x64xf32, #tpu.memory_space<hbm>> -> memref<20000x64xf32, #tpu.memory_space<hbm>>
      %dma_wait3A_424 = tpu.memref_slice %arg11[%dma_wait3A_413] : memref<5x!tpu.dma_semaphore, #tpu.memory_space<semaphore_mem>> -> memref<1x!tpu.dma_semaphore, #tpu.memory_space<semaphore_mem>>
      %dma_wait3A_425 = tpu.memref_squeeze %dma_wait3A_424 : memref<1x!tpu.dma_semaphore, #tpu.memory_space<semaphore_mem>> -> memref<!tpu.dma_semaphore, #tpu.memory_space<semaphore_mem>>
      tpu.wait_indirect_dma semaphore(%dma_wait3A_425 : memref<!tpu.dma_semaphore, #tpu.memory_space<semaphore_mem>>) src(%dma_wait3A_423 : memref<20000x64xf32, #tpu.memory_space<hbm>>) dst(%dma_wait3A_417 : memref<125x64xf32, #tpu.memory_space<vmem>>)
      %dma_start3A_426 = arith.constant 1 : i32
      %dma_start3A_427 = arith.constant 1 : i32
      %dma_start3A_428 = arith.constant 0 : i32
      %dma_start3A_429 = arith.constant 0 : i32
      %dma_start3A_430 = tpu.memref_slice %arg8[%dma_start3A_426, %dma_start3A_428, %dma_start3A_429] : memref<5x125x64xf32, #tpu.memory_space<vmem>> -> memref<1x125x64xf32, #tpu.memory_space<vmem>>
      %dma_start3A_431 = tpu.memref_squeeze %dma_start3A_430 : memref<1x125x64xf32, #tpu.memory_space<vmem>> -> memref<125x64xf32, #tpu.memory_space<vmem>>
      %dma_start3A_432 = arith.constant 0 : i32
      %dma_start3A_433 = tpu.memref_slice %arg7[%add3A_378, %dma_start3A_432] : memref<160x125xi32, #tpu.memory_space<vmem>> -> memref<1x125xi32, #tpu.memory_space<vmem>>
      %dma_start3A_434 = tpu.memref_squeeze %dma_start3A_433 : memref<1x125xi32, #tpu.memory_space<vmem>> -> memref<125xi32, #tpu.memory_space<vmem>>
      %dma_start3A_435 = arith.constant 0 : i32
      %dma_start3A_436 = arith.constant 0 : i32
      %dma_start3A_437 = tpu.memref_slice %arg10[%dma_start3A_435, %dma_start3A_436] : memref<10000x64xf32, #tpu.memory_space<vmem_shared>> -> memref<10000x64xf32, #tpu.memory_space<vmem_shared>>
      %dma_start3A_438 = tpu.memref_slice %arg12[%dma_start3A_427] : memref<5x!tpu.dma_semaphore, #tpu.memory_space<semaphore_mem>> -> memref<1x!tpu.dma_semaphore, #tpu.memory_space<semaphore_mem>>
      %dma_start3A_439 = tpu.memref_squeeze %dma_start3A_438 : memref<1x!tpu.dma_semaphore, #tpu.memory_space<semaphore_mem>> -> memref<!tpu.dma_semaphore, #tpu.memory_space<semaphore_mem>>
      tpu.enqueue_indirect_dma source(%dma_start3A_431 : memref<125x64xf32, #tpu.memory_space<vmem>>) target(%dma_start3A_437 : memref<10000x64xf32, #tpu.memory_space<vmem_shared>>) offsets(%dma_start3A_434 : memref<125xi32, #tpu.memory_space<vmem>>) semaphore(%dma_start3A_439 : memref<!tpu.dma_semaphore, #tpu.memory_space<semaphore_mem>>) {add = true}
      %add3A_440 = arith.constant 1 : i32
      %add3A_441 = arith.addi %add3A_376, %add3A_440 : i32
      %dma_wait3A_442 = arith.constant 0 : i32
      %dma_wait3A_443 = arith.constant 1 : i32
      %dma_wait3A_444 = arith.constant 1 : i32
      %dma_wait3A_445 = arith.constant 0 : i32
      %dma_wait3A_446 = arith.constant 0 : i32
      %dma_wait3A_447 = tpu.memref_slice %arg8[%dma_wait3A_443, %dma_wait3A_445, %dma_wait3A_446] : memref<5x125x64xf32, #tpu.memory_space<vmem>> -> memref<1x125x64xf32, #tpu.memory_space<vmem>>
      %dma_wait3A_448 = tpu.memref_squeeze %dma_wait3A_447 : memref<1x125x64xf32, #tpu.memory_space<vmem>> -> memref<125x64xf32, #tpu.memory_space<vmem>>
      %dma_wait3A_449 = arith.constant 0 : i32
      %dma_wait3A_450 = tpu.memref_slice %arg6[%dma_wait3A_442, %dma_wait3A_449] : memref<160x125xi32, #tpu.memory_space<vmem>> -> memref<1x125xi32, #tpu.memory_space<vmem>>
      %dma_wait3A_451 = tpu.memref_squeeze %dma_wait3A_450 : memref<1x125xi32, #tpu.memory_space<vmem>> -> memref<125xi32, #tpu.memory_space<vmem>>
      %dma_wait3A_452 = arith.constant 0 : i32
      %dma_wait3A_453 = arith.constant 0 : i32
      %dma_wait3A_454 = tpu.memref_slice %arg2[%dma_wait3A_452, %dma_wait3A_453] : memref<20000x64xf32, #tpu.memory_space<hbm>> -> memref<20000x64xf32, #tpu.memory_space<hbm>>
      %dma_wait3A_455 = tpu.memref_slice %arg12[%dma_wait3A_444] : memref<5x!tpu.dma_semaphore, #tpu.memory_space<semaphore_mem>> -> memref<1x!tpu.dma_semaphore, #tpu.memory_space<semaphore_mem>>
      %dma_wait3A_456 = tpu.memref_squeeze %dma_wait3A_455 : memref<1x!tpu.dma_semaphore, #tpu.memory_space<semaphore_mem>> -> memref<!tpu.dma_semaphore, #tpu.memory_space<semaphore_mem>>
      tpu.wait_indirect_dma semaphore(%dma_wait3A_456 : memref<!tpu.dma_semaphore, #tpu.memory_space<semaphore_mem>>) src(%dma_wait3A_454 : memref<20000x64xf32, #tpu.memory_space<hbm>>) dst(%dma_wait3A_448 : memref<125x64xf32, #tpu.memory_space<vmem>>)
      %add3A_457 = arith.constant 5 : i32
      %add3A_458 = arith.addi %add3A_441, %add3A_457 : i32
      %sub3A_459 = arith.constant 1 : i32
      %sub3A_460 = arith.subi %add3A_458, %sub3A_459 : i32
      %dma_start3A_461 = arith.constant 1 : i32
      %dma_start3A_462 = arith.constant 1 : i32
      %dma_start3A_463 = arith.constant 0 : i32
      %dma_start3A_464 = arith.constant 0 : i32
      %dma_start3A_465 = tpu.memref_slice %arg8[%dma_start3A_461, %dma_start3A_463, %dma_start3A_464] : memref<5x125x64xf32, #tpu.memory_space<vmem>> -> memref<1x125x64xf32, #tpu.memory_space<vmem>>
      %dma_start3A_466 = tpu.memref_squeeze %dma_start3A_465 : memref<1x125x64xf32, #tpu.memory_space<vmem>> -> memref<125x64xf32, #tpu.memory_space<vmem>>
      %dma_start3A_467 = arith.constant 0 : i32
      %dma_start3A_468 = tpu.memref_slice %arg6[%sub3A_460, %dma_start3A_467] : memref<160x125xi32, #tpu.memory_space<vmem>> -> memref<1x125xi32, #tpu.memory_space<vmem>>
      %dma_start3A_469 = tpu.memref_squeeze %dma_start3A_468 : memref<1x125xi32, #tpu.memory_space<vmem>> -> memref<125xi32, #tpu.memory_space<vmem>>
      %dma_start3A_470 = arith.constant 0 : i32
      %dma_start3A_471 = arith.constant 0 : i32
      %dma_start3A_472 = tpu.memref_slice %arg2[%dma_start3A_470, %dma_start3A_471] : memref<20000x64xf32, #tpu.memory_space<hbm>> -> memref<20000x64xf32, #tpu.memory_space<hbm>>
      %dma_start3A_473 = tpu.memref_slice %arg11[%dma_start3A_462] : memref<5x!tpu.dma_semaphore, #tpu.memory_space<semaphore_mem>> -> memref<1x!tpu.dma_semaphore, #tpu.memory_space<semaphore_mem>>
      %dma_start3A_474 = tpu.memref_squeeze %dma_start3A_473 : memref<1x!tpu.dma_semaphore, #tpu.memory_space<semaphore_mem>> -> memref<!tpu.dma_semaphore, #tpu.memory_space<semaphore_mem>>
      tpu.enqueue_indirect_dma source(%dma_start3A_472 : memref<20000x64xf32, #tpu.memory_space<hbm>>) target(%dma_start3A_466 : memref<125x64xf32, #tpu.memory_space<vmem>>) offsets(%dma_start3A_469 : memref<125xi32, #tpu.memory_space<vmem>>) semaphore(%dma_start3A_474 : memref<!tpu.dma_semaphore, #tpu.memory_space<semaphore_mem>>)
      %dma_wait3A_475 = arith.constant 0 : i32
      %dma_wait3A_476 = arith.constant 2 : i32
      %dma_wait3A_477 = arith.constant 2 : i32
      %dma_wait3A_478 = arith.constant 0 : i32
      %dma_wait3A_479 = arith.constant 0 : i32
      %dma_wait3A_480 = tpu.memref_slice %arg8[%dma_wait3A_476, %dma_wait3A_478, %dma_wait3A_479] : memref<5x125x64xf32, #tpu.memory_space<vmem>> -> memref<1x125x64xf32, #tpu.memory_space<vmem>>
      %dma_wait3A_481 = tpu.memref_squeeze %dma_wait3A_480 : memref<1x125x64xf32, #tpu.memory_space<vmem>> -> memref<125x64xf32, #tpu.memory_space<vmem>>
      %dma_wait3A_482 = arith.constant 0 : i32
      %dma_wait3A_483 = tpu.memref_slice %arg6[%dma_wait3A_475, %dma_wait3A_482] : memref<160x125xi32, #tpu.memory_space<vmem>> -> memref<1x125xi32, #tpu.memory_space<vmem>>
      %dma_wait3A_484 = tpu.memref_squeeze %dma_wait3A_483 : memref<1x125xi32, #tpu.memory_space<vmem>> -> memref<125xi32, #tpu.memory_space<vmem>>
      %dma_wait3A_485 = arith.constant 0 : i32
      %dma_wait3A_486 = arith.constant 0 : i32
      %dma_wait3A_487 = tpu.memref_slice %arg2[%dma_wait3A_485, %dma_wait3A_486] : memref<20000x64xf32, #tpu.memory_space<hbm>> -> memref<20000x64xf32, #tpu.memory_space<hbm>>
      %dma_wait3A_488 = tpu.memref_slice %arg11[%dma_wait3A_477] : memref<5x!tpu.dma_semaphore, #tpu.memory_space<semaphore_mem>> -> memref<1x!tpu.dma_semaphore, #tpu.memory_space<semaphore_mem>>
      %dma_wait3A_489 = tpu.memref_squeeze %dma_wait3A_488 : memref<1x!tpu.dma_semaphore, #tpu.memory_space<semaphore_mem>> -> memref<!tpu.dma_semaphore, #tpu.memory_space<semaphore_mem>>
      tpu.wait_indirect_dma semaphore(%dma_wait3A_489 : memref<!tpu.dma_semaphore, #tpu.memory_space<semaphore_mem>>) src(%dma_wait3A_487 : memref<20000x64xf32, #tpu.memory_space<hbm>>) dst(%dma_wait3A_481 : memref<125x64xf32, #tpu.memory_space<vmem>>)
      %dma_start3A_490 = arith.constant 2 : i32
      %dma_start3A_491 = arith.constant 2 : i32
      %dma_start3A_492 = arith.constant 0 : i32
      %dma_start3A_493 = arith.constant 0 : i32
      %dma_start3A_494 = tpu.memref_slice %arg8[%dma_start3A_490, %dma_start3A_492, %dma_start3A_493] : memref<5x125x64xf32, #tpu.memory_space<vmem>> -> memref<1x125x64xf32, #tpu.memory_space<vmem>>
      %dma_start3A_495 = tpu.memref_squeeze %dma_start3A_494 : memref<1x125x64xf32, #tpu.memory_space<vmem>> -> memref<125x64xf32, #tpu.memory_space<vmem>>
      %dma_start3A_496 = arith.constant 0 : i32
      %dma_start3A_497 = tpu.memref_slice %arg7[%add3A_441, %dma_start3A_496] : memref<160x125xi32, #tpu.memory_space<vmem>> -> memref<1x125xi32, #tpu.memory_space<vmem>>
      %dma_start3A_498 = tpu.memref_squeeze %dma_start3A_497 : memref<1x125xi32, #tpu.memory_space<vmem>> -> memref<125xi32, #tpu.memory_space<vmem>>
      %dma_start3A_499 = arith.constant 0 : i32
      %dma_start3A_500 = arith.constant 0 : i32
      %dma_start3A_501 = tpu.memref_slice %arg10[%dma_start3A_499, %dma_start3A_500] : memref<10000x64xf32, #tpu.memory_space<vmem_shared>> -> memref<10000x64xf32, #tpu.memory_space<vmem_shared>>
      %dma_start3A_502 = tpu.memref_slice %arg12[%dma_start3A_491] : memref<5x!tpu.dma_semaphore, #tpu.memory_space<semaphore_mem>> -> memref<1x!tpu.dma_semaphore, #tpu.memory_space<semaphore_mem>>
      %dma_start3A_503 = tpu.memref_squeeze %dma_start3A_502 : memref<1x!tpu.dma_semaphore, #tpu.memory_space<semaphore_mem>> -> memref<!tpu.dma_semaphore, #tpu.memory_space<semaphore_mem>>
      tpu.enqueue_indirect_dma source(%dma_start3A_495 : memref<125x64xf32, #tpu.memory_space<vmem>>) target(%dma_start3A_501 : memref<10000x64xf32, #tpu.memory_space<vmem_shared>>) offsets(%dma_start3A_498 : memref<125xi32, #tpu.memory_space<vmem>>) semaphore(%dma_start3A_503 : memref<!tpu.dma_semaphore, #tpu.memory_space<semaphore_mem>>) {add = true}
      %add3A_504 = arith.constant 2 : i32
      %add3A_505 = arith.addi %add3A_376, %add3A_504 : i32
      %dma_wait3A_506 = arith.constant 0 : i32
      %dma_wait3A_507 = arith.constant 2 : i32
      %dma_wait3A_508 = arith.constant 2 : i32
      %dma_wait3A_509 = arith.constant 0 : i32
      %dma_wait3A_510 = arith.constant 0 : i32
      %dma_wait3A_511 = tpu.memref_slice %arg8[%dma_wait3A_507, %dma_wait3A_509, %dma_wait3A_510] : memref<5x125x64xf32, #tpu.memory_space<vmem>> -> memref<1x125x64xf32, #tpu.memory_space<vmem>>
      %dma_wait3A_512 = tpu.memref_squeeze %dma_wait3A_511 : memref<1x125x64xf32, #tpu.memory_space<vmem>> -> memref<125x64xf32, #tpu.memory_space<vmem>>
      %dma_wait3A_513 = arith.constant 0 : i32
      %dma_wait3A_514 = tpu.memref_slice %arg6[%dma_wait3A_506, %dma_wait3A_513] : memref<160x125xi32, #tpu.memory_space<vmem>> -> memref<1x125xi32, #tpu.memory_space<vmem>>
      %dma_wait3A_515 = tpu.memref_squeeze %dma_wait3A_514 : memref<1x125xi32, #tpu.memory_space<vmem>> -> memref<125xi32, #tpu.memory_space<vmem>>
      %dma_wait3A_516 = arith.constant 0 : i32
      %dma_wait3A_517 = arith.constant 0 : i32
      %dma_wait3A_518 = tpu.memref_slice %arg2[%dma_wait3A_516, %dma_wait3A_517] : memref<20000x64xf32, #tpu.memory_space<hbm>> -> memref<20000x64xf32, #tpu.memory_space<hbm>>
      %dma_wait3A_519 = tpu.memref_slice %arg12[%dma_wait3A_508] : memref<5x!tpu.dma_semaphore, #tpu.memory_space<semaphore_mem>> -> memref<1x!tpu.dma_semaphore, #tpu.memory_space<semaphore_mem>>
      %dma_wait3A_520 = tpu.memref_squeeze %dma_wait3A_519 : memref<1x!tpu.dma_semaphore, #tpu.memory_space<semaphore_mem>> -> memref<!tpu.dma_semaphore, #tpu.memory_space<semaphore_mem>>
      tpu.wait_indirect_dma semaphore(%dma_wait3A_520 : memref<!tpu.dma_semaphore, #tpu.memory_space<semaphore_mem>>) src(%dma_wait3A_518 : memref<20000x64xf32, #tpu.memory_space<hbm>>) dst(%dma_wait3A_512 : memref<125x64xf32, #tpu.memory_space<vmem>>)
      %add3A_521 = arith.constant 5 : i32
      %add3A_522 = arith.addi %add3A_505, %add3A_521 : i32
      %sub3A_523 = arith.constant 1 : i32
      %sub3A_524 = arith.subi %add3A_522, %sub3A_523 : i32
      %dma_start3A_525 = arith.constant 2 : i32
      %dma_start3A_526 = arith.constant 2 : i32
      %dma_start3A_527 = arith.constant 0 : i32
      %dma_start3A_528 = arith.constant 0 : i32
      %dma_start3A_529 = tpu.memref_slice %arg8[%dma_start3A_525, %dma_start3A_527, %dma_start3A_528] : memref<5x125x64xf32, #tpu.memory_space<vmem>> -> memref<1x125x64xf32, #tpu.memory_space<vmem>>
      %dma_start3A_530 = tpu.memref_squeeze %dma_start3A_529 : memref<1x125x64xf32, #tpu.memory_space<vmem>> -> memref<125x64xf32, #tpu.memory_space<vmem>>
      %dma_start3A_531 = arith.constant 0 : i32
      %dma_start3A_532 = tpu.memref_slice %arg6[%sub3A_524, %dma_start3A_531] : memref<160x125xi32, #tpu.memory_space<vmem>> -> memref<1x125xi32, #tpu.memory_space<vmem>>
      %dma_start3A_533 = tpu.memref_squeeze %dma_start3A_532 : memref<1x125xi32, #tpu.memory_space<vmem>> -> memref<125xi32, #tpu.memory_space<vmem>>
      %dma_start3A_534 = arith.constant 0 : i32
      %dma_start3A_535 = arith.constant 0 : i32
      %dma_start3A_536 = tpu.memref_slice %arg2[%dma_start3A_534, %dma_start3A_535] : memref<20000x64xf32, #tpu.memory_space<hbm>> -> memref<20000x64xf32, #tpu.memory_space<hbm>>
      %dma_start3A_537 = tpu.memref_slice %arg11[%dma_start3A_526] : memref<5x!tpu.dma_semaphore, #tpu.memory_space<semaphore_mem>> -> memref<1x!tpu.dma_semaphore, #tpu.memory_space<semaphore_mem>>
      %dma_start3A_538 = tpu.memref_squeeze %dma_start3A_537 : memref<1x!tpu.dma_semaphore, #tpu.memory_space<semaphore_mem>> -> memref<!tpu.dma_semaphore, #tpu.memory_space<semaphore_mem>>
      tpu.enqueue_indirect_dma source(%dma_start3A_536 : memref<20000x64xf32, #tpu.memory_space<hbm>>) target(%dma_start3A_530 : memref<125x64xf32, #tpu.memory_space<vmem>>) offsets(%dma_start3A_533 : memref<125xi32, #tpu.memory_space<vmem>>) semaphore(%dma_start3A_538 : memref<!tpu.dma_semaphore, #tpu.memory_space<semaphore_mem>>)
      %dma_wait3A_539 = arith.constant 0 : i32
      %dma_wait3A_540 = arith.constant 3 : i32
      %dma_wait3A_541 = arith.constant 3 : i32
      %dma_wait3A_542 = arith.constant 0 : i32
      %dma_wait3A_543 = arith.constant 0 : i32
      %dma_wait3A_544 = tpu.memref_slice %arg8[%dma_wait3A_540, %dma_wait3A_542, %dma_wait3A_543] : memref<5x125x64xf32, #tpu.memory_space<vmem>> -> memref<1x125x64xf32, #tpu.memory_space<vmem>>
      %dma_wait3A_545 = tpu.memref_squeeze %dma_wait3A_544 : memref<1x125x64xf32, #tpu.memory_space<vmem>> -> memref<125x64xf32, #tpu.memory_space<vmem>>
      %dma_wait3A_546 = arith.constant 0 : i32
      %dma_wait3A_547 = tpu.memref_slice %arg6[%dma_wait3A_539, %dma_wait3A_546] : memref<160x125xi32, #tpu.memory_space<vmem>> -> memref<1x125xi32, #tpu.memory_space<vmem>>
      %dma_wait3A_548 = tpu.memref_squeeze %dma_wait3A_547 : memref<1x125xi32, #tpu.memory_space<vmem>> -> memref<125xi32, #tpu.memory_space<vmem>>
      %dma_wait3A_549 = arith.constant 0 : i32
      %dma_wait3A_550 = arith.constant 0 : i32
      %dma_wait3A_551 = tpu.memref_slice %arg2[%dma_wait3A_549, %dma_wait3A_550] : memref<20000x64xf32, #tpu.memory_space<hbm>> -> memref<20000x64xf32, #tpu.memory_space<hbm>>
      %dma_wait3A_552 = tpu.memref_slice %arg11[%dma_wait3A_541] : memref<5x!tpu.dma_semaphore, #tpu.memory_space<semaphore_mem>> -> memref<1x!tpu.dma_semaphore, #tpu.memory_space<semaphore_mem>>
      %dma_wait3A_553 = tpu.memref_squeeze %dma_wait3A_552 : memref<1x!tpu.dma_semaphore, #tpu.memory_space<semaphore_mem>> -> memref<!tpu.dma_semaphore, #tpu.memory_space<semaphore_mem>>
      tpu.wait_indirect_dma semaphore(%dma_wait3A_553 : memref<!tpu.dma_semaphore, #tpu.memory_space<semaphore_mem>>) src(%dma_wait3A_551 : memref<20000x64xf32, #tpu.memory_space<hbm>>) dst(%dma_wait3A_545 : memref<125x64xf32, #tpu.memory_space<vmem>>)
      %dma_start3A_554 = arith.constant 3 : i32
      %dma_start3A_555 = arith.constant 3 : i32
      %dma_start3A_556 = arith.constant 0 : i32
      %dma_start3A_557 = arith.constant 0 : i32
      %dma_start3A_558 = tpu.memref_slice %arg8[%dma_start3A_554, %dma_start3A_556, %dma_start3A_557] : memref<5x125x64xf32, #tpu.memory_space<vmem>> -> memref<1x125x64xf32, #tpu.memory_space<vmem>>
      %dma_start3A_559 = tpu.memref_squeeze %dma_start3A_558 : memref<1x125x64xf32, #tpu.memory_space<vmem>> -> memref<125x64xf32, #tpu.memory_space<vmem>>
      %dma_start3A_560 = arith.constant 0 : i32
      %dma_start3A_561 = tpu.memref_slice %arg7[%add3A_505, %dma_start3A_560] : memref<160x125xi32, #tpu.memory_space<vmem>> -> memref<1x125xi32, #tpu.memory_space<vmem>>
      %dma_start3A_562 = tpu.memref_squeeze %dma_start3A_561 : memref<1x125xi32, #tpu.memory_space<vmem>> -> memref<125xi32, #tpu.memory_space<vmem>>
      %dma_start3A_563 = arith.constant 0 : i32
      %dma_start3A_564 = arith.constant 0 : i32
      %dma_start3A_565 = tpu.memref_slice %arg10[%dma_start3A_563, %dma_start3A_564] : memref<10000x64xf32, #tpu.memory_space<vmem_shared>> -> memref<10000x64xf32, #tpu.memory_space<vmem_shared>>
      %dma_start3A_566 = tpu.memref_slice %arg12[%dma_start3A_555] : memref<5x!tpu.dma_semaphore, #tpu.memory_space<semaphore_mem>> -> memref<1x!tpu.dma_semaphore, #tpu.memory_space<semaphore_mem>>
      %dma_start3A_567 = tpu.memref_squeeze %dma_start3A_566 : memref<1x!tpu.dma_semaphore, #tpu.memory_space<semaphore_mem>> -> memref<!tpu.dma_semaphore, #tpu.memory_space<semaphore_mem>>
      tpu.enqueue_indirect_dma source(%dma_start3A_559 : memref<125x64xf32, #tpu.memory_space<vmem>>) target(%dma_start3A_565 : memref<10000x64xf32, #tpu.memory_space<vmem_shared>>) offsets(%dma_start3A_562 : memref<125xi32, #tpu.memory_space<vmem>>) semaphore(%dma_start3A_567 : memref<!tpu.dma_semaphore, #tpu.memory_space<semaphore_mem>>) {add = true}
      %add3A_568 = arith.constant 3 : i32
      %add3A_569 = arith.addi %add3A_376, %add3A_568 : i32
      %dma_wait3A_570 = arith.constant 0 : i32
      %dma_wait3A_571 = arith.constant 3 : i32
      %dma_wait3A_572 = arith.constant 3 : i32
      %dma_wait3A_573 = arith.constant 0 : i32
      %dma_wait3A_574 = arith.constant 0 : i32
      %dma_wait3A_575 = tpu.memref_slice %arg8[%dma_wait3A_571, %dma_wait3A_573, %dma_wait3A_574] : memref<5x125x64xf32, #tpu.memory_space<vmem>> -> memref<1x125x64xf32, #tpu.memory_space<vmem>>
      %dma_wait3A_576 = tpu.memref_squeeze %dma_wait3A_575 : memref<1x125x64xf32, #tpu.memory_space<vmem>> -> memref<125x64xf32, #tpu.memory_space<vmem>>
      %dma_wait3A_577 = arith.constant 0 : i32
      %dma_wait3A_578 = tpu.memref_slice %arg6[%dma_wait3A_570, %dma_wait3A_577] : memref<160x125xi32, #tpu.memory_space<vmem>> -> memref<1x125xi32, #tpu.memory_space<vmem>>
      %dma_wait3A_579 = tpu.memref_squeeze %dma_wait3A_578 : memref<1x125xi32, #tpu.memory_space<vmem>> -> memref<125xi32, #tpu.memory_space<vmem>>
      %dma_wait3A_580 = arith.constant 0 : i32
      %dma_wait3A_581 = arith.constant 0 : i32
      %dma_wait3A_582 = tpu.memref_slice %arg2[%dma_wait3A_580, %dma_wait3A_581] : memref<20000x64xf32, #tpu.memory_space<hbm>> -> memref<20000x64xf32, #tpu.memory_space<hbm>>
      %dma_wait3A_583 = tpu.memref_slice %arg12[%dma_wait3A_572] : memref<5x!tpu.dma_semaphore, #tpu.memory_space<semaphore_mem>> -> memref<1x!tpu.dma_semaphore, #tpu.memory_space<semaphore_mem>>
      %dma_wait3A_584 = tpu.memref_squeeze %dma_wait3A_583 : memref<1x!tpu.dma_semaphore, #tpu.memory_space<semaphore_mem>> -> memref<!tpu.dma_semaphore, #tpu.memory_space<semaphore_mem>>
      tpu.wait_indirect_dma semaphore(%dma_wait3A_584 : memref<!tpu.dma_semaphore, #tpu.memory_space<semaphore_mem>>) src(%dma_wait3A_582 : memref<20000x64xf32, #tpu.memory_space<hbm>>) dst(%dma_wait3A_576 : memref<125x64xf32, #tpu.memory_space<vmem>>)
      %add3A_585 = arith.constant 5 : i32
      %add3A_586 = arith.addi %add3A_569, %add3A_585 : i32
      %sub3A_587 = arith.constant 1 : i32
      %sub3A_588 = arith.subi %add3A_586, %sub3A_587 : i32
      %dma_start3A_589 = arith.constant 3 : i32
      %dma_start3A_590 = arith.constant 3 : i32
      %dma_start3A_591 = arith.constant 0 : i32
      %dma_start3A_592 = arith.constant 0 : i32
      %dma_start3A_593 = tpu.memref_slice %arg8[%dma_start3A_589, %dma_start3A_591, %dma_start3A_592] : memref<5x125x64xf32, #tpu.memory_space<vmem>> -> memref<1x125x64xf32, #tpu.memory_space<vmem>>
      %dma_start3A_594 = tpu.memref_squeeze %dma_start3A_593 : memref<1x125x64xf32, #tpu.memory_space<vmem>> -> memref<125x64xf32, #tpu.memory_space<vmem>>
      %dma_start3A_595 = arith.constant 0 : i32
      %dma_start3A_596 = tpu.memref_slice %arg6[%sub3A_588, %dma_start3A_595] : memref<160x125xi32, #tpu.memory_space<vmem>> -> memref<1x125xi32, #tpu.memory_space<vmem>>
      %dma_start3A_597 = tpu.memref_squeeze %dma_start3A_596 : memref<1x125xi32, #tpu.memory_space<vmem>> -> memref<125xi32, #tpu.memory_space<vmem>>
      %dma_start3A_598 = arith.constant 0 : i32
      %dma_start3A_599 = arith.constant 0 : i32
      %dma_start3A_600 = tpu.memref_slice %arg2[%dma_start3A_598, %dma_start3A_599] : memref<20000x64xf32, #tpu.memory_space<hbm>> -> memref<20000x64xf32, #tpu.memory_space<hbm>>
      %dma_start3A_601 = tpu.memref_slice %arg11[%dma_start3A_590] : memref<5x!tpu.dma_semaphore, #tpu.memory_space<semaphore_mem>> -> memref<1x!tpu.dma_semaphore, #tpu.memory_space<semaphore_mem>>
      %dma_start3A_602 = tpu.memref_squeeze %dma_start3A_601 : memref<1x!tpu.dma_semaphore, #tpu.memory_space<semaphore_mem>> -> memref<!tpu.dma_semaphore, #tpu.memory_space<semaphore_mem>>
      tpu.enqueue_indirect_dma source(%dma_start3A_600 : memref<20000x64xf32, #tpu.memory_space<hbm>>) target(%dma_start3A_594 : memref<125x64xf32, #tpu.memory_space<vmem>>) offsets(%dma_start3A_597 : memref<125xi32, #tpu.memory_space<vmem>>) semaphore(%dma_start3A_602 : memref<!tpu.dma_semaphore, #tpu.memory_space<semaphore_mem>>)
      %dma_wait3A_603 = arith.constant 0 : i32
      %dma_wait3A_604 = arith.constant 4 : i32
      %dma_wait3A_605 = arith.constant 4 : i32
      %dma_wait3A_606 = arith.constant 0 : i32
      %dma_wait3A_607 = arith.constant 0 : i32
      %dma_wait3A_608 = tpu.memref_slice %arg8[%dma_wait3A_604, %dma_wait3A_606, %dma_wait3A_607] : memref<5x125x64xf32, #tpu.memory_space<vmem>> -> memref<1x125x64xf32, #tpu.memory_space<vmem>>
      %dma_wait3A_609 = tpu.memref_squeeze %dma_wait3A_608 : memref<1x125x64xf32, #tpu.memory_space<vmem>> -> memref<125x64xf32, #tpu.memory_space<vmem>>
      %dma_wait3A_610 = arith.constant 0 : i32
      %dma_wait3A_611 = tpu.memref_slice %arg6[%dma_wait3A_603, %dma_wait3A_610] : memref<160x125xi32, #tpu.memory_space<vmem>> -> memref<1x125xi32, #tpu.memory_space<vmem>>
      %dma_wait3A_612 = tpu.memref_squeeze %dma_wait3A_611 : memref<1x125xi32, #tpu.memory_space<vmem>> -> memref<125xi32, #tpu.memory_space<vmem>>
      %dma_wait3A_613 = arith.constant 0 : i32
      %dma_wait3A_614 = arith.constant 0 : i32
      %dma_wait3A_615 = tpu.memref_slice %arg2[%dma_wait3A_613, %dma_wait3A_614] : memref<20000x64xf32, #tpu.memory_space<hbm>> -> memref<20000x64xf32, #tpu.memory_space<hbm>>
      %dma_wait3A_616 = tpu.memref_slice %arg11[%dma_wait3A_605] : memref<5x!tpu.dma_semaphore, #tpu.memory_space<semaphore_mem>> -> memref<1x!tpu.dma_semaphore, #tpu.memory_space<semaphore_mem>>
      %dma_wait3A_617 = tpu.memref_squeeze %dma_wait3A_616 : memref<1x!tpu.dma_semaphore, #tpu.memory_space<semaphore_mem>> -> memref<!tpu.dma_semaphore, #tpu.memory_space<semaphore_mem>>
      tpu.wait_indirect_dma semaphore(%dma_wait3A_617 : memref<!tpu.dma_semaphore, #tpu.memory_space<semaphore_mem>>) src(%dma_wait3A_615 : memref<20000x64xf32, #tpu.memory_space<hbm>>) dst(%dma_wait3A_609 : memref<125x64xf32, #tpu.memory_space<vmem>>)
      %dma_start3A_618 = arith.constant 4 : i32
      %dma_start3A_619 = arith.constant 4 : i32
      %dma_start3A_620 = arith.constant 0 : i32
      %dma_start3A_621 = arith.constant 0 : i32
      %dma_start3A_622 = tpu.memref_slice %arg8[%dma_start3A_618, %dma_start3A_620, %dma_start3A_621] : memref<5x125x64xf32, #tpu.memory_space<vmem>> -> memref<1x125x64xf32, #tpu.memory_space<vmem>>
      %dma_start3A_623 = tpu.memref_squeeze %dma_start3A_622 : memref<1x125x64xf32, #tpu.memory_space<vmem>> -> memref<125x64xf32, #tpu.memory_space<vmem>>
      %dma_start3A_624 = arith.constant 0 : i32
      %dma_start3A_625 = tpu.memref_slice %arg7[%add3A_569, %dma_start3A_624] : memref<160x125xi32, #tpu.memory_space<vmem>> -> memref<1x125xi32, #tpu.memory_space<vmem>>
      %dma_start3A_626 = tpu.memref_squeeze %dma_start3A_625 : memref<1x125xi32, #tpu.memory_space<vmem>> -> memref<125xi32, #tpu.memory_space<vmem>>
      %dma_start3A_627 = arith.constant 0 : i32
      %dma_start3A_628 = arith.constant 0 : i32
      %dma_start3A_629 = tpu.memref_slice %arg10[%dma_start3A_627, %dma_start3A_628] : memref<10000x64xf32, #tpu.memory_space<vmem_shared>> -> memref<10000x64xf32, #tpu.memory_space<vmem_shared>>
      %dma_start3A_630 = tpu.memref_slice %arg12[%dma_start3A_619] : memref<5x!tpu.dma_semaphore, #tpu.memory_space<semaphore_mem>> -> memref<1x!tpu.dma_semaphore, #tpu.memory_space<semaphore_mem>>
      %dma_start3A_631 = tpu.memref_squeeze %dma_start3A_630 : memref<1x!tpu.dma_semaphore, #tpu.memory_space<semaphore_mem>> -> memref<!tpu.dma_semaphore, #tpu.memory_space<semaphore_mem>>
      tpu.enqueue_indirect_dma source(%dma_start3A_623 : memref<125x64xf32, #tpu.memory_space<vmem>>) target(%dma_start3A_629 : memref<10000x64xf32, #tpu.memory_space<vmem_shared>>) offsets(%dma_start3A_626 : memref<125xi32, #tpu.memory_space<vmem>>) semaphore(%dma_start3A_631 : memref<!tpu.dma_semaphore, #tpu.memory_space<semaphore_mem>>) {add = true}
      %add3A_632 = arith.constant 4 : i32
      %add3A_633 = arith.addi %add3A_376, %add3A_632 : i32
      %dma_wait3A_634 = arith.constant 0 : i32
      %dma_wait3A_635 = arith.constant 4 : i32
      %dma_wait3A_636 = arith.constant 4 : i32
      %dma_wait3A_637 = arith.constant 0 : i32
      %dma_wait3A_638 = arith.constant 0 : i32
      %dma_wait3A_639 = tpu.memref_slice %arg8[%dma_wait3A_635, %dma_wait3A_637, %dma_wait3A_638] : memref<5x125x64xf32, #tpu.memory_space<vmem>> -> memref<1x125x64xf32, #tpu.memory_space<vmem>>
      %dma_wait3A_640 = tpu.memref_squeeze %dma_wait3A_639 : memref<1x125x64xf32, #tpu.memory_space<vmem>> -> memref<125x64xf32, #tpu.memory_space<vmem>>
      %dma_wait3A_641 = arith.constant 0 : i32
      %dma_wait3A_642 = tpu.memref_slice %arg6[%dma_wait3A_634, %dma_wait3A_641] : memref<160x125xi32, #tpu.memory_space<vmem>> -> memref<1x125xi32, #tpu.memory_space<vmem>>
      %dma_wait3A_643 = tpu.memref_squeeze %dma_wait3A_642 : memref<1x125xi32, #tpu.memory_space<vmem>> -> memref<125xi32, #tpu.memory_space<vmem>>
      %dma_wait3A_644 = arith.constant 0 : i32
      %dma_wait3A_645 = arith.constant 0 : i32
      %dma_wait3A_646 = tpu.memref_slice %arg2[%dma_wait3A_644, %dma_wait3A_645] : memref<20000x64xf32, #tpu.memory_space<hbm>> -> memref<20000x64xf32, #tpu.memory_space<hbm>>
      %dma_wait3A_647 = tpu.memref_slice %arg12[%dma_wait3A_636] : memref<5x!tpu.dma_semaphore, #tpu.memory_space<semaphore_mem>> -> memref<1x!tpu.dma_semaphore, #tpu.memory_space<semaphore_mem>>
      %dma_wait3A_648 = tpu.memref_squeeze %dma_wait3A_647 : memref<1x!tpu.dma_semaphore, #tpu.memory_space<semaphore_mem>> -> memref<!tpu.dma_semaphore, #tpu.memory_space<semaphore_mem>>
      tpu.wait_indirect_dma semaphore(%dma_wait3A_648 : memref<!tpu.dma_semaphore, #tpu.memory_space<semaphore_mem>>) src(%dma_wait3A_646 : memref<20000x64xf32, #tpu.memory_space<hbm>>) dst(%dma_wait3A_640 : memref<125x64xf32, #tpu.memory_space<vmem>>)
      %add3A_649 = arith.constant 5 : i32
      %add3A_650 = arith.addi %add3A_633, %add3A_649 : i32
      %sub3A_651 = arith.constant 1 : i32
      %sub3A_652 = arith.subi %add3A_650, %sub3A_651 : i32
      %dma_start3A_653 = arith.constant 4 : i32
      %dma_start3A_654 = arith.constant 4 : i32
      %dma_start3A_655 = arith.constant 0 : i32
      %dma_start3A_656 = arith.constant 0 : i32
      %dma_start3A_657 = tpu.memref_slice %arg8[%dma_start3A_653, %dma_start3A_655, %dma_start3A_656] : memref<5x125x64xf32, #tpu.memory_space<vmem>> -> memref<1x125x64xf32, #tpu.memory_space<vmem>>
      %dma_start3A_658 = tpu.memref_squeeze %dma_start3A_657 : memref<1x125x64xf32, #tpu.memory_space<vmem>> -> memref<125x64xf32, #tpu.memory_space<vmem>>
      %dma_start3A_659 = arith.constant 0 : i32
      %dma_start3A_660 = tpu.memref_slice %arg6[%sub3A_652, %dma_start3A_659] : memref<160x125xi32, #tpu.memory_space<vmem>> -> memref<1x125xi32, #tpu.memory_space<vmem>>
      %dma_start3A_661 = tpu.memref_squeeze %dma_start3A_660 : memref<1x125xi32, #tpu.memory_space<vmem>> -> memref<125xi32, #tpu.memory_space<vmem>>
      %dma_start3A_662 = arith.constant 0 : i32
      %dma_start3A_663 = arith.constant 0 : i32
      %dma_start3A_664 = tpu.memref_slice %arg2[%dma_start3A_662, %dma_start3A_663] : memref<20000x64xf32, #tpu.memory_space<hbm>> -> memref<20000x64xf32, #tpu.memory_space<hbm>>
      %dma_start3A_665 = tpu.memref_slice %arg11[%dma_start3A_654] : memref<5x!tpu.dma_semaphore, #tpu.memory_space<semaphore_mem>> -> memref<1x!tpu.dma_semaphore, #tpu.memory_space<semaphore_mem>>
      %dma_start3A_666 = tpu.memref_squeeze %dma_start3A_665 : memref<1x!tpu.dma_semaphore, #tpu.memory_space<semaphore_mem>> -> memref<!tpu.dma_semaphore, #tpu.memory_space<semaphore_mem>>
      tpu.enqueue_indirect_dma source(%dma_start3A_664 : memref<20000x64xf32, #tpu.memory_space<hbm>>) target(%dma_start3A_658 : memref<125x64xf32, #tpu.memory_space<vmem>>) offsets(%dma_start3A_661 : memref<125xi32, #tpu.memory_space<vmem>>) semaphore(%dma_start3A_666 : memref<!tpu.dma_semaphore, #tpu.memory_space<semaphore_mem>>)
      %dma_wait3A_667 = arith.constant 0 : i32
      %dma_wait3A_668 = arith.constant 0 : i32
      %dma_wait3A_669 = arith.constant 0 : i32
      %dma_wait3A_670 = arith.constant 0 : i32
      %dma_wait3A_671 = arith.constant 0 : i32
      %dma_wait3A_672 = tpu.memref_slice %arg8[%dma_wait3A_668, %dma_wait3A_670, %dma_wait3A_671] : memref<5x125x64xf32, #tpu.memory_space<vmem>> -> memref<1x125x64xf32, #tpu.memory_space<vmem>>
      %dma_wait3A_673 = tpu.memref_squeeze %dma_wait3A_672 : memref<1x125x64xf32, #tpu.memory_space<vmem>> -> memref<125x64xf32, #tpu.memory_space<vmem>>
      %dma_wait3A_674 = arith.constant 0 : i32
      %dma_wait3A_675 = tpu.memref_slice %arg6[%dma_wait3A_667, %dma_wait3A_674] : memref<160x125xi32, #tpu.memory_space<vmem>> -> memref<1x125xi32, #tpu.memory_space<vmem>>
      %dma_wait3A_676 = tpu.memref_squeeze %dma_wait3A_675 : memref<1x125xi32, #tpu.memory_space<vmem>> -> memref<125xi32, #tpu.memory_space<vmem>>
      %dma_wait3A_677 = arith.constant 0 : i32
      %dma_wait3A_678 = arith.constant 0 : i32
      %dma_wait3A_679 = tpu.memref_slice %arg2[%dma_wait3A_677, %dma_wait3A_678] : memref<20000x64xf32, #tpu.memory_space<hbm>> -> memref<20000x64xf32, #tpu.memory_space<hbm>>
      %dma_wait3A_680 = tpu.memref_slice %arg11[%dma_wait3A_669] : memref<5x!tpu.dma_semaphore, #tpu.memory_space<semaphore_mem>> -> memref<1x!tpu.dma_semaphore, #tpu.memory_space<semaphore_mem>>
      %dma_wait3A_681 = tpu.memref_squeeze %dma_wait3A_680 : memref<1x!tpu.dma_semaphore, #tpu.memory_space<semaphore_mem>> -> memref<!tpu.dma_semaphore, #tpu.memory_space<semaphore_mem>>
      tpu.wait_indirect_dma semaphore(%dma_wait3A_681 : memref<!tpu.dma_semaphore, #tpu.memory_space<semaphore_mem>>) src(%dma_wait3A_679 : memref<20000x64xf32, #tpu.memory_space<hbm>>) dst(%dma_wait3A_673 : memref<125x64xf32, #tpu.memory_space<vmem>>)
      %dma_start3A_682 = arith.constant 0 : i32
      %dma_start3A_683 = arith.constant 0 : i32
      %dma_start3A_684 = arith.constant 0 : i32
      %dma_start3A_685 = arith.constant 0 : i32
      %dma_start3A_686 = tpu.memref_slice %arg8[%dma_start3A_682, %dma_start3A_684, %dma_start3A_685] : memref<5x125x64xf32, #tpu.memory_space<vmem>> -> memref<1x125x64xf32, #tpu.memory_space<vmem>>
      %dma_start3A_687 = tpu.memref_squeeze %dma_start3A_686 : memref<1x125x64xf32, #tpu.memory_space<vmem>> -> memref<125x64xf32, #tpu.memory_space<vmem>>
      %dma_start3A_688 = arith.constant 0 : i32
      %dma_start3A_689 = tpu.memref_slice %arg7[%add3A_633, %dma_start3A_688] : memref<160x125xi32, #tpu.memory_space<vmem>> -> memref<1x125xi32, #tpu.memory_space<vmem>>
      %dma_start3A_690 = tpu.memref_squeeze %dma_start3A_689 : memref<1x125xi32, #tpu.memory_space<vmem>> -> memref<125xi32, #tpu.memory_space<vmem>>
      %dma_start3A_691 = arith.constant 0 : i32
      %dma_start3A_692 = arith.constant 0 : i32
      %dma_start3A_693 = tpu.memref_slice %arg10[%dma_start3A_691, %dma_start3A_692] : memref<10000x64xf32, #tpu.memory_space<vmem_shared>> -> memref<10000x64xf32, #tpu.memory_space<vmem_shared>>
      %dma_start3A_694 = tpu.memref_slice %arg12[%dma_start3A_683] : memref<5x!tpu.dma_semaphore, #tpu.memory_space<semaphore_mem>> -> memref<1x!tpu.dma_semaphore, #tpu.memory_space<semaphore_mem>>
      %dma_start3A_695 = tpu.memref_squeeze %dma_start3A_694 : memref<1x!tpu.dma_semaphore, #tpu.memory_space<semaphore_mem>> -> memref<!tpu.dma_semaphore, #tpu.memory_space<semaphore_mem>>
      tpu.enqueue_indirect_dma source(%dma_start3A_687 : memref<125x64xf32, #tpu.memory_space<vmem>>) target(%dma_start3A_693 : memref<10000x64xf32, #tpu.memory_space<vmem_shared>>) offsets(%dma_start3A_690 : memref<125xi32, #tpu.memory_space<vmem>>) semaphore(%dma_start3A_695 : memref<!tpu.dma_semaphore, #tpu.memory_space<semaphore_mem>>) {add = true}
    }
    %scan3A_170 = arith.constant 31 : i32
    %dma_wait3A_171 = arith.constant 0 : i32
    %dma_wait3A_172 = arith.constant 1 : i32
    %dma_wait3A_173 = arith.constant 1 : i32
    %dma_wait3A_174 = arith.constant 0 : i32
    %dma_wait3A_175 = arith.constant 0 : i32
    %dma_wait3A_176 = tpu.memref_slice %arg8[%dma_wait3A_172, %dma_wait3A_174, %dma_wait3A_175] : memref<5x125x64xf32, #tpu.memory_space<vmem>> -> memref<1x125x64xf32, #tpu.memory_space<vmem>>
    %dma_wait3A_177 = tpu.memref_squeeze %dma_wait3A_176 : memref<1x125x64xf32, #tpu.memory_space<vmem>> -> memref<125x64xf32, #tpu.memory_space<vmem>>
    %dma_wait3A_178 = arith.constant 0 : i32
    %dma_wait3A_179 = tpu.memref_slice %arg6[%dma_wait3A_171, %dma_wait3A_178] : memref<160x125xi32, #tpu.memory_space<vmem>> -> memref<1x125xi32, #tpu.memory_space<vmem>>
    %dma_wait3A_180 = tpu.memref_squeeze %dma_wait3A_179 : memref<1x125xi32, #tpu.memory_space<vmem>> -> memref<125xi32, #tpu.memory_space<vmem>>
    %dma_wait3A_181 = arith.constant 0 : i32
    %dma_wait3A_182 = arith.constant 0 : i32
    %dma_wait3A_183 = tpu.memref_slice %arg2[%dma_wait3A_181, %dma_wait3A_182] : memref<20000x64xf32, #tpu.memory_space<hbm>> -> memref<20000x64xf32, #tpu.memory_space<hbm>>
    %dma_wait3A_184 = tpu.memref_slice %arg11[%dma_wait3A_173] : memref<5x!tpu.dma_semaphore, #tpu.memory_space<semaphore_mem>> -> memref<1x!tpu.dma_semaphore, #tpu.memory_space<semaphore_mem>>
    %dma_wait3A_185 = tpu.memref_squeeze %dma_wait3A_184 : memref<1x!tpu.dma_semaphore, #tpu.memory_space<semaphore_mem>> -> memref<!tpu.dma_semaphore, #tpu.memory_space<semaphore_mem>>
    tpu.wait_indirect_dma semaphore(%dma_wait3A_185 : memref<!tpu.dma_semaphore, #tpu.memory_space<semaphore_mem>>) src(%dma_wait3A_183 : memref<20000x64xf32, #tpu.memory_space<hbm>>) dst(%dma_wait3A_177 : memref<125x64xf32, #tpu.memory_space<vmem>>)
    %dma_start3A_186 = arith.constant 1 : i32
    %dma_start3A_187 = arith.constant 156 : i32
    %dma_start3A_188 = arith.constant 1 : i32
    %dma_start3A_189 = arith.constant 0 : i32
    %dma_start3A_190 = arith.constant 0 : i32
    %dma_start3A_191 = tpu.memref_slice %arg8[%dma_start3A_186, %dma_start3A_189, %dma_start3A_190] : memref<5x125x64xf32, #tpu.memory_space<vmem>> -> memref<1x125x64xf32, #tpu.memory_space<vmem>>
    %dma_start3A_192 = tpu.memref_squeeze %dma_start3A_191 : memref<1x125x64xf32, #tpu.memory_space<vmem>> -> memref<125x64xf32, #tpu.memory_space<vmem>>
    %dma_start3A_193 = arith.constant 0 : i32
    %dma_start3A_194 = tpu.memref_slice %arg7[%dma_start3A_187, %dma_start3A_193] : memref<160x125xi32, #tpu.memory_space<vmem>> -> memref<1x125xi32, #tpu.memory_space<vmem>>
    %dma_start3A_195 = tpu.memref_squeeze %dma_start3A_194 : memref<1x125xi32, #tpu.memory_space<vmem>> -> memref<125xi32, #tpu.memory_space<vmem>>
    %dma_start3A_196 = arith.constant 0 : i32
    %dma_start3A_197 = arith.constant 0 : i32
    %dma_start3A_198 = tpu.memref_slice %arg10[%dma_start3A_196, %dma_start3A_197] : memref<10000x64xf32, #tpu.memory_space<vmem_shared>> -> memref<10000x64xf32, #tpu.memory_space<vmem_shared>>
    %dma_start3A_199 = tpu.memref_slice %arg12[%dma_start3A_188] : memref<5x!tpu.dma_semaphore, #tpu.memory_space<semaphore_mem>> -> memref<1x!tpu.dma_semaphore, #tpu.memory_space<semaphore_mem>>
    %dma_start3A_200 = tpu.memref_squeeze %dma_start3A_199 : memref<1x!tpu.dma_semaphore, #tpu.memory_space<semaphore_mem>> -> memref<!tpu.dma_semaphore, #tpu.memory_space<semaphore_mem>>
    tpu.enqueue_indirect_dma source(%dma_start3A_192 : memref<125x64xf32, #tpu.memory_space<vmem>>) target(%dma_start3A_198 : memref<10000x64xf32, #tpu.memory_space<vmem_shared>>) offsets(%dma_start3A_195 : memref<125xi32, #tpu.memory_space<vmem>>) semaphore(%dma_start3A_200 : memref<!tpu.dma_semaphore, #tpu.memory_space<semaphore_mem>>) {add = true}
    %dma_wait3A_201 = arith.constant 0 : i32
    %dma_wait3A_202 = arith.constant 2 : i32
    %dma_wait3A_203 = arith.constant 2 : i32
    %dma_wait3A_204 = arith.constant 0 : i32
    %dma_wait3A_205 = arith.constant 0 : i32
    %dma_wait3A_206 = tpu.memref_slice %arg8[%dma_wait3A_202, %dma_wait3A_204, %dma_wait3A_205] : memref<5x125x64xf32, #tpu.memory_space<vmem>> -> memref<1x125x64xf32, #tpu.memory_space<vmem>>
    %dma_wait3A_207 = tpu.memref_squeeze %dma_wait3A_206 : memref<1x125x64xf32, #tpu.memory_space<vmem>> -> memref<125x64xf32, #tpu.memory_space<vmem>>
    %dma_wait3A_208 = arith.constant 0 : i32
    %dma_wait3A_209 = tpu.memref_slice %arg6[%dma_wait3A_201, %dma_wait3A_208] : memref<160x125xi32, #tpu.memory_space<vmem>> -> memref<1x125xi32, #tpu.memory_space<vmem>>
    %dma_wait3A_210 = tpu.memref_squeeze %dma_wait3A_209 : memref<1x125xi32, #tpu.memory_space<vmem>> -> memref<125xi32, #tpu.memory_space<vmem>>
    %dma_wait3A_211 = arith.constant 0 : i32
    %dma_wait3A_212 = arith.constant 0 : i32
    %dma_wait3A_213 = tpu.memref_slice %arg2[%dma_wait3A_211, %dma_wait3A_212] : memref<20000x64xf32, #tpu.memory_space<hbm>> -> memref<20000x64xf32, #tpu.memory_space<hbm>>
    %dma_wait3A_214 = tpu.memref_slice %arg11[%dma_wait3A_203] : memref<5x!tpu.dma_semaphore, #tpu.memory_space<semaphore_mem>> -> memref<1x!tpu.dma_semaphore, #tpu.memory_space<semaphore_mem>>
    %dma_wait3A_215 = tpu.memref_squeeze %dma_wait3A_214 : memref<1x!tpu.dma_semaphore, #tpu.memory_space<semaphore_mem>> -> memref<!tpu.dma_semaphore, #tpu.memory_space<semaphore_mem>>
    tpu.wait_indirect_dma semaphore(%dma_wait3A_215 : memref<!tpu.dma_semaphore, #tpu.memory_space<semaphore_mem>>) src(%dma_wait3A_213 : memref<20000x64xf32, #tpu.memory_space<hbm>>) dst(%dma_wait3A_207 : memref<125x64xf32, #tpu.memory_space<vmem>>)
    %dma_start3A_216 = arith.constant 2 : i32
    %dma_start3A_217 = arith.constant 157 : i32
    %dma_start3A_218 = arith.constant 2 : i32
    %dma_start3A_219 = arith.constant 0 : i32
    %dma_start3A_220 = arith.constant 0 : i32
    %dma_start3A_221 = tpu.memref_slice %arg8[%dma_start3A_216, %dma_start3A_219, %dma_start3A_220] : memref<5x125x64xf32, #tpu.memory_space<vmem>> -> memref<1x125x64xf32, #tpu.memory_space<vmem>>
    %dma_start3A_222 = tpu.memref_squeeze %dma_start3A_221 : memref<1x125x64xf32, #tpu.memory_space<vmem>> -> memref<125x64xf32, #tpu.memory_space<vmem>>
    %dma_start3A_223 = arith.constant 0 : i32
    %dma_start3A_224 = tpu.memref_slice %arg7[%dma_start3A_217, %dma_start3A_223] : memref<160x125xi32, #tpu.memory_space<vmem>> -> memref<1x125xi32, #tpu.memory_space<vmem>>
    %dma_start3A_225 = tpu.memref_squeeze %dma_start3A_224 : memref<1x125xi32, #tpu.memory_space<vmem>> -> memref<125xi32, #tpu.memory_space<vmem>>
    %dma_start3A_226 = arith.constant 0 : i32
    %dma_start3A_227 = arith.constant 0 : i32
    %dma_start3A_228 = tpu.memref_slice %arg10[%dma_start3A_226, %dma_start3A_227] : memref<10000x64xf32, #tpu.memory_space<vmem_shared>> -> memref<10000x64xf32, #tpu.memory_space<vmem_shared>>
    %dma_start3A_229 = tpu.memref_slice %arg12[%dma_start3A_218] : memref<5x!tpu.dma_semaphore, #tpu.memory_space<semaphore_mem>> -> memref<1x!tpu.dma_semaphore, #tpu.memory_space<semaphore_mem>>
    %dma_start3A_230 = tpu.memref_squeeze %dma_start3A_229 : memref<1x!tpu.dma_semaphore, #tpu.memory_space<semaphore_mem>> -> memref<!tpu.dma_semaphore, #tpu.memory_space<semaphore_mem>>
    tpu.enqueue_indirect_dma source(%dma_start3A_222 : memref<125x64xf32, #tpu.memory_space<vmem>>) target(%dma_start3A_228 : memref<10000x64xf32, #tpu.memory_space<vmem_shared>>) offsets(%dma_start3A_225 : memref<125xi32, #tpu.memory_space<vmem>>) semaphore(%dma_start3A_230 : memref<!tpu.dma_semaphore, #tpu.memory_space<semaphore_mem>>) {add = true}
    %dma_wait3A_231 = arith.constant 0 : i32
    %dma_wait3A_232 = arith.constant 3 : i32
    %dma_wait3A_233 = arith.constant 3 : i32
    %dma_wait3A_234 = arith.constant 0 : i32
    %dma_wait3A_235 = arith.constant 0 : i32
    %dma_wait3A_236 = tpu.memref_slice %arg8[%dma_wait3A_232, %dma_wait3A_234, %dma_wait3A_235] : memref<5x125x64xf32, #tpu.memory_space<vmem>> -> memref<1x125x64xf32, #tpu.memory_space<vmem>>
    %dma_wait3A_237 = tpu.memref_squeeze %dma_wait3A_236 : memref<1x125x64xf32, #tpu.memory_space<vmem>> -> memref<125x64xf32, #tpu.memory_space<vmem>>
    %dma_wait3A_238 = arith.constant 0 : i32
    %dma_wait3A_239 = tpu.memref_slice %arg6[%dma_wait3A_231, %dma_wait3A_238] : memref<160x125xi32, #tpu.memory_space<vmem>> -> memref<1x125xi32, #tpu.memory_space<vmem>>
    %dma_wait3A_240 = tpu.memref_squeeze %dma_wait3A_239 : memref<1x125xi32, #tpu.memory_space<vmem>> -> memref<125xi32, #tpu.memory_space<vmem>>
    %dma_wait3A_241 = arith.constant 0 : i32
    %dma_wait3A_242 = arith.constant 0 : i32
    %dma_wait3A_243 = tpu.memref_slice %arg2[%dma_wait3A_241, %dma_wait3A_242] : memref<20000x64xf32, #tpu.memory_space<hbm>> -> memref<20000x64xf32, #tpu.memory_space<hbm>>
    %dma_wait3A_244 = tpu.memref_slice %arg11[%dma_wait3A_233] : memref<5x!tpu.dma_semaphore, #tpu.memory_space<semaphore_mem>> -> memref<1x!tpu.dma_semaphore, #tpu.memory_space<semaphore_mem>>
    %dma_wait3A_245 = tpu.memref_squeeze %dma_wait3A_244 : memref<1x!tpu.dma_semaphore, #tpu.memory_space<semaphore_mem>> -> memref<!tpu.dma_semaphore, #tpu.memory_space<semaphore_mem>>
    tpu.wait_indirect_dma semaphore(%dma_wait3A_245 : memref<!tpu.dma_semaphore, #tpu.memory_space<semaphore_mem>>) src(%dma_wait3A_243 : memref<20000x64xf32, #tpu.memory_space<hbm>>) dst(%dma_wait3A_237 : memref<125x64xf32, #tpu.memory_space<vmem>>)
    %dma_start3A_246 = arith.constant 3 : i32
    %dma_start3A_247 = arith.constant 158 : i32
    %dma_start3A_248 = arith.constant 3 : i32
    %dma_start3A_249 = arith.constant 0 : i32
    %dma_start3A_250 = arith.constant 0 : i32
    %dma_start3A_251 = tpu.memref_slice %arg8[%dma_start3A_246, %dma_start3A_249, %dma_start3A_250] : memref<5x125x64xf32, #tpu.memory_space<vmem>> -> memref<1x125x64xf32, #tpu.memory_space<vmem>>
    %dma_start3A_252 = tpu.memref_squeeze %dma_start3A_251 : memref<1x125x64xf32, #tpu.memory_space<vmem>> -> memref<125x64xf32, #tpu.memory_space<vmem>>
    %dma_start3A_253 = arith.constant 0 : i32
    %dma_start3A_254 = tpu.memref_slice %arg7[%dma_start3A_247, %dma_start3A_253] : memref<160x125xi32, #tpu.memory_space<vmem>> -> memref<1x125xi32, #tpu.memory_space<vmem>>
    %dma_start3A_255 = tpu.memref_squeeze %dma_start3A_254 : memref<1x125xi32, #tpu.memory_space<vmem>> -> memref<125xi32, #tpu.memory_space<vmem>>
    %dma_start3A_256 = arith.constant 0 : i32
    %dma_start3A_257 = arith.constant 0 : i32
    %dma_start3A_258 = tpu.memref_slice %arg10[%dma_start3A_256, %dma_start3A_257] : memref<10000x64xf32, #tpu.memory_space<vmem_shared>> -> memref<10000x64xf32, #tpu.memory_space<vmem_shared>>
    %dma_start3A_259 = tpu.memref_slice %arg12[%dma_start3A_248] : memref<5x!tpu.dma_semaphore, #tpu.memory_space<semaphore_mem>> -> memref<1x!tpu.dma_semaphore, #tpu.memory_space<semaphore_mem>>
    %dma_start3A_260 = tpu.memref_squeeze %dma_start3A_259 : memref<1x!tpu.dma_semaphore, #tpu.memory_space<semaphore_mem>> -> memref<!tpu.dma_semaphore, #tpu.memory_space<semaphore_mem>>
    tpu.enqueue_indirect_dma source(%dma_start3A_252 : memref<125x64xf32, #tpu.memory_space<vmem>>) target(%dma_start3A_258 : memref<10000x64xf32, #tpu.memory_space<vmem_shared>>) offsets(%dma_start3A_255 : memref<125xi32, #tpu.memory_space<vmem>>) semaphore(%dma_start3A_260 : memref<!tpu.dma_semaphore, #tpu.memory_space<semaphore_mem>>) {add = true}
    %dma_wait3A_261 = arith.constant 0 : i32
    %dma_wait3A_262 = arith.constant 4 : i32
    %dma_wait3A_263 = arith.constant 4 : i32
    %dma_wait3A_264 = arith.constant 0 : i32
    %dma_wait3A_265 = arith.constant 0 : i32
    %dma_wait3A_266 = tpu.memref_slice %arg8[%dma_wait3A_262, %dma_wait3A_264, %dma_wait3A_265] : memref<5x125x64xf32, #tpu.memory_space<vmem>> -> memref<1x125x64xf32, #tpu.memory_space<vmem>>
    %dma_wait3A_267 = tpu.memref_squeeze %dma_wait3A_266 : memref<1x125x64xf32, #tpu.memory_space<vmem>> -> memref<125x64xf32, #tpu.memory_space<vmem>>
    %dma_wait3A_268 = arith.constant 0 : i32
    %dma_wait3A_269 = tpu.memref_slice %arg6[%dma_wait3A_261, %dma_wait3A_268] : memref<160x125xi32, #tpu.memory_space<vmem>> -> memref<1x125xi32, #tpu.memory_space<vmem>>
    %dma_wait3A_270 = tpu.memref_squeeze %dma_wait3A_269 : memref<1x125xi32, #tpu.memory_space<vmem>> -> memref<125xi32, #tpu.memory_space<vmem>>
    %dma_wait3A_271 = arith.constant 0 : i32
    %dma_wait3A_272 = arith.constant 0 : i32
    %dma_wait3A_273 = tpu.memref_slice %arg2[%dma_wait3A_271, %dma_wait3A_272] : memref<20000x64xf32, #tpu.memory_space<hbm>> -> memref<20000x64xf32, #tpu.memory_space<hbm>>
    %dma_wait3A_274 = tpu.memref_slice %arg11[%dma_wait3A_263] : memref<5x!tpu.dma_semaphore, #tpu.memory_space<semaphore_mem>> -> memref<1x!tpu.dma_semaphore, #tpu.memory_space<semaphore_mem>>
    %dma_wait3A_275 = tpu.memref_squeeze %dma_wait3A_274 : memref<1x!tpu.dma_semaphore, #tpu.memory_space<semaphore_mem>> -> memref<!tpu.dma_semaphore, #tpu.memory_space<semaphore_mem>>
    tpu.wait_indirect_dma semaphore(%dma_wait3A_275 : memref<!tpu.dma_semaphore, #tpu.memory_space<semaphore_mem>>) src(%dma_wait3A_273 : memref<20000x64xf32, #tpu.memory_space<hbm>>) dst(%dma_wait3A_267 : memref<125x64xf32, #tpu.memory_space<vmem>>)
    %dma_start3A_276 = arith.constant 4 : i32
    %dma_start3A_277 = arith.constant 159 : i32
    %dma_start3A_278 = arith.constant 4 : i32
    %dma_start3A_279 = arith.constant 0 : i32
    %dma_start3A_280 = arith.constant 0 : i32
    %dma_start3A_281 = tpu.memref_slice %arg8[%dma_start3A_276, %dma_start3A_279, %dma_start3A_280] : memref<5x125x64xf32, #tpu.memory_space<vmem>> -> memref<1x125x64xf32, #tpu.memory_space<vmem>>
    %dma_start3A_282 = tpu.memref_squeeze %dma_start3A_281 : memref<1x125x64xf32, #tpu.memory_space<vmem>> -> memref<125x64xf32, #tpu.memory_space<vmem>>
    %dma_start3A_283 = arith.constant 0 : i32
    %dma_start3A_284 = tpu.memref_slice %arg7[%dma_start3A_277, %dma_start3A_283] : memref<160x125xi32, #tpu.memory_space<vmem>> -> memref<1x125xi32, #tpu.memory_space<vmem>>
    %dma_start3A_285 = tpu.memref_squeeze %dma_start3A_284 : memref<1x125xi32, #tpu.memory_space<vmem>> -> memref<125xi32, #tpu.memory_space<vmem>>
    %dma_start3A_286 = arith.constant 0 : i32
    %dma_start3A_287 = arith.constant 0 : i32
    %dma_start3A_288 = tpu.memref_slice %arg10[%dma_start3A_286, %dma_start3A_287] : memref<10000x64xf32, #tpu.memory_space<vmem_shared>> -> memref<10000x64xf32, #tpu.memory_space<vmem_shared>>
    %dma_start3A_289 = tpu.memref_slice %arg12[%dma_start3A_278] : memref<5x!tpu.dma_semaphore, #tpu.memory_space<semaphore_mem>> -> memref<1x!tpu.dma_semaphore, #tpu.memory_space<semaphore_mem>>
    %dma_start3A_290 = tpu.memref_squeeze %dma_start3A_289 : memref<1x!tpu.dma_semaphore, #tpu.memory_space<semaphore_mem>> -> memref<!tpu.dma_semaphore, #tpu.memory_space<semaphore_mem>>
    tpu.enqueue_indirect_dma source(%dma_start3A_282 : memref<125x64xf32, #tpu.memory_space<vmem>>) target(%dma_start3A_288 : memref<10000x64xf32, #tpu.memory_space<vmem_shared>>) offsets(%dma_start3A_285 : memref<125xi32, #tpu.memory_space<vmem>>) semaphore(%dma_start3A_290 : memref<!tpu.dma_semaphore, #tpu.memory_space<semaphore_mem>>) {add = true}
    %dma_wait3A_291 = arith.constant 0 : i32
    %dma_wait3A_292 = arith.constant 0 : i32
    %dma_wait3A_293 = arith.constant 0 : i32
    %dma_wait3A_294 = arith.constant 0 : i32
    %dma_wait3A_295 = arith.constant 0 : i32
    %dma_wait3A_296 = tpu.memref_slice %arg8[%dma_wait3A_292, %dma_wait3A_294, %dma_wait3A_295] : memref<5x125x64xf32, #tpu.memory_space<vmem>> -> memref<1x125x64xf32, #tpu.memory_space<vmem>>
    %dma_wait3A_297 = tpu.memref_squeeze %dma_wait3A_296 : memref<1x125x64xf32, #tpu.memory_space<vmem>> -> memref<125x64xf32, #tpu.memory_space<vmem>>
    %dma_wait3A_298 = arith.constant 0 : i32
    %dma_wait3A_299 = tpu.memref_slice %arg6[%dma_wait3A_291, %dma_wait3A_298] : memref<160x125xi32, #tpu.memory_space<vmem>> -> memref<1x125xi32, #tpu.memory_space<vmem>>
    %dma_wait3A_300 = tpu.memref_squeeze %dma_wait3A_299 : memref<1x125xi32, #tpu.memory_space<vmem>> -> memref<125xi32, #tpu.memory_space<vmem>>
    %dma_wait3A_301 = arith.constant 0 : i32
    %dma_wait3A_302 = arith.constant 0 : i32
    %dma_wait3A_303 = tpu.memref_slice %arg2[%dma_wait3A_301, %dma_wait3A_302] : memref<20000x64xf32, #tpu.memory_space<hbm>> -> memref<20000x64xf32, #tpu.memory_space<hbm>>
    %dma_wait3A_304 = tpu.memref_slice %arg12[%dma_wait3A_293] : memref<5x!tpu.dma_semaphore, #tpu.memory_space<semaphore_mem>> -> memref<1x!tpu.dma_semaphore, #tpu.memory_space<semaphore_mem>>
    %dma_wait3A_305 = tpu.memref_squeeze %dma_wait3A_304 : memref<1x!tpu.dma_semaphore, #tpu.memory_space<semaphore_mem>> -> memref<!tpu.dma_semaphore, #tpu.memory_space<semaphore_mem>>
    tpu.wait_indirect_dma semaphore(%dma_wait3A_305 : memref<!tpu.dma_semaphore, #tpu.memory_space<semaphore_mem>>) src(%dma_wait3A_303 : memref<20000x64xf32, #tpu.memory_space<hbm>>) dst(%dma_wait3A_297 : memref<125x64xf32, #tpu.memory_space<vmem>>)
    %dma_wait3A_306 = arith.constant 0 : i32
    %dma_wait3A_307 = arith.constant 1 : i32
    %dma_wait3A_308 = arith.constant 1 : i32
    %dma_wait3A_309 = arith.constant 0 : i32
    %dma_wait3A_310 = arith.constant 0 : i32
    %dma_wait3A_311 = tpu.memref_slice %arg8[%dma_wait3A_307, %dma_wait3A_309, %dma_wait3A_310] : memref<5x125x64xf32, #tpu.memory_space<vmem>> -> memref<1x125x64xf32, #tpu.memory_space<vmem>>
    %dma_wait3A_312 = tpu.memref_squeeze %dma_wait3A_311 : memref<1x125x64xf32, #tpu.memory_space<vmem>> -> memref<125x64xf32, #tpu.memory_space<vmem>>
    %dma_wait3A_313 = arith.constant 0 : i32
    %dma_wait3A_314 = tpu.memref_slice %arg6[%dma_wait3A_306, %dma_wait3A_313] : memref<160x125xi32, #tpu.memory_space<vmem>> -> memref<1x125xi32, #tpu.memory_space<vmem>>
    %dma_wait3A_315 = tpu.memref_squeeze %dma_wait3A_314 : memref<1x125xi32, #tpu.memory_space<vmem>> -> memref<125xi32, #tpu.memory_space<vmem>>
    %dma_wait3A_316 = arith.constant 0 : i32
    %dma_wait3A_317 = arith.constant 0 : i32
    %dma_wait3A_318 = tpu.memref_slice %arg2[%dma_wait3A_316, %dma_wait3A_317] : memref<20000x64xf32, #tpu.memory_space<hbm>> -> memref<20000x64xf32, #tpu.memory_space<hbm>>
    %dma_wait3A_319 = tpu.memref_slice %arg12[%dma_wait3A_308] : memref<5x!tpu.dma_semaphore, #tpu.memory_space<semaphore_mem>> -> memref<1x!tpu.dma_semaphore, #tpu.memory_space<semaphore_mem>>
    %dma_wait3A_320 = tpu.memref_squeeze %dma_wait3A_319 : memref<1x!tpu.dma_semaphore, #tpu.memory_space<semaphore_mem>> -> memref<!tpu.dma_semaphore, #tpu.memory_space<semaphore_mem>>
    tpu.wait_indirect_dma semaphore(%dma_wait3A_320 : memref<!tpu.dma_semaphore, #tpu.memory_space<semaphore_mem>>) src(%dma_wait3A_318 : memref<20000x64xf32, #tpu.memory_space<hbm>>) dst(%dma_wait3A_312 : memref<125x64xf32, #tpu.memory_space<vmem>>)
    %dma_wait3A_321 = arith.constant 0 : i32
    %dma_wait3A_322 = arith.constant 2 : i32
    %dma_wait3A_323 = arith.constant 2 : i32
    %dma_wait3A_324 = arith.constant 0 : i32
    %dma_wait3A_325 = arith.constant 0 : i32
    %dma_wait3A_326 = tpu.memref_slice %arg8[%dma_wait3A_322, %dma_wait3A_324, %dma_wait3A_325] : memref<5x125x64xf32, #tpu.memory_space<vmem>> -> memref<1x125x64xf32, #tpu.memory_space<vmem>>
    %dma_wait3A_327 = tpu.memref_squeeze %dma_wait3A_326 : memref<1x125x64xf32, #tpu.memory_space<vmem>> -> memref<125x64xf32, #tpu.memory_space<vmem>>
    %dma_wait3A_328 = arith.constant 0 : i32
    %dma_wait3A_329 = tpu.memref_slice %arg6[%dma_wait3A_321, %dma_wait3A_328] : memref<160x125xi32, #tpu.memory_space<vmem>> -> memref<1x125xi32, #tpu.memory_space<vmem>>
    %dma_wait3A_330 = tpu.memref_squeeze %dma_wait3A_329 : memref<1x125xi32, #tpu.memory_space<vmem>> -> memref<125xi32, #tpu.memory_space<vmem>>
    %dma_wait3A_331 = arith.constant 0 : i32
    %dma_wait3A_332 = arith.constant 0 : i32
    %dma_wait3A_333 = tpu.memref_slice %arg2[%dma_wait3A_331, %dma_wait3A_332] : memref<20000x64xf32, #tpu.memory_space<hbm>> -> memref<20000x64xf32, #tpu.memory_space<hbm>>
    %dma_wait3A_334 = tpu.memref_slice %arg12[%dma_wait3A_323] : memref<5x!tpu.dma_semaphore, #tpu.memory_space<semaphore_mem>> -> memref<1x!tpu.dma_semaphore, #tpu.memory_space<semaphore_mem>>
    %dma_wait3A_335 = tpu.memref_squeeze %dma_wait3A_334 : memref<1x!tpu.dma_semaphore, #tpu.memory_space<semaphore_mem>> -> memref<!tpu.dma_semaphore, #tpu.memory_space<semaphore_mem>>
    tpu.wait_indirect_dma semaphore(%dma_wait3A_335 : memref<!tpu.dma_semaphore, #tpu.memory_space<semaphore_mem>>) src(%dma_wait3A_333 : memref<20000x64xf32, #tpu.memory_space<hbm>>) dst(%dma_wait3A_327 : memref<125x64xf32, #tpu.memory_space<vmem>>)
    %dma_wait3A_336 = arith.constant 0 : i32
    %dma_wait3A_337 = arith.constant 3 : i32
    %dma_wait3A_338 = arith.constant 3 : i32
    %dma_wait3A_339 = arith.constant 0 : i32
    %dma_wait3A_340 = arith.constant 0 : i32
    %dma_wait3A_341 = tpu.memref_slice %arg8[%dma_wait3A_337, %dma_wait3A_339, %dma_wait3A_340] : memref<5x125x64xf32, #tpu.memory_space<vmem>> -> memref<1x125x64xf32, #tpu.memory_space<vmem>>
    %dma_wait3A_342 = tpu.memref_squeeze %dma_wait3A_341 : memref<1x125x64xf32, #tpu.memory_space<vmem>> -> memref<125x64xf32, #tpu.memory_space<vmem>>
    %dma_wait3A_343 = arith.constant 0 : i32
    %dma_wait3A_344 = tpu.memref_slice %arg6[%dma_wait3A_336, %dma_wait3A_343] : memref<160x125xi32, #tpu.memory_space<vmem>> -> memref<1x125xi32, #tpu.memory_space<vmem>>
    %dma_wait3A_345 = tpu.memref_squeeze %dma_wait3A_344 : memref<1x125xi32, #tpu.memory_space<vmem>> -> memref<125xi32, #tpu.memory_space<vmem>>
    %dma_wait3A_346 = arith.constant 0 : i32
    %dma_wait3A_347 = arith.constant 0 : i32
    %dma_wait3A_348 = tpu.memref_slice %arg2[%dma_wait3A_346, %dma_wait3A_347] : memref<20000x64xf32, #tpu.memory_space<hbm>> -> memref<20000x64xf32, #tpu.memory_space<hbm>>
    %dma_wait3A_349 = tpu.memref_slice %arg12[%dma_wait3A_338] : memref<5x!tpu.dma_semaphore, #tpu.memory_space<semaphore_mem>> -> memref<1x!tpu.dma_semaphore, #tpu.memory_space<semaphore_mem>>
    %dma_wait3A_350 = tpu.memref_squeeze %dma_wait3A_349 : memref<1x!tpu.dma_semaphore, #tpu.memory_space<semaphore_mem>> -> memref<!tpu.dma_semaphore, #tpu.memory_space<semaphore_mem>>
    tpu.wait_indirect_dma semaphore(%dma_wait3A_350 : memref<!tpu.dma_semaphore, #tpu.memory_space<semaphore_mem>>) src(%dma_wait3A_348 : memref<20000x64xf32, #tpu.memory_space<hbm>>) dst(%dma_wait3A_342 : memref<125x64xf32, #tpu.memory_space<vmem>>)
    %dma_wait3A_351 = arith.constant 0 : i32
    %dma_wait3A_352 = arith.constant 4 : i32
    %dma_wait3A_353 = arith.constant 4 : i32
    %dma_wait3A_354 = arith.constant 0 : i32
    %dma_wait3A_355 = arith.constant 0 : i32
    %dma_wait3A_356 = tpu.memref_slice %arg8[%dma_wait3A_352, %dma_wait3A_354, %dma_wait3A_355] : memref<5x125x64xf32, #tpu.memory_space<vmem>> -> memref<1x125x64xf32, #tpu.memory_space<vmem>>
    %dma_wait3A_357 = tpu.memref_squeeze %dma_wait3A_356 : memref<1x125x64xf32, #tpu.memory_space<vmem>> -> memref<125x64xf32, #tpu.memory_space<vmem>>
    %dma_wait3A_358 = arith.constant 0 : i32
    %dma_wait3A_359 = tpu.memref_slice %arg6[%dma_wait3A_351, %dma_wait3A_358] : memref<160x125xi32, #tpu.memory_space<vmem>> -> memref<1x125xi32, #tpu.memory_space<vmem>>
    %dma_wait3A_360 = tpu.memref_squeeze %dma_wait3A_359 : memref<1x125xi32, #tpu.memory_space<vmem>> -> memref<125xi32, #tpu.memory_space<vmem>>
    %dma_wait3A_361 = arith.constant 0 : i32
    %dma_wait3A_362 = arith.constant 0 : i32
    %dma_wait3A_363 = tpu.memref_slice %arg2[%dma_wait3A_361, %dma_wait3A_362] : memref<20000x64xf32, #tpu.memory_space<hbm>> -> memref<20000x64xf32, #tpu.memory_space<hbm>>
    %dma_wait3A_364 = tpu.memref_slice %arg12[%dma_wait3A_353] : memref<5x!tpu.dma_semaphore, #tpu.memory_space<semaphore_mem>> -> memref<1x!tpu.dma_semaphore, #tpu.memory_space<semaphore_mem>>
    %dma_wait3A_365 = tpu.memref_squeeze %dma_wait3A_364 : memref<1x!tpu.dma_semaphore, #tpu.memory_space<semaphore_mem>> -> memref<!tpu.dma_semaphore, #tpu.memory_space<semaphore_mem>>
    tpu.wait_indirect_dma semaphore(%dma_wait3A_365 : memref<!tpu.dma_semaphore, #tpu.memory_space<semaphore_mem>>) src(%dma_wait3A_363 : memref<20000x64xf32, #tpu.memory_space<hbm>>) dst(%dma_wait3A_357 : memref<125x64xf32, #tpu.memory_space<vmem>>)
    %barrier3A_366 = arith.constant 0 : index
    tpu.barrier barrier_id(%barrier3A_366)
    "tpu.region"() ({
      %run_scoped3A = tpu.sem_alloc : memref<!tpu.dma_semaphore, #tpu.memory_space<semaphore_mem>>
      %dma_start3A_372 = arith.constant 0 : i32
      %dma_start3A_373 = tpu.memref_slice %arg5[%arg0, %multiple_of3A, %dma_start3A_372] : memref<2x10000x64xf32, #tpu.memory_space<hbm>> -> memref<1x624x64xf32, #tpu.memory_space<hbm>>
      %dma_start3A_374 = tpu.memref_squeeze %dma_start3A_373 : memref<1x624x64xf32, #tpu.memory_space<hbm>> -> memref<624x64xf32, #tpu.memory_space<hbm>>
      %dma_start3A_375 = arith.constant 0 : i32
      %dma_start3A_376 = tpu.memref_slice %arg10[%multiple_of3A, %dma_start3A_375] : memref<10000x64xf32, #tpu.memory_space<vmem_shared>> -> memref<624x64xf32, #tpu.memory_space<vmem_shared>>
      tpu.enqueue_dma source(%dma_start3A_376 : memref<624x64xf32, #tpu.memory_space<vmem_shared>>) target(%dma_start3A_374 : memref<624x64xf32, #tpu.memory_space<hbm>>) target_semaphore(%run_scoped3A : memref<!tpu.dma_semaphore, #tpu.memory_space<semaphore_mem>>)
      %dma_wait3A_377 = arith.constant 0 : i32
      %dma_wait3A_378 = tpu.memref_slice %arg5[%arg0, %multiple_of3A, %dma_wait3A_377] : memref<2x10000x64xf32, #tpu.memory_space<hbm>> -> memref<1x624x64xf32, #tpu.memory_space<hbm>>
      %dma_wait3A_379 = tpu.memref_squeeze %dma_wait3A_378 : memref<1x624x64xf32, #tpu.memory_space<hbm>> -> memref<624x64xf32, #tpu.memory_space<hbm>>
      %dma_wait3A_380 = arith.constant 0 : i32
      %dma_wait3A_381 = tpu.memref_slice %arg10[%multiple_of3A, %dma_wait3A_380] : memref<10000x64xf32, #tpu.memory_space<vmem_shared>> -> memref<624x64xf32, #tpu.memory_space<vmem_shared>>
      tpu.wait_dma2 semaphore(%run_scoped3A : memref<!tpu.dma_semaphore, #tpu.memory_space<semaphore_mem>>) src(%dma_wait3A_381 : memref<624x64xf32, #tpu.memory_space<vmem_shared>>) dst(%dma_wait3A_379 : memref<624x64xf32, #tpu.memory_space<hbm>>)
      tpu.yield
    }) : () -> ()
    %eq3A_367 = arith.constant 15 : i32
    %eq3A_368 = arith.cmpi eq, %arg1, %eq3A_367 : i32
    %convert_element_type3A_369 = arith.extui %eq3A_368 : i1 to i32
    %cond3A_370 = arith.constant 0 : i32
    %cond3A_371 = arith.cmpi ne, %convert_element_type3A_369, %cond3A_370 : i32
    scf.if %cond3A_371 {
      "tpu.region"() ({
        %run_scoped3A = tpu.sem_alloc : memref<!tpu.dma_semaphore, #tpu.memory_space<semaphore_mem>>
        %dma_start3A_372 = arith.constant 9984 : i32
        %dma_start3A_373 = arith.constant 0 : i32
        %dma_start3A_374 = tpu.memref_slice %arg5[%arg0, %dma_start3A_372, %dma_start3A_373] : memref<2x10000x64xf32, #tpu.memory_space<hbm>> -> memref<1x16x64xf32, #tpu.memory_space<hbm>>
        %dma_start3A_375 = tpu.memref_squeeze %dma_start3A_374 : memref<1x16x64xf32, #tpu.memory_space<hbm>> -> memref<16x64xf32, #tpu.memory_space<hbm>>
        %dma_start3A_376 = arith.constant 9984 : i32
        %dma_start3A_377 = arith.constant 0 : i32
        %dma_start3A_378 = tpu.memref_slice %arg10[%dma_start3A_376, %dma_start3A_377] : memref<10000x64xf32, #tpu.memory_space<vmem_shared>> -> memref<16x64xf32, #tpu.memory_space<vmem_shared>>
        tpu.enqueue_dma source(%dma_start3A_378 : memref<16x64xf32, #tpu.memory_space<vmem_shared>>) target(%dma_start3A_375 : memref<16x64xf32, #tpu.memory_space<hbm>>) target_semaphore(%run_scoped3A : memref<!tpu.dma_semaphore, #tpu.memory_space<semaphore_mem>>)
        %dma_wait3A_379 = arith.constant 9984 : i32
        %dma_wait3A_380 = arith.constant 0 : i32
        %dma_wait3A_381 = tpu.memref_slice %arg5[%arg0, %dma_wait3A_379, %dma_wait3A_380] : memref<2x10000x64xf32, #tpu.memory_space<hbm>> -> memref<1x16x64xf32, #tpu.memory_space<hbm>>
        %dma_wait3A_382 = tpu.memref_squeeze %dma_wait3A_381 : memref<1x16x64xf32, #tpu.memory_space<hbm>> -> memref<16x64xf32, #tpu.memory_space<hbm>>
        %dma_wait3A_383 = arith.constant 9984 : i32
        %dma_wait3A_384 = arith.constant 0 : i32
        %dma_wait3A_385 = tpu.memref_slice %arg10[%dma_wait3A_383, %dma_wait3A_384] : memref<10000x64xf32, #tpu.memory_space<vmem_shared>> -> memref<16x64xf32, #tpu.memory_space<vmem_shared>>
        tpu.wait_dma2 semaphore(%run_scoped3A : memref<!tpu.dma_semaphore, #tpu.memory_space<semaphore_mem>>) src(%dma_wait3A_385 : memref<16x64xf32, #tpu.memory_space<vmem_shared>>) dst(%dma_wait3A_382 : memref<16x64xf32, #tpu.memory_space<hbm>>)
        tpu.yield
      }) : () -> ()
    } else {
    }
    return
  }
}

module attributes {stable_mosaic.version = 14 : i64} {
  func.func @_tc_layer_body(%arg0: i32, %arg1: memref<2x1000x64xf32, #tpu.memory_space<vmem>>, %arg2: memref<128x128xf32, #tpu.memory_space<vmem>>, %arg3: memref<1x128xf32, #tpu.memory_space<vmem>>, %arg4: memref<4x128xf32, #tpu.memory_space<vmem>>, %arg5: memref<1000x128xf32, #tpu.memory_space<vmem>>) attributes {dimension_semantics = [#tpu.dimension_semantics<arbitrary>], iteration_bounds = array<i64: 10>, scalar_prefetch = 0 : i64, scratch_operands = 0 : i64, tpu.core_type = #tpu.core_type<tc>, window_params = [{transform_indices = @transform_0, window_bounds = array<i64: 2, 1000, 64>}, {pipeline_mode = #tpu.pipeline_mode<synchronous>, transform_indices = @transform_1, window_bounds = array<i64: 128, 128>}, {pipeline_mode = #tpu.pipeline_mode<synchronous>, transform_indices = @transform_2, window_bounds = array<i64: 1, 128>}, {pipeline_mode = #tpu.pipeline_mode<synchronous>, transform_indices = @transform_3, window_bounds = array<i64: 4, 128>}, {transform_indices = @transform_4, window_bounds = array<i64: 1000, 128>}]} {
    %get3A = arith.constant 0 : index
    %get3A_0 = arith.constant 0 : index
    %get3A_1 = arith.constant 0 : index
    %get3A_2 = vector.load %arg1[%get3A, %get3A_0, %get3A_1] : memref<2x1000x64xf32, #tpu.memory_space<vmem>>, vector<1x1000x64xf32>
    %get3A_3 = vector.shape_cast %get3A_2 : vector<1x1000x64xf32> to vector<1000x64xf32>
    %get3A_4 = arith.constant 1 : index
    %get3A_5 = arith.constant 0 : index
    %get3A_6 = arith.constant 0 : index
    %get3A_7 = vector.load %arg1[%get3A_4, %get3A_5, %get3A_6] : memref<2x1000x64xf32, #tpu.memory_space<vmem>>, vector<1x1000x64xf32>
    %get3A_8 = vector.shape_cast %get3A_7 : vector<1x1000x64xf32> to vector<1000x64xf32>
    %concatenate3A = tpu.concatenate %get3A_3, %get3A_8 in 1 : vector<1000x64xf32>, vector<1000x64xf32> -> vector<1000x128xf32>
    %get3A_9 = arith.constant 0 : index
    %get3A_10 = arith.constant 0 : index
    %get3A_11 = vector.load %arg2[%get3A_9, %get3A_10] : memref<128x128xf32, #tpu.memory_space<vmem>>, vector<128x128xf32>
    %dot_general3A = arith.constant dense<0.000000e+00> : vector<1000x128xf32>
    %dot_general3A_12 = tpu.matmul %concatenate3A, %get3A_11, %dot_general3A {dimension_numbers = #tpu.dot_dimension_numbers<[1], [0], [0], [1], [0, 0, 1, 1], [], []>, transpose_lhs_hint = false} : vector<1000x128xf32>, vector<128x128xf32>, vector<1000x128xf32> -> vector<1000x128xf32>
    %get3A_13 = arith.constant 0 : index
    %get3A_14 = arith.constant 0 : index
    %get3A_15 = vector.load %arg3[%get3A_13, %get3A_14] : memref<1x128xf32, #tpu.memory_space<vmem>>, vector<1x128xf32>
    %add3A = vector.broadcast %get3A_15 : vector<1x128xf32> to vector<1000x128xf32>
    %add3A_16 = arith.addf %dot_general3A_12, %add3A : vector<1000x128xf32>
    %get3A_17 = arith.constant 0 : index
    %get3A_18 = arith.constant 0 : index
    %get3A_19 = vector.load %arg4[%get3A_17, %get3A_18] : memref<4x128xf32, #tpu.memory_space<vmem>>, vector<1x128xf32>
    %get3A_20 = arith.constant 1 : index
    %get3A_21 = arith.constant 0 : index
    %get3A_22 = vector.load %arg4[%get3A_20, %get3A_21] : memref<4x128xf32, #tpu.memory_space<vmem>>, vector<1x128xf32>
    %get3A_23 = arith.constant 2 : index
    %get3A_24 = arith.constant 0 : index
    %get3A_25 = vector.load %arg4[%get3A_23, %get3A_24] : memref<4x128xf32, #tpu.memory_space<vmem>>, vector<1x128xf32>
    %get3A_26 = arith.constant 3 : index
    %get3A_27 = arith.constant 0 : index
    %get3A_28 = vector.load %arg4[%get3A_26, %get3A_27] : memref<4x128xf32, #tpu.memory_space<vmem>>, vector<1x128xf32>
    %mul3A = vector.broadcast %get3A_28 : vector<1x128xf32> to vector<1000x128xf32>
    %mul3A_29 = arith.mulf %add3A_16, %mul3A : vector<1000x128xf32>
    %add3A_30 = vector.broadcast %get3A_25 : vector<1x128xf32> to vector<1000x128xf32>
    %add3A_31 = arith.addf %add3A_30, %mul3A_29 : vector<1000x128xf32>
    %mul3A_32 = arith.mulf %add3A_16, %add3A_31 : vector<1000x128xf32>
    %add3A_33 = vector.broadcast %get3A_22 : vector<1x128xf32> to vector<1000x128xf32>
    %add3A_34 = arith.addf %add3A_33, %mul3A_32 : vector<1000x128xf32>
    %mul3A_35 = arith.mulf %add3A_16, %add3A_34 : vector<1000x128xf32>
    %add3A_36 = vector.broadcast %get3A_19 : vector<1x128xf32> to vector<1000x128xf32>
    %add3A_37 = arith.addf %add3A_36, %mul3A_35 : vector<1000x128xf32>
    %swap3A = arith.constant 0 : index
    %swap3A_38 = arith.constant 0 : index
    %swap3A_39 = vector.load %arg5[%swap3A, %swap3A_38] : memref<1000x128xf32, #tpu.memory_space<vmem>>, vector<1000x128xf32>
    tpu.vector_store %arg5[%swap3A, %swap3A_38], %add3A_37 {strides = array<i32>} : memref<1000x128xf32, #tpu.memory_space<vmem>>, vector<1000x128xf32>,
    return
  }
  func.func @transform_0(%arg0: i32) -> (i32, i32, i32) {
    %c0_i32 = arith.constant 0 : i32
    %c0_i32_0 = arith.constant 0 : i32
    %c0_i32_1 = arith.constant 0 : i32
    return %c0_i32, %arg0, %c0_i32_0 : i32, i32, i32
  }
  func.func @transform_1(%arg0: i32) -> (i32, i32) {
    %c0_i32 = arith.constant 0 : i32
    %c0_i32_0 = arith.constant 0 : i32
    %c0_i32_1 = arith.constant 0 : i32
    return %c0_i32, %c0_i32_0 : i32, i32
  }
  func.func @transform_2(%arg0: i32) -> (i32, i32) {
    %c0_i32 = arith.constant 0 : i32
    %c0_i32_0 = arith.constant 0 : i32
    %c0_i32_1 = arith.constant 0 : i32
    return %c0_i32, %c0_i32_0 : i32, i32
  }
  func.func @transform_3(%arg0: i32) -> (i32, i32) {
    %c0_i32 = arith.constant 0 : i32
    %c0_i32_0 = arith.constant 0 : i32
    %c0_i32_1 = arith.constant 0 : i32
    return %c0_i32, %c0_i32_0 : i32, i32
  }
  func.func @transform_4(%arg0: i32) -> (i32, i32) {
    %c0_i32 = arith.constant 0 : i32
    %c0_i32_0 = arith.constant 0 : i32
    return %arg0, %c0_i32 : i32, i32
  }
}

module attributes {stable_mosaic.version = 14 : i64} {
  func.func @_tc_layer_body(%arg0: i32, %arg1: memref<2x1000x64xf32, #tpu.memory_space<vmem>>, %arg2: memref<128x128xf32, #tpu.memory_space<vmem>>, %arg3: memref<1x128xf32, #tpu.memory_space<vmem>>, %arg4: memref<4x128xf32, #tpu.memory_space<vmem>>, %arg5: memref<1000x128xf32, #tpu.memory_space<vmem>>) attributes {dimension_semantics = [#tpu.dimension_semantics<arbitrary>], iteration_bounds = array<i64: 10>, scalar_prefetch = 0 : i64, scratch_operands = 0 : i64, tpu.core_type = #tpu.core_type<tc>, window_params = [{transform_indices = @transform_0, window_bounds = array<i64: 2, 1000, 64>}, {pipeline_mode = #tpu.pipeline_mode<synchronous>, transform_indices = @transform_1, window_bounds = array<i64: 128, 128>}, {pipeline_mode = #tpu.pipeline_mode<synchronous>, transform_indices = @transform_2, window_bounds = array<i64: 1, 128>}, {pipeline_mode = #tpu.pipeline_mode<synchronous>, transform_indices = @transform_3, window_bounds = array<i64: 4, 128>}, {transform_indices = @transform_4, window_bounds = array<i64: 1000, 128>}]} {
    %get3A = arith.constant 0 : index
    %get3A_0 = arith.constant 0 : index
    %get3A_1 = arith.constant 0 : index
    %get3A_2 = vector.load %arg1[%get3A, %get3A_0, %get3A_1] : memref<2x1000x64xf32, #tpu.memory_space<vmem>>, vector<1x1000x64xf32>
    %get3A_3 = vector.shape_cast %get3A_2 : vector<1x1000x64xf32> to vector<1000x64xf32>
    %get3A_4 = arith.constant 1 : index
    %get3A_5 = arith.constant 0 : index
    %get3A_6 = arith.constant 0 : index
    %get3A_7 = vector.load %arg1[%get3A_4, %get3A_5, %get3A_6] : memref<2x1000x64xf32, #tpu.memory_space<vmem>>, vector<1x1000x64xf32>
    %get3A_8 = vector.shape_cast %get3A_7 : vector<1x1000x64xf32> to vector<1000x64xf32>
    %concatenate3A = tpu.concatenate %get3A_3, %get3A_8 in 1 : vector<1000x64xf32>, vector<1000x64xf32> -> vector<1000x128xf32>
    %get3A_9 = arith.constant 0 : index
    %get3A_10 = arith.constant 0 : index
    %get3A_11 = vector.load %arg2[%get3A_9, %get3A_10] : memref<128x128xf32, #tpu.memory_space<vmem>>, vector<128x128xf32>
    %dot_general3A = arith.constant dense<0.000000e+00> : vector<1000x128xf32>
    %dot_general3A_12 = tpu.matmul %concatenate3A, %get3A_11, %dot_general3A {dimension_numbers = #tpu.dot_dimension_numbers<[1], [0], [0], [1], [0, 0, 1, 1], [], []>, transpose_lhs_hint = false} : vector<1000x128xf32>, vector<128x128xf32>, vector<1000x128xf32> -> vector<1000x128xf32>
    %get3A_13 = arith.constant 0 : index
    %get3A_14 = arith.constant 0 : index
    %get3A_15 = vector.load %arg3[%get3A_13, %get3A_14] : memref<1x128xf32, #tpu.memory_space<vmem>>, vector<1x128xf32>
    %add3A = vector.broadcast %get3A_15 : vector<1x128xf32> to vector<1000x128xf32>
    %add3A_16 = arith.addf %dot_general3A_12, %add3A : vector<1000x128xf32>
    %swap3A = arith.constant 0 : index
    %swap3A_17 = arith.constant 0 : index
    %swap3A_18 = vector.load %arg5[%swap3A, %swap3A_17] : memref<1000x128xf32, #tpu.memory_space<vmem>>, vector<1000x128xf32>
    tpu.vector_store %arg5[%swap3A, %swap3A_17], %add3A_16 {strides = array<i32>} : memref<1000x128xf32, #tpu.memory_space<vmem>>, vector<1000x128xf32>,
    return
  }
  func.func @transform_0(%arg0: i32) -> (i32, i32, i32) {
    %c0_i32 = arith.constant 0 : i32
    %c0_i32_0 = arith.constant 0 : i32
    %c0_i32_1 = arith.constant 0 : i32
    return %c0_i32, %arg0, %c0_i32_0 : i32, i32, i32
  }
  func.func @transform_1(%arg0: i32) -> (i32, i32) {
    %c0_i32 = arith.constant 0 : i32
    %c0_i32_0 = arith.constant 0 : i32
    %c0_i32_1 = arith.constant 0 : i32
    return %c0_i32, %c0_i32_0 : i32, i32
  }
  func.func @transform_2(%arg0: i32) -> (i32, i32) {
    %c0_i32 = arith.constant 0 : i32
    %c0_i32_0 = arith.constant 0 : i32
    %c0_i32_1 = arith.constant 0 : i32
    return %c0_i32, %c0_i32_0 : i32, i32
  }
  func.func @transform_3(%arg0: i32) -> (i32, i32) {
    %c0_i32 = arith.constant 0 : i32
    %c0_i32_0 = arith.constant 0 : i32
    %c0_i32_1 = arith.constant 0 : i32
    return %c0_i32, %c0_i32_0 : i32, i32
  }
  func.func @transform_4(%arg0: i32) -> (i32, i32) {
    %c0_i32 = arith.constant 0 : i32
    %c0_i32_0 = arith.constant 0 : i32
    return %arg0, %c0_i32 : i32, i32
  }
}

</mosaic_0001>

<sc_bundles>
// kernel: kernel.11.cloned.1.call-start
scs
__scs_entry_jumppad:
0x0: {  	(pc) =	sbr.rel $0x88, $3  }
0x1: {  	(tag) =	ssettag $0x0;
	lr =	simm.s32 $0x1  }
0x2: {  	[smem:$0x3F98] =	sst lr;
	_ =	strace $0xD0000000  }
0x3: {  	_ = 	snop  }
0x4: {  	_ = 	snop  }
0x5: {  	_ = 	snop  }
0x6: {  	_ = 	snop  }
0x7: {  	_ = 	snop  }
__scs_overlays_trampoline_lowered:
0x8: {  	[smem:$0x3FA7] =	sst s0  }
0x9: {  	[smem:$0x3FA8] =	sst s1  }
0xa: {  	[smem:$0x3FA9] =	sst s2  }
0xb: {  	[smem:$0x3FAA] =	sst s3  }
0xc: {  	[smem:$0x3FAB] =	sst s4  }
0xd: {  	[smem:$0x3FAC] =	sst s5  }
0xe: {  	[smem:$0x3FAD] =	sst s6  }
0xf: {  	[smem:$0x3FAE] =	sst s7  }
0x10: {  	[smem:$0x3FAF] =	sst s8  }
0x11: {  	[smem:$0x3FB0] =	sst s9;
	s0 =	simm.s32 @!p0 $0x0  }
0x12: {  	s1 =	sld [smem:$0x3F96];
	s0 =	simm.s32 @p0 $0x1  }
0x13: {  	[smem:$0x3FB1] =	sst s0;
	s0 =	simm.s32 @!p1 $0x0  }
0x14: {  	s2 =	sld [smem:$0x3F95];
	s0 =	simm.s32 @p1 $0x1  }
0x15: {  	[smem:$0x3FB2] =	sst s0;
	s0 =	simm.s32 @!p2 $0x0  }
0x16: {  	s3 =	sld [smem:$0x3FDB];
	s0 =	simm.s32 @p2 $0x1  }
0x17: {  	s4 =	simm.s32 $0x1BF5;
	[smem:$0x3FB4] =	sst s0  }
0x18: {  	s0 =	sld [smem:$0x3F97];
	_ =	swait.ge [sflag:s4], $0x0  }
0x19: {  	s7 =	sld [smem:$0x3F98]  }
0x1a: {  	s8 =	sadd.s32 $0xFFFFE003, lr  }
0x1b: {  	s9 =	sadd.s32 $0xFFFFFEF7, lr;
	s5 =	simm.s32 $0xFFFFFFFF;
	p2 =	slt.u32 s8, $0xFFFFF086  }
0x1c: {  	p1 =	slt.u32 s9, $0xF7A;
	s5 =	simm.s32 @!p2 $0x0  }
0x1d: {  	s5 =	simm.s32 @p1 $0x1;
	p0 =	seq.s32 s7, s2  }
0x1e: {  	s7 =	smul.u32 @!p0 $0xF7A, s2;
	p2 =	seq.s32 @!p0 s5, $0x0  }
0x1f: {  	s9 =	smul.u32 $0xF7A, s1;
	s8 =	simm.s32 @!p0 $0x1BF5;
	p2 =	por !p2, p0  }
0x20: {  	[sflag:s8] =	ssyncset.s32 @!p0 $0xFFFFF086;
	s6 =	sadd.s32 @!p0 s3, s7;
	s7 =	simm.s32 @!p0 $0x108  }
0x21: {  	s3 =	sadd.s32 s3, s9;
	s6 =	sadd.s32 @!p0 $0x88, s6;
	s7 =	simm.s32 @p2 $0x1082  }
0x22: {  	[simem:s7], [sflag:s8] =	dma.local @!p0 [hbm:s6], $0xF7A  }
0x23: {  	s9 =	sor.u32 $0xD0000000, s2;
	s6 =	simm.s32 $0x108;
	_ =	swait.ge @!p0 [sflag:s8], $0x0  }
0x24: {  	s3 =	sadd.s32 $0x88, s3;
	s6 =	simm.s32 @!p1 $0x1082;
	[sflag:s4] =	ssyncset.s32 $0xFFFFF086  }
0x25: {  	[simem:s6], [sflag:s4] =	dma.local [hbm:s3], $0xF7A  }
0x26: {  	[smem:$0x3F98] =	sst s1;
	(tag) =	ssettag s2;
	_ =	strace s9  }
0x27: {  	s1 =	sld [smem:$0x3FA8]  }
0x28: {  	s2 =	sld [smem:$0x3FA9]  }
0x29: {  	s4 =	sld [smem:$0x3FAB]  }
0x2a: {  	p0 =	seq.s32 s5, $0x0;
	s5 =	sld [smem:$0x3FAC]  }
0x2b: {  	s6 =	sld [smem:$0x3FAD]  }
0x2c: {  	s7 =	sld [smem:$0x3FAE]  }
0x2d: {  	s3 =	simm.s32 $0x108;
	s8 =	sld [smem:$0x3FAF]  }
0x2e: {  	s3 =	simm.s32 @!p0 $0x1082;
	s9 =	sld [smem:$0x3FB0]  }
0x2f: {  	lr =	sadd.s32 s0, s3;
	s0 =	sld [smem:$0x3FA7]  }
0x30: {  	s3 =	sld [smem:$0x3FAA]  }
0x31: {  	[smem:$0x3FB3] =	sst s10  }
0x32: {  	s10 =	sld [smem:$0x3FB1];
	_ =	sdelay $0x3  }
0x33: {  	p0 =	seq.s32 s10, $0x1;
	s10 =	sld [smem:$0x3FB3];
	_ =	sdelay $0x3  }
0x34: {  	[smem:$0x3FB3] =	sst s10  }
0x35: {  	s10 =	sld [smem:$0x3FB2];
	_ =	sdelay $0x3  }
0x36: {  	p1 =	seq.s32 s10, $0x1;
	s10 =	sld [smem:$0x3FB3];
	_ =	sdelay $0x3  }
0x37: {  	[smem:$0x3FB3] =	sst s10  }
0x38: {  	s10 =	sld [smem:$0x3FB4]  }
0x39: {  	_ = 	snop;
	(pc) =	sbr.ind lr, $3  }
0x3a: {  	_ = 	snop  }
0x3b: {  	_ = 	snop  }
0x3c: {  	p2 =	seq.s32 s10, $0x1;
	s10 =	sld [smem:$0x3FB3]  }
0x3d: {  	_ =	shalt  }
0x3e: {  	_ =	shalt  }
0x3f: {  	_ =	shalt  }
0x40: {  	_ =	shalt  }
0x41: {  	_ =	shalt  }
0x42: {  	_ =	shalt  }
0x43: {  	_ =	shalt  }
0x44: {  	_ =	shalt  }
0x45: {  	_ =	shalt  }
0x46: {  	_ =	shalt  }
0x47: {  	_ =	shalt  }
0x48: {  	_ =	shalt  }
0x49: {  	_ =	shalt  }
0x4a: {  	_ =	shalt  }
0x4b: {  	_ =	shalt  }
0x4c: {  	_ =	shalt  }
0x4d: {  	_ =	shalt  }
0x4e: {  	_ =	shalt  }
0x4f: {  	_ =	shalt  }
0x50: {  	_ =	shalt  }
0x51: {  	_ =	shalt  }
0x52: {  	_ =	shalt  }
0x53: {  	_ =	shalt  }
0x54: {  	_ =	shalt  }
0x55: {  	_ =	shalt  }
0x56: {  	_ =	shalt  }
0x57: {  	_ =	shalt  }
0x58: {  	_ =	shalt  }
0x59: {  	_ =	shalt  }
0x5a: {  	_ =	shalt  }
0x5b: {  	_ =	shalt  }
0x5c: {  	_ =	shalt  }
0x5d: {  	_ =	shalt  }
0x5e: {  	_ =	shalt  }
0x5f: {  	_ =	shalt  }
0x60: {  	_ =	shalt  }
0x61: {  	_ =	shalt  }
0x62: {  	_ =	shalt  }
0x63: {  	_ =	shalt  }
0x64: {  	_ =	shalt  }
0x65: {  	_ =	shalt  }
0x66: {  	_ =	shalt  }
0x67: {  	_ =	shalt  }
0x68: {  	_ =	shalt  }
0x69: {  	_ =	shalt  }
0x6a: {  	_ =	shalt  }
0x6b: {  	_ =	shalt  }
0x6c: {  	_ =	shalt  }
0x6d: {  	_ =	shalt  }
0x6e: {  	_ =	shalt  }
0x6f: {  	_ =	shalt  }
0x70: {  	_ =	shalt  }
0x71: {  	_ =	shalt  }
0x72: {  	_ =	shalt  }
0x73: {  	_ =	shalt  }
0x74: {  	_ =	shalt  }
0x75: {  	_ =	shalt  }
0x76: {  	_ =	shalt  }
0x77: {  	_ =	shalt  }
0x78: {  	_ =	shalt  }
0x79: {  	_ =	shalt  }
0x7a: {  	_ =	shalt  }
0x7b: {  	_ =	shalt  }
0x7c: {  	_ =	shalt  }
0x7d: {  	_ =	shalt  }
0x7e: {  	_ =	shalt  }
0x7f: {  	_ =	shalt  }
0x80: {  	_ =	shalt  }
0x81: {  	_ =	shalt  }
0x82: {  	_ =	shalt  }
0x83: {  	_ =	shalt  }
0x84: {  	_ =	shalt  }
0x85: {  	_ =	shalt  }
0x86: {  	_ =	shalt  }
0x87: {  	_ =	shalt  }
.Lfunc_end0:
.L_simem_size_0:
called_computation.1_lowered:
.L_overlay_start_0:
0x88: {  	s2 =	sld [smem:$0x3FD9]  }
0x89: {  	s3 =	sld [smem:$0x3FFE];
	_ =	sdelay $0x1  }
0x8a: {  	s1 =	srdreg.scid  }
0x8b: {  	s0 =	sand.u32 $0x1, s1  }
0x8c: {  	s17 =	sshll.u32 s0, $0xA;
	s2 =	sadd.s32 s3, s2  }
0x8d: {  	s2 =	sadd.s32 s2, s17  }
0x8e: {  	[smem:$0x3FBF] =	sst s2  }
0x8f: {  	_ = 	snop  }
0x90: {  	s2 =	sld [smem:$0x3FD0];
	(tm) =	ssettm $0x1  }
0x91: {  	s18 =	sld [smem:$0x3FFB];
	_ =	sdelay $0x3  }
0x92: {  	_ =	strace s18  }
0x93: {  	s3 =	sld [smem:$0x3FFC];
	_ =	sdelay $0x3  }
0x94: {  	_ =	strace s3  }
0x95: {  	s3 =	sld [smem:$0x3FFD];
	_ =	sdelay $0x3  }
0x96: {  	_ =	strace s3  }
0x97: {  	_ =	strace $0x8FFFFFFF  }
0x98: {  	s19 =	sld [smem:$0x3FDB];
	_ =	sdelay $0x1  }
0x99: {  	s4 =	simm.s32 $_scs_section_size  }
0x9a: {  	s5 =	simm.s32 $_size__tile_overlayer_lowered;
	s6 =	simm.s32 $_tile_overlayer_lowered  }
0x9b: {  	s22 =	simm.s32 $0x1BFF;
	s21 =	sshll.u32 s6, $0x1;
	s3 =	sadd.s32 s4, s19  }
0x9c: {  	s7 =	simm.s32 $0x0;
	s20 =	sshll.u32 s5, $0x1;
	s5 =	sadd.s32 s21, s3  }
0x9d: {  	[timem:s7], [sflag:s22] =	dma.local [hbm:s5], s20  }
0x9e: {  	_ =	swait.ge [sflag:s22], s20  }
0x9f: {  	s4 =	ssub.s32 $0x0, s20;
	[sflag:s22] =	ssyncset.done $0x0  }
0xa0: {  	[sflag:s22] =	ssyncadd.s32 s4;
	_ =	sdelay $0x1  }
0xa1: {  	s23 =	simm.s32 $0x1B8B  }
0xa2: {  	_ =	swait.ge [sflag:s23], $0x1  }
0xa3: {  	[sflag:s23] =	ssyncset.done $0x0  }
0xa4: {  	s25 =	simm.s32 $0x1B8E;
	s24 =	sld [smem:$0x3FFE];
	[sflag:s23] =	ssyncadd.s32 $0xFFFFFFFF  }
0xa5: {  	s26 =	simm.s32 $execute0_lowered;
	[smem:$0x3FD2] =	sst s25  }
0xa6: {  	s5 =	sshll.u32 s26, $0x1;
	_ =	strace $0x80000049;
	[dreg:$0x1] =	wrdreg $0xFFFFFFFF  }
0xa7: {  	s28 =	simm.s32 $_size_execute0_lowered;
	s3 =	sadd.s32 s3, s5;
	[dreg:$0x0] =	wrdreg $0x0  }
0xa8: {  	s5 =	sshll.u32 s28, $0x1;
	[dreg:$0x2] =	wrdreg s3  }
0xa9: {  	[dreg:$0x3] =	wrdreg s5  }
0xaa: {  	[dreg:$0x4] =	wrdreg $0xC0  }
0xab: {  	_ =	task [dreg:s7], $0x5FFFF  }
0xac: {  	[dreg:$0x1] =	wrdreg $0xFFFFFFFF  }
0xad: {  	[dreg:$0x0] =	wrdreg $0x60  }
0xae: {  	[dreg:$0x2] =	wrdreg s2  }
0xaf: {  	[dreg:$0x3] =	wrdreg s24  }
0xb0: {  	[dreg:$0x4] =	wrdreg $0x156400  }
0xb1: {  	[dreg:$0x5] =	wrdreg $0x9  }
0xb2: {  	_ =	task.clear_ibuf [dreg:s7], $0x6FFFF;
	_ =	strace $0x90000049  }
0xb3: {  	s29 =	simm.s32 $0x9;
	_ =	strace $0x8000004B  }
0xb4: {  	_ =	swait.ge [sflag:s29], $0x1  }
0xb5: {  	[sflag:s29] =	ssyncadd.s32 $0xFFFFFFFF  }
0xb6: {  	_ =	strace $0x9000004B  }
0xb7: {  	_ =	sfence  }
0xb8: {  	s30 =	sld [smem:$0x0];
	_ =	sdelay $0x2  }
0xb9: {  	s31 =	sshll.u32 s1, $0xD;
	s1 =	sshrl.u32 s1, $0x2  }
0xba: {  	s3 =	sand.u32 $0x4000, s31;
	s1 =	sadd.s32 s1, s30  }
0xbb: {  	s0 =	sor.u32 s3, s0;
	s1 =	sshll.u32 s1, $0x11  }
0xbc: {  	s0 =	sor.u32 s1, s0  }
0xbd: {  	s0 =	sadd.s32 $0x8F2B, s0  }
0xbe: {  	[sflag:s0] =	ssyncadd.remote.s32 $0x1  }
0xbf: {  	_ =	sfence.sel $0xFFFF  }
0xc0: {  	[dreg:$0x0] =	wrdreg $0xFFFFFFFF;
	(pc) =	sbr.abs _section_cstart, $3  }
0xc1: {  	[dreg:$0x1] =	wrdreg $0xFFFFFFFF  }
0xc2: {  	_ =	task.clear_ibuf [dreg:s7], $0x2FFFF;
	_ =	strace $0x9FFFFFFF  }
0xc3: {  	(tm) =	ssettm $0x7FFFFFFF  }
tec
execute0_lowered:
.L_overlay_start_1:
0x0: {  	(tag) =	ssettag $0x1  }
0x1: {  	s0 =	srdreg.scid;
	s2 =	rddreg [dreg:$0x0]  }
0x2: {  	s9 =	stileid.u32;
	s4 =	rddreg [dreg:$0x1]  }
0x3: {  	s3 =	rddreg [dreg:$0x2];
	s6 =	simm.s32 $0x0;
	s28 =	simm.s32 $0xDE80  }
0x4: {  	s30 =	simm.s32 $0xFDC0;
	s29 =	simm.s32 $0x7;
	s1 =	smul.u32 $0x5000, s9  }
0x5: {  	s31 =	simm.s32 $0x3;
	s10 =	simm.s32 $0x0;
	s8 =	smul.u32 $0x27000, s9  }
0x6: {  	s0 =	sand.u32 $0x1, s0;
	[smem:$0x7FF] =	sst s6;
	s19 =	smul.u32 $0x9C00, s9  }
0x7: {  	s13 =	sadd.s32 $0x9C000, s3;
	p0 =	sne.s32 s9, $0xF;
	s9 =	simm.s32 $0xA  }
0x8: {  	s5 =	smul.u32 $0x50000, s0;
	_ =	strace $0x8000004A;
	s18 =	ssub.s32 $0x2, s0  }
0x9: {  	s0 =	smul.u32 $0x9C400, s0;
	s7 =	sshrl.u32 s18, $0x1;
	s20 =	sshrl.u32 s8, $0x2  }
0xa: {  	s8 =	simm.s32 $0x5;
	s5 =	sadd.s32 s1, s5;
	s1 =	sshrl.u32 s1, $0x3  }
0xb: {  	s6 =	ssub.s32 s18, s7;
	s21 =	sadd.s32 s20, s3;
	s7 =	sadd.s32 s19, s3  }
0xc: {  	s18 =	simm.s32 $0x13C40;
	s20 =	simm.s32 $0xB;
	s5 =	sshrl.u32 s5, $0x3  }
0xd: {  	s1 =	sadd.s32 s1, s4;
	s22 =	sadd.s32 $0x1A00, s21;
	s23 =	sadd.s32 $0x3400, s21  }
0xe: {  	s24 =	sadd.s32 $0x4E00, s21;
	s25 =	sadd.s32 $0x6800, s21;
	[dreg:$0x6] =	wrdreg s22  }
0xf: {  	s16 =	smax.u32 s6, $0x1;
	s6 =	simm.s32 $0x9;
	[dreg:$0x7] =	wrdreg s23  }
0x10: {  	s5 =	sadd.s32 s5, s4;
	s4 =	sadd.s32 $0x1F800, s4;
	[dreg:$0x8] =	wrdreg s24  }
0x11: {  	s1 =	sadd.s32 $0x1800, s1;
	[dreg:$0x9] =	wrdreg s25;
	s22 =	simm.s32 $0x7D  }
0x12: {  	s23 =	simm.s32 $0xA000;
	s25 =	simm.s32 $0xBF40;
	s24 =	simm.s32 $0x6  }
0x13: {  	s5 =	sadd.s32 $0xB800, s5;
	[dreg:$0x5] =	wrdreg s1;
	s1 =	sadd.s32 $0x8200, s21  }
0x14: {  	s21 =	simm.s32 $0xC;
	[dreg:$0x4] =	wrdreg s5;
	s5 =	sadd.s32 s19, s0  }
0x15: {  	[dreg:$0xa] =	wrdreg s1;
	s0 =	sshrl.u32 s0, $0x3;
	s19 =	simm.s32 $0xD  }
0x16: {  	s1 =	simm.s32 $0x11D00;
	s26 =	sshrl.u32 s5, $0x3;
	s0 =	sadd.s32 s4, s0  }
0x17: {  	s5 =	simm.s32 $0x4;
	s14 =	sadd.s32 s4, s26;
	s15 =	sadd.s32 $0x13800, s0  }
0x18: {  	v0 =	vimm.f32 $0.0e+00;
	s0 =	simm.s32 $0x1;
	s26 =	simm.s32 $0x2;
	s4 =	simm.s32 $0x8  }
.LBB2_1:
0x19: {  	s11 =	simm.s32 $0x0;
	s12 =	rddreg [dreg:$0x4]  }
0x1a: {  	[tilespmem:s11], [sflag:$0xB] =	stream.linear.gather [hbm4b:s12+s11], $0x5000, $0x38;
	[tilespmem:$0x1F280] =	vst v63  }
0x1b: {  	s17 =	simm.s32 $0x5000;
	s12 =	rddreg [dreg:$0x5]  }
0x1c: {  	[tilespmem:s17], [sflag:$0xC] =	stream.linear.gather [hbm4b:s12+s11], $0x5000, $0x38;
	[tilespmem:$0x1F280] =	vst v63  }
0x1d: {  	s12 =	simm.s32 $0x100;
	s11 =	simm.s32 $0x0  }
.LBB2_2:
0x1e: {  	p1 =	sne.s32 s12, $0x6700;
	[tilespmem:s11+$0x13C70] =	vst v0;
	s17 =	smov.u32 s12;
	s12 =	sadd.s32 $0x100, s12  }
.Ltmp0:
0x1f: {  	[tilespmem:s11+$0x13C60] =	vst v0;
	(pc) =	sbr.rel @p1 .LBB2_2-.Ltmp0, $3  }
0x20: {  	[tilespmem:s11+$0x13C40] =	vst v0  }
0x21: {  	[tilespmem:s11+$0x13C50] =	vst v0;
	_ =	sdelay $0x1  }
0x22: {  	s11 =	sshra.s32 s17, $0x2  }
0x23: {  	[tilespmem:s11+$0x13C70] =	vst v0  }
0x24: {  	[tilespmem:s11+$0x13C60] =	vst v0  }
0x25: {  	[tilespmem:s11+$0x13C40] =	vst v0  }
0x26: {  	[tilespmem:s11+$0x13C50] =	vst v0  }
0x27: {  	[spmem:s7] =	stream.linear.scatter [tilespmem:s18], [sflag:$0xD], $0x1A00, $0x38;
	[tilespmem:$0x1F280] =	vst v63  }
0x28: {  	_ =	swait.ge [sflag:s19], $0x1A00  }
0x29: {  	[sflag:s19] =	ssyncset.done $0x0  }
0x2a: {  	s12 =	rddreg [dreg:$0x6];
	[sflag:s19] =	ssyncadd.s32 $0xFFFFE600  }
0x2b: {  	[spmem:s12] =	stream.linear.scatter [tilespmem:s18], [sflag:$0xD], $0x1A00, $0x38;
	[tilespmem:$0x1F280] =	vst v63  }
0x2c: {  	_ =	swait.ge [sflag:s19], $0x1A00  }
0x2d: {  	[sflag:s19] =	ssyncset.done $0x0  }
0x2e: {  	s17 =	rddreg [dreg:$0x7];
	[sflag:s19] =	ssyncadd.s32 $0xFFFFE600  }
0x2f: {  	[spmem:s17] =	stream.linear.scatter [tilespmem:s18], [sflag:$0xD], $0x1A00, $0x38;
	[tilespmem:$0x1F280] =	vst v63  }
0x30: {  	_ =	swait.ge [sflag:s19], $0x1A00  }
0x31: {  	[sflag:s19] =	ssyncset.done $0x0  }
0x32: {  	s12 =	rddreg [dreg:$0x8];
	[sflag:s19] =	ssyncadd.s32 $0xFFFFE600  }
0x33: {  	[spmem:s12] =	stream.linear.scatter [tilespmem:s18], [sflag:$0xD], $0x1A00, $0x38;
	[tilespmem:$0x1F280] =	vst v63  }
0x34: {  	_ =	swait.ge [sflag:s19], $0x1A00  }
0x35: {  	[sflag:s19] =	ssyncset.done $0x0  }
0x36: {  	s17 =	rddreg [dreg:$0x9];
	[sflag:s19] =	ssyncadd.s32 $0xFFFFE600  }
0x37: {  	[spmem:s17] =	stream.linear.scatter [tilespmem:s18], [sflag:$0xD], $0x1A00, $0x38;
	[tilespmem:$0x1F280] =	vst v63  }
0x38: {  	_ =	swait.ge [sflag:s19], $0x1A00  }
0x39: {  	[sflag:s19] =	ssyncset.done $0x0  }
0x3a: {  	s12 =	rddreg [dreg:$0xa];
	[sflag:s19] =	ssyncadd.s32 $0xFFFFE600  }
0x3b: {  	[spmem:s12] =	stream.linear.scatter [tilespmem:s18], [sflag:$0xD], $0x1A00, $0x38;
	[tilespmem:$0x1F280] =	vst v63  }
0x3c: {  	_ =	swait.ge [sflag:s19], $0x1A00  }
0x3d: {  	[sflag:s19] =	ssyncset.done $0x0  }
0x3e: {  	s11 =	simm.s32 @!p0 $0x13C40;
	[sflag:s19] =	ssyncadd.s32 $0xFFFFE600  }
0x3f: {  	[spmem:s13] =	stream.linear.scatter @!p0 [tilespmem:s11], [sflag:$0xD], $0x400, $0x38;
	[tilespmem:$0x1F280] =	vst v63  }
0x40: {  	s11 =	simm.s32 @!p0 $0xD  }
0x41: {  	_ =	swait.ge @!p0 [sflag:s11], $0x400  }
0x42: {  	[sflag:s11] =	ssyncset.done @!p0 $0x0  }
0x43: {  	[sflag:s11] =	ssyncadd.s32 @!p0 $0xFFFFFC00  }
0x44: {  	_ =	swait.ge [sflag:s20], $0x5000  }
0x45: {  	[sflag:s20] =	ssyncset.done $0x0  }
0x46: {  	[sflag:s20] =	ssyncadd.s32 $0xFFFFB000  }
0x47: {  	_ =	swait.ge [sflag:s21], $0x5000  }
0x48: {  	[sflag:s21] =	ssyncset.done $0x0  }
0x49: {  	[sflag:s21] =	ssyncadd.s32 $0xFFFFB000  }
0x4a: {  	s17 =	simm.s32 $0x0;
	[bflag:$0x0] =	sbarrier.arrive $0xFFFF  }
0x4b: {  	[tilespmem:s23], [sflag:$0x1] =	stream.indirect.gather [hbm4b:s2+s22], $0x40, s17, s22, $0xb8;
	[tilespmem:$0x1F280] =	vst v63  }
0x4c: {  	s12 =	simm.s32 $0x80  }
0x4d: {  	[tilespmem:s25], [sflag:$0x2] =	stream.indirect.gather [hbm4b:s2+s22], $0x40, s12, s22, $0xb8;
	[tilespmem:$0x1F280] =	vst v63  }
0x4e: {  	s17 =	simm.s32 $0x100  }
0x4f: {  	[tilespmem:s28], [sflag:$0x3] =	stream.indirect.gather [hbm4b:s2+s22], $0x40, s17, s22, $0xb8;
	[tilespmem:$0x1F280] =	vst v63  }
0x50: {  	s12 =	simm.s32 $0x180  }
0x51: {  	[tilespmem:s30], [sflag:$0x4] =	stream.indirect.gather [hbm4b:s2+s22], $0x40, s12, s22, $0xb8;
	[tilespmem:$0x1F280] =	vst v63  }
0x52: {  	s17 =	simm.s32 $0x200  }
0x53: {  	[tilespmem:s1], [sflag:$0x5] =	stream.indirect.gather [hbm4b:s2+s22], $0x40, s17, s22, $0xb8;
	[tilespmem:$0x1F280] =	vst v63  }
0x54: {  	_ =	swait.ge [sflag:s0], $0x1F40  }
0x55: {  	[sflag:s0] =	ssyncset.done $0x0  }
0x56: {  	s12 =	simm.s32 $0x5000;
	[sflag:s0] =	ssyncadd.s32 $0xFFFFE0C0  }
0x57: {  	[spmem:s3] =	stream.indirect.scatter.add.f32 [tilespmem:s23], [sflag:$0x6], $0x40, s12, s22, $0xb8;
	[tilespmem:$0x1F280] =	vst v63  }
0x58: {  	_ =	swait.ge [sflag:s24], $0x1F40  }
0x59: {  	[sflag:s24] =	ssyncset.done $0x0  }
0x5a: {  	s17 =	simm.s32 $0x280;
	[sflag:s24] =	ssyncadd.s32 $0xFFFFE0C0  }
0x5b: {  	[tilespmem:s23], [sflag:$0x1] =	stream.indirect.gather [hbm4b:s2+s22], $0x40, s17, s22, $0xb8;
	[tilespmem:$0x1F280] =	vst v63  }
0x5c: {  	_ =	swait.ge [sflag:s26], $0x1F40  }
0x5d: {  	[sflag:s26] =	ssyncset.done $0x0  }
0x5e: {  	s12 =	simm.s32 $0x5080;
	[sflag:s26] =	ssyncadd.s32 $0xFFFFE0C0  }
0x5f: {  	[spmem:s3] =	stream.indirect.scatter.add.f32 [tilespmem:s25], [sflag:$0x7], $0x40, s12, s22, $0xb8;
	[tilespmem:$0x1F280] =	vst v63  }
0x60: {  	_ =	swait.ge [sflag:s29], $0x1F40  }
0x61: {  	[sflag:s29] =	ssyncset.done $0x0  }
0x62: {  	s17 =	simm.s32 $0x300;
	[sflag:s29] =	ssyncadd.s32 $0xFFFFE0C0  }
0x63: {  	[tilespmem:s25], [sflag:$0x2] =	stream.indirect.gather [hbm4b:s2+s22], $0x40, s17, s22, $0xb8;
	[tilespmem:$0x1F280] =	vst v63  }
0x64: {  	_ =	swait.ge [sflag:s31], $0x1F40  }
0x65: {  	[sflag:s31] =	ssyncset.done $0x0  }
0x66: {  	s12 =	simm.s32 $0x5100;
	[sflag:s31] =	ssyncadd.s32 $0xFFFFE0C0  }
0x67: {  	[spmem:s3] =	stream.indirect.scatter.add.f32 [tilespmem:s28], [sflag:$0x8], $0x40, s12, s22, $0xb8;
	[tilespmem:$0x1F280] =	vst v63  }
0x68: {  	_ =	swait.ge [sflag:s4], $0x1F40  }
0x69: {  	[sflag:s4] =	ssyncset.done $0x0  }
0x6a: {  	s17 =	simm.s32 $0x380;
	[sflag:s4] =	ssyncadd.s32 $0xFFFFE0C0  }
0x6b: {  	[tilespmem:s28], [sflag:$0x3] =	stream.indirect.gather [hbm4b:s2+s22], $0x40, s17, s22, $0xb8;
	[tilespmem:$0x1F280] =	vst v63  }
0x6c: {  	_ =	swait.ge [sflag:s5], $0x1F40  }
0x6d: {  	[sflag:s5] =	ssyncset.done $0x0  }
0x6e: {  	s12 =	simm.s32 $0x5180;
	[sflag:s5] =	ssyncadd.s32 $0xFFFFE0C0  }
0x6f: {  	[spmem:s3] =	stream.indirect.scatter.add.f32 [tilespmem:s30], [sflag:$0x9], $0x40, s12, s22, $0xb8;
	[tilespmem:$0x1F280] =	vst v63  }
0x70: {  	_ =	swait.ge [sflag:s6], $0x1F40  }
0x71: {  	[sflag:s6] =	ssyncset.done $0x0  }
0x72: {  	s17 =	simm.s32 $0x400;
	[sflag:s6] =	ssyncadd.s32 $0xFFFFE0C0  }
0x73: {  	[tilespmem:s30], [sflag:$0x4] =	stream.indirect.gather [hbm4b:s2+s22], $0x40, s17, s22, $0xb8;
	[tilespmem:$0x1F280] =	vst v63  }
0x74: {  	_ =	swait.ge [sflag:s8], $0x1F40  }
0x75: {  	[sflag:s8] =	ssyncset.done $0x0  }
0x76: {  	s12 =	simm.s32 $0x5200;
	[sflag:s8] =	ssyncadd.s32 $0xFFFFE0C0  }
0x77: {  	[spmem:s3] =	stream.indirect.scatter.add.f32 [tilespmem:s1], [sflag:$0xA], $0x40, s12, s22, $0xb8;
	[tilespmem:$0x1F280] =	vst v63  }
0x78: {  	_ =	swait.ge [sflag:s9], $0x1F40  }
0x79: {  	[sflag:s9] =	ssyncset.done $0x0  }
0x7a: {  	s17 =	simm.s32 $0x480;
	[sflag:s9] =	ssyncadd.s32 $0xFFFFE0C0  }
0x7b: {  	[tilespmem:s1], [sflag:$0x5] =	stream.indirect.gather [hbm4b:s2+s22], $0x40, s17, s22, $0xb8;
	[tilespmem:$0x1F280] =	vst v63  }
0x7c: {  	_ =	swait.ge [sflag:s0], $0x1F40  }
0x7d: {  	[sflag:s0] =	ssyncset.done $0x0  }
0x7e: {  	s11 =	simm.s32 $0xA00;
	s12 =	simm.s32 $0x5280;
	[sflag:s0] =	ssyncadd.s32 $0xFFFFE0C0  }
.LBB2_4:
0x7f: {  	[spmem:s3] =	stream.indirect.scatter.add.f32 [tilespmem:s23], [sflag:$0x6], $0x40, s12, s22, $0xb8;
	[tilespmem:$0x1F280] =	vst v63  }
0x80: {  	s12 =	smov.u32 s11  }
0x81: {  	p1 =	sne.s32 s11, $0x12C00;
	s11 =	sadd.s32 $0xA00, s11;
	_ =	swait.ge [sflag:s24], $0x1F40  }
0x82: {  	s12 =	sshra.s32 s12, $0x2;
	[sflag:s24] =	ssyncset.done $0x0  }
0x83: {  	s17 =	sadd.s32 $0x280, s12;
	[sflag:s24] =	ssyncadd.s32 $0xFFFFE0C0  }
0x84: {  	[tilespmem:s23], [sflag:$0x1] =	stream.indirect.gather [hbm4b:s2+s22], $0x40, s17, s22, $0xb8;
	[tilespmem:$0x1F280] =	vst v63  }
0x85: {  	_ =	swait.ge [sflag:s26], $0x1F40  }
0x86: {  	[sflag:s26] =	ssyncset.done $0x0  }
0x87: {  	s17 =	sadd.s32 $0x5080, s12;
	[sflag:s26] =	ssyncadd.s32 $0xFFFFE0C0  }
0x88: {  	[spmem:s3] =	stream.indirect.scatter.add.f32 [tilespmem:s25], [sflag:$0x7], $0x40, s17, s22, $0xb8;
	[tilespmem:$0x1F280] =	vst v63  }
0x89: {  	_ =	swait.ge [sflag:s29], $0x1F40  }
0x8a: {  	[sflag:s29] =	ssyncset.done $0x0  }
0x8b: {  	s17 =	sadd.s32 $0x300, s12;
	[sflag:s29] =	ssyncadd.s32 $0xFFFFE0C0  }
0x8c: {  	[tilespmem:s25], [sflag:$0x2] =	stream.indirect.gather [hbm4b:s2+s22], $0x40, s17, s22, $0xb8;
	[tilespmem:$0x1F280] =	vst v63  }
0x8d: {  	_ =	swait.ge [sflag:s31], $0x1F40  }
0x8e: {  	[sflag:s31] =	ssyncset.done $0x0  }
0x8f: {  	s17 =	sadd.s32 $0x5100, s12;
	[sflag:s31] =	ssyncadd.s32 $0xFFFFE0C0  }
0x90: {  	[spmem:s3] =	stream.indirect.scatter.add.f32 [tilespmem:s28], [sflag:$0x8], $0x40, s17, s22, $0xb8;
	[tilespmem:$0x1F280] =	vst v63  }
0x91: {  	_ =	swait.ge [sflag:s4], $0x1F40  }
0x92: {  	[sflag:s4] =	ssyncset.done $0x0  }
0x93: {  	s17 =	sadd.s32 $0x380, s12;
	[sflag:s4] =	ssyncadd.s32 $0xFFFFE0C0  }
0x94: {  	[tilespmem:s28], [sflag:$0x3] =	stream.indirect.gather [hbm4b:s2+s22], $0x40, s17, s22, $0xb8;
	[tilespmem:$0x1F280] =	vst v63  }
0x95: {  	_ =	swait.ge [sflag:s5], $0x1F40  }
0x96: {  	[sflag:s5] =	ssyncset.done $0x0  }
0x97: {  	s17 =	sadd.s32 $0x5180, s12;
	[sflag:s5] =	ssyncadd.s32 $0xFFFFE0C0  }
0x98: {  	[spmem:s3] =	stream.indirect.scatter.add.f32 [tilespmem:s30], [sflag:$0x9], $0x40, s17, s22, $0xb8;
	[tilespmem:$0x1F280] =	vst v63  }
0x99: {  	_ =	swait.ge [sflag:s6], $0x1F40  }
0x9a: {  	[sflag:s6] =	ssyncset.done $0x0  }
0x9b: {  	s17 =	sadd.s32 $0x400, s12;
	[sflag:s6] =	ssyncadd.s32 $0xFFFFE0C0  }
0x9c: {  	[tilespmem:s30], [sflag:$0x4] =	stream.indirect.gather [hbm4b:s2+s22], $0x40, s17, s22, $0xb8;
	[tilespmem:$0x1F280] =	vst v63  }
0x9d: {  	_ =	swait.ge [sflag:s8], $0x1F40  }
0x9e: {  	[sflag:s8] =	ssyncset.done $0x0  }
0x9f: {  	s17 =	sadd.s32 $0x5200, s12;
	[sflag:s8] =	ssyncadd.s32 $0xFFFFE0C0  }
0xa0: {  	[spmem:s3] =	stream.indirect.scatter.add.f32 [tilespmem:s1], [sflag:$0xA], $0x40, s17, s22, $0xb8;
	[tilespmem:$0x1F280] =	vst v63  }
0xa1: {  	_ =	swait.ge [sflag:s9], $0x1F40  }
0xa2: {  	[sflag:s9] =	ssyncset.done $0x0  }
.Ltmp1:
0xa3: {  	s17 =	sadd.s32 $0x480, s12;
	[sflag:s9] =	ssyncadd.s32 $0xFFFFE0C0;
	(pc) =	sbr.rel @p1 .LBB2_4-.Ltmp1, $4  }
0xa4: {  	[tilespmem:s1], [sflag:$0x5] =	stream.indirect.gather [hbm4b:s2+s22], $0x40, s17, s22, $0xb8;
	[tilespmem:$0x1F280] =	vst v63  }
0xa5: {  	_ =	swait.ge [sflag:s0], $0x1F40  }
0xa6: {  	[sflag:s0] =	ssyncset.done $0x0  }
0xa7: {  	s12 =	sadd.s32 $0x5280, s12;
	[sflag:s0] =	ssyncadd.s32 $0xFFFFE0C0  }
0xa8: {  	[spmem:s3] =	stream.indirect.scatter.add.f32 [tilespmem:s23], [sflag:$0x6], $0x40, s12, s22, $0xb8;
	[tilespmem:$0x1F280] =	vst v63  }
0xa9: {  	_ =	swait.ge [sflag:s26], $0x1F40  }
0xaa: {  	[sflag:s26] =	ssyncset.done $0x0  }
0xab: {  	s11 =	simm.s32 $0x9E00;
	[sflag:s26] =	ssyncadd.s32 $0xFFFFE0C0  }
0xac: {  	[spmem:s3] =	stream.indirect.scatter.add.f32 [tilespmem:s25], [sflag:$0x7], $0x40, s11, s22, $0xb8;
	[tilespmem:$0x1F280] =	vst v63  }
0xad: {  	_ =	swait.ge [sflag:s31], $0x1F40  }
0xae: {  	[sflag:s31] =	ssyncset.done $0x0  }
0xaf: {  	s17 =	simm.s32 $0x9E80;
	[sflag:s31] =	ssyncadd.s32 $0xFFFFE0C0  }
0xb0: {  	[spmem:s3] =	stream.indirect.scatter.add.f32 [tilespmem:s28], [sflag:$0x8], $0x40, s17, s22, $0xb8;
	[tilespmem:$0x1F280] =	vst v63  }
0xb1: {  	_ =	swait.ge [sflag:s5], $0x1F40  }
0xb2: {  	[sflag:s5] =	ssyncset.done $0x0  }
0xb3: {  	s12 =	simm.s32 $0x9F00;
	[sflag:s5] =	ssyncadd.s32 $0xFFFFE0C0  }
0xb4: {  	[spmem:s3] =	stream.indirect.scatter.add.f32 [tilespmem:s30], [sflag:$0x9], $0x40, s12, s22, $0xb8;
	[tilespmem:$0x1F280] =	vst v63  }
0xb5: {  	_ =	swait.ge [sflag:s8], $0x1F40  }
0xb6: {  	[sflag:s8] =	ssyncset.done $0x0  }
0xb7: {  	s17 =	simm.s32 $0x9F80;
	[sflag:s8] =	ssyncadd.s32 $0xFFFFE0C0  }
0xb8: {  	[spmem:s3] =	stream.indirect.scatter.add.f32 [tilespmem:s1], [sflag:$0xA], $0x40, s17, s22, $0xb8;
	[tilespmem:$0x1F280] =	vst v63  }
0xb9: {  	_ =	swait.ge [sflag:s24], $0x1F40  }
0xba: {  	[sflag:s24] =	ssyncset.done $0x0  }
0xbb: {  	[sflag:s24] =	ssyncadd.s32 $0xFFFFE0C0  }
0xbc: {  	_ =	swait.ge [sflag:s29], $0x1F40  }
0xbd: {  	[sflag:s29] =	ssyncset.done $0x0  }
0xbe: {  	[sflag:s29] =	ssyncadd.s32 $0xFFFFE0C0  }
0xbf: {  	_ =	swait.ge [sflag:s4], $0x1F40  }
0xc0: {  	[sflag:s4] =	ssyncset.done $0x0  }
0xc1: {  	[sflag:s4] =	ssyncadd.s32 $0xFFFFE0C0  }
0xc2: {  	_ =	swait.ge [sflag:s6], $0x1F40  }
0xc3: {  	[sflag:s6] =	ssyncset.done $0x0  }
0xc4: {  	[sflag:s6] =	ssyncadd.s32 $0xFFFFE0C0  }
0xc5: {  	_ =	swait.ge [sflag:s9], $0x1F40  }
0xc6: {  	s12 =	stileid.u32;
	[sflag:s9] =	ssyncset.done $0x0  }
0xc7: {  	s11 =	sshll.u32 s12, $0x6;
	[sflag:s9] =	ssyncadd.s32 $0xFFFFE0C0  }
0xc8: {  	s11 =	sor.u32 $0x1C0D, s11;
	s17 =	sshrl.u32 s7, $0x3;
	[bflag:$0x0] =	sbarrier.arrive $0xFFFF  }
0xc9: {  	[hbm:s14], [sflag:s11] =	dma.local [spmem:s17], $0x1380  }
0xca: {  	_ =	swait.ge [sflag:s19], $0x1380  }
0xcb: {  	s10 =	sadd.s32 $0x1, s10;
	[sflag:s19] =	ssyncset.done $0x0  }
0xcc: {  	p1 =	sne.s32 s10, s16;
	s12 =	sshrl.u32 @!p0 s13, $0x3;
	[sflag:s19] =	ssyncadd.s32 $0xFFFFEC80  }
0xcd: {  	[hbm:s15], [sflag:s11] =	dma.local @!p0 [spmem:s12], $0x80  }
.Ltmp2:
0xce: {  	_ = 	snop;
	(pc) =	sbr.rel @p1 .LBB2_1-.Ltmp2, $4  }
0xcf: {  	s11 =	simm.s32 @!p0 $0xD  }
0xd0: {  	_ =	swait.ge @!p0 [sflag:s11], $0x80  }
0xd1: {  	[sflag:s11] =	ssyncset.done @!p0 $0x0  }
0xd2: {  	[sflag:s11] =	ssyncadd.s32 @!p0 $0xFFFFFF80  }
0xd3: {  	_ =	sfence.sel $0x180000  }
0xd4: {  	[bflag:$0x0] =	sbarrier.arrive $0xFFFF  }
0xd5: {  	_ =	strace $0x9000004A  }
0xd6: {  	s0 =	stileid.u32;
	[bflag:$0x2] =	sbarrier.arrive $0xFFFF  }
0xd7: {  	p0 =	sne.s32 s0, $0x0;
	s0 =	rddreg [dreg:$0x3]  }
0xd8: {  	s0 =	sadd.s32 @!p0 $0x100000, s0  }
0xd9: {  	[sflag:s0] =	ssyncadd.tile.s32 @!p0 $0x1;
	_ =	shalt  }
.Lfunc_end2:
_tile_overlayer_lowered:
.L_overlay_start_2:
0xda: {  	(tag) =	ssettag $0x2  }
0xdb: {  	s0 =	rddreg [dreg:$0x0];
	s2 =	stileid.u32  }
0xdc: {  	s1 =	rddreg [dreg:$0x1];
	p0 =	sne.s32 s2, $0x0  }
0xdd: {  	s3 =	rddreg [dreg:$0x2];
	[bflag:$0x3] =	sbarrier.arrive $0xFFFF;
	s2 =	simm.s32 @!p0 $0x1C0D  }
0xde: {  	[timem:s3], [sflag:s2] =	dma.local @!p0 [hbm:s0], s1  }
0xdf: {  	s0 =	simm.s32 @!p0 $0xD  }
0xe0: {  	_ =	swait.ge @!p0 [sflag:s0], s1  }
0xe1: {  	s1 =	ssub.s32 @!p0 $0x0, s1;
	[sflag:s0] =	ssyncset.done @!p0 $0x0  }
0xe2: {  	[sflag:s0] =	ssyncadd.s32 @!p0 s1  }
0xe3: {  	[bflag:$0x3] =	sbarrier.arrive $0xFFFF  }
0xe4: {  	_ =	shalt  }

// kernel: kernel.14.cloned.1.call-start
scs
__scs_entry_jumppad:
0x0: {  	(pc) =	sbr.rel $0x88, $3  }
0x1: {  	(tag) =	ssettag $0x0;
	lr =	simm.s32 $0x1  }
0x2: {  	[smem:$0x3F98] =	sst lr;
	_ =	strace $0xD0000000  }
0x3: {  	_ = 	snop  }
0x4: {  	_ = 	snop  }
0x5: {  	_ = 	snop  }
0x6: {  	_ = 	snop  }
0x7: {  	_ = 	snop  }
__scs_overlays_trampoline_lowered:
0x8: {  	[smem:$0x3FA7] =	sst s0  }
0x9: {  	[smem:$0x3FA8] =	sst s1  }
0xa: {  	[smem:$0x3FA9] =	sst s2  }
0xb: {  	[smem:$0x3FAA] =	sst s3  }
0xc: {  	[smem:$0x3FAB] =	sst s4  }
0xd: {  	[smem:$0x3FAC] =	sst s5  }
0xe: {  	[smem:$0x3FAD] =	sst s6  }
0xf: {  	[smem:$0x3FAE] =	sst s7  }
0x10: {  	[smem:$0x3FAF] =	sst s8  }
0x11: {  	[smem:$0x3FB0] =	sst s9;
	s0 =	simm.s32 @!p0 $0x0  }
0x12: {  	s1 =	sld [smem:$0x3F96];
	s0 =	simm.s32 @p0 $0x1  }
0x13: {  	[smem:$0x3FB1] =	sst s0;
	s0 =	simm.s32 @!p1 $0x0  }
0x14: {  	s2 =	sld [smem:$0x3F95];
	s0 =	simm.s32 @p1 $0x1  }
0x15: {  	[smem:$0x3FB2] =	sst s0;
	s0 =	simm.s32 @!p2 $0x0  }
0x16: {  	s3 =	sld [smem:$0x3FDB];
	s0 =	simm.s32 @p2 $0x1  }
0x17: {  	s4 =	simm.s32 $0x1BF5;
	[smem:$0x3FB4] =	sst s0  }
0x18: {  	s0 =	sld [smem:$0x3F97];
	_ =	swait.ge [sflag:s4], $0x0  }
0x19: {  	s7 =	sld [smem:$0x3F98]  }
0x1a: {  	s8 =	sadd.s32 $0xFFFFE003, lr  }
0x1b: {  	s9 =	sadd.s32 $0xFFFFFEF7, lr;
	s5 =	simm.s32 $0xFFFFFFFF;
	p2 =	slt.u32 s8, $0xFFFFF086  }
0x1c: {  	p1 =	slt.u32 s9, $0xF7A;
	s5 =	simm.s32 @!p2 $0x0  }
0x1d: {  	s5 =	simm.s32 @p1 $0x1;
	p0 =	seq.s32 s7, s2  }
0x1e: {  	s7 =	smul.u32 @!p0 $0xF7A, s2;
	p2 =	seq.s32 @!p0 s5, $0x0  }
0x1f: {  	s9 =	smul.u32 $0xF7A, s1;
	s8 =	simm.s32 @!p0 $0x1BF5;
	p2 =	por !p2, p0  }
0x20: {  	[sflag:s8] =	ssyncset.s32 @!p0 $0xFFFFF086;
	s6 =	sadd.s32 @!p0 s3, s7;
	s7 =	simm.s32 @!p0 $0x108  }
0x21: {  	s3 =	sadd.s32 s3, s9;
	s6 =	sadd.s32 @!p0 $0x88, s6;
	s7 =	simm.s32 @p2 $0x1082  }
0x22: {  	[simem:s7], [sflag:s8] =	dma.local @!p0 [hbm:s6], $0xF7A  }
0x23: {  	s9 =	sor.u32 $0xD0000000, s2;
	s6 =	simm.s32 $0x108;
	_ =	swait.ge @!p0 [sflag:s8], $0x0  }
0x24: {  	s3 =	sadd.s32 $0x88, s3;
	s6 =	simm.s32 @!p1 $0x1082;
	[sflag:s4] =	ssyncset.s32 $0xFFFFF086  }
0x25: {  	[simem:s6], [sflag:s4] =	dma.local [hbm:s3], $0xF7A  }
0x26: {  	[smem:$0x3F98] =	sst s1;
	(tag) =	ssettag s2;
	_ =	strace s9  }
0x27: {  	s1 =	sld [smem:$0x3FA8]  }
0x28: {  	s2 =	sld [smem:$0x3FA9]  }
0x29: {  	s4 =	sld [smem:$0x3FAB]  }
0x2a: {  	p0 =	seq.s32 s5, $0x0;
	s5 =	sld [smem:$0x3FAC]  }
0x2b: {  	s6 =	sld [smem:$0x3FAD]  }
0x2c: {  	s7 =	sld [smem:$0x3FAE]  }
0x2d: {  	s3 =	simm.s32 $0x108;
	s8 =	sld [smem:$0x3FAF]  }
0x2e: {  	s3 =	simm.s32 @!p0 $0x1082;
	s9 =	sld [smem:$0x3FB0]  }
0x2f: {  	lr =	sadd.s32 s0, s3;
	s0 =	sld [smem:$0x3FA7]  }
0x30: {  	s3 =	sld [smem:$0x3FAA]  }
0x31: {  	[smem:$0x3FB3] =	sst s10  }
0x32: {  	s10 =	sld [smem:$0x3FB1];
	_ =	sdelay $0x3  }
0x33: {  	p0 =	seq.s32 s10, $0x1;
	s10 =	sld [smem:$0x3FB3];
	_ =	sdelay $0x3  }
0x34: {  	[smem:$0x3FB3] =	sst s10  }
0x35: {  	s10 =	sld [smem:$0x3FB2];
	_ =	sdelay $0x3  }
0x36: {  	p1 =	seq.s32 s10, $0x1;
	s10 =	sld [smem:$0x3FB3];
	_ =	sdelay $0x3  }
0x37: {  	[smem:$0x3FB3] =	sst s10  }
0x38: {  	s10 =	sld [smem:$0x3FB4]  }
0x39: {  	_ = 	snop;
	(pc) =	sbr.ind lr, $3  }
0x3a: {  	_ = 	snop  }
0x3b: {  	_ = 	snop  }
0x3c: {  	p2 =	seq.s32 s10, $0x1;
	s10 =	sld [smem:$0x3FB3]  }
0x3d: {  	_ =	shalt  }
0x3e: {  	_ =	shalt  }
0x3f: {  	_ =	shalt  }
0x40: {  	_ =	shalt  }
0x41: {  	_ =	shalt  }
0x42: {  	_ =	shalt  }
0x43: {  	_ =	shalt  }
0x44: {  	_ =	shalt  }
0x45: {  	_ =	shalt  }
0x46: {  	_ =	shalt  }
0x47: {  	_ =	shalt  }
0x48: {  	_ =	shalt  }
0x49: {  	_ =	shalt  }
0x4a: {  	_ =	shalt  }
0x4b: {  	_ =	shalt  }
0x4c: {  	_ =	shalt  }
0x4d: {  	_ =	shalt  }
0x4e: {  	_ =	shalt  }
0x4f: {  	_ =	shalt  }
0x50: {  	_ =	shalt  }
0x51: {  	_ =	shalt  }
0x52: {  	_ =	shalt  }
0x53: {  	_ =	shalt  }
0x54: {  	_ =	shalt  }
0x55: {  	_ =	shalt  }
0x56: {  	_ =	shalt  }
0x57: {  	_ =	shalt  }
0x58: {  	_ =	shalt  }
0x59: {  	_ =	shalt  }
0x5a: {  	_ =	shalt  }
0x5b: {  	_ =	shalt  }
0x5c: {  	_ =	shalt  }
0x5d: {  	_ =	shalt  }
0x5e: {  	_ =	shalt  }
0x5f: {  	_ =	shalt  }
0x60: {  	_ =	shalt  }
0x61: {  	_ =	shalt  }
0x62: {  	_ =	shalt  }
0x63: {  	_ =	shalt  }
0x64: {  	_ =	shalt  }
0x65: {  	_ =	shalt  }
0x66: {  	_ =	shalt  }
0x67: {  	_ =	shalt  }
0x68: {  	_ =	shalt  }
0x69: {  	_ =	shalt  }
0x6a: {  	_ =	shalt  }
0x6b: {  	_ =	shalt  }
0x6c: {  	_ =	shalt  }
0x6d: {  	_ =	shalt  }
0x6e: {  	_ =	shalt  }
0x6f: {  	_ =	shalt  }
0x70: {  	_ =	shalt  }
0x71: {  	_ =	shalt  }
0x72: {  	_ =	shalt  }
0x73: {  	_ =	shalt  }
0x74: {  	_ =	shalt  }
0x75: {  	_ =	shalt  }
0x76: {  	_ =	shalt  }
0x77: {  	_ =	shalt  }
0x78: {  	_ =	shalt  }
0x79: {  	_ =	shalt  }
0x7a: {  	_ =	shalt  }
0x7b: {  	_ =	shalt  }
0x7c: {  	_ =	shalt  }
0x7d: {  	_ =	shalt  }
0x7e: {  	_ =	shalt  }
0x7f: {  	_ =	shalt  }
0x80: {  	_ =	shalt  }
0x81: {  	_ =	shalt  }
0x82: {  	_ =	shalt  }
0x83: {  	_ =	shalt  }
0x84: {  	_ =	shalt  }
0x85: {  	_ =	shalt  }
0x86: {  	_ =	shalt  }
0x87: {  	_ =	shalt  }
.Lfunc_end0:
.L_simem_size_0:
called_computation.2_lowered:
.L_overlay_start_0:
0x88: {  	s2 =	sld [smem:$0x3FD9]  }
0x89: {  	s3 =	sld [smem:$0x3FFE];
	_ =	sdelay $0x1  }
0x8a: {  	s1 =	srdreg.scid  }
0x8b: {  	s0 =	sand.u32 $0x1, s1  }
0x8c: {  	s17 =	sshll.u32 s0, $0xA;
	s2 =	sadd.s32 s3, s2  }
0x8d: {  	s2 =	sadd.s32 s2, s17  }
0x8e: {  	[smem:$0x3FBF] =	sst s2  }
0x8f: {  	_ = 	snop  }
0x90: {  	s2 =	sld [smem:$0x3FD0];
	(tm) =	ssettm $0x1  }
0x91: {  	s18 =	sld [smem:$0x3FFB];
	_ =	sdelay $0x3  }
0x92: {  	_ =	strace s18  }
0x93: {  	s3 =	sld [smem:$0x3FFC];
	_ =	sdelay $0x3  }
0x94: {  	_ =	strace s3  }
0x95: {  	s3 =	sld [smem:$0x3FFD];
	_ =	sdelay $0x3  }
0x96: {  	_ =	strace s3  }
0x97: {  	_ =	strace $0x8FFFFFFF  }
0x98: {  	s19 =	sld [smem:$0x3FDB];
	_ =	sdelay $0x1  }
0x99: {  	s4 =	simm.s32 $_scs_section_size  }
0x9a: {  	s5 =	simm.s32 $_size__tile_overlayer_lowered;
	s6 =	simm.s32 $_tile_overlayer_lowered  }
0x9b: {  	s22 =	simm.s32 $0x1BFF;
	s21 =	sshll.u32 s6, $0x1;
	s3 =	sadd.s32 s4, s19  }
0x9c: {  	s7 =	simm.s32 $0x0;
	s20 =	sshll.u32 s5, $0x1;
	s5 =	sadd.s32 s21, s3  }
0x9d: {  	[timem:s7], [sflag:s22] =	dma.local [hbm:s5], s20  }
0x9e: {  	_ =	swait.ge [sflag:s22], s20  }
0x9f: {  	s4 =	ssub.s32 $0x0, s20;
	[sflag:s22] =	ssyncset.done $0x0  }
0xa0: {  	[sflag:s22] =	ssyncadd.s32 s4;
	_ =	sdelay $0x1  }
0xa1: {  	s23 =	simm.s32 $0x1B8B  }
0xa2: {  	_ =	swait.ge [sflag:s23], $0x1  }
0xa3: {  	[sflag:s23] =	ssyncset.done $0x0  }
0xa4: {  	s25 =	simm.s32 $0x1B8E;
	s24 =	sld [smem:$0x3FFE];
	[sflag:s23] =	ssyncadd.s32 $0xFFFFFFFF  }
0xa5: {  	s26 =	simm.s32 $execute0_lowered;
	[smem:$0x3FD2] =	sst s25  }
0xa6: {  	s5 =	sshll.u32 s26, $0x1;
	_ =	strace $0x8000004C;
	[dreg:$0x1] =	wrdreg $0xFFFFFFFF  }
0xa7: {  	s28 =	simm.s32 $_size_execute0_lowered;
	s3 =	sadd.s32 s3, s5;
	[dreg:$0x0] =	wrdreg $0x0  }
0xa8: {  	s5 =	sshll.u32 s28, $0x1;
	[dreg:$0x2] =	wrdreg s3  }
0xa9: {  	[dreg:$0x3] =	wrdreg s5  }
0xaa: {  	[dreg:$0x4] =	wrdreg $0xC0  }
0xab: {  	_ =	task [dreg:s7], $0x5FFFF  }
0xac: {  	[dreg:$0x1] =	wrdreg $0xFFFFFFFF  }
0xad: {  	[dreg:$0x0] =	wrdreg $0x60  }
0xae: {  	[dreg:$0x2] =	wrdreg s2  }
0xaf: {  	[dreg:$0x3] =	wrdreg s24  }
0xb0: {  	[dreg:$0x4] =	wrdreg $0x156400  }
0xb1: {  	[dreg:$0x5] =	wrdreg $0x9  }
0xb2: {  	_ =	task.clear_ibuf [dreg:s7], $0x6FFFF;
	_ =	strace $0x9000004C  }
0xb3: {  	s29 =	simm.s32 $0x9;
	_ =	strace $0x8000004E  }
0xb4: {  	_ =	swait.ge [sflag:s29], $0x1  }
0xb5: {  	[sflag:s29] =	ssyncadd.s32 $0xFFFFFFFF  }
0xb6: {  	_ =	strace $0x9000004E  }
0xb7: {  	_ =	sfence  }
0xb8: {  	s30 =	sld [smem:$0x0];
	_ =	sdelay $0x2  }
0xb9: {  	s31 =	sshll.u32 s1, $0xD;
	s1 =	sshrl.u32 s1, $0x2  }
0xba: {  	s3 =	sand.u32 $0x4000, s31;
	s1 =	sadd.s32 s1, s30  }
0xbb: {  	s0 =	sor.u32 s3, s0;
	s1 =	sshll.u32 s1, $0x11  }
0xbc: {  	s0 =	sor.u32 s1, s0  }
0xbd: {  	s0 =	sadd.s32 $0x8F2B, s0  }
0xbe: {  	[sflag:s0] =	ssyncadd.remote.s32 $0x1  }
0xbf: {  	_ =	sfence.sel $0xFFFF  }
0xc0: {  	[dreg:$0x0] =	wrdreg $0xFFFFFFFF;
	(pc) =	sbr.abs _section_cstart, $3  }
0xc1: {  	[dreg:$0x1] =	wrdreg $0xFFFFFFFF  }
0xc2: {  	_ =	task.clear_ibuf [dreg:s7], $0x2FFFF;
	_ =	strace $0x9FFFFFFF  }
0xc3: {  	(tm) =	ssettm $0x7FFFFFFF  }
tec
execute0_lowered:
.L_overlay_start_1:
0x0: {  	(tag) =	ssettag $0x1  }
0x1: {  	s0 =	srdreg.scid;
	s2 =	rddreg [dreg:$0x0]  }
0x2: {  	s9 =	stileid.u32;
	s4 =	rddreg [dreg:$0x1]  }
0x3: {  	s3 =	rddreg [dreg:$0x2];
	s6 =	simm.s32 $0x0;
	s28 =	simm.s32 $0xDE80  }
0x4: {  	s30 =	simm.s32 $0xFDC0;
	s29 =	simm.s32 $0x7;
	s1 =	smul.u32 $0x5000, s9  }
0x5: {  	s31 =	simm.s32 $0x3;
	s10 =	simm.s32 $0x0;
	s8 =	smul.u32 $0x27000, s9  }
0x6: {  	s0 =	sand.u32 $0x1, s0;
	[smem:$0x7FF] =	sst s6;
	s19 =	smul.u32 $0x9C00, s9  }
0x7: {  	s13 =	sadd.s32 $0x9C000, s3;
	p0 =	sne.s32 s9, $0xF;
	s9 =	simm.s32 $0xA  }
0x8: {  	s5 =	smul.u32 $0x50000, s0;
	_ =	strace $0x8000004D;
	s18 =	ssub.s32 $0x2, s0  }
0x9: {  	s0 =	smul.u32 $0x9C400, s0;
	s7 =	sshrl.u32 s18, $0x1;
	s20 =	sshrl.u32 s8, $0x2  }
0xa: {  	s8 =	simm.s32 $0x5;
	s5 =	sadd.s32 s1, s5;
	s1 =	sshrl.u32 s1, $0x3  }
0xb: {  	s6 =	ssub.s32 s18, s7;
	s21 =	sadd.s32 s20, s3;
	s7 =	sadd.s32 s19, s3  }
0xc: {  	s18 =	simm.s32 $0x13C40;
	s20 =	simm.s32 $0xB;
	s5 =	sshrl.u32 s5, $0x3  }
0xd: {  	s1 =	sadd.s32 s1, s4;
	s22 =	sadd.s32 $0x1A00, s21;
	s23 =	sadd.s32 $0x3400, s21  }
0xe: {  	s24 =	sadd.s32 $0x4E00, s21;
	s25 =	sadd.s32 $0x6800, s21;
	[dreg:$0x6] =	wrdreg s22  }
0xf: {  	s16 =	smax.u32 s6, $0x1;
	s6 =	simm.s32 $0x9;
	[dreg:$0x7] =	wrdreg s23  }
0x10: {  	s5 =	sadd.s32 s5, s4;
	s4 =	sadd.s32 $0x1F800, s4;
	[dreg:$0x8] =	wrdreg s24  }
0x11: {  	s1 =	sadd.s32 $0x1800, s1;
	[dreg:$0x9] =	wrdreg s25;
	s22 =	simm.s32 $0x7D  }
0x12: {  	s23 =	simm.s32 $0xA000;
	s25 =	simm.s32 $0xBF40;
	s24 =	simm.s32 $0x6  }
0x13: {  	s5 =	sadd.s32 $0xB800, s5;
	[dreg:$0x5] =	wrdreg s1;
	s1 =	sadd.s32 $0x8200, s21  }
0x14: {  	s21 =	simm.s32 $0xC;
	[dreg:$0x4] =	wrdreg s5;
	s5 =	sadd.s32 s19, s0  }
0x15: {  	[dreg:$0xa] =	wrdreg s1;
	s0 =	sshrl.u32 s0, $0x3;
	s19 =	simm.s32 $0xD  }
0x16: {  	s1 =	simm.s32 $0x11D00;
	s26 =	sshrl.u32 s5, $0x3;
	s0 =	sadd.s32 s4, s0  }
0x17: {  	s5 =	simm.s32 $0x4;
	s14 =	sadd.s32 s4, s26;
	s15 =	sadd.s32 $0x13800, s0  }
0x18: {  	v0 =	vimm.f32 $0.0e+00;
	s0 =	simm.s32 $0x1;
	s26 =	simm.s32 $0x2;
	s4 =	simm.s32 $0x8  }
.LBB2_1:
0x19: {  	s11 =	simm.s32 $0x0;
	s12 =	rddreg [dreg:$0x4]  }
0x1a: {  	[tilespmem:s11], [sflag:$0xB] =	stream.linear.gather [hbm4b:s12+s11], $0x5000, $0x38;
	[tilespmem:$0x1F280] =	vst v63  }
0x1b: {  	s17 =	simm.s32 $0x5000;
	s12 =	rddreg [dreg:$0x5]  }
0x1c: {  	[tilespmem:s17], [sflag:$0xC] =	stream.linear.gather [hbm4b:s12+s11], $0x5000, $0x38;
	[tilespmem:$0x1F280] =	vst v63  }
0x1d: {  	s12 =	simm.s32 $0x100;
	s11 =	simm.s32 $0x0  }
.LBB2_2:
0x1e: {  	p1 =	sne.s32 s12, $0x6700;
	[tilespmem:s11+$0x13C70] =	vst v0;
	s17 =	smov.u32 s12;
	s12 =	sadd.s32 $0x100, s12  }
.Ltmp0:
0x1f: {  	[tilespmem:s11+$0x13C60] =	vst v0;
	(pc) =	sbr.rel @p1 .LBB2_2-.Ltmp0, $3  }
0x20: {  	[tilespmem:s11+$0x13C40] =	vst v0  }
0x21: {  	[tilespmem:s11+$0x13C50] =	vst v0;
	_ =	sdelay $0x1  }
0x22: {  	s11 =	sshra.s32 s17, $0x2  }
0x23: {  	[tilespmem:s11+$0x13C70] =	vst v0  }
0x24: {  	[tilespmem:s11+$0x13C60] =	vst v0  }
0x25: {  	[tilespmem:s11+$0x13C40] =	vst v0  }
0x26: {  	[tilespmem:s11+$0x13C50] =	vst v0  }
0x27: {  	[spmem:s7] =	stream.linear.scatter [tilespmem:s18], [sflag:$0xD], $0x1A00, $0x38;
	[tilespmem:$0x1F280] =	vst v63  }
0x28: {  	_ =	swait.ge [sflag:s19], $0x1A00  }
0x29: {  	[sflag:s19] =	ssyncset.done $0x0  }
0x2a: {  	s12 =	rddreg [dreg:$0x6];
	[sflag:s19] =	ssyncadd.s32 $0xFFFFE600  }
0x2b: {  	[spmem:s12] =	stream.linear.scatter [tilespmem:s18], [sflag:$0xD], $0x1A00, $0x38;
	[tilespmem:$0x1F280] =	vst v63  }
0x2c: {  	_ =	swait.ge [sflag:s19], $0x1A00  }
0x2d: {  	[sflag:s19] =	ssyncset.done $0x0  }
0x2e: {  	s17 =	rddreg [dreg:$0x7];
	[sflag:s19] =	ssyncadd.s32 $0xFFFFE600  }
0x2f: {  	[spmem:s17] =	stream.linear.scatter [tilespmem:s18], [sflag:$0xD], $0x1A00, $0x38;
	[tilespmem:$0x1F280] =	vst v63  }
0x30: {  	_ =	swait.ge [sflag:s19], $0x1A00  }
0x31: {  	[sflag:s19] =	ssyncset.done $0x0  }
0x32: {  	s12 =	rddreg [dreg:$0x8];
	[sflag:s19] =	ssyncadd.s32 $0xFFFFE600  }
0x33: {  	[spmem:s12] =	stream.linear.scatter [tilespmem:s18], [sflag:$0xD], $0x1A00, $0x38;
	[tilespmem:$0x1F280] =	vst v63  }
0x34: {  	_ =	swait.ge [sflag:s19], $0x1A00  }
0x35: {  	[sflag:s19] =	ssyncset.done $0x0  }
0x36: {  	s17 =	rddreg [dreg:$0x9];
	[sflag:s19] =	ssyncadd.s32 $0xFFFFE600  }
0x37: {  	[spmem:s17] =	stream.linear.scatter [tilespmem:s18], [sflag:$0xD], $0x1A00, $0x38;
	[tilespmem:$0x1F280] =	vst v63  }
0x38: {  	_ =	swait.ge [sflag:s19], $0x1A00  }
0x39: {  	[sflag:s19] =	ssyncset.done $0x0  }
0x3a: {  	s12 =	rddreg [dreg:$0xa];
	[sflag:s19] =	ssyncadd.s32 $0xFFFFE600  }
0x3b: {  	[spmem:s12] =	stream.linear.scatter [tilespmem:s18], [sflag:$0xD], $0x1A00, $0x38;
	[tilespmem:$0x1F280] =	vst v63  }
0x3c: {  	_ =	swait.ge [sflag:s19], $0x1A00  }
0x3d: {  	[sflag:s19] =	ssyncset.done $0x0  }
0x3e: {  	s11 =	simm.s32 @!p0 $0x13C40;
	[sflag:s19] =	ssyncadd.s32 $0xFFFFE600  }
0x3f: {  	[spmem:s13] =	stream.linear.scatter @!p0 [tilespmem:s11], [sflag:$0xD], $0x400, $0x38;
	[tilespmem:$0x1F280] =	vst v63  }
0x40: {  	s11 =	simm.s32 @!p0 $0xD  }
0x41: {  	_ =	swait.ge @!p0 [sflag:s11], $0x400  }
0x42: {  	[sflag:s11] =	ssyncset.done @!p0 $0x0  }
0x43: {  	[sflag:s11] =	ssyncadd.s32 @!p0 $0xFFFFFC00  }
0x44: {  	_ =	swait.ge [sflag:s20], $0x5000  }
0x45: {  	[sflag:s20] =	ssyncset.done $0x0  }
0x46: {  	[sflag:s20] =	ssyncadd.s32 $0xFFFFB000  }
0x47: {  	_ =	swait.ge [sflag:s21], $0x5000  }
0x48: {  	[sflag:s21] =	ssyncset.done $0x0  }
0x49: {  	[sflag:s21] =	ssyncadd.s32 $0xFFFFB000  }
0x4a: {  	s17 =	simm.s32 $0x0;
	[bflag:$0x0] =	sbarrier.arrive $0xFFFF  }
0x4b: {  	[tilespmem:s23], [sflag:$0x1] =	stream.indirect.gather [hbm4b:s2+s22], $0x40, s17, s22, $0xb8;
	[tilespmem:$0x1F280] =	vst v63  }
0x4c: {  	s12 =	simm.s32 $0x80  }
0x4d: {  	[tilespmem:s25], [sflag:$0x2] =	stream.indirect.gather [hbm4b:s2+s22], $0x40, s12, s22, $0xb8;
	[tilespmem:$0x1F280] =	vst v63  }
0x4e: {  	s17 =	simm.s32 $0x100  }
0x4f: {  	[tilespmem:s28], [sflag:$0x3] =	stream.indirect.gather [hbm4b:s2+s22], $0x40, s17, s22, $0xb8;
	[tilespmem:$0x1F280] =	vst v63  }
0x50: {  	s12 =	simm.s32 $0x180  }
0x51: {  	[tilespmem:s30], [sflag:$0x4] =	stream.indirect.gather [hbm4b:s2+s22], $0x40, s12, s22, $0xb8;
	[tilespmem:$0x1F280] =	vst v63  }
0x52: {  	s17 =	simm.s32 $0x200  }
0x53: {  	[tilespmem:s1], [sflag:$0x5] =	stream.indirect.gather [hbm4b:s2+s22], $0x40, s17, s22, $0xb8;
	[tilespmem:$0x1F280] =	vst v63  }
0x54: {  	_ =	swait.ge [sflag:s0], $0x1F40  }
0x55: {  	[sflag:s0] =	ssyncset.done $0x0  }
0x56: {  	s12 =	simm.s32 $0x5000;
	[sflag:s0] =	ssyncadd.s32 $0xFFFFE0C0  }
0x57: {  	[spmem:s3] =	stream.indirect.scatter.add.f32 [tilespmem:s23], [sflag:$0x6], $0x40, s12, s22, $0xb8;
	[tilespmem:$0x1F280] =	vst v63  }
0x58: {  	_ =	swait.ge [sflag:s24], $0x1F40  }
0x59: {  	[sflag:s24] =	ssyncset.done $0x0  }
0x5a: {  	s17 =	simm.s32 $0x280;
	[sflag:s24] =	ssyncadd.s32 $0xFFFFE0C0  }
0x5b: {  	[tilespmem:s23], [sflag:$0x1] =	stream.indirect.gather [hbm4b:s2+s22], $0x40, s17, s22, $0xb8;
	[tilespmem:$0x1F280] =	vst v63  }
0x5c: {  	_ =	swait.ge [sflag:s26], $0x1F40  }
0x5d: {  	[sflag:s26] =	ssyncset.done $0x0  }
0x5e: {  	s12 =	simm.s32 $0x5080;
	[sflag:s26] =	ssyncadd.s32 $0xFFFFE0C0  }
0x5f: {  	[spmem:s3] =	stream.indirect.scatter.add.f32 [tilespmem:s25], [sflag:$0x7], $0x40, s12, s22, $0xb8;
	[tilespmem:$0x1F280] =	vst v63  }
0x60: {  	_ =	swait.ge [sflag:s29], $0x1F40  }
0x61: {  	[sflag:s29] =	ssyncset.done $0x0  }
0x62: {  	s17 =	simm.s32 $0x300;
	[sflag:s29] =	ssyncadd.s32 $0xFFFFE0C0  }
0x63: {  	[tilespmem:s25], [sflag:$0x2] =	stream.indirect.gather [hbm4b:s2+s22], $0x40, s17, s22, $0xb8;
	[tilespmem:$0x1F280] =	vst v63  }
0x64: {  	_ =	swait.ge [sflag:s31], $0x1F40  }
0x65: {  	[sflag:s31] =	ssyncset.done $0x0  }
0x66: {  	s12 =	simm.s32 $0x5100;
	[sflag:s31] =	ssyncadd.s32 $0xFFFFE0C0  }
0x67: {  	[spmem:s3] =	stream.indirect.scatter.add.f32 [tilespmem:s28], [sflag:$0x8], $0x40, s12, s22, $0xb8;
	[tilespmem:$0x1F280] =	vst v63  }
0x68: {  	_ =	swait.ge [sflag:s4], $0x1F40  }
0x69: {  	[sflag:s4] =	ssyncset.done $0x0  }
0x6a: {  	s17 =	simm.s32 $0x380;
	[sflag:s4] =	ssyncadd.s32 $0xFFFFE0C0  }
0x6b: {  	[tilespmem:s28], [sflag:$0x3] =	stream.indirect.gather [hbm4b:s2+s22], $0x40, s17, s22, $0xb8;
	[tilespmem:$0x1F280] =	vst v63  }
0x6c: {  	_ =	swait.ge [sflag:s5], $0x1F40  }
0x6d: {  	[sflag:s5] =	ssyncset.done $0x0  }
0x6e: {  	s12 =	simm.s32 $0x5180;
	[sflag:s5] =	ssyncadd.s32 $0xFFFFE0C0  }
0x6f: {  	[spmem:s3] =	stream.indirect.scatter.add.f32 [tilespmem:s30], [sflag:$0x9], $0x40, s12, s22, $0xb8;
	[tilespmem:$0x1F280] =	vst v63  }
0x70: {  	_ =	swait.ge [sflag:s6], $0x1F40  }
0x71: {  	[sflag:s6] =	ssyncset.done $0x0  }
0x72: {  	s17 =	simm.s32 $0x400;
	[sflag:s6] =	ssyncadd.s32 $0xFFFFE0C0  }
0x73: {  	[tilespmem:s30], [sflag:$0x4] =	stream.indirect.gather [hbm4b:s2+s22], $0x40, s17, s22, $0xb8;
	[tilespmem:$0x1F280] =	vst v63  }
0x74: {  	_ =	swait.ge [sflag:s8], $0x1F40  }
0x75: {  	[sflag:s8] =	ssyncset.done $0x0  }
0x76: {  	s12 =	simm.s32 $0x5200;
	[sflag:s8] =	ssyncadd.s32 $0xFFFFE0C0  }
0x77: {  	[spmem:s3] =	stream.indirect.scatter.add.f32 [tilespmem:s1], [sflag:$0xA], $0x40, s12, s22, $0xb8;
	[tilespmem:$0x1F280] =	vst v63  }
0x78: {  	_ =	swait.ge [sflag:s9], $0x1F40  }
0x79: {  	[sflag:s9] =	ssyncset.done $0x0  }
0x7a: {  	s17 =	simm.s32 $0x480;
	[sflag:s9] =	ssyncadd.s32 $0xFFFFE0C0  }
0x7b: {  	[tilespmem:s1], [sflag:$0x5] =	stream.indirect.gather [hbm4b:s2+s22], $0x40, s17, s22, $0xb8;
	[tilespmem:$0x1F280] =	vst v63  }
0x7c: {  	_ =	swait.ge [sflag:s0], $0x1F40  }
0x7d: {  	[sflag:s0] =	ssyncset.done $0x0  }
0x7e: {  	s11 =	simm.s32 $0xA00;
	s12 =	simm.s32 $0x5280;
	[sflag:s0] =	ssyncadd.s32 $0xFFFFE0C0  }
.LBB2_4:
0x7f: {  	[spmem:s3] =	stream.indirect.scatter.add.f32 [tilespmem:s23], [sflag:$0x6], $0x40, s12, s22, $0xb8;
	[tilespmem:$0x1F280] =	vst v63  }
0x80: {  	s12 =	smov.u32 s11  }
0x81: {  	p1 =	sne.s32 s11, $0x12C00;
	s11 =	sadd.s32 $0xA00, s11;
	_ =	swait.ge [sflag:s24], $0x1F40  }
0x82: {  	s12 =	sshra.s32 s12, $0x2;
	[sflag:s24] =	ssyncset.done $0x0  }
0x83: {  	s17 =	sadd.s32 $0x280, s12;
	[sflag:s24] =	ssyncadd.s32 $0xFFFFE0C0  }
0x84: {  	[tilespmem:s23], [sflag:$0x1] =	stream.indirect.gather [hbm4b:s2+s22], $0x40, s17, s22, $0xb8;
	[tilespmem:$0x1F280] =	vst v63  }
0x85: {  	_ =	swait.ge [sflag:s26], $0x1F40  }
0x86: {  	[sflag:s26] =	ssyncset.done $0x0  }
0x87: {  	s17 =	sadd.s32 $0x5080, s12;
	[sflag:s26] =	ssyncadd.s32 $0xFFFFE0C0  }
0x88: {  	[spmem:s3] =	stream.indirect.scatter.add.f32 [tilespmem:s25], [sflag:$0x7], $0x40, s17, s22, $0xb8;
	[tilespmem:$0x1F280] =	vst v63  }
0x89: {  	_ =	swait.ge [sflag:s29], $0x1F40  }
0x8a: {  	[sflag:s29] =	ssyncset.done $0x0  }
0x8b: {  	s17 =	sadd.s32 $0x300, s12;
	[sflag:s29] =	ssyncadd.s32 $0xFFFFE0C0  }
0x8c: {  	[tilespmem:s25], [sflag:$0x2] =	stream.indirect.gather [hbm4b:s2+s22], $0x40, s17, s22, $0xb8;
	[tilespmem:$0x1F280] =	vst v63  }
0x8d: {  	_ =	swait.ge [sflag:s31], $0x1F40  }
0x8e: {  	[sflag:s31] =	ssyncset.done $0x0  }
0x8f: {  	s17 =	sadd.s32 $0x5100, s12;
	[sflag:s31] =	ssyncadd.s32 $0xFFFFE0C0  }
0x90: {  	[spmem:s3] =	stream.indirect.scatter.add.f32 [tilespmem:s28], [sflag:$0x8], $0x40, s17, s22, $0xb8;
	[tilespmem:$0x1F280] =	vst v63  }
0x91: {  	_ =	swait.ge [sflag:s4], $0x1F40  }
0x92: {  	[sflag:s4] =	ssyncset.done $0x0  }
0x93: {  	s17 =	sadd.s32 $0x380, s12;
	[sflag:s4] =	ssyncadd.s32 $0xFFFFE0C0  }
0x94: {  	[tilespmem:s28], [sflag:$0x3] =	stream.indirect.gather [hbm4b:s2+s22], $0x40, s17, s22, $0xb8;
	[tilespmem:$0x1F280] =	vst v63  }
0x95: {  	_ =	swait.ge [sflag:s5], $0x1F40  }
0x96: {  	[sflag:s5] =	ssyncset.done $0x0  }
0x97: {  	s17 =	sadd.s32 $0x5180, s12;
	[sflag:s5] =	ssyncadd.s32 $0xFFFFE0C0  }
0x98: {  	[spmem:s3] =	stream.indirect.scatter.add.f32 [tilespmem:s30], [sflag:$0x9], $0x40, s17, s22, $0xb8;
	[tilespmem:$0x1F280] =	vst v63  }
0x99: {  	_ =	swait.ge [sflag:s6], $0x1F40  }
0x9a: {  	[sflag:s6] =	ssyncset.done $0x0  }
0x9b: {  	s17 =	sadd.s32 $0x400, s12;
	[sflag:s6] =	ssyncadd.s32 $0xFFFFE0C0  }
0x9c: {  	[tilespmem:s30], [sflag:$0x4] =	stream.indirect.gather [hbm4b:s2+s22], $0x40, s17, s22, $0xb8;
	[tilespmem:$0x1F280] =	vst v63  }
0x9d: {  	_ =	swait.ge [sflag:s8], $0x1F40  }
0x9e: {  	[sflag:s8] =	ssyncset.done $0x0  }
0x9f: {  	s17 =	sadd.s32 $0x5200, s12;
	[sflag:s8] =	ssyncadd.s32 $0xFFFFE0C0  }
0xa0: {  	[spmem:s3] =	stream.indirect.scatter.add.f32 [tilespmem:s1], [sflag:$0xA], $0x40, s17, s22, $0xb8;
	[tilespmem:$0x1F280] =	vst v63  }
0xa1: {  	_ =	swait.ge [sflag:s9], $0x1F40  }
0xa2: {  	[sflag:s9] =	ssyncset.done $0x0  }
.Ltmp1:
0xa3: {  	s17 =	sadd.s32 $0x480, s12;
	[sflag:s9] =	ssyncadd.s32 $0xFFFFE0C0;
	(pc) =	sbr.rel @p1 .LBB2_4-.Ltmp1, $4  }
0xa4: {  	[tilespmem:s1], [sflag:$0x5] =	stream.indirect.gather [hbm4b:s2+s22], $0x40, s17, s22, $0xb8;
	[tilespmem:$0x1F280] =	vst v63  }
0xa5: {  	_ =	swait.ge [sflag:s0], $0x1F40  }
0xa6: {  	[sflag:s0] =	ssyncset.done $0x0  }
0xa7: {  	s12 =	sadd.s32 $0x5280, s12;
	[sflag:s0] =	ssyncadd.s32 $0xFFFFE0C0  }
0xa8: {  	[spmem:s3] =	stream.indirect.scatter.add.f32 [tilespmem:s23], [sflag:$0x6], $0x40, s12, s22, $0xb8;
	[tilespmem:$0x1F280] =	vst v63  }
0xa9: {  	_ =	swait.ge [sflag:s26], $0x1F40  }
0xaa: {  	[sflag:s26] =	ssyncset.done $0x0  }
0xab: {  	s11 =	simm.s32 $0x9E00;
	[sflag:s26] =	ssyncadd.s32 $0xFFFFE0C0  }
0xac: {  	[spmem:s3] =	stream.indirect.scatter.add.f32 [tilespmem:s25], [sflag:$0x7], $0x40, s11, s22, $0xb8;
	[tilespmem:$0x1F280] =	vst v63  }
0xad: {  	_ =	swait.ge [sflag:s31], $0x1F40  }
0xae: {  	[sflag:s31] =	ssyncset.done $0x0  }
0xaf: {  	s17 =	simm.s32 $0x9E80;
	[sflag:s31] =	ssyncadd.s32 $0xFFFFE0C0  }
0xb0: {  	[spmem:s3] =	stream.indirect.scatter.add.f32 [tilespmem:s28], [sflag:$0x8], $0x40, s17, s22, $0xb8;
	[tilespmem:$0x1F280] =	vst v63  }
0xb1: {  	_ =	swait.ge [sflag:s5], $0x1F40  }
0xb2: {  	[sflag:s5] =	ssyncset.done $0x0  }
0xb3: {  	s12 =	simm.s32 $0x9F00;
	[sflag:s5] =	ssyncadd.s32 $0xFFFFE0C0  }
0xb4: {  	[spmem:s3] =	stream.indirect.scatter.add.f32 [tilespmem:s30], [sflag:$0x9], $0x40, s12, s22, $0xb8;
	[tilespmem:$0x1F280] =	vst v63  }
0xb5: {  	_ =	swait.ge [sflag:s8], $0x1F40  }
0xb6: {  	[sflag:s8] =	ssyncset.done $0x0  }
0xb7: {  	s17 =	simm.s32 $0x9F80;
	[sflag:s8] =	ssyncadd.s32 $0xFFFFE0C0  }
0xb8: {  	[spmem:s3] =	stream.indirect.scatter.add.f32 [tilespmem:s1], [sflag:$0xA], $0x40, s17, s22, $0xb8;
	[tilespmem:$0x1F280] =	vst v63  }
0xb9: {  	_ =	swait.ge [sflag:s24], $0x1F40  }
0xba: {  	[sflag:s24] =	ssyncset.done $0x0  }
0xbb: {  	[sflag:s24] =	ssyncadd.s32 $0xFFFFE0C0  }
0xbc: {  	_ =	swait.ge [sflag:s29], $0x1F40  }
0xbd: {  	[sflag:s29] =	ssyncset.done $0x0  }
0xbe: {  	[sflag:s29] =	ssyncadd.s32 $0xFFFFE0C0  }
0xbf: {  	_ =	swait.ge [sflag:s4], $0x1F40  }
0xc0: {  	[sflag:s4] =	ssyncset.done $0x0  }
0xc1: {  	[sflag:s4] =	ssyncadd.s32 $0xFFFFE0C0  }
0xc2: {  	_ =	swait.ge [sflag:s6], $0x1F40  }
0xc3: {  	[sflag:s6] =	ssyncset.done $0x0  }
0xc4: {  	[sflag:s6] =	ssyncadd.s32 $0xFFFFE0C0  }
0xc5: {  	_ =	swait.ge [sflag:s9], $0x1F40  }
0xc6: {  	s12 =	stileid.u32;
	[sflag:s9] =	ssyncset.done $0x0  }
0xc7: {  	s11 =	sshll.u32 s12, $0x6;
	[sflag:s9] =	ssyncadd.s32 $0xFFFFE0C0  }
0xc8: {  	s11 =	sor.u32 $0x1C0D, s11;
	s17 =	sshrl.u32 s7, $0x3;
	[bflag:$0x0] =	sbarrier.arrive $0xFFFF  }
0xc9: {  	[hbm:s14], [sflag:s11] =	dma.local [spmem:s17], $0x1380  }
0xca: {  	_ =	swait.ge [sflag:s19], $0x1380  }
0xcb: {  	s10 =	sadd.s32 $0x1, s10;
	[sflag:s19] =	ssyncset.done $0x0  }
0xcc: {  	p1 =	sne.s32 s10, s16;
	s12 =	sshrl.u32 @!p0 s13, $0x3;
	[sflag:s19] =	ssyncadd.s32 $0xFFFFEC80  }
0xcd: {  	[hbm:s15], [sflag:s11] =	dma.local @!p0 [spmem:s12], $0x80  }
.Ltmp2:
0xce: {  	_ = 	snop;
	(pc) =	sbr.rel @p1 .LBB2_1-.Ltmp2, $4  }
0xcf: {  	s11 =	simm.s32 @!p0 $0xD  }
0xd0: {  	_ =	swait.ge @!p0 [sflag:s11], $0x80  }
0xd1: {  	[sflag:s11] =	ssyncset.done @!p0 $0x0  }
0xd2: {  	[sflag:s11] =	ssyncadd.s32 @!p0 $0xFFFFFF80  }
0xd3: {  	_ =	sfence.sel $0x180000  }
0xd4: {  	[bflag:$0x0] =	sbarrier.arrive $0xFFFF  }
0xd5: {  	_ =	strace $0x9000004D  }
0xd6: {  	s0 =	stileid.u32;
	[bflag:$0x2] =	sbarrier.arrive $0xFFFF  }
0xd7: {  	p0 =	sne.s32 s0, $0x0;
	s0 =	rddreg [dreg:$0x3]  }
0xd8: {  	s0 =	sadd.s32 @!p0 $0x100000, s0  }
0xd9: {  	[sflag:s0] =	ssyncadd.tile.s32 @!p0 $0x1;
	_ =	shalt  }
.Lfunc_end2:
_tile_overlayer_lowered:
.L_overlay_start_2:
0xda: {  	(tag) =	ssettag $0x2  }
0xdb: {  	s0 =	rddreg [dreg:$0x0];
	s2 =	stileid.u32  }
0xdc: {  	s1 =	rddreg [dreg:$0x1];
	p0 =	sne.s32 s2, $0x0  }
0xdd: {  	s3 =	rddreg [dreg:$0x2];
	[bflag:$0x3] =	sbarrier.arrive $0xFFFF;
	s2 =	simm.s32 @!p0 $0x1C0D  }
0xde: {  	[timem:s3], [sflag:s2] =	dma.local @!p0 [hbm:s0], s1  }
0xdf: {  	s0 =	simm.s32 @!p0 $0xD  }
0xe0: {  	_ =	swait.ge @!p0 [sflag:s0], s1  }
0xe1: {  	s1 =	ssub.s32 @!p0 $0x0, s1;
	[sflag:s0] =	ssyncset.done @!p0 $0x0  }
0xe2: {  	[sflag:s0] =	ssyncadd.s32 @!p0 s1  }
0xe3: {  	[bflag:$0x3] =	sbarrier.arrive $0xFFFF  }
0xe4: {  	_ =	shalt  }

// kernel: kernel.8.cloned.1.call-start
scs
__scs_entry_jumppad:
0x0: {  	(pc) =	sbr.rel $0x88, $3  }
0x1: {  	(tag) =	ssettag $0x0;
	lr =	simm.s32 $0x1  }
0x2: {  	[smem:$0x3F98] =	sst lr;
	_ =	strace $0xD0000000  }
0x3: {  	_ = 	snop  }
0x4: {  	_ = 	snop  }
0x5: {  	_ = 	snop  }
0x6: {  	_ = 	snop  }
0x7: {  	_ = 	snop  }
__scs_overlays_trampoline_lowered:
0x8: {  	[smem:$0x3FA7] =	sst s0  }
0x9: {  	[smem:$0x3FA8] =	sst s1  }
0xa: {  	[smem:$0x3FA9] =	sst s2  }
0xb: {  	[smem:$0x3FAA] =	sst s3  }
0xc: {  	[smem:$0x3FAB] =	sst s4  }
0xd: {  	[smem:$0x3FAC] =	sst s5  }
0xe: {  	[smem:$0x3FAD] =	sst s6  }
0xf: {  	[smem:$0x3FAE] =	sst s7  }
0x10: {  	[smem:$0x3FAF] =	sst s8  }
0x11: {  	[smem:$0x3FB0] =	sst s9;
	s0 =	simm.s32 @!p0 $0x0  }
0x12: {  	s1 =	sld [smem:$0x3F96];
	s0 =	simm.s32 @p0 $0x1  }
0x13: {  	[smem:$0x3FB1] =	sst s0;
	s0 =	simm.s32 @!p1 $0x0  }
0x14: {  	s2 =	sld [smem:$0x3F95];
	s0 =	simm.s32 @p1 $0x1  }
0x15: {  	[smem:$0x3FB2] =	sst s0;
	s0 =	simm.s32 @!p2 $0x0  }
0x16: {  	s3 =	sld [smem:$0x3FDB];
	s0 =	simm.s32 @p2 $0x1  }
0x17: {  	s4 =	simm.s32 $0x1BF5;
	[smem:$0x3FB4] =	sst s0  }
0x18: {  	s0 =	sld [smem:$0x3F97];
	_ =	swait.ge [sflag:s4], $0x0  }
0x19: {  	s7 =	sld [smem:$0x3F98]  }
0x1a: {  	s8 =	sadd.s32 $0xFFFFE003, lr  }
0x1b: {  	s9 =	sadd.s32 $0xFFFFFEF7, lr;
	s5 =	simm.s32 $0xFFFFFFFF;
	p2 =	slt.u32 s8, $0xFFFFF086  }
0x1c: {  	p1 =	slt.u32 s9, $0xF7A;
	s5 =	simm.s32 @!p2 $0x0  }
0x1d: {  	s5 =	simm.s32 @p1 $0x1;
	p0 =	seq.s32 s7, s2  }
0x1e: {  	s7 =	smul.u32 @!p0 $0xF7A, s2;
	p2 =	seq.s32 @!p0 s5, $0x0  }
0x1f: {  	s9 =	smul.u32 $0xF7A, s1;
	s8 =	simm.s32 @!p0 $0x1BF5;
	p2 =	por !p2, p0  }
0x20: {  	[sflag:s8] =	ssyncset.s32 @!p0 $0xFFFFF086;
	s6 =	sadd.s32 @!p0 s3, s7;
	s7 =	simm.s32 @!p0 $0x108  }
0x21: {  	s3 =	sadd.s32 s3, s9;
	s6 =	sadd.s32 @!p0 $0x88, s6;
	s7 =	simm.s32 @p2 $0x1082  }
0x22: {  	[simem:s7], [sflag:s8] =	dma.local @!p0 [hbm:s6], $0xF7A  }
0x23: {  	s9 =	sor.u32 $0xD0000000, s2;
	s6 =	simm.s32 $0x108;
	_ =	swait.ge @!p0 [sflag:s8], $0x0  }
0x24: {  	s3 =	sadd.s32 $0x88, s3;
	s6 =	simm.s32 @!p1 $0x1082;
	[sflag:s4] =	ssyncset.s32 $0xFFFFF086  }
0x25: {  	[simem:s6], [sflag:s4] =	dma.local [hbm:s3], $0xF7A  }
0x26: {  	[smem:$0x3F98] =	sst s1;
	(tag) =	ssettag s2;
	_ =	strace s9  }
0x27: {  	s1 =	sld [smem:$0x3FA8]  }
0x28: {  	s2 =	sld [smem:$0x3FA9]  }
0x29: {  	s4 =	sld [smem:$0x3FAB]  }
0x2a: {  	p0 =	seq.s32 s5, $0x0;
	s5 =	sld [smem:$0x3FAC]  }
0x2b: {  	s6 =	sld [smem:$0x3FAD]  }
0x2c: {  	s7 =	sld [smem:$0x3FAE]  }
0x2d: {  	s3 =	simm.s32 $0x108;
	s8 =	sld [smem:$0x3FAF]  }
0x2e: {  	s3 =	simm.s32 @!p0 $0x1082;
	s9 =	sld [smem:$0x3FB0]  }
0x2f: {  	lr =	sadd.s32 s0, s3;
	s0 =	sld [smem:$0x3FA7]  }
0x30: {  	s3 =	sld [smem:$0x3FAA]  }
0x31: {  	[smem:$0x3FB3] =	sst s10  }
0x32: {  	s10 =	sld [smem:$0x3FB1];
	_ =	sdelay $0x3  }
0x33: {  	p0 =	seq.s32 s10, $0x1;
	s10 =	sld [smem:$0x3FB3];
	_ =	sdelay $0x3  }
0x34: {  	[smem:$0x3FB3] =	sst s10  }
0x35: {  	s10 =	sld [smem:$0x3FB2];
	_ =	sdelay $0x3  }
0x36: {  	p1 =	seq.s32 s10, $0x1;
	s10 =	sld [smem:$0x3FB3];
	_ =	sdelay $0x3  }
0x37: {  	[smem:$0x3FB3] =	sst s10  }
0x38: {  	s10 =	sld [smem:$0x3FB4]  }
0x39: {  	_ = 	snop;
	(pc) =	sbr.ind lr, $3  }
0x3a: {  	_ = 	snop  }
0x3b: {  	_ = 	snop  }
0x3c: {  	p2 =	seq.s32 s10, $0x1;
	s10 =	sld [smem:$0x3FB3]  }
0x3d: {  	_ =	shalt  }
0x3e: {  	_ =	shalt  }
0x3f: {  	_ =	shalt  }
0x40: {  	_ =	shalt  }
0x41: {  	_ =	shalt  }
0x42: {  	_ =	shalt  }
0x43: {  	_ =	shalt  }
0x44: {  	_ =	shalt  }
0x45: {  	_ =	shalt  }
0x46: {  	_ =	shalt  }
0x47: {  	_ =	shalt  }
0x48: {  	_ =	shalt  }
0x49: {  	_ =	shalt  }
0x4a: {  	_ =	shalt  }
0x4b: {  	_ =	shalt  }
0x4c: {  	_ =	shalt  }
0x4d: {  	_ =	shalt  }
0x4e: {  	_ =	shalt  }
0x4f: {  	_ =	shalt  }
0x50: {  	_ =	shalt  }
0x51: {  	_ =	shalt  }
0x52: {  	_ =	shalt  }
0x53: {  	_ =	shalt  }
0x54: {  	_ =	shalt  }
0x55: {  	_ =	shalt  }
0x56: {  	_ =	shalt  }
0x57: {  	_ =	shalt  }
0x58: {  	_ =	shalt  }
0x59: {  	_ =	shalt  }
0x5a: {  	_ =	shalt  }
0x5b: {  	_ =	shalt  }
0x5c: {  	_ =	shalt  }
0x5d: {  	_ =	shalt  }
0x5e: {  	_ =	shalt  }
0x5f: {  	_ =	shalt  }
0x60: {  	_ =	shalt  }
0x61: {  	_ =	shalt  }
0x62: {  	_ =	shalt  }
0x63: {  	_ =	shalt  }
0x64: {  	_ =	shalt  }
0x65: {  	_ =	shalt  }
0x66: {  	_ =	shalt  }
0x67: {  	_ =	shalt  }
0x68: {  	_ =	shalt  }
0x69: {  	_ =	shalt  }
0x6a: {  	_ =	shalt  }
0x6b: {  	_ =	shalt  }
0x6c: {  	_ =	shalt  }
0x6d: {  	_ =	shalt  }
0x6e: {  	_ =	shalt  }
0x6f: {  	_ =	shalt  }
0x70: {  	_ =	shalt  }
0x71: {  	_ =	shalt  }
0x72: {  	_ =	shalt  }
0x73: {  	_ =	shalt  }
0x74: {  	_ =	shalt  }
0x75: {  	_ =	shalt  }
0x76: {  	_ =	shalt  }
0x77: {  	_ =	shalt  }
0x78: {  	_ =	shalt  }
0x79: {  	_ =	shalt  }
0x7a: {  	_ =	shalt  }
0x7b: {  	_ =	shalt  }
0x7c: {  	_ =	shalt  }
0x7d: {  	_ =	shalt  }
0x7e: {  	_ =	shalt  }
0x7f: {  	_ =	shalt  }
0x80: {  	_ =	shalt  }
0x81: {  	_ =	shalt  }
0x82: {  	_ =	shalt  }
0x83: {  	_ =	shalt  }
0x84: {  	_ =	shalt  }
0x85: {  	_ =	shalt  }
0x86: {  	_ =	shalt  }
0x87: {  	_ =	shalt  }
.Lfunc_end0:
.L_simem_size_0:
called_computation_lowered:
.L_overlay_start_0:
0x88: {  	s2 =	sld [smem:$0x3FD9]  }
0x89: {  	s3 =	sld [smem:$0x3FFE];
	_ =	sdelay $0x1  }
0x8a: {  	s1 =	srdreg.scid  }
0x8b: {  	s0 =	sand.u32 $0x1, s1  }
0x8c: {  	s17 =	sshll.u32 s0, $0xA;
	s2 =	sadd.s32 s3, s2  }
0x8d: {  	s2 =	sadd.s32 s2, s17  }
0x8e: {  	[smem:$0x3FBF] =	sst s2  }
0x8f: {  	_ = 	snop  }
0x90: {  	s2 =	sld [smem:$0x3FC9]  }
0x91: {  	s18 =	sld [smem:$0x3FD0];
	(tm) =	ssettm $0x1  }
0x92: {  	s4 =	sld [smem:$0x3FFB];
	_ =	sdelay $0x3  }
0x93: {  	_ =	strace s4  }
0x94: {  	s4 =	sld [smem:$0x3FFC];
	_ =	sdelay $0x3  }
0x95: {  	_ =	strace s4  }
0x96: {  	s4 =	sld [smem:$0x3FFD];
	_ =	sdelay $0x3  }
0x97: {  	_ =	strace s4  }
0x98: {  	_ =	strace $0x8FFFFFFF  }
0x99: {  	s19 =	sld [smem:$0x3FDB];
	_ =	sdelay $0x1  }
0x9a: {  	s5 =	simm.s32 $_scs_section_size  }
0x9b: {  	s6 =	simm.s32 $_size__tile_overlayer_lowered;
	s7 =	simm.s32 $_tile_overlayer_lowered  }
0x9c: {  	s22 =	simm.s32 $0x1BFF;
	s21 =	sshll.u32 s7, $0x1;
	s4 =	sadd.s32 s5, s19  }
0x9d: {  	s8 =	simm.s32 $0x0;
	s20 =	sshll.u32 s6, $0x1;
	s6 =	sadd.s32 s21, s4  }
0x9e: {  	[timem:s8], [sflag:s22] =	dma.local [hbm:s6], s20  }
0x9f: {  	_ =	swait.ge [sflag:s22], s20  }
0xa0: {  	s5 =	ssub.s32 $0x0, s20;
	[sflag:s22] =	ssyncset.done $0x0  }
0xa1: {  	[sflag:s22] =	ssyncadd.s32 s5;
	_ =	sdelay $0x1  }
0xa2: {  	s23 =	simm.s32 $0x1B8B  }
0xa3: {  	_ =	swait.ge [sflag:s23], $0x1  }
0xa4: {  	[sflag:s23] =	ssyncset.done $0x0  }
0xa5: {  	s25 =	simm.s32 $0x1B8E;
	s24 =	sld [smem:$0x3FFE];
	[sflag:s23] =	ssyncadd.s32 $0xFFFFFFFF  }
0xa6: {  	s26 =	simm.s32 $execute0_lowered;
	[smem:$0x3FD2] =	sst s25  }
0xa7: {  	s6 =	sshll.u32 s26, $0x1;
	_ =	strace $0x80000046;
	[dreg:$0x1] =	wrdreg $0xFFFFFFFF  }
0xa8: {  	s28 =	simm.s32 $_size_execute0_lowered;
	s4 =	sadd.s32 s4, s6;
	[dreg:$0x0] =	wrdreg $0x0  }
0xa9: {  	s6 =	sshll.u32 s28, $0x1;
	[dreg:$0x2] =	wrdreg s4  }
0xaa: {  	[dreg:$0x3] =	wrdreg s6  }
0xab: {  	[dreg:$0x4] =	wrdreg $0xC0  }
0xac: {  	_ =	task [dreg:s8], $0x5FFFF  }
0xad: {  	[dreg:$0x1] =	wrdreg $0xFFFFFFFF  }
0xae: {  	[dreg:$0x0] =	wrdreg $0x60  }
0xaf: {  	[dreg:$0x2] =	wrdreg s2  }
0xb0: {  	[dreg:$0x3] =	wrdreg s24  }
0xb1: {  	[dreg:$0x4] =	wrdreg s18  }
0xb2: {  	[dreg:$0x5] =	wrdreg $0x156400  }
0xb3: {  	[dreg:$0x6] =	wrdreg $0x9  }
0xb4: {  	_ =	task.clear_ibuf [dreg:s8], $0x7FFFF;
	_ =	strace $0x90000046  }
0xb5: {  	s29 =	simm.s32 $0x9;
	_ =	strace $0x80000048  }
0xb6: {  	_ =	swait.ge [sflag:s29], $0x1  }
0xb7: {  	[sflag:s29] =	ssyncadd.s32 $0xFFFFFFFF  }
0xb8: {  	_ =	strace $0x90000048  }
0xb9: {  	_ =	sfence  }
0xba: {  	s30 =	sld [smem:$0x0];
	_ =	sdelay $0x2  }
0xbb: {  	s31 =	sshll.u32 s1, $0xD;
	s1 =	sshrl.u32 s1, $0x2  }
0xbc: {  	s3 =	sand.u32 $0x4000, s31;
	s1 =	sadd.s32 s1, s30  }
0xbd: {  	s0 =	sor.u32 s3, s0;
	s1 =	sshll.u32 s1, $0x11  }
0xbe: {  	s0 =	sor.u32 s1, s0  }
0xbf: {  	s0 =	sadd.s32 $0x8F2B, s0  }
0xc0: {  	[sflag:s0] =	ssyncadd.remote.s32 $0x1  }
0xc1: {  	_ =	sfence.sel $0xFFFF  }
0xc2: {  	[dreg:$0x0] =	wrdreg $0xFFFFFFFF;
	(pc) =	sbr.abs _section_cstart, $3  }
0xc3: {  	[dreg:$0x1] =	wrdreg $0xFFFFFFFF  }
0xc4: {  	_ =	task.clear_ibuf [dreg:s8], $0x2FFFF;
	_ =	strace $0x9FFFFFFF  }
0xc5: {  	(tm) =	ssettm $0x7FFFFFFF  }
tec
execute0_lowered:
.L_overlay_start_1:
0x0: {  	(tag) =	ssettag $0x1  }
0x1: {  	s1 =	rddreg [dreg:$0x0]  }
0x2: {  	s0 =	rddreg [dreg:$0x1]  }
0x3: {  	s2 =	srdreg.scid;
	s4 =	rddreg [dreg:$0x2]  }
0x4: {  	s10 =	stileid.u32;
	s3 =	rddreg [dreg:$0x3];
	s7 =	simm.s32 $0x0  }
0x5: {  	s28 =	simm.s32 $0xDE80;
	s30 =	simm.s32 $0xFDC0;
	s5 =	smul.u32 $0x5000, s10  }
0x6: {  	s29 =	simm.s32 $0x7;
	s31 =	simm.s32 $0x3;
	s9 =	smul.u32 $0x27000, s10  }
0x7: {  	s2 =	sand.u32 $0x1, s2;
	[smem:$0x7FF] =	sst s7;
	s18 =	smul.u32 $0x9C00, s10  }
0x8: {  	s13 =	sadd.s32 $0x9C000, s3;
	p0 =	sne.s32 s10, $0xF;
	s10 =	simm.s32 $0x0  }
0x9: {  	s6 =	smul.u32 $0x50000, s2;
	_ =	strace $0x80000047;
	s16 =	ssub.s32 $0x2, s2  }
0xa: {  	s2 =	smul.u32 $0x9C400, s2;
	s8 =	sshrl.u32 s16, $0x1;
	s19 =	sshrl.u32 s9, $0x2  }
0xb: {  	s7 =	sadd.s32 s18, s3;
	s9 =	simm.s32 $0xA;
	s6 =	sadd.s32 s5, s6  }
0xc: {  	s5 =	sshrl.u32 s5, $0x3;
	s17 =	ssub.s32 s16, s8;
	s20 =	sadd.s32 s19, s3  }
0xd: {  	s19 =	simm.s32 $0xD;
	s8 =	simm.s32 $0x5;
	s21 =	sadd.s32 $0x1A00, s20  }
0xe: {  	s6 =	sshrl.u32 s6, $0x3;
	s22 =	sadd.s32 $0x3400, s20;
	[dreg:$0x7] =	wrdreg s21  }
0xf: {  	s23 =	sadd.s32 $0x4E00, s20;
	s24 =	sadd.s32 $0x6800, s20;
	[dreg:$0x8] =	wrdreg s22  }
0x10: {  	s16 =	smax.u32 s17, $0x1;
	s6 =	sadd.s32 s6, s0;
	[dreg:$0x9] =	wrdreg s23  }
0x11: {  	s0 =	sadd.s32 s5, s0;
	[dreg:$0xa] =	wrdreg s24;
	s21 =	simm.s32 $0xC  }
0x12: {  	s22 =	simm.s32 $0x7D;
	s23 =	simm.s32 $0xA000;
	s6 =	sadd.s32 $0xB800, s6  }
0x13: {  	s24 =	simm.s32 $0x6;
	s0 =	sadd.s32 $0x1800, s0;
	[dreg:$0x5] =	wrdreg s6  }
0x14: {  	s5 =	simm.s32 $0x4;
	[dreg:$0x6] =	wrdreg s0;
	s6 =	sadd.s32 s18, s2  }
0x15: {  	s0 =	sadd.s32 $0x8200, s20;
	s2 =	sshrl.u32 s2, $0x3;
	s18 =	simm.s32 $0x13C40  }
0x16: {  	s20 =	simm.s32 $0xB;
	[dreg:$0xb] =	wrdreg s0;
	s25 =	sshrl.u32 s6, $0x3  }
0x17: {  	s26 =	sadd.s32 s4, s2;
	s2 =	simm.s32 $0x11D00;
	s0 =	simm.s32 $0x1  }
0x18: {  	s6 =	simm.s32 $0x9;
	s14 =	sadd.s32 s4, s25;
	s15 =	sadd.s32 $0x13800, s26  }
0x19: {  	v0 =	vimm.f32 $0.0e+00;
	s25 =	simm.s32 $0xBF40;
	s26 =	simm.s32 $0x2;
	s4 =	simm.s32 $0x8  }
.LBB2_1:
0x1a: {  	s11 =	simm.s32 $0x0;
	s12 =	rddreg [dreg:$0x5]  }
0x1b: {  	[tilespmem:s11], [sflag:$0xB] =	stream.linear.gather [hbm4b:s12+s11], $0x5000, $0x38;
	[tilespmem:$0x1F280] =	vst v63  }
0x1c: {  	s17 =	simm.s32 $0x5000;
	s12 =	rddreg [dreg:$0x6]  }
0x1d: {  	[tilespmem:s17], [sflag:$0xC] =	stream.linear.gather [hbm4b:s12+s11], $0x5000, $0x38;
	[tilespmem:$0x1F280] =	vst v63  }
0x1e: {  	s12 =	simm.s32 $0x100;
	s11 =	simm.s32 $0x0  }
.LBB2_2:
0x1f: {  	p1 =	sne.s32 s12, $0x6700;
	[tilespmem:s11+$0x13C70] =	vst v0;
	s17 =	smov.u32 s12;
	s12 =	sadd.s32 $0x100, s12  }
.Ltmp0:
0x20: {  	[tilespmem:s11+$0x13C60] =	vst v0;
	(pc) =	sbr.rel @p1 .LBB2_2-.Ltmp0, $3  }
0x21: {  	[tilespmem:s11+$0x13C40] =	vst v0  }
0x22: {  	[tilespmem:s11+$0x13C50] =	vst v0;
	_ =	sdelay $0x1  }
0x23: {  	s11 =	sshra.s32 s17, $0x2  }
0x24: {  	[tilespmem:s11+$0x13C70] =	vst v0  }
0x25: {  	[tilespmem:s11+$0x13C60] =	vst v0  }
0x26: {  	[tilespmem:s11+$0x13C40] =	vst v0  }
0x27: {  	[tilespmem:s11+$0x13C50] =	vst v0  }
0x28: {  	[spmem:s7] =	stream.linear.scatter [tilespmem:s18], [sflag:$0xD], $0x1A00, $0x38;
	[tilespmem:$0x1F280] =	vst v63  }
0x29: {  	_ =	swait.ge [sflag:s19], $0x1A00  }
0x2a: {  	[sflag:s19] =	ssyncset.done $0x0  }
0x2b: {  	s12 =	rddreg [dreg:$0x7];
	[sflag:s19] =	ssyncadd.s32 $0xFFFFE600  }
0x2c: {  	[spmem:s12] =	stream.linear.scatter [tilespmem:s18], [sflag:$0xD], $0x1A00, $0x38;
	[tilespmem:$0x1F280] =	vst v63  }
0x2d: {  	_ =	swait.ge [sflag:s19], $0x1A00  }
0x2e: {  	[sflag:s19] =	ssyncset.done $0x0  }
0x2f: {  	s17 =	rddreg [dreg:$0x8];
	[sflag:s19] =	ssyncadd.s32 $0xFFFFE600  }
0x30: {  	[spmem:s17] =	stream.linear.scatter [tilespmem:s18], [sflag:$0xD], $0x1A00, $0x38;
	[tilespmem:$0x1F280] =	vst v63  }
0x31: {  	_ =	swait.ge [sflag:s19], $0x1A00  }
0x32: {  	[sflag:s19] =	ssyncset.done $0x0  }
0x33: {  	s12 =	rddreg [dreg:$0x9];
	[sflag:s19] =	ssyncadd.s32 $0xFFFFE600  }
0x34: {  	[spmem:s12] =	stream.linear.scatter [tilespmem:s18], [sflag:$0xD], $0x1A00, $0x38;
	[tilespmem:$0x1F280] =	vst v63  }
0x35: {  	_ =	swait.ge [sflag:s19], $0x1A00  }
0x36: {  	[sflag:s19] =	ssyncset.done $0x0  }
0x37: {  	s17 =	rddreg [dreg:$0xa];
	[sflag:s19] =	ssyncadd.s32 $0xFFFFE600  }
0x38: {  	[spmem:s17] =	stream.linear.scatter [tilespmem:s18], [sflag:$0xD], $0x1A00, $0x38;
	[tilespmem:$0x1F280] =	vst v63  }
0x39: {  	_ =	swait.ge [sflag:s19], $0x1A00  }
0x3a: {  	[sflag:s19] =	ssyncset.done $0x0  }
0x3b: {  	s12 =	rddreg [dreg:$0xb];
	[sflag:s19] =	ssyncadd.s32 $0xFFFFE600  }
0x3c: {  	[spmem:s12] =	stream.linear.scatter [tilespmem:s18], [sflag:$0xD], $0x1A00, $0x38;
	[tilespmem:$0x1F280] =	vst v63  }
0x3d: {  	_ =	swait.ge [sflag:s19], $0x1A00  }
0x3e: {  	[sflag:s19] =	ssyncset.done $0x0  }
0x3f: {  	s11 =	simm.s32 @!p0 $0x13C40;
	[sflag:s19] =	ssyncadd.s32 $0xFFFFE600  }
0x40: {  	[spmem:s13] =	stream.linear.scatter @!p0 [tilespmem:s11], [sflag:$0xD], $0x400, $0x38;
	[tilespmem:$0x1F280] =	vst v63  }
0x41: {  	s11 =	simm.s32 @!p0 $0xD  }
0x42: {  	_ =	swait.ge @!p0 [sflag:s11], $0x400  }
0x43: {  	[sflag:s11] =	ssyncset.done @!p0 $0x0  }
0x44: {  	[sflag:s11] =	ssyncadd.s32 @!p0 $0xFFFFFC00  }
0x45: {  	_ =	swait.ge [sflag:s20], $0x5000  }
0x46: {  	[sflag:s20] =	ssyncset.done $0x0  }
0x47: {  	[sflag:s20] =	ssyncadd.s32 $0xFFFFB000  }
0x48: {  	_ =	swait.ge [sflag:s21], $0x5000  }
0x49: {  	[sflag:s21] =	ssyncset.done $0x0  }
0x4a: {  	[sflag:s21] =	ssyncadd.s32 $0xFFFFB000  }
0x4b: {  	s17 =	simm.s32 $0x0;
	[bflag:$0x0] =	sbarrier.arrive $0xFFFF  }
0x4c: {  	[tilespmem:s23], [sflag:$0x1] =	stream.indirect.gather [hbm4b:s1+s22], $0x40, s17, s22, $0xb8;
	[tilespmem:$0x1F280] =	vst v63  }
0x4d: {  	s12 =	simm.s32 $0x80  }
0x4e: {  	[tilespmem:s25], [sflag:$0x2] =	stream.indirect.gather [hbm4b:s1+s22], $0x40, s12, s22, $0xb8;
	[tilespmem:$0x1F280] =	vst v63  }
0x4f: {  	s17 =	simm.s32 $0x100  }
0x50: {  	[tilespmem:s28], [sflag:$0x3] =	stream.indirect.gather [hbm4b:s1+s22], $0x40, s17, s22, $0xb8;
	[tilespmem:$0x1F280] =	vst v63  }
0x51: {  	s12 =	simm.s32 $0x180  }
0x52: {  	[tilespmem:s30], [sflag:$0x4] =	stream.indirect.gather [hbm4b:s1+s22], $0x40, s12, s22, $0xb8;
	[tilespmem:$0x1F280] =	vst v63  }
0x53: {  	s17 =	simm.s32 $0x200  }
0x54: {  	[tilespmem:s2], [sflag:$0x5] =	stream.indirect.gather [hbm4b:s1+s22], $0x40, s17, s22, $0xb8;
	[tilespmem:$0x1F280] =	vst v63  }
0x55: {  	_ =	swait.ge [sflag:s0], $0x1F40  }
0x56: {  	[sflag:s0] =	ssyncset.done $0x0  }
0x57: {  	s12 =	simm.s32 $0x5000;
	[sflag:s0] =	ssyncadd.s32 $0xFFFFE0C0  }
0x58: {  	[spmem:s3] =	stream.indirect.scatter.add.f32 [tilespmem:s23], [sflag:$0x6], $0x40, s12, s22, $0xb8;
	[tilespmem:$0x1F280] =	vst v63  }
0x59: {  	_ =	swait.ge [sflag:s24], $0x1F40  }
0x5a: {  	[sflag:s24] =	ssyncset.done $0x0  }
0x5b: {  	s17 =	simm.s32 $0x280;
	[sflag:s24] =	ssyncadd.s32 $0xFFFFE0C0  }
0x5c: {  	[tilespmem:s23], [sflag:$0x1] =	stream.indirect.gather [hbm4b:s1+s22], $0x40, s17, s22, $0xb8;
	[tilespmem:$0x1F280] =	vst v63  }
0x5d: {  	_ =	swait.ge [sflag:s26], $0x1F40  }
0x5e: {  	[sflag:s26] =	ssyncset.done $0x0  }
0x5f: {  	s12 =	simm.s32 $0x5080;
	[sflag:s26] =	ssyncadd.s32 $0xFFFFE0C0  }
0x60: {  	[spmem:s3] =	stream.indirect.scatter.add.f32 [tilespmem:s25], [sflag:$0x7], $0x40, s12, s22, $0xb8;
	[tilespmem:$0x1F280] =	vst v63  }
0x61: {  	_ =	swait.ge [sflag:s29], $0x1F40  }
0x62: {  	[sflag:s29] =	ssyncset.done $0x0  }
0x63: {  	s17 =	simm.s32 $0x300;
	[sflag:s29] =	ssyncadd.s32 $0xFFFFE0C0  }
0x64: {  	[tilespmem:s25], [sflag:$0x2] =	stream.indirect.gather [hbm4b:s1+s22], $0x40, s17, s22, $0xb8;
	[tilespmem:$0x1F280] =	vst v63  }
0x65: {  	_ =	swait.ge [sflag:s31], $0x1F40  }
0x66: {  	[sflag:s31] =	ssyncset.done $0x0  }
0x67: {  	s12 =	simm.s32 $0x5100;
	[sflag:s31] =	ssyncadd.s32 $0xFFFFE0C0  }
0x68: {  	[spmem:s3] =	stream.indirect.scatter.add.f32 [tilespmem:s28], [sflag:$0x8], $0x40, s12, s22, $0xb8;
	[tilespmem:$0x1F280] =	vst v63  }
0x69: {  	_ =	swait.ge [sflag:s4], $0x1F40  }
0x6a: {  	[sflag:s4] =	ssyncset.done $0x0  }
0x6b: {  	s17 =	simm.s32 $0x380;
	[sflag:s4] =	ssyncadd.s32 $0xFFFFE0C0  }
0x6c: {  	[tilespmem:s28], [sflag:$0x3] =	stream.indirect.gather [hbm4b:s1+s22], $0x40, s17, s22, $0xb8;
	[tilespmem:$0x1F280] =	vst v63  }
0x6d: {  	_ =	swait.ge [sflag:s5], $0x1F40  }
0x6e: {  	[sflag:s5] =	ssyncset.done $0x0  }
0x6f: {  	s12 =	simm.s32 $0x5180;
	[sflag:s5] =	ssyncadd.s32 $0xFFFFE0C0  }
0x70: {  	[spmem:s3] =	stream.indirect.scatter.add.f32 [tilespmem:s30], [sflag:$0x9], $0x40, s12, s22, $0xb8;
	[tilespmem:$0x1F280] =	vst v63  }
0x71: {  	_ =	swait.ge [sflag:s6], $0x1F40  }
0x72: {  	[sflag:s6] =	ssyncset.done $0x0  }
0x73: {  	s17 =	simm.s32 $0x400;
	[sflag:s6] =	ssyncadd.s32 $0xFFFFE0C0  }
0x74: {  	[tilespmem:s30], [sflag:$0x4] =	stream.indirect.gather [hbm4b:s1+s22], $0x40, s17, s22, $0xb8;
	[tilespmem:$0x1F280] =	vst v63  }
0x75: {  	_ =	swait.ge [sflag:s8], $0x1F40  }
0x76: {  	[sflag:s8] =	ssyncset.done $0x0  }
0x77: {  	s12 =	simm.s32 $0x5200;
	[sflag:s8] =	ssyncadd.s32 $0xFFFFE0C0  }
0x78: {  	[spmem:s3] =	stream.indirect.scatter.add.f32 [tilespmem:s2], [sflag:$0xA], $0x40, s12, s22, $0xb8;
	[tilespmem:$0x1F280] =	vst v63  }
0x79: {  	_ =	swait.ge [sflag:s9], $0x1F40  }
0x7a: {  	[sflag:s9] =	ssyncset.done $0x0  }
0x7b: {  	s17 =	simm.s32 $0x480;
	[sflag:s9] =	ssyncadd.s32 $0xFFFFE0C0  }
0x7c: {  	[tilespmem:s2], [sflag:$0x5] =	stream.indirect.gather [hbm4b:s1+s22], $0x40, s17, s22, $0xb8;
	[tilespmem:$0x1F280] =	vst v63  }
0x7d: {  	_ =	swait.ge [sflag:s0], $0x1F40  }
0x7e: {  	[sflag:s0] =	ssyncset.done $0x0  }
0x7f: {  	s11 =	simm.s32 $0xA00;
	s12 =	simm.s32 $0x5280;
	[sflag:s0] =	ssyncadd.s32 $0xFFFFE0C0  }
.LBB2_4:
0x80: {  	[spmem:s3] =	stream.indirect.scatter.add.f32 [tilespmem:s23], [sflag:$0x6], $0x40, s12, s22, $0xb8;
	[tilespmem:$0x1F280] =	vst v63  }
0x81: {  	s12 =	smov.u32 s11  }
0x82: {  	p1 =	sne.s32 s11, $0x12C00;
	s11 =	sadd.s32 $0xA00, s11;
	_ =	swait.ge [sflag:s24], $0x1F40  }
0x83: {  	s12 =	sshra.s32 s12, $0x2;
	[sflag:s24] =	ssyncset.done $0x0  }
0x84: {  	s17 =	sadd.s32 $0x280, s12;
	[sflag:s24] =	ssyncadd.s32 $0xFFFFE0C0  }
0x85: {  	[tilespmem:s23], [sflag:$0x1] =	stream.indirect.gather [hbm4b:s1+s22], $0x40, s17, s22, $0xb8;
	[tilespmem:$0x1F280] =	vst v63  }
0x86: {  	_ =	swait.ge [sflag:s26], $0x1F40  }
0x87: {  	[sflag:s26] =	ssyncset.done $0x0  }
0x88: {  	s17 =	sadd.s32 $0x5080, s12;
	[sflag:s26] =	ssyncadd.s32 $0xFFFFE0C0  }
0x89: {  	[spmem:s3] =	stream.indirect.scatter.add.f32 [tilespmem:s25], [sflag:$0x7], $0x40, s17, s22, $0xb8;
	[tilespmem:$0x1F280] =	vst v63  }
0x8a: {  	_ =	swait.ge [sflag:s29], $0x1F40  }
0x8b: {  	[sflag:s29] =	ssyncset.done $0x0  }
0x8c: {  	s17 =	sadd.s32 $0x300, s12;
	[sflag:s29] =	ssyncadd.s32 $0xFFFFE0C0  }
0x8d: {  	[tilespmem:s25], [sflag:$0x2] =	stream.indirect.gather [hbm4b:s1+s22], $0x40, s17, s22, $0xb8;
	[tilespmem:$0x1F280] =	vst v63  }
0x8e: {  	_ =	swait.ge [sflag:s31], $0x1F40  }
0x8f: {  	[sflag:s31] =	ssyncset.done $0x0  }
0x90: {  	s17 =	sadd.s32 $0x5100, s12;
	[sflag:s31] =	ssyncadd.s32 $0xFFFFE0C0  }
0x91: {  	[spmem:s3] =	stream.indirect.scatter.add.f32 [tilespmem:s28], [sflag:$0x8], $0x40, s17, s22, $0xb8;
	[tilespmem:$0x1F280] =	vst v63  }
0x92: {  	_ =	swait.ge [sflag:s4], $0x1F40  }
0x93: {  	[sflag:s4] =	ssyncset.done $0x0  }
0x94: {  	s17 =	sadd.s32 $0x380, s12;
	[sflag:s4] =	ssyncadd.s32 $0xFFFFE0C0  }
0x95: {  	[tilespmem:s28], [sflag:$0x3] =	stream.indirect.gather [hbm4b:s1+s22], $0x40, s17, s22, $0xb8;
	[tilespmem:$0x1F280] =	vst v63  }
0x96: {  	_ =	swait.ge [sflag:s5], $0x1F40  }
0x97: {  	[sflag:s5] =	ssyncset.done $0x0  }
0x98: {  	s17 =	sadd.s32 $0x5180, s12;
	[sflag:s5] =	ssyncadd.s32 $0xFFFFE0C0  }
0x99: {  	[spmem:s3] =	stream.indirect.scatter.add.f32 [tilespmem:s30], [sflag:$0x9], $0x40, s17, s22, $0xb8;
	[tilespmem:$0x1F280] =	vst v63  }
0x9a: {  	_ =	swait.ge [sflag:s6], $0x1F40  }
0x9b: {  	[sflag:s6] =	ssyncset.done $0x0  }
0x9c: {  	s17 =	sadd.s32 $0x400, s12;
	[sflag:s6] =	ssyncadd.s32 $0xFFFFE0C0  }
0x9d: {  	[tilespmem:s30], [sflag:$0x4] =	stream.indirect.gather [hbm4b:s1+s22], $0x40, s17, s22, $0xb8;
	[tilespmem:$0x1F280] =	vst v63  }
0x9e: {  	_ =	swait.ge [sflag:s8], $0x1F40  }
0x9f: {  	[sflag:s8] =	ssyncset.done $0x0  }
0xa0: {  	s17 =	sadd.s32 $0x5200, s12;
	[sflag:s8] =	ssyncadd.s32 $0xFFFFE0C0  }
0xa1: {  	[spmem:s3] =	stream.indirect.scatter.add.f32 [tilespmem:s2], [sflag:$0xA], $0x40, s17, s22, $0xb8;
	[tilespmem:$0x1F280] =	vst v63  }
0xa2: {  	_ =	swait.ge [sflag:s9], $0x1F40  }
0xa3: {  	[sflag:s9] =	ssyncset.done $0x0  }
.Ltmp1:
0xa4: {  	s17 =	sadd.s32 $0x480, s12;
	[sflag:s9] =	ssyncadd.s32 $0xFFFFE0C0;
	(pc) =	sbr.rel @p1 .LBB2_4-.Ltmp1, $4  }
0xa5: {  	[tilespmem:s2], [sflag:$0x5] =	stream.indirect.gather [hbm4b:s1+s22], $0x40, s17, s22, $0xb8;
	[tilespmem:$0x1F280] =	vst v63  }
0xa6: {  	_ =	swait.ge [sflag:s0], $0x1F40  }
0xa7: {  	[sflag:s0] =	ssyncset.done $0x0  }
0xa8: {  	s12 =	sadd.s32 $0x5280, s12;
	[sflag:s0] =	ssyncadd.s32 $0xFFFFE0C0  }
0xa9: {  	[spmem:s3] =	stream.indirect.scatter.add.f32 [tilespmem:s23], [sflag:$0x6], $0x40, s12, s22, $0xb8;
	[tilespmem:$0x1F280] =	vst v63  }
0xaa: {  	_ =	swait.ge [sflag:s26], $0x1F40  }
0xab: {  	[sflag:s26] =	ssyncset.done $0x0  }
0xac: {  	s11 =	simm.s32 $0x9E00;
	[sflag:s26] =	ssyncadd.s32 $0xFFFFE0C0  }
0xad: {  	[spmem:s3] =	stream.indirect.scatter.add.f32 [tilespmem:s25], [sflag:$0x7], $0x40, s11, s22, $0xb8;
	[tilespmem:$0x1F280] =	vst v63  }
0xae: {  	_ =	swait.ge [sflag:s31], $0x1F40  }
0xaf: {  	[sflag:s31] =	ssyncset.done $0x0  }
0xb0: {  	s17 =	simm.s32 $0x9E80;
	[sflag:s31] =	ssyncadd.s32 $0xFFFFE0C0  }
0xb1: {  	[spmem:s3] =	stream.indirect.scatter.add.f32 [tilespmem:s28], [sflag:$0x8], $0x40, s17, s22, $0xb8;
	[tilespmem:$0x1F280] =	vst v63  }
0xb2: {  	_ =	swait.ge [sflag:s5], $0x1F40  }
0xb3: {  	[sflag:s5] =	ssyncset.done $0x0  }
0xb4: {  	s12 =	simm.s32 $0x9F00;
	[sflag:s5] =	ssyncadd.s32 $0xFFFFE0C0  }
0xb5: {  	[spmem:s3] =	stream.indirect.scatter.add.f32 [tilespmem:s30], [sflag:$0x9], $0x40, s12, s22, $0xb8;
	[tilespmem:$0x1F280] =	vst v63  }
0xb6: {  	_ =	swait.ge [sflag:s8], $0x1F40  }
0xb7: {  	[sflag:s8] =	ssyncset.done $0x0  }
0xb8: {  	s17 =	simm.s32 $0x9F80;
	[sflag:s8] =	ssyncadd.s32 $0xFFFFE0C0  }
0xb9: {  	[spmem:s3] =	stream.indirect.scatter.add.f32 [tilespmem:s2], [sflag:$0xA], $0x40, s17, s22, $0xb8;
	[tilespmem:$0x1F280] =	vst v63  }
0xba: {  	_ =	swait.ge [sflag:s24], $0x1F40  }
0xbb: {  	[sflag:s24] =	ssyncset.done $0x0  }
0xbc: {  	[sflag:s24] =	ssyncadd.s32 $0xFFFFE0C0  }
0xbd: {  	_ =	swait.ge [sflag:s29], $0x1F40  }
0xbe: {  	[sflag:s29] =	ssyncset.done $0x0  }
0xbf: {  	[sflag:s29] =	ssyncadd.s32 $0xFFFFE0C0  }
0xc0: {  	_ =	swait.ge [sflag:s4], $0x1F40  }
0xc1: {  	[sflag:s4] =	ssyncset.done $0x0  }
0xc2: {  	[sflag:s4] =	ssyncadd.s32 $0xFFFFE0C0  }
0xc3: {  	_ =	swait.ge [sflag:s6], $0x1F40  }
0xc4: {  	[sflag:s6] =	ssyncset.done $0x0  }
0xc5: {  	[sflag:s6] =	ssyncadd.s32 $0xFFFFE0C0  }
0xc6: {  	_ =	swait.ge [sflag:s9], $0x1F40  }
0xc7: {  	s12 =	stileid.u32;
	[sflag:s9] =	ssyncset.done $0x0  }
0xc8: {  	s11 =	sshll.u32 s12, $0x6;
	[sflag:s9] =	ssyncadd.s32 $0xFFFFE0C0  }
0xc9: {  	s11 =	sor.u32 $0x1C0D, s11;
	s17 =	sshrl.u32 s7, $0x3;
	[bflag:$0x0] =	sbarrier.arrive $0xFFFF  }
0xca: {  	[hbm:s14], [sflag:s11] =	dma.local [spmem:s17], $0x1380  }
0xcb: {  	_ =	swait.ge [sflag:s19], $0x1380  }
0xcc: {  	s10 =	sadd.s32 $0x1, s10;
	[sflag:s19] =	ssyncset.done $0x0  }
0xcd: {  	p1 =	sne.s32 s10, s16;
	s12 =	sshrl.u32 @!p0 s13, $0x3;
	[sflag:s19] =	ssyncadd.s32 $0xFFFFEC80  }
0xce: {  	[hbm:s15], [sflag:s11] =	dma.local @!p0 [spmem:s12], $0x80  }
.Ltmp2:
0xcf: {  	_ = 	snop;
	(pc) =	sbr.rel @p1 .LBB2_1-.Ltmp2, $4  }
0xd0: {  	s11 =	simm.s32 @!p0 $0xD  }
0xd1: {  	_ =	swait.ge @!p0 [sflag:s11], $0x80  }
0xd2: {  	[sflag:s11] =	ssyncset.done @!p0 $0x0  }
0xd3: {  	[sflag:s11] =	ssyncadd.s32 @!p0 $0xFFFFFF80  }
0xd4: {  	_ =	sfence.sel $0x180000  }
0xd5: {  	[bflag:$0x0] =	sbarrier.arrive $0xFFFF  }
0xd6: {  	_ =	strace $0x90000047  }
0xd7: {  	s0 =	stileid.u32;
	[bflag:$0x2] =	sbarrier.arrive $0xFFFF  }
0xd8: {  	p0 =	sne.s32 s0, $0x0;
	s0 =	rddreg [dreg:$0x4]  }
0xd9: {  	s0 =	sadd.s32 @!p0 $0x100000, s0  }
0xda: {  	[sflag:s0] =	ssyncadd.tile.s32 @!p0 $0x1;
	_ =	shalt  }
.Lfunc_end2:
_tile_overlayer_lowered:
.L_overlay_start_2:
0xdb: {  	(tag) =	ssettag $0x2  }
0xdc: {  	s0 =	rddreg [dreg:$0x0];
	s2 =	stileid.u32  }
0xdd: {  	s1 =	rddreg [dreg:$0x1];
	p0 =	sne.s32 s2, $0x0  }
0xde: {  	s3 =	rddreg [dreg:$0x2];
	[bflag:$0x3] =	sbarrier.arrive $0xFFFF;
	s2 =	simm.s32 @!p0 $0x1C0D  }
0xdf: {  	[timem:s3], [sflag:s2] =	dma.local @!p0 [hbm:s0], s1  }
0xe0: {  	s0 =	simm.s32 @!p0 $0xD  }
0xe1: {  	_ =	swait.ge @!p0 [sflag:s0], s1  }
0xe2: {  	s1 =	ssub.s32 @!p0 $0x0, s1;
	[sflag:s0] =	ssyncset.done @!p0 $0x0  }
0xe3: {  	[sflag:s0] =	ssyncadd.s32 @!p0 s1  }
0xe4: {  	[bflag:$0x3] =	sbarrier.arrive $0xFFFF  }
0xe5: {  	_ =	shalt  }

</sc_bundles>
